<compile_context>
chip_gen: v7x
topology: tpu7x:2x2x1
jax: 0.10.2.dev20260603
libtpu: 0.0.44.dev20260713+nightly
codegen_flags: <defaults>
</compile_context>

<pallas_src>
import functools

import jax
import jax.numpy as jnp
from jax import lax
from jax.experimental import pallas as pl
from jax.experimental.pallas import tpu as pltpu
from jax.experimental.pallas import tpu_sc as plsc

N = 10000
D = 128
G = 64
E = 320000
EPS = 1e-5
ISQ = float(1.0 / (1.0 + EPS) ** 0.5)

NP = 10112
K = 128
NC, NS = 2, 16
NW = NC * NS
NCH = 81
EPT = NCH * K
EPAD = NW * EPT
NB = 3
NGRP = NCH // NB
RPT = NP // NS
BR = 1264
GRID = NP // BR

_mesh = plsc.VectorSubcoreMesh(core_axis_name="c", subcore_axis_name="s")



@functools.partial(
    pl.kernel,
    mesh=_mesh,
    out_type=jax.ShapeDtypeStruct((NC, NP, D), jnp.float32),
    scratch_types=[
        pltpu.VMEM((NB, 2, K), jnp.int32),
        pltpu.VMEM((NB, K, D), jnp.float32),
        pltpu.VMEM_SHARED((NP, D), jnp.float32),
    ] + [pltpu.SemaphoreType.DMA] * (2 * NB),
)
def _edge_sc(h_hbm, idx_hbm, out_hbm, idxb, rows, acc, *sems):
    isem = sems[:NB]
    rsem = sems[NB:]
    c = lax.axis_index("c")
    s = lax.axis_index("s")
    wid = s * NC + c
    r0 = s * RPT

    pltpu.sync_copy(h_hbm.at[pl.ds(r0, RPT)], acc.at[pl.ds(r0, RPT)])
    plsc.subcore_barrier()

    def idx_start(j, b):
        pltpu.async_copy(idx_hbm.at[wid, j], idxb.at[b], isem[b])

    def gather_start(j, b):
        pltpu.make_async_copy(idx_hbm.at[wid, j], idxb.at[b], isem[b]).wait()
        pltpu.async_copy(h_hbm.at[idxb.at[b, 0]], rows.at[b], rsem[b])

    def wait_rows(j, b):
        pltpu.make_async_copy(h_hbm.at[idxb.at[b, 0]], rows.at[b],
                              rsem[b]).wait()

    def scatter(j, b):
        pltpu.sync_copy(rows.at[b], acc.at[idxb.at[b, 1]], add=True)

    for b in range(NB):
        idx_start(b, b)
    for b in range(NB - 1):
        gather_start(b, b)

    def body(g, carry):
        for u in range(NB):
            j = g * NB + u
            wait_rows(j, u)
            gather_start(j + 2, (u + 2) % NB)
            scatter(j, u)
            idx_start(j + NB, u)
        return carry
    lax.fori_loop(0, NGRP - 1, body, 0)

    base = (NGRP - 1) * NB
    wait_rows(base, 0)
    gather_start(base + 2, 2)
    scatter(base, 0)
    wait_rows(base + 1, 1)
    scatter(base + 1, 1)
    wait_rows(base + 2, 2)
    scatter(base + 2, 2)

    plsc.subcore_barrier()
    pltpu.sync_copy(acc.at[pl.ds(r0, RPT)], out_hbm.at[c, pl.ds(r0, RPT)])



def _dinv_body(c0_ref, c1_ref, u_ref, dinv_ref, h_ref):
    dinv = lax.rsqrt(c0_ref[...] + c1_ref[...] - 1.0)
    dinv_ref[...] = dinv
    h_ref[...] = dinv * u_ref[...]


def _dinv_tc(agg, u1):
    return pl.pallas_call(
        _dinv_body,
        grid=(GRID,),
        in_specs=[
            pl.BlockSpec((BR, D), lambda i: (i, 0)),
            pl.BlockSpec((BR, D), lambda i: (i, 0)),
            pl.BlockSpec((BR, D), lambda i: (i, 0)),
        ],
        out_specs=[
            pl.BlockSpec((BR, D), lambda i: (i, 0)),
            pl.BlockSpec((BR, D), lambda i: (i, 0)),
        ],
        out_shape=[
            jax.ShapeDtypeStruct((NP, D), jnp.float32),
            jax.ShapeDtypeStruct((NP, D), jnp.float32),
        ],
    )(agg[0], agg[1], u1)


def _mm_body(x_ref, w_ref, o_ref):
    o_ref[...] = jnp.dot(x_ref[...], w_ref[...],
                         preferred_element_type=jnp.float32)


def _mm_tc(xp, w):
    return pl.pallas_call(
        _mm_body,
        grid=(GRID,),
        in_specs=[
            pl.BlockSpec((BR, D), lambda i: (i, 0)),
            pl.BlockSpec((D, D), lambda i: (0, 0)),
        ],
        out_specs=pl.BlockSpec((BR, D), lambda i: (i, 0)),
        out_shape=jax.ShapeDtypeStruct((NP, D), jnp.float32),
    )(xp, w)


def _layer_body(a0_ref, a1_ref, hp_ref, dinv_ref, b_ref, g_ref, be_ref,
                w_ref, o_ref):
    t = dinv_ref[...] * (a0_ref[...] + a1_ref[...] - hp_ref[...]) + b_ref[...]
    t = t * (g_ref[...] * ISQ) + be_ref[...]
    t = jnp.maximum(t, 0.0)
    o_ref[...] = dinv_ref[...] * jnp.dot(
        t, w_ref[...], preferred_element_type=jnp.float32)


def _layer_tc(agg, hp, dinv_col, b, g, be, wn):
    return pl.pallas_call(
        _layer_body,
        grid=(GRID,),
        in_specs=[
            pl.BlockSpec((BR, D), lambda i: (i, 0)),
            pl.BlockSpec((BR, D), lambda i: (i, 0)),
            pl.BlockSpec((BR, D), lambda i: (i, 0)),
            pl.BlockSpec((BR, D), lambda i: (i, 0)),
            pl.BlockSpec((1, D), lambda i: (0, 0)),
            pl.BlockSpec((1, D), lambda i: (0, 0)),
            pl.BlockSpec((1, D), lambda i: (0, 0)),
            pl.BlockSpec((D, D), lambda i: (0, 0)),
        ],
        out_specs=pl.BlockSpec((BR, D), lambda i: (i, 0)),
        out_shape=jax.ShapeDtypeStruct((NP, D), jnp.float32),
    )(agg[0], agg[1], hp, dinv_col, b, g, be, wn)


def _final_body(a0_ref, a1_ref, hp_ref, dinv_ref, b_ref, bt_ref,
                h_ref, hg_ref, accs, cnts):
    i = pl.program_id(0)
    h3 = dinv_ref[...] * (a0_ref[...] + a1_ref[...] - hp_ref[...]) + b_ref[...]
    h_ref[...] = h3
    ids = lax.broadcasted_iota(jnp.int32, (BR, D), 1)
    oh = (bt_ref[...] == ids).astype(jnp.float32)
    part = lax.dot_general(oh, h3, (((0,), (0,)), ((), ())),
                           preferred_element_type=jnp.float32)
    cpart = lax.dot_general(oh, jnp.ones((BR, D), jnp.float32),
                            (((0,), (0,)), ((), ())),
                            preferred_element_type=jnp.float32)

    @pl.when(i == 0)
    def _():
        accs[...] = jnp.zeros_like(accs)
        cnts[...] = jnp.zeros_like(cnts)

    accs[...] += part
    cnts[...] += cpart

    @pl.when(i == GRID - 1)
    def _():
        hg_ref[...] = (accs[...] / jnp.maximum(cnts[...], 1.0))[:G, :]


def _final_tc(agg, hp, dinv_mat, b, batch_rep):
    return pl.pallas_call(
        _final_body,
        grid=(GRID,),
        in_specs=[
            pl.BlockSpec((BR, D), lambda i: (i, 0)),
            pl.BlockSpec((BR, D), lambda i: (i, 0)),
            pl.BlockSpec((BR, D), lambda i: (i, 0)),
            pl.BlockSpec((BR, D), lambda i: (i, 0)),
            pl.BlockSpec((1, D), lambda i: (0, 0)),
            pl.BlockSpec((BR, D), lambda i: (i, 0)),
        ],
        out_specs=[
            pl.BlockSpec((BR, D), lambda i: (i, 0)),
            pl.BlockSpec((G, D), lambda i: (0, 0)),
        ],
        out_shape=[
            jax.ShapeDtypeStruct((NP, D), jnp.float32),
            jax.ShapeDtypeStruct((G, D), jnp.float32),
        ],
        scratch_shapes=[
            pltpu.VMEM((D, D), jnp.float32),
            pltpu.VMEM((D, D), jnp.float32),
        ],
    )(agg[0], agg[1], hp, dinv_mat, b, batch_rep)



def kernel(x, edge_index, batch, W1, b1, g1, be1, W2, b2, g2, be2, W3, b3):
    src = edge_index[0]
    dst = edge_index[1]
    pi = jnp.arange(EPAD - E, dtype=jnp.int32)
    pad_src = pi % NP
    pad_dst = N + pi % (NP - N)
    srcp = jnp.concatenate([src.astype(jnp.int32), pad_src]).reshape(NW, NCH, K)
    dstp = jnp.concatenate([dst.astype(jnp.int32), pad_dst]).reshape(NW, NCH, K)
    idxs = jnp.stack([srcp, dstp], axis=2)
    xp = jnp.pad(x, ((0, NP - N), (0, 0)))
    batchp = jnp.concatenate(
        [batch.astype(jnp.int32), jnp.full((NP - N,), 127, jnp.int32)])
    batch_rep = jnp.broadcast_to(batchp[:, None], (NP, D))
    b1r, g1r, be1r = b1.reshape(1, D), g1.reshape(1, D), be1.reshape(1, D)
    b2r, g2r, be2r = b2.reshape(1, D), g2.reshape(1, D), be2.reshape(1, D)
    b3r = b3.reshape(1, D)

    ag0 = _edge_sc(jnp.ones((NP, D), jnp.float32), idxs)
    u1 = _mm_tc(xp, W1)
    dinv_col, h1 = _dinv_tc(ag0, u1)
    a1 = _edge_sc(h1, idxs)
    h2 = _layer_tc(a1, h1, dinv_col, b1r, g1r, be1r, W2)
    a2 = _edge_sc(h2, idxs)
    h3 = _layer_tc(a2, h2, dinv_col, b2r, g2r, be2r, W3)
    a3 = _edge_sc(h3, idxs)
    h_full, hg = _final_tc(a3, h3, dinv_col, b3r, batch_rep)
    return h_full[:N], hg

# --- scband reference (transcript-rebuilt; emitter-appended) ---
"""Pipeline reference for scband-gcn-82592221102294 (READ-ONLY COPY).

The authoritative reference and input builder live on the scoring server;
editing this copy changes nothing except your own understanding.
"""

import jax, jax.numpy as jnp
import numpy as np

N = 10000
E = 320000
D = 128
G = 64
EPS = 1e-5


def setup_inputs(seed: int = 0) -> dict:
    key = jax.random.key(seed)
    ks = jax.random.split(key, 12)
    x = jax.random.normal(ks[0], (N, D), dtype=jnp.float32)
    edge_index = jax.random.randint(ks[1], (2, E), 0, N)
    batch = jnp.sort(jax.random.randint(ks[2], (N,), 0, G))
    s = 1.0 / np.sqrt(D)
    W1 = jax.random.normal(ks[3], (D, D), dtype=jnp.float32) * s
    b1 = jnp.zeros((D,), dtype=jnp.float32)
    W2 = jax.random.normal(ks[4], (D, D), dtype=jnp.float32) * s
    b2 = jnp.zeros((D,), dtype=jnp.float32)
    W3 = jax.random.normal(ks[5], (D, D), dtype=jnp.float32) * s
    b3 = jnp.zeros((D,), dtype=jnp.float32)
    g1 = jnp.ones((D,), dtype=jnp.float32)
    be1 = jnp.zeros((D,), dtype=jnp.float32)
    g2 = jnp.ones((D,), dtype=jnp.float32)
    be2 = jnp.zeros((D,), dtype=jnp.float32)
    return {"x": x, "edge_index": edge_index, "batch": batch,
            "W1": W1, "b1": b1, "g1": g1, "be1": be1,
            "W2": W2, "b2": b2, "g2": g2, "be2": be2,
            "W3": W3, "b3": b3}


def gcn_conv(x, edge_index, W, b):
    # GCNConv: linear transform, then symmetric-normalized propagation with self-loops
    src = edge_index[0]
    dst = edge_index[1]
    loop = jnp.arange(N)
    src = jnp.concatenate([src, loop])
    dst = jnp.concatenate([dst, loop])
    ew = jnp.ones((src.shape[0],), dtype=x.dtype)
    deg = jnp.zeros((N,), dtype=x.dtype).at[dst].add(ew)
    dinv = jnp.where(deg > 0, deg ** -0.5, 0.0)
    norm = dinv[src] * dinv[dst]
    h = x @ W
    msg = h[src] * norm[:, None]
    out = jnp.zeros((N, W.shape[1]), dtype=x.dtype).at[dst].add(msg)
    return out + b


def bn_eval(x, gamma, beta):
    # BatchNorm1d in eval mode with fresh running stats (mean=0, var=1)
    return x / jnp.sqrt(1.0 + EPS) * gamma + beta


def global_mean_pool(x, batch):
    sums = jax.ops.segment_sum(x, batch, num_segments=G)
    counts = jax.ops.segment_sum(jnp.ones((N,), dtype=x.dtype), batch, num_segments=G)
    return sums / jnp.clip(counts, 1.0)[:, None]


def reference(x, edge_index, batch, W1, b1, g1, be1, W2, b2, g2, be2, W3, b3):
    h = gcn_conv(x, edge_index, W1, b1)
    h = bn_eval(h, g1, be1)
    h = jax.nn.relu(h)
    h = gcn_conv(h, edge_index, W2, b2)
    h = bn_eval(h, g2, be2)
    h = jax.nn.relu(h)
    h = gcn_conv(h, edge_index, W3, b3)
    hg = global_mean_pool(h, batch)
    return (h, hg)

if __name__ == "__main__":
    import jax
    _d = setup_inputs()
    print(jax.jit(kernel)(*tuple(_d.values())))

</pallas_src>

<mosaic_0001>
#map = affine_map<(d0, d1) -> (0, 0)>
#map1 = affine_map<(d0, d1) -> (0, 0, 0, 0)>
#map2 = affine_map<(d0, d1) -> (0, 0, 0)>
module attributes {stable_mosaic.version = 14 : i64} {
  func.func @_edge_sc(%arg0: i32, %arg1: i32, %arg2: memref<10112x128xf32, #tpu.memory_space<hbm>>, %arg3: memref<32x81x2x128xi32, #tpu.memory_space<hbm>>, %arg4: memref<2x10112x128xf32, #tpu.memory_space<hbm>>, %arg5: memref<3x2x128xi32, #tpu.memory_space<vmem>>, %arg6: memref<3x128x128xf32, #tpu.memory_space<vmem>>, %arg7: memref<10112x128xf32, #tpu.memory_space<vmem_shared>>, %arg8: memref<!tpu.dma_semaphore, #tpu.memory_space<semaphore_mem>>, %arg9: memref<!tpu.dma_semaphore, #tpu.memory_space<semaphore_mem>>, %arg10: memref<!tpu.dma_semaphore, #tpu.memory_space<semaphore_mem>>, %arg11: memref<!tpu.dma_semaphore, #tpu.memory_space<semaphore_mem>>, %arg12: memref<!tpu.dma_semaphore, #tpu.memory_space<semaphore_mem>>, %arg13: memref<!tpu.dma_semaphore, #tpu.memory_space<semaphore_mem>>) attributes {dimension_semantics = [#tpu.dimension_semantics<core_parallel>, #tpu.dimension_semantics<subcore_parallel>], iteration_bounds = array<i64: 2, 16>, scalar_prefetch = 0 : i64, scratch_operands = 9 : i64, tpu.core_type = #tpu.core_type<sc_vector_subcore>, window_params = [{transform_indices = #map}, {transform_indices = #map1}, {transform_indices = #map2}]} {
    %mul3A = arith.constant 2 : i32
    %mul3A_0 = arith.muli %arg1, %mul3A : i32
    %add3A = arith.addi %mul3A_0, %arg0 : i32
    %mul3A_1 = arith.constant 632 : i32
    %mul3A_2 = arith.muli %arg1, %mul3A_1 : i32
    "tpu.region"() ({
      %run_scoped3A_201 = tpu.sem_alloc : memref<!tpu.dma_semaphore, #tpu.memory_space<semaphore_mem>>
      %dma_start3A_202 = arith.constant 0 : i32
      %dma_start3A_203 = tpu.memref_slice %arg7[%mul3A_2, %dma_start3A_202] : memref<10112x128xf32, #tpu.memory_space<vmem_shared>> -> memref<632x128xf32, #tpu.memory_space<vmem_shared>>
      %dma_start3A_204 = arith.constant 0 : i32
      %dma_start3A_205 = tpu.memref_slice %arg2[%mul3A_2, %dma_start3A_204] : memref<10112x128xf32, #tpu.memory_space<hbm>> -> memref<632x128xf32, #tpu.memory_space<hbm>>
      tpu.enqueue_dma source(%dma_start3A_205 : memref<632x128xf32, #tpu.memory_space<hbm>>) target(%dma_start3A_203 : memref<632x128xf32, #tpu.memory_space<vmem_shared>>) target_semaphore(%run_scoped3A_201 : memref<!tpu.dma_semaphore, #tpu.memory_space<semaphore_mem>>)
      %dma_wait3A_206 = arith.constant 0 : i32
      %dma_wait3A_207 = tpu.memref_slice %arg7[%mul3A_2, %dma_wait3A_206] : memref<10112x128xf32, #tpu.memory_space<vmem_shared>> -> memref<632x128xf32, #tpu.memory_space<vmem_shared>>
      %dma_wait3A_208 = arith.constant 0 : i32
      %dma_wait3A_209 = tpu.memref_slice %arg2[%mul3A_2, %dma_wait3A_208] : memref<10112x128xf32, #tpu.memory_space<hbm>> -> memref<632x128xf32, #tpu.memory_space<hbm>>
      tpu.wait_dma2 semaphore(%run_scoped3A_201 : memref<!tpu.dma_semaphore, #tpu.memory_space<semaphore_mem>>) src(%dma_wait3A_209 : memref<632x128xf32, #tpu.memory_space<hbm>>) dst(%dma_wait3A_207 : memref<632x128xf32, #tpu.memory_space<vmem_shared>>)
      tpu.yield
    }) : () -> ()
    %barrier3A = arith.constant 0 : index
    tpu.barrier barrier_id(%barrier3A)
    %dma_start3A = arith.constant 0 : i32
    %dma_start3A_3 = arith.constant 0 : i32
    %dma_start3A_4 = arith.constant 0 : i32
    %dma_start3A_5 = arith.constant 0 : i32
    %dma_start3A_6 = tpu.memref_slice %arg5[%dma_start3A_3, %dma_start3A_4, %dma_start3A_5] : memref<3x2x128xi32, #tpu.memory_space<vmem>> -> memref<1x2x128xi32, #tpu.memory_space<vmem>>
    %dma_start3A_7 = tpu.memref_squeeze %dma_start3A_6 : memref<1x2x128xi32, #tpu.memory_space<vmem>> -> memref<2x128xi32, #tpu.memory_space<vmem>>
    %dma_start3A_8 = arith.constant 0 : i32
    %dma_start3A_9 = arith.constant 0 : i32
    %dma_start3A_10 = tpu.memref_slice %arg3[%add3A, %dma_start3A, %dma_start3A_8, %dma_start3A_9] : memref<32x81x2x128xi32, #tpu.memory_space<hbm>> -> memref<1x1x2x128xi32, #tpu.memory_space<hbm>>
    %dma_start3A_11 = tpu.memref_squeeze %dma_start3A_10 : memref<1x1x2x128xi32, #tpu.memory_space<hbm>> -> memref<2x128xi32, #tpu.memory_space<hbm>>
    %dma_start3A_12 = arith.constant 0 : i32
    %dma_start3A_13 = arith.constant 0 : i32
    %dma_start3A_14 = tpu.memref_slice %arg5[%dma_start3A_3, %dma_start3A_12, %dma_start3A_13] : memref<3x2x128xi32, #tpu.memory_space<vmem>> -> memref<1x2x128xi32, #tpu.memory_space<vmem>>
    %dma_start3A_15 = tpu.memref_squeeze %dma_start3A_14 : memref<1x2x128xi32, #tpu.memory_space<vmem>> -> memref<2x128xi32, #tpu.memory_space<vmem>>
    %dma_start3A_16 = arith.constant 0 : i32
    %dma_start3A_17 = arith.constant 0 : i32
    %dma_start3A_18 = tpu.memref_slice %arg3[%add3A, %dma_start3A, %dma_start3A_16, %dma_start3A_17] : memref<32x81x2x128xi32, #tpu.memory_space<hbm>> -> memref<1x1x2x128xi32, #tpu.memory_space<hbm>>
    %dma_start3A_19 = tpu.memref_squeeze %dma_start3A_18 : memref<1x1x2x128xi32, #tpu.memory_space<hbm>> -> memref<2x128xi32, #tpu.memory_space<hbm>>
    tpu.enqueue_dma source(%dma_start3A_19 : memref<2x128xi32, #tpu.memory_space<hbm>>) target(%dma_start3A_15 : memref<2x128xi32, #tpu.memory_space<vmem>>) target_semaphore(%arg8 : memref<!tpu.dma_semaphore, #tpu.memory_space<semaphore_mem>>)
    %dma_start3A_20 = arith.constant 1 : i32
    %dma_start3A_21 = arith.constant 1 : i32
    %dma_start3A_22 = arith.constant 0 : i32
    %dma_start3A_23 = arith.constant 0 : i32
    %dma_start3A_24 = tpu.memref_slice %arg5[%dma_start3A_21, %dma_start3A_22, %dma_start3A_23] : memref<3x2x128xi32, #tpu.memory_space<vmem>> -> memref<1x2x128xi32, #tpu.memory_space<vmem>>
    %dma_start3A_25 = tpu.memref_squeeze %dma_start3A_24 : memref<1x2x128xi32, #tpu.memory_space<vmem>> -> memref<2x128xi32, #tpu.memory_space<vmem>>
    %dma_start3A_26 = arith.constant 0 : i32
    %dma_start3A_27 = arith.constant 0 : i32
    %dma_start3A_28 = tpu.memref_slice %arg3[%add3A, %dma_start3A_20, %dma_start3A_26, %dma_start3A_27] : memref<32x81x2x128xi32, #tpu.memory_space<hbm>> -> memref<1x1x2x128xi32, #tpu.memory_space<hbm>>
    %dma_start3A_29 = tpu.memref_squeeze %dma_start3A_28 : memref<1x1x2x128xi32, #tpu.memory_space<hbm>> -> memref<2x128xi32, #tpu.memory_space<hbm>>
    %dma_start3A_30 = arith.constant 0 : i32
    %dma_start3A_31 = arith.constant 0 : i32
    %dma_start3A_32 = tpu.memref_slice %arg5[%dma_start3A_21, %dma_start3A_30, %dma_start3A_31] : memref<3x2x128xi32, #tpu.memory_space<vmem>> -> memref<1x2x128xi32, #tpu.memory_space<vmem>>
    %dma_start3A_33 = tpu.memref_squeeze %dma_start3A_32 : memref<1x2x128xi32, #tpu.memory_space<vmem>> -> memref<2x128xi32, #tpu.memory_space<vmem>>
    %dma_start3A_34 = arith.constant 0 : i32
    %dma_start3A_35 = arith.constant 0 : i32
    %dma_start3A_36 = tpu.memref_slice %arg3[%add3A, %dma_start3A_20, %dma_start3A_34, %dma_start3A_35] : memref<32x81x2x128xi32, #tpu.memory_space<hbm>> -> memref<1x1x2x128xi32, #tpu.memory_space<hbm>>
    %dma_start3A_37 = tpu.memref_squeeze %dma_start3A_36 : memref<1x1x2x128xi32, #tpu.memory_space<hbm>> -> memref<2x128xi32, #tpu.memory_space<hbm>>
    tpu.enqueue_dma source(%dma_start3A_37 : memref<2x128xi32, #tpu.memory_space<hbm>>) target(%dma_start3A_33 : memref<2x128xi32, #tpu.memory_space<vmem>>) target_semaphore(%arg9 : memref<!tpu.dma_semaphore, #tpu.memory_space<semaphore_mem>>)
    %dma_start3A_38 = arith.constant 2 : i32
    %dma_start3A_39 = arith.constant 2 : i32
    %dma_start3A_40 = arith.constant 0 : i32
    %dma_start3A_41 = arith.constant 0 : i32
    %dma_start3A_42 = tpu.memref_slice %arg5[%dma_start3A_39, %dma_start3A_40, %dma_start3A_41] : memref<3x2x128xi32, #tpu.memory_space<vmem>> -> memref<1x2x128xi32, #tpu.memory_space<vmem>>
    %dma_start3A_43 = tpu.memref_squeeze %dma_start3A_42 : memref<1x2x128xi32, #tpu.memory_space<vmem>> -> memref<2x128xi32, #tpu.memory_space<vmem>>
    %dma_start3A_44 = arith.constant 0 : i32
    %dma_start3A_45 = arith.constant 0 : i32
    %dma_start3A_46 = tpu.memref_slice %arg3[%add3A, %dma_start3A_38, %dma_start3A_44, %dma_start3A_45] : memref<32x81x2x128xi32, #tpu.memory_space<hbm>> -> memref<1x1x2x128xi32, #tpu.memory_space<hbm>>
    %dma_start3A_47 = tpu.memref_squeeze %dma_start3A_46 : memref<1x1x2x128xi32, #tpu.memory_space<hbm>> -> memref<2x128xi32, #tpu.memory_space<hbm>>
    %dma_start3A_48 = arith.constant 0 : i32
    %dma_start3A_49 = arith.constant 0 : i32
    %dma_start3A_50 = tpu.memref_slice %arg5[%dma_start3A_39, %dma_start3A_48, %dma_start3A_49] : memref<3x2x128xi32, #tpu.memory_space<vmem>> -> memref<1x2x128xi32, #tpu.memory_space<vmem>>
    %dma_start3A_51 = tpu.memref_squeeze %dma_start3A_50 : memref<1x2x128xi32, #tpu.memory_space<vmem>> -> memref<2x128xi32, #tpu.memory_space<vmem>>
    %dma_start3A_52 = arith.constant 0 : i32
    %dma_start3A_53 = arith.constant 0 : i32
    %dma_start3A_54 = tpu.memref_slice %arg3[%add3A, %dma_start3A_38, %dma_start3A_52, %dma_start3A_53] : memref<32x81x2x128xi32, #tpu.memory_space<hbm>> -> memref<1x1x2x128xi32, #tpu.memory_space<hbm>>
    %dma_start3A_55 = tpu.memref_squeeze %dma_start3A_54 : memref<1x1x2x128xi32, #tpu.memory_space<hbm>> -> memref<2x128xi32, #tpu.memory_space<hbm>>
    tpu.enqueue_dma source(%dma_start3A_55 : memref<2x128xi32, #tpu.memory_space<hbm>>) target(%dma_start3A_51 : memref<2x128xi32, #tpu.memory_space<vmem>>) target_semaphore(%arg10 : memref<!tpu.dma_semaphore, #tpu.memory_space<semaphore_mem>>)
    %dma_wait3A = arith.constant 0 : i32
    %dma_wait3A_56 = arith.constant 0 : i32
    %dma_wait3A_57 = arith.constant 0 : i32
    %dma_wait3A_58 = arith.constant 0 : i32
    %dma_wait3A_59 = tpu.memref_slice %arg5[%dma_wait3A_56, %dma_wait3A_57, %dma_wait3A_58] : memref<3x2x128xi32, #tpu.memory_space<vmem>> -> memref<1x2x128xi32, #tpu.memory_space<vmem>>
    %dma_wait3A_60 = tpu.memref_squeeze %dma_wait3A_59 : memref<1x2x128xi32, #tpu.memory_space<vmem>> -> memref<2x128xi32, #tpu.memory_space<vmem>>
    %dma_wait3A_61 = arith.constant 0 : i32
    %dma_wait3A_62 = arith.constant 0 : i32
    %dma_wait3A_63 = tpu.memref_slice %arg3[%add3A, %dma_wait3A, %dma_wait3A_61, %dma_wait3A_62] : memref<32x81x2x128xi32, #tpu.memory_space<hbm>> -> memref<1x1x2x128xi32, #tpu.memory_space<hbm>>
    %dma_wait3A_64 = tpu.memref_squeeze %dma_wait3A_63 : memref<1x1x2x128xi32, #tpu.memory_space<hbm>> -> memref<2x128xi32, #tpu.memory_space<hbm>>
    %dma_wait3A_65 = arith.constant 0 : i32
    %dma_wait3A_66 = arith.constant 0 : i32
    %dma_wait3A_67 = tpu.memref_slice %arg5[%dma_wait3A_56, %dma_wait3A_65, %dma_wait3A_66] : memref<3x2x128xi32, #tpu.memory_space<vmem>> -> memref<1x2x128xi32, #tpu.memory_space<vmem>>
    %dma_wait3A_68 = tpu.memref_squeeze %dma_wait3A_67 : memref<1x2x128xi32, #tpu.memory_space<vmem>> -> memref<2x128xi32, #tpu.memory_space<vmem>>
    %dma_wait3A_69 = arith.constant 0 : i32
    %dma_wait3A_70 = arith.constant 0 : i32
    %dma_wait3A_71 = tpu.memref_slice %arg3[%add3A, %dma_wait3A, %dma_wait3A_69, %dma_wait3A_70] : memref<32x81x2x128xi32, #tpu.memory_space<hbm>> -> memref<1x1x2x128xi32, #tpu.memory_space<hbm>>
    %dma_wait3A_72 = tpu.memref_squeeze %dma_wait3A_71 : memref<1x1x2x128xi32, #tpu.memory_space<hbm>> -> memref<2x128xi32, #tpu.memory_space<hbm>>
    tpu.wait_dma2 semaphore(%arg8 : memref<!tpu.dma_semaphore, #tpu.memory_space<semaphore_mem>>) src(%dma_wait3A_72 : memref<2x128xi32, #tpu.memory_space<hbm>>) dst(%dma_wait3A_68 : memref<2x128xi32, #tpu.memory_space<vmem>>)
    %dma_start3A_73 = arith.constant 0 : i32
    %dma_start3A_74 = arith.constant 0 : i32
    %dma_start3A_75 = arith.constant 0 : i32
    %dma_start3A_76 = arith.constant 0 : i32
    %dma_start3A_77 = arith.constant 0 : i32
    %dma_start3A_78 = tpu.memref_slice %arg6[%dma_start3A_75, %dma_start3A_76, %dma_start3A_77] : memref<3x128x128xf32, #tpu.memory_space<vmem>> -> memref<1x128x128xf32, #tpu.memory_space<vmem>>
    %dma_start3A_79 = tpu.memref_squeeze %dma_start3A_78 : memref<1x128x128xf32, #tpu.memory_space<vmem>> -> memref<128x128xf32, #tpu.memory_space<vmem>>
    %dma_start3A_80 = arith.constant 0 : i32
    %dma_start3A_81 = tpu.memref_slice %arg5[%dma_start3A_73, %dma_start3A_74, %dma_start3A_80] : memref<3x2x128xi32, #tpu.memory_space<vmem>> -> memref<1x1x128xi32, #tpu.memory_space<vmem>>
    %dma_start3A_82 = tpu.memref_squeeze %dma_start3A_81 : memref<1x1x128xi32, #tpu.memory_space<vmem>> -> memref<128xi32, #tpu.memory_space<vmem>>
    %dma_start3A_83 = arith.constant 0 : i32
    %dma_start3A_84 = arith.constant 0 : i32
    %dma_start3A_85 = tpu.memref_slice %arg2[%dma_start3A_83, %dma_start3A_84] : memref<10112x128xf32, #tpu.memory_space<hbm>> -> memref<10112x128xf32, #tpu.memory_space<hbm>>
    tpu.enqueue_indirect_dma source(%dma_start3A_85 : memref<10112x128xf32, #tpu.memory_space<hbm>>) target(%dma_start3A_79 : memref<128x128xf32, #tpu.memory_space<vmem>>) offsets(%dma_start3A_82 : memref<128xi32, #tpu.memory_space<vmem>>) semaphore(%arg11 : memref<!tpu.dma_semaphore, #tpu.memory_space<semaphore_mem>>)
    %dma_wait3A_86 = arith.constant 1 : i32
    %dma_wait3A_87 = arith.constant 1 : i32
    %dma_wait3A_88 = arith.constant 0 : i32
    %dma_wait3A_89 = arith.constant 0 : i32
    %dma_wait3A_90 = tpu.memref_slice %arg5[%dma_wait3A_87, %dma_wait3A_88, %dma_wait3A_89] : memref<3x2x128xi32, #tpu.memory_space<vmem>> -> memref<1x2x128xi32, #tpu.memory_space<vmem>>
    %dma_wait3A_91 = tpu.memref_squeeze %dma_wait3A_90 : memref<1x2x128xi32, #tpu.memory_space<vmem>> -> memref<2x128xi32, #tpu.memory_space<vmem>>
    %dma_wait3A_92 = arith.constant 0 : i32
    %dma_wait3A_93 = arith.constant 0 : i32
    %dma_wait3A_94 = tpu.memref_slice %arg3[%add3A, %dma_wait3A_86, %dma_wait3A_92, %dma_wait3A_93] : memref<32x81x2x128xi32, #tpu.memory_space<hbm>> -> memref<1x1x2x128xi32, #tpu.memory_space<hbm>>
    %dma_wait3A_95 = tpu.memref_squeeze %dma_wait3A_94 : memref<1x1x2x128xi32, #tpu.memory_space<hbm>> -> memref<2x128xi32, #tpu.memory_space<hbm>>
    %dma_wait3A_96 = arith.constant 0 : i32
    %dma_wait3A_97 = arith.constant 0 : i32
    %dma_wait3A_98 = tpu.memref_slice %arg5[%dma_wait3A_87, %dma_wait3A_96, %dma_wait3A_97] : memref<3x2x128xi32, #tpu.memory_space<vmem>> -> memref<1x2x128xi32, #tpu.memory_space<vmem>>
    %dma_wait3A_99 = tpu.memref_squeeze %dma_wait3A_98 : memref<1x2x128xi32, #tpu.memory_space<vmem>> -> memref<2x128xi32, #tpu.memory_space<vmem>>
    %dma_wait3A_100 = arith.constant 0 : i32
    %dma_wait3A_101 = arith.constant 0 : i32
    %dma_wait3A_102 = tpu.memref_slice %arg3[%add3A, %dma_wait3A_86, %dma_wait3A_100, %dma_wait3A_101] : memref<32x81x2x128xi32, #tpu.memory_space<hbm>> -> memref<1x1x2x128xi32, #tpu.memory_space<hbm>>
    %dma_wait3A_103 = tpu.memref_squeeze %dma_wait3A_102 : memref<1x1x2x128xi32, #tpu.memory_space<hbm>> -> memref<2x128xi32, #tpu.memory_space<hbm>>
    tpu.wait_dma2 semaphore(%arg9 : memref<!tpu.dma_semaphore, #tpu.memory_space<semaphore_mem>>) src(%dma_wait3A_103 : memref<2x128xi32, #tpu.memory_space<hbm>>) dst(%dma_wait3A_99 : memref<2x128xi32, #tpu.memory_space<vmem>>)
    %dma_start3A_104 = arith.constant 1 : i32
    %dma_start3A_105 = arith.constant 0 : i32
    %dma_start3A_106 = arith.constant 1 : i32
    %dma_start3A_107 = arith.constant 0 : i32
    %dma_start3A_108 = arith.constant 0 : i32
    %dma_start3A_109 = tpu.memref_slice %arg6[%dma_start3A_106, %dma_start3A_107, %dma_start3A_108] : memref<3x128x128xf32, #tpu.memory_space<vmem>> -> memref<1x128x128xf32, #tpu.memory_space<vmem>>
    %dma_start3A_110 = tpu.memref_squeeze %dma_start3A_109 : memref<1x128x128xf32, #tpu.memory_space<vmem>> -> memref<128x128xf32, #tpu.memory_space<vmem>>
    %dma_start3A_111 = arith.constant 0 : i32
    %dma_start3A_112 = tpu.memref_slice %arg5[%dma_start3A_104, %dma_start3A_105, %dma_start3A_111] : memref<3x2x128xi32, #tpu.memory_space<vmem>> -> memref<1x1x128xi32, #tpu.memory_space<vmem>>
    %dma_start3A_113 = tpu.memref_squeeze %dma_start3A_112 : memref<1x1x128xi32, #tpu.memory_space<vmem>> -> memref<128xi32, #tpu.memory_space<vmem>>
    %dma_start3A_114 = arith.constant 0 : i32
    %dma_start3A_115 = arith.constant 0 : i32
    %dma_start3A_116 = tpu.memref_slice %arg2[%dma_start3A_114, %dma_start3A_115] : memref<10112x128xf32, #tpu.memory_space<hbm>> -> memref<10112x128xf32, #tpu.memory_space<hbm>>
    tpu.enqueue_indirect_dma source(%dma_start3A_116 : memref<10112x128xf32, #tpu.memory_space<hbm>>) target(%dma_start3A_110 : memref<128x128xf32, #tpu.memory_space<vmem>>) offsets(%dma_start3A_113 : memref<128xi32, #tpu.memory_space<vmem>>) semaphore(%arg12 : memref<!tpu.dma_semaphore, #tpu.memory_space<semaphore_mem>>)
    %scan3A = arith.constant 0 : i32
    %scan3A_117 = arith.constant 0 : i32
    %scan3A_118 = arith.constant 26 : i32
    %scan3A_119 = arith.addi %scan3A_117, %scan3A_118 : i32
    %scan3A_120 = arith.constant 1 : i32
    scf.for %scan3A_201 = %scan3A_117 to %scan3A_119 step %scan3A_120  : i32 {
      %mul3A_202 = arith.constant 3 : i32
      %mul3A_203 = arith.muli %scan3A_201, %mul3A_202 : i32
      %add3A_204 = arith.constant 0 : i32
      %add3A_205 = arith.addi %mul3A_203, %add3A_204 : i32
      %dma_wait3A_206 = arith.constant 0 : i32
      %dma_wait3A_207 = arith.constant 0 : i32
      %dma_wait3A_208 = arith.constant 0 : i32
      %dma_wait3A_209 = arith.constant 0 : i32
      %dma_wait3A_210 = arith.constant 0 : i32
      %dma_wait3A_211 = tpu.memref_slice %arg6[%dma_wait3A_208, %dma_wait3A_209, %dma_wait3A_210] : memref<3x128x128xf32, #tpu.memory_space<vmem>> -> memref<1x128x128xf32, #tpu.memory_space<vmem>>
      %dma_wait3A_212 = tpu.memref_squeeze %dma_wait3A_211 : memref<1x128x128xf32, #tpu.memory_space<vmem>> -> memref<128x128xf32, #tpu.memory_space<vmem>>
      %dma_wait3A_213 = arith.constant 0 : i32
      %dma_wait3A_214 = tpu.memref_slice %arg5[%dma_wait3A_206, %dma_wait3A_207, %dma_wait3A_213] : memref<3x2x128xi32, #tpu.memory_space<vmem>> -> memref<1x1x128xi32, #tpu.memory_space<vmem>>
      %dma_wait3A_215 = tpu.memref_squeeze %dma_wait3A_214 : memref<1x1x128xi32, #tpu.memory_space<vmem>> -> memref<128xi32, #tpu.memory_space<vmem>>
      %dma_wait3A_216 = arith.constant 0 : i32
      %dma_wait3A_217 = arith.constant 0 : i32
      %dma_wait3A_218 = tpu.memref_slice %arg2[%dma_wait3A_216, %dma_wait3A_217] : memref<10112x128xf32, #tpu.memory_space<hbm>> -> memref<10112x128xf32, #tpu.memory_space<hbm>>
      tpu.wait_indirect_dma semaphore(%arg11 : memref<!tpu.dma_semaphore, #tpu.memory_space<semaphore_mem>>) src(%dma_wait3A_218 : memref<10112x128xf32, #tpu.memory_space<hbm>>) dst(%dma_wait3A_212 : memref<128x128xf32, #tpu.memory_space<vmem>>)
      %add3A_219 = arith.constant 2 : i32
      %add3A_220 = arith.addi %add3A_205, %add3A_219 : i32
      %dma_wait3A_221 = arith.constant 2 : i32
      %dma_wait3A_222 = arith.constant 0 : i32
      %dma_wait3A_223 = arith.constant 0 : i32
      %dma_wait3A_224 = tpu.memref_slice %arg5[%dma_wait3A_221, %dma_wait3A_222, %dma_wait3A_223] : memref<3x2x128xi32, #tpu.memory_space<vmem>> -> memref<1x2x128xi32, #tpu.memory_space<vmem>>
      %dma_wait3A_225 = tpu.memref_squeeze %dma_wait3A_224 : memref<1x2x128xi32, #tpu.memory_space<vmem>> -> memref<2x128xi32, #tpu.memory_space<vmem>>
      %dma_wait3A_226 = arith.constant 0 : i32
      %dma_wait3A_227 = arith.constant 0 : i32
      %dma_wait3A_228 = tpu.memref_slice %arg3[%add3A, %add3A_220, %dma_wait3A_226, %dma_wait3A_227] : memref<32x81x2x128xi32, #tpu.memory_space<hbm>> -> memref<1x1x2x128xi32, #tpu.memory_space<hbm>>
      %dma_wait3A_229 = tpu.memref_squeeze %dma_wait3A_228 : memref<1x1x2x128xi32, #tpu.memory_space<hbm>> -> memref<2x128xi32, #tpu.memory_space<hbm>>
      %dma_wait3A_230 = arith.constant 0 : i32
      %dma_wait3A_231 = arith.constant 0 : i32
      %dma_wait3A_232 = tpu.memref_slice %arg5[%dma_wait3A_221, %dma_wait3A_230, %dma_wait3A_231] : memref<3x2x128xi32, #tpu.memory_space<vmem>> -> memref<1x2x128xi32, #tpu.memory_space<vmem>>
      %dma_wait3A_233 = tpu.memref_squeeze %dma_wait3A_232 : memref<1x2x128xi32, #tpu.memory_space<vmem>> -> memref<2x128xi32, #tpu.memory_space<vmem>>
      %dma_wait3A_234 = arith.constant 0 : i32
      %dma_wait3A_235 = arith.constant 0 : i32
      %dma_wait3A_236 = tpu.memref_slice %arg3[%add3A, %add3A_220, %dma_wait3A_234, %dma_wait3A_235] : memref<32x81x2x128xi32, #tpu.memory_space<hbm>> -> memref<1x1x2x128xi32, #tpu.memory_space<hbm>>
      %dma_wait3A_237 = tpu.memref_squeeze %dma_wait3A_236 : memref<1x1x2x128xi32, #tpu.memory_space<hbm>> -> memref<2x128xi32, #tpu.memory_space<hbm>>
      tpu.wait_dma2 semaphore(%arg10 : memref<!tpu.dma_semaphore, #tpu.memory_space<semaphore_mem>>) src(%dma_wait3A_237 : memref<2x128xi32, #tpu.memory_space<hbm>>) dst(%dma_wait3A_233 : memref<2x128xi32, #tpu.memory_space<vmem>>)
      %dma_start3A_238 = arith.constant 2 : i32
      %dma_start3A_239 = arith.constant 0 : i32
      %dma_start3A_240 = arith.constant 2 : i32
      %dma_start3A_241 = arith.constant 0 : i32
      %dma_start3A_242 = arith.constant 0 : i32
      %dma_start3A_243 = tpu.memref_slice %arg6[%dma_start3A_240, %dma_start3A_241, %dma_start3A_242] : memref<3x128x128xf32, #tpu.memory_space<vmem>> -> memref<1x128x128xf32, #tpu.memory_space<vmem>>
      %dma_start3A_244 = tpu.memref_squeeze %dma_start3A_243 : memref<1x128x128xf32, #tpu.memory_space<vmem>> -> memref<128x128xf32, #tpu.memory_space<vmem>>
      %dma_start3A_245 = arith.constant 0 : i32
      %dma_start3A_246 = tpu.memref_slice %arg5[%dma_start3A_238, %dma_start3A_239, %dma_start3A_245] : memref<3x2x128xi32, #tpu.memory_space<vmem>> -> memref<1x1x128xi32, #tpu.memory_space<vmem>>
      %dma_start3A_247 = tpu.memref_squeeze %dma_start3A_246 : memref<1x1x128xi32, #tpu.memory_space<vmem>> -> memref<128xi32, #tpu.memory_space<vmem>>
      %dma_start3A_248 = arith.constant 0 : i32
      %dma_start3A_249 = arith.constant 0 : i32
      %dma_start3A_250 = tpu.memref_slice %arg2[%dma_start3A_248, %dma_start3A_249] : memref<10112x128xf32, #tpu.memory_space<hbm>> -> memref<10112x128xf32, #tpu.memory_space<hbm>>
      tpu.enqueue_indirect_dma source(%dma_start3A_250 : memref<10112x128xf32, #tpu.memory_space<hbm>>) target(%dma_start3A_244 : memref<128x128xf32, #tpu.memory_space<vmem>>) offsets(%dma_start3A_247 : memref<128xi32, #tpu.memory_space<vmem>>) semaphore(%arg13 : memref<!tpu.dma_semaphore, #tpu.memory_space<semaphore_mem>>)
      %run_scoped3A_251 = arith.constant 0 : i32
      %run_scoped3A_252 = arith.constant 0 : i32
      %run_scoped3A_253 = arith.constant 1 : i32
      "tpu.region"() ({
        %run_scoped3A_415 = tpu.sem_alloc : memref<!tpu.dma_semaphore, #tpu.memory_space<semaphore_mem>>
        %dma_start3A_416 = arith.constant 0 : i32
        %dma_start3A_417 = arith.constant 0 : i32
        %dma_start3A_418 = tpu.memref_slice %arg6[%run_scoped3A_251, %dma_start3A_416, %dma_start3A_417] : memref<3x128x128xf32, #tpu.memory_space<vmem>> -> memref<1x128x128xf32, #tpu.memory_space<vmem>>
        %dma_start3A_419 = tpu.memref_squeeze %dma_start3A_418 : memref<1x128x128xf32, #tpu.memory_space<vmem>> -> memref<128x128xf32, #tpu.memory_space<vmem>>
        %dma_start3A_420 = arith.constant 0 : i32
        %dma_start3A_421 = tpu.memref_slice %arg5[%run_scoped3A_252, %run_scoped3A_253, %dma_start3A_420] : memref<3x2x128xi32, #tpu.memory_space<vmem>> -> memref<1x1x128xi32, #tpu.memory_space<vmem>>
        %dma_start3A_422 = tpu.memref_squeeze %dma_start3A_421 : memref<1x1x128xi32, #tpu.memory_space<vmem>> -> memref<128xi32, #tpu.memory_space<vmem>>
        %dma_start3A_423 = arith.constant 0 : i32
        %dma_start3A_424 = arith.constant 0 : i32
        %dma_start3A_425 = tpu.memref_slice %arg7[%dma_start3A_423, %dma_start3A_424] : memref<10112x128xf32, #tpu.memory_space<vmem_shared>> -> memref<10112x128xf32, #tpu.memory_space<vmem_shared>>
        tpu.enqueue_indirect_dma source(%dma_start3A_419 : memref<128x128xf32, #tpu.memory_space<vmem>>) target(%dma_start3A_425 : memref<10112x128xf32, #tpu.memory_space<vmem_shared>>) offsets(%dma_start3A_422 : memref<128xi32, #tpu.memory_space<vmem>>) semaphore(%run_scoped3A_415 : memref<!tpu.dma_semaphore, #tpu.memory_space<semaphore_mem>>) {add = true}
        %dma_wait3A_426 = arith.constant 0 : i32
        %dma_wait3A_427 = arith.constant 0 : i32
        %dma_wait3A_428 = tpu.memref_slice %arg6[%run_scoped3A_251, %dma_wait3A_426, %dma_wait3A_427] : memref<3x128x128xf32, #tpu.memory_space<vmem>> -> memref<1x128x128xf32, #tpu.memory_space<vmem>>
        %dma_wait3A_429 = tpu.memref_squeeze %dma_wait3A_428 : memref<1x128x128xf32, #tpu.memory_space<vmem>> -> memref<128x128xf32, #tpu.memory_space<vmem>>
        %dma_wait3A_430 = arith.constant 0 : i32
        %dma_wait3A_431 = tpu.memref_slice %arg5[%run_scoped3A_252, %run_scoped3A_253, %dma_wait3A_430] : memref<3x2x128xi32, #tpu.memory_space<vmem>> -> memref<1x1x128xi32, #tpu.memory_space<vmem>>
        %dma_wait3A_432 = tpu.memref_squeeze %dma_wait3A_431 : memref<1x1x128xi32, #tpu.memory_space<vmem>> -> memref<128xi32, #tpu.memory_space<vmem>>
        %dma_wait3A_433 = arith.constant 0 : i32
        %dma_wait3A_434 = arith.constant 0 : i32
        %dma_wait3A_435 = tpu.memref_slice %arg7[%dma_wait3A_433, %dma_wait3A_434] : memref<10112x128xf32, #tpu.memory_space<vmem_shared>> -> memref<10112x128xf32, #tpu.memory_space<vmem_shared>>
        tpu.wait_indirect_dma semaphore(%run_scoped3A_415 : memref<!tpu.dma_semaphore, #tpu.memory_space<semaphore_mem>>) src(%dma_wait3A_429 : memref<128x128xf32, #tpu.memory_space<vmem>>) dst(%dma_wait3A_435 : memref<10112x128xf32, #tpu.memory_space<vmem_shared>>)
        tpu.yield
      }) : () -> ()
      %add3A_254 = arith.constant 3 : i32
      %add3A_255 = arith.addi %add3A_205, %add3A_254 : i32
      %dma_start3A_256 = arith.constant 0 : i32
      %dma_start3A_257 = arith.constant 0 : i32
      %dma_start3A_258 = arith.constant 0 : i32
      %dma_start3A_259 = tpu.memref_slice %arg5[%dma_start3A_256, %dma_start3A_257, %dma_start3A_258] : memref<3x2x128xi32, #tpu.memory_space<vmem>> -> memref<1x2x128xi32, #tpu.memory_space<vmem>>
      %dma_start3A_260 = tpu.memref_squeeze %dma_start3A_259 : memref<1x2x128xi32, #tpu.memory_space<vmem>> -> memref<2x128xi32, #tpu.memory_space<vmem>>
      %dma_start3A_261 = arith.constant 0 : i32
      %dma_start3A_262 = arith.constant 0 : i32
      %dma_start3A_263 = tpu.memref_slice %arg3[%add3A, %add3A_255, %dma_start3A_261, %dma_start3A_262] : memref<32x81x2x128xi32, #tpu.memory_space<hbm>> -> memref<1x1x2x128xi32, #tpu.memory_space<hbm>>
      %dma_start3A_264 = tpu.memref_squeeze %dma_start3A_263 : memref<1x1x2x128xi32, #tpu.memory_space<hbm>> -> memref<2x128xi32, #tpu.memory_space<hbm>>
      %dma_start3A_265 = arith.constant 0 : i32
      %dma_start3A_266 = arith.constant 0 : i32
      %dma_start3A_267 = tpu.memref_slice %arg5[%dma_start3A_256, %dma_start3A_265, %dma_start3A_266] : memref<3x2x128xi32, #tpu.memory_space<vmem>> -> memref<1x2x128xi32, #tpu.memory_space<vmem>>
      %dma_start3A_268 = tpu.memref_squeeze %dma_start3A_267 : memref<1x2x128xi32, #tpu.memory_space<vmem>> -> memref<2x128xi32, #tpu.memory_space<vmem>>
      %dma_start3A_269 = arith.constant 0 : i32
      %dma_start3A_270 = arith.constant 0 : i32
      %dma_start3A_271 = tpu.memref_slice %arg3[%add3A, %add3A_255, %dma_start3A_269, %dma_start3A_270] : memref<32x81x2x128xi32, #tpu.memory_space<hbm>> -> memref<1x1x2x128xi32, #tpu.memory_space<hbm>>
      %dma_start3A_272 = tpu.memref_squeeze %dma_start3A_271 : memref<1x1x2x128xi32, #tpu.memory_space<hbm>> -> memref<2x128xi32, #tpu.memory_space<hbm>>
      tpu.enqueue_dma source(%dma_start3A_272 : memref<2x128xi32, #tpu.memory_space<hbm>>) target(%dma_start3A_268 : memref<2x128xi32, #tpu.memory_space<vmem>>) target_semaphore(%arg8 : memref<!tpu.dma_semaphore, #tpu.memory_space<semaphore_mem>>)
      %mul3A_273 = arith.constant 3 : i32
      %mul3A_274 = arith.muli %scan3A_201, %mul3A_273 : i32
      %add3A_275 = arith.constant 1 : i32
      %add3A_276 = arith.addi %mul3A_274, %add3A_275 : i32
      %dma_wait3A_277 = arith.constant 1 : i32
      %dma_wait3A_278 = arith.constant 0 : i32
      %dma_wait3A_279 = arith.constant 1 : i32
      %dma_wait3A_280 = arith.constant 0 : i32
      %dma_wait3A_281 = arith.constant 0 : i32
      %dma_wait3A_282 = tpu.memref_slice %arg6[%dma_wait3A_279, %dma_wait3A_280, %dma_wait3A_281] : memref<3x128x128xf32, #tpu.memory_space<vmem>> -> memref<1x128x128xf32, #tpu.memory_space<vmem>>
      %dma_wait3A_283 = tpu.memref_squeeze %dma_wait3A_282 : memref<1x128x128xf32, #tpu.memory_space<vmem>> -> memref<128x128xf32, #tpu.memory_space<vmem>>
      %dma_wait3A_284 = arith.constant 0 : i32
      %dma_wait3A_285 = tpu.memref_slice %arg5[%dma_wait3A_277, %dma_wait3A_278, %dma_wait3A_284] : memref<3x2x128xi32, #tpu.memory_space<vmem>> -> memref<1x1x128xi32, #tpu.memory_space<vmem>>
      %dma_wait3A_286 = tpu.memref_squeeze %dma_wait3A_285 : memref<1x1x128xi32, #tpu.memory_space<vmem>> -> memref<128xi32, #tpu.memory_space<vmem>>
      %dma_wait3A_287 = arith.constant 0 : i32
      %dma_wait3A_288 = arith.constant 0 : i32
      %dma_wait3A_289 = tpu.memref_slice %arg2[%dma_wait3A_287, %dma_wait3A_288] : memref<10112x128xf32, #tpu.memory_space<hbm>> -> memref<10112x128xf32, #tpu.memory_space<hbm>>
      tpu.wait_indirect_dma semaphore(%arg12 : memref<!tpu.dma_semaphore, #tpu.memory_space<semaphore_mem>>) src(%dma_wait3A_289 : memref<10112x128xf32, #tpu.memory_space<hbm>>) dst(%dma_wait3A_283 : memref<128x128xf32, #tpu.memory_space<vmem>>)
      %add3A_290 = arith.constant 2 : i32
      %add3A_291 = arith.addi %add3A_276, %add3A_290 : i32
      %dma_wait3A_292 = arith.constant 0 : i32
      %dma_wait3A_293 = arith.constant 0 : i32
      %dma_wait3A_294 = arith.constant 0 : i32
      %dma_wait3A_295 = tpu.memref_slice %arg5[%dma_wait3A_292, %dma_wait3A_293, %dma_wait3A_294] : memref<3x2x128xi32, #tpu.memory_space<vmem>> -> memref<1x2x128xi32, #tpu.memory_space<vmem>>
      %dma_wait3A_296 = tpu.memref_squeeze %dma_wait3A_295 : memref<1x2x128xi32, #tpu.memory_space<vmem>> -> memref<2x128xi32, #tpu.memory_space<vmem>>
      %dma_wait3A_297 = arith.constant 0 : i32
      %dma_wait3A_298 = arith.constant 0 : i32
      %dma_wait3A_299 = tpu.memref_slice %arg3[%add3A, %add3A_291, %dma_wait3A_297, %dma_wait3A_298] : memref<32x81x2x128xi32, #tpu.memory_space<hbm>> -> memref<1x1x2x128xi32, #tpu.memory_space<hbm>>
      %dma_wait3A_300 = tpu.memref_squeeze %dma_wait3A_299 : memref<1x1x2x128xi32, #tpu.memory_space<hbm>> -> memref<2x128xi32, #tpu.memory_space<hbm>>
      %dma_wait3A_301 = arith.constant 0 : i32
      %dma_wait3A_302 = arith.constant 0 : i32
      %dma_wait3A_303 = tpu.memref_slice %arg5[%dma_wait3A_292, %dma_wait3A_301, %dma_wait3A_302] : memref<3x2x128xi32, #tpu.memory_space<vmem>> -> memref<1x2x128xi32, #tpu.memory_space<vmem>>
      %dma_wait3A_304 = tpu.memref_squeeze %dma_wait3A_303 : memref<1x2x128xi32, #tpu.memory_space<vmem>> -> memref<2x128xi32, #tpu.memory_space<vmem>>
      %dma_wait3A_305 = arith.constant 0 : i32
      %dma_wait3A_306 = arith.constant 0 : i32
      %dma_wait3A_307 = tpu.memref_slice %arg3[%add3A, %add3A_291, %dma_wait3A_305, %dma_wait3A_306] : memref<32x81x2x128xi32, #tpu.memory_space<hbm>> -> memref<1x1x2x128xi32, #tpu.memory_space<hbm>>
      %dma_wait3A_308 = tpu.memref_squeeze %dma_wait3A_307 : memref<1x1x2x128xi32, #tpu.memory_space<hbm>> -> memref<2x128xi32, #tpu.memory_space<hbm>>
      tpu.wait_dma2 semaphore(%arg8 : memref<!tpu.dma_semaphore, #tpu.memory_space<semaphore_mem>>) src(%dma_wait3A_308 : memref<2x128xi32, #tpu.memory_space<hbm>>) dst(%dma_wait3A_304 : memref<2x128xi32, #tpu.memory_space<vmem>>)
      %dma_start3A_309 = arith.constant 0 : i32
      %dma_start3A_310 = arith.constant 0 : i32
      %dma_start3A_311 = arith.constant 0 : i32
      %dma_start3A_312 = arith.constant 0 : i32
      %dma_start3A_313 = arith.constant 0 : i32
      %dma_start3A_314 = tpu.memref_slice %arg6[%dma_start3A_311, %dma_start3A_312, %dma_start3A_313] : memref<3x128x128xf32, #tpu.memory_space<vmem>> -> memref<1x128x128xf32, #tpu.memory_space<vmem>>
      %dma_start3A_315 = tpu.memref_squeeze %dma_start3A_314 : memref<1x128x128xf32, #tpu.memory_space<vmem>> -> memref<128x128xf32, #tpu.memory_space<vmem>>
      %dma_start3A_316 = arith.constant 0 : i32
      %dma_start3A_317 = tpu.memref_slice %arg5[%dma_start3A_309, %dma_start3A_310, %dma_start3A_316] : memref<3x2x128xi32, #tpu.memory_space<vmem>> -> memref<1x1x128xi32, #tpu.memory_space<vmem>>
      %dma_start3A_318 = tpu.memref_squeeze %dma_start3A_317 : memref<1x1x128xi32, #tpu.memory_space<vmem>> -> memref<128xi32, #tpu.memory_space<vmem>>
      %dma_start3A_319 = arith.constant 0 : i32
      %dma_start3A_320 = arith.constant 0 : i32
      %dma_start3A_321 = tpu.memref_slice %arg2[%dma_start3A_319, %dma_start3A_320] : memref<10112x128xf32, #tpu.memory_space<hbm>> -> memref<10112x128xf32, #tpu.memory_space<hbm>>
      tpu.enqueue_indirect_dma source(%dma_start3A_321 : memref<10112x128xf32, #tpu.memory_space<hbm>>) target(%dma_start3A_315 : memref<128x128xf32, #tpu.memory_space<vmem>>) offsets(%dma_start3A_318 : memref<128xi32, #tpu.memory_space<vmem>>) semaphore(%arg11 : memref<!tpu.dma_semaphore, #tpu.memory_space<semaphore_mem>>)
      %run_scoped3A_322 = arith.constant 1 : i32
      %run_scoped3A_323 = arith.constant 1 : i32
      %run_scoped3A_324 = arith.constant 1 : i32
      "tpu.region"() ({
        %run_scoped3A_415 = tpu.sem_alloc : memref<!tpu.dma_semaphore, #tpu.memory_space<semaphore_mem>>
        %dma_start3A_416 = arith.constant 0 : i32
        %dma_start3A_417 = arith.constant 0 : i32
        %dma_start3A_418 = tpu.memref_slice %arg6[%run_scoped3A_322, %dma_start3A_416, %dma_start3A_417] : memref<3x128x128xf32, #tpu.memory_space<vmem>> -> memref<1x128x128xf32, #tpu.memory_space<vmem>>
        %dma_start3A_419 = tpu.memref_squeeze %dma_start3A_418 : memref<1x128x128xf32, #tpu.memory_space<vmem>> -> memref<128x128xf32, #tpu.memory_space<vmem>>
        %dma_start3A_420 = arith.constant 0 : i32
        %dma_start3A_421 = tpu.memref_slice %arg5[%run_scoped3A_323, %run_scoped3A_324, %dma_start3A_420] : memref<3x2x128xi32, #tpu.memory_space<vmem>> -> memref<1x1x128xi32, #tpu.memory_space<vmem>>
        %dma_start3A_422 = tpu.memref_squeeze %dma_start3A_421 : memref<1x1x128xi32, #tpu.memory_space<vmem>> -> memref<128xi32, #tpu.memory_space<vmem>>
        %dma_start3A_423 = arith.constant 0 : i32
        %dma_start3A_424 = arith.constant 0 : i32
        %dma_start3A_425 = tpu.memref_slice %arg7[%dma_start3A_423, %dma_start3A_424] : memref<10112x128xf32, #tpu.memory_space<vmem_shared>> -> memref<10112x128xf32, #tpu.memory_space<vmem_shared>>
        tpu.enqueue_indirect_dma source(%dma_start3A_419 : memref<128x128xf32, #tpu.memory_space<vmem>>) target(%dma_start3A_425 : memref<10112x128xf32, #tpu.memory_space<vmem_shared>>) offsets(%dma_start3A_422 : memref<128xi32, #tpu.memory_space<vmem>>) semaphore(%run_scoped3A_415 : memref<!tpu.dma_semaphore, #tpu.memory_space<semaphore_mem>>) {add = true}
        %dma_wait3A_426 = arith.constant 0 : i32
        %dma_wait3A_427 = arith.constant 0 : i32
        %dma_wait3A_428 = tpu.memref_slice %arg6[%run_scoped3A_322, %dma_wait3A_426, %dma_wait3A_427] : memref<3x128x128xf32, #tpu.memory_space<vmem>> -> memref<1x128x128xf32, #tpu.memory_space<vmem>>
        %dma_wait3A_429 = tpu.memref_squeeze %dma_wait3A_428 : memref<1x128x128xf32, #tpu.memory_space<vmem>> -> memref<128x128xf32, #tpu.memory_space<vmem>>
        %dma_wait3A_430 = arith.constant 0 : i32
        %dma_wait3A_431 = tpu.memref_slice %arg5[%run_scoped3A_323, %run_scoped3A_324, %dma_wait3A_430] : memref<3x2x128xi32, #tpu.memory_space<vmem>> -> memref<1x1x128xi32, #tpu.memory_space<vmem>>
        %dma_wait3A_432 = tpu.memref_squeeze %dma_wait3A_431 : memref<1x1x128xi32, #tpu.memory_space<vmem>> -> memref<128xi32, #tpu.memory_space<vmem>>
        %dma_wait3A_433 = arith.constant 0 : i32
        %dma_wait3A_434 = arith.constant 0 : i32
        %dma_wait3A_435 = tpu.memref_slice %arg7[%dma_wait3A_433, %dma_wait3A_434] : memref<10112x128xf32, #tpu.memory_space<vmem_shared>> -> memref<10112x128xf32, #tpu.memory_space<vmem_shared>>
        tpu.wait_indirect_dma semaphore(%run_scoped3A_415 : memref<!tpu.dma_semaphore, #tpu.memory_space<semaphore_mem>>) src(%dma_wait3A_429 : memref<128x128xf32, #tpu.memory_space<vmem>>) dst(%dma_wait3A_435 : memref<10112x128xf32, #tpu.memory_space<vmem_shared>>)
        tpu.yield
      }) : () -> ()
      %add3A_325 = arith.constant 3 : i32
      %add3A_326 = arith.addi %add3A_276, %add3A_325 : i32
      %dma_start3A_327 = arith.constant 1 : i32
      %dma_start3A_328 = arith.constant 0 : i32
      %dma_start3A_329 = arith.constant 0 : i32
      %dma_start3A_330 = tpu.memref_slice %arg5[%dma_start3A_327, %dma_start3A_328, %dma_start3A_329] : memref<3x2x128xi32, #tpu.memory_space<vmem>> -> memref<1x2x128xi32, #tpu.memory_space<vmem>>
      %dma_start3A_331 = tpu.memref_squeeze %dma_start3A_330 : memref<1x2x128xi32, #tpu.memory_space<vmem>> -> memref<2x128xi32, #tpu.memory_space<vmem>>
      %dma_start3A_332 = arith.constant 0 : i32
      %dma_start3A_333 = arith.constant 0 : i32
      %dma_start3A_334 = tpu.memref_slice %arg3[%add3A, %add3A_326, %dma_start3A_332, %dma_start3A_333] : memref<32x81x2x128xi32, #tpu.memory_space<hbm>> -> memref<1x1x2x128xi32, #tpu.memory_space<hbm>>
      %dma_start3A_335 = tpu.memref_squeeze %dma_start3A_334 : memref<1x1x2x128xi32, #tpu.memory_space<hbm>> -> memref<2x128xi32, #tpu.memory_space<hbm>>
      %dma_start3A_336 = arith.constant 0 : i32
      %dma_start3A_337 = arith.constant 0 : i32
      %dma_start3A_338 = tpu.memref_slice %arg5[%dma_start3A_327, %dma_start3A_336, %dma_start3A_337] : memref<3x2x128xi32, #tpu.memory_space<vmem>> -> memref<1x2x128xi32, #tpu.memory_space<vmem>>
      %dma_start3A_339 = tpu.memref_squeeze %dma_start3A_338 : memref<1x2x128xi32, #tpu.memory_space<vmem>> -> memref<2x128xi32, #tpu.memory_space<vmem>>
      %dma_start3A_340 = arith.constant 0 : i32
      %dma_start3A_341 = arith.constant 0 : i32
      %dma_start3A_342 = tpu.memref_slice %arg3[%add3A, %add3A_326, %dma_start3A_340, %dma_start3A_341] : memref<32x81x2x128xi32, #tpu.memory_space<hbm>> -> memref<1x1x2x128xi32, #tpu.memory_space<hbm>>
      %dma_start3A_343 = tpu.memref_squeeze %dma_start3A_342 : memref<1x1x2x128xi32, #tpu.memory_space<hbm>> -> memref<2x128xi32, #tpu.memory_space<hbm>>
      tpu.enqueue_dma source(%dma_start3A_343 : memref<2x128xi32, #tpu.memory_space<hbm>>) target(%dma_start3A_339 : memref<2x128xi32, #tpu.memory_space<vmem>>) target_semaphore(%arg9 : memref<!tpu.dma_semaphore, #tpu.memory_space<semaphore_mem>>)
      %mul3A_344 = arith.constant 3 : i32
      %mul3A_345 = arith.muli %scan3A_201, %mul3A_344 : i32
      %add3A_346 = arith.constant 2 : i32
      %add3A_347 = arith.addi %mul3A_345, %add3A_346 : i32
      %dma_wait3A_348 = arith.constant 2 : i32
      %dma_wait3A_349 = arith.constant 0 : i32
      %dma_wait3A_350 = arith.constant 2 : i32
      %dma_wait3A_351 = arith.constant 0 : i32
      %dma_wait3A_352 = arith.constant 0 : i32
      %dma_wait3A_353 = tpu.memref_slice %arg6[%dma_wait3A_350, %dma_wait3A_351, %dma_wait3A_352] : memref<3x128x128xf32, #tpu.memory_space<vmem>> -> memref<1x128x128xf32, #tpu.memory_space<vmem>>
      %dma_wait3A_354 = tpu.memref_squeeze %dma_wait3A_353 : memref<1x128x128xf32, #tpu.memory_space<vmem>> -> memref<128x128xf32, #tpu.memory_space<vmem>>
      %dma_wait3A_355 = arith.constant 0 : i32
      %dma_wait3A_356 = tpu.memref_slice %arg5[%dma_wait3A_348, %dma_wait3A_349, %dma_wait3A_355] : memref<3x2x128xi32, #tpu.memory_space<vmem>> -> memref<1x1x128xi32, #tpu.memory_space<vmem>>
      %dma_wait3A_357 = tpu.memref_squeeze %dma_wait3A_356 : memref<1x1x128xi32, #tpu.memory_space<vmem>> -> memref<128xi32, #tpu.memory_space<vmem>>
      %dma_wait3A_358 = arith.constant 0 : i32
      %dma_wait3A_359 = arith.constant 0 : i32
      %dma_wait3A_360 = tpu.memref_slice %arg2[%dma_wait3A_358, %dma_wait3A_359] : memref<10112x128xf32, #tpu.memory_space<hbm>> -> memref<10112x128xf32, #tpu.memory_space<hbm>>
      tpu.wait_indirect_dma semaphore(%arg13 : memref<!tpu.dma_semaphore, #tpu.memory_space<semaphore_mem>>) src(%dma_wait3A_360 : memref<10112x128xf32, #tpu.memory_space<hbm>>) dst(%dma_wait3A_354 : memref<128x128xf32, #tpu.memory_space<vmem>>)
      %add3A_361 = arith.constant 2 : i32
      %add3A_362 = arith.addi %add3A_347, %add3A_361 : i32
      %dma_wait3A_363 = arith.constant 1 : i32
      %dma_wait3A_364 = arith.constant 0 : i32
      %dma_wait3A_365 = arith.constant 0 : i32
      %dma_wait3A_366 = tpu.memref_slice %arg5[%dma_wait3A_363, %dma_wait3A_364, %dma_wait3A_365] : memref<3x2x128xi32, #tpu.memory_space<vmem>> -> memref<1x2x128xi32, #tpu.memory_space<vmem>>
      %dma_wait3A_367 = tpu.memref_squeeze %dma_wait3A_366 : memref<1x2x128xi32, #tpu.memory_space<vmem>> -> memref<2x128xi32, #tpu.memory_space<vmem>>
      %dma_wait3A_368 = arith.constant 0 : i32
      %dma_wait3A_369 = arith.constant 0 : i32
      %dma_wait3A_370 = tpu.memref_slice %arg3[%add3A, %add3A_362, %dma_wait3A_368, %dma_wait3A_369] : memref<32x81x2x128xi32, #tpu.memory_space<hbm>> -> memref<1x1x2x128xi32, #tpu.memory_space<hbm>>
      %dma_wait3A_371 = tpu.memref_squeeze %dma_wait3A_370 : memref<1x1x2x128xi32, #tpu.memory_space<hbm>> -> memref<2x128xi32, #tpu.memory_space<hbm>>
      %dma_wait3A_372 = arith.constant 0 : i32
      %dma_wait3A_373 = arith.constant 0 : i32
      %dma_wait3A_374 = tpu.memref_slice %arg5[%dma_wait3A_363, %dma_wait3A_372, %dma_wait3A_373] : memref<3x2x128xi32, #tpu.memory_space<vmem>> -> memref<1x2x128xi32, #tpu.memory_space<vmem>>
      %dma_wait3A_375 = tpu.memref_squeeze %dma_wait3A_374 : memref<1x2x128xi32, #tpu.memory_space<vmem>> -> memref<2x128xi32, #tpu.memory_space<vmem>>
      %dma_wait3A_376 = arith.constant 0 : i32
      %dma_wait3A_377 = arith.constant 0 : i32
      %dma_wait3A_378 = tpu.memref_slice %arg3[%add3A, %add3A_362, %dma_wait3A_376, %dma_wait3A_377] : memref<32x81x2x128xi32, #tpu.memory_space<hbm>> -> memref<1x1x2x128xi32, #tpu.memory_space<hbm>>
      %dma_wait3A_379 = tpu.memref_squeeze %dma_wait3A_378 : memref<1x1x2x128xi32, #tpu.memory_space<hbm>> -> memref<2x128xi32, #tpu.memory_space<hbm>>
      tpu.wait_dma2 semaphore(%arg9 : memref<!tpu.dma_semaphore, #tpu.memory_space<semaphore_mem>>) src(%dma_wait3A_379 : memref<2x128xi32, #tpu.memory_space<hbm>>) dst(%dma_wait3A_375 : memref<2x128xi32, #tpu.memory_space<vmem>>)
      %dma_start3A_380 = arith.constant 1 : i32
      %dma_start3A_381 = arith.constant 0 : i32
      %dma_start3A_382 = arith.constant 1 : i32
      %dma_start3A_383 = arith.constant 0 : i32
      %dma_start3A_384 = arith.constant 0 : i32
      %dma_start3A_385 = tpu.memref_slice %arg6[%dma_start3A_382, %dma_start3A_383, %dma_start3A_384] : memref<3x128x128xf32, #tpu.memory_space<vmem>> -> memref<1x128x128xf32, #tpu.memory_space<vmem>>
      %dma_start3A_386 = tpu.memref_squeeze %dma_start3A_385 : memref<1x128x128xf32, #tpu.memory_space<vmem>> -> memref<128x128xf32, #tpu.memory_space<vmem>>
      %dma_start3A_387 = arith.constant 0 : i32
      %dma_start3A_388 = tpu.memref_slice %arg5[%dma_start3A_380, %dma_start3A_381, %dma_start3A_387] : memref<3x2x128xi32, #tpu.memory_space<vmem>> -> memref<1x1x128xi32, #tpu.memory_space<vmem>>
      %dma_start3A_389 = tpu.memref_squeeze %dma_start3A_388 : memref<1x1x128xi32, #tpu.memory_space<vmem>> -> memref<128xi32, #tpu.memory_space<vmem>>
      %dma_start3A_390 = arith.constant 0 : i32
      %dma_start3A_391 = arith.constant 0 : i32
      %dma_start3A_392 = tpu.memref_slice %arg2[%dma_start3A_390, %dma_start3A_391] : memref<10112x128xf32, #tpu.memory_space<hbm>> -> memref<10112x128xf32, #tpu.memory_space<hbm>>
      tpu.enqueue_indirect_dma source(%dma_start3A_392 : memref<10112x128xf32, #tpu.memory_space<hbm>>) target(%dma_start3A_386 : memref<128x128xf32, #tpu.memory_space<vmem>>) offsets(%dma_start3A_389 : memref<128xi32, #tpu.memory_space<vmem>>) semaphore(%arg12 : memref<!tpu.dma_semaphore, #tpu.memory_space<semaphore_mem>>)
      %run_scoped3A_393 = arith.constant 2 : i32
      %run_scoped3A_394 = arith.constant 2 : i32
      %run_scoped3A_395 = arith.constant 1 : i32
      "tpu.region"() ({
        %run_scoped3A_415 = tpu.sem_alloc : memref<!tpu.dma_semaphore, #tpu.memory_space<semaphore_mem>>
        %dma_start3A_416 = arith.constant 0 : i32
        %dma_start3A_417 = arith.constant 0 : i32
        %dma_start3A_418 = tpu.memref_slice %arg6[%run_scoped3A_393, %dma_start3A_416, %dma_start3A_417] : memref<3x128x128xf32, #tpu.memory_space<vmem>> -> memref<1x128x128xf32, #tpu.memory_space<vmem>>
        %dma_start3A_419 = tpu.memref_squeeze %dma_start3A_418 : memref<1x128x128xf32, #tpu.memory_space<vmem>> -> memref<128x128xf32, #tpu.memory_space<vmem>>
        %dma_start3A_420 = arith.constant 0 : i32
        %dma_start3A_421 = tpu.memref_slice %arg5[%run_scoped3A_394, %run_scoped3A_395, %dma_start3A_420] : memref<3x2x128xi32, #tpu.memory_space<vmem>> -> memref<1x1x128xi32, #tpu.memory_space<vmem>>
        %dma_start3A_422 = tpu.memref_squeeze %dma_start3A_421 : memref<1x1x128xi32, #tpu.memory_space<vmem>> -> memref<128xi32, #tpu.memory_space<vmem>>
        %dma_start3A_423 = arith.constant 0 : i32
        %dma_start3A_424 = arith.constant 0 : i32
        %dma_start3A_425 = tpu.memref_slice %arg7[%dma_start3A_423, %dma_start3A_424] : memref<10112x128xf32, #tpu.memory_space<vmem_shared>> -> memref<10112x128xf32, #tpu.memory_space<vmem_shared>>
        tpu.enqueue_indirect_dma source(%dma_start3A_419 : memref<128x128xf32, #tpu.memory_space<vmem>>) target(%dma_start3A_425 : memref<10112x128xf32, #tpu.memory_space<vmem_shared>>) offsets(%dma_start3A_422 : memref<128xi32, #tpu.memory_space<vmem>>) semaphore(%run_scoped3A_415 : memref<!tpu.dma_semaphore, #tpu.memory_space<semaphore_mem>>) {add = true}
        %dma_wait3A_426 = arith.constant 0 : i32
        %dma_wait3A_427 = arith.constant 0 : i32
        %dma_wait3A_428 = tpu.memref_slice %arg6[%run_scoped3A_393, %dma_wait3A_426, %dma_wait3A_427] : memref<3x128x128xf32, #tpu.memory_space<vmem>> -> memref<1x128x128xf32, #tpu.memory_space<vmem>>
        %dma_wait3A_429 = tpu.memref_squeeze %dma_wait3A_428 : memref<1x128x128xf32, #tpu.memory_space<vmem>> -> memref<128x128xf32, #tpu.memory_space<vmem>>
        %dma_wait3A_430 = arith.constant 0 : i32
        %dma_wait3A_431 = tpu.memref_slice %arg5[%run_scoped3A_394, %run_scoped3A_395, %dma_wait3A_430] : memref<3x2x128xi32, #tpu.memory_space<vmem>> -> memref<1x1x128xi32, #tpu.memory_space<vmem>>
        %dma_wait3A_432 = tpu.memref_squeeze %dma_wait3A_431 : memref<1x1x128xi32, #tpu.memory_space<vmem>> -> memref<128xi32, #tpu.memory_space<vmem>>
        %dma_wait3A_433 = arith.constant 0 : i32
        %dma_wait3A_434 = arith.constant 0 : i32
        %dma_wait3A_435 = tpu.memref_slice %arg7[%dma_wait3A_433, %dma_wait3A_434] : memref<10112x128xf32, #tpu.memory_space<vmem_shared>> -> memref<10112x128xf32, #tpu.memory_space<vmem_shared>>
        tpu.wait_indirect_dma semaphore(%run_scoped3A_415 : memref<!tpu.dma_semaphore, #tpu.memory_space<semaphore_mem>>) src(%dma_wait3A_429 : memref<128x128xf32, #tpu.memory_space<vmem>>) dst(%dma_wait3A_435 : memref<10112x128xf32, #tpu.memory_space<vmem_shared>>)
        tpu.yield
      }) : () -> ()
      %add3A_396 = arith.constant 3 : i32
      %add3A_397 = arith.addi %add3A_347, %add3A_396 : i32
      %dma_start3A_398 = arith.constant 2 : i32
      %dma_start3A_399 = arith.constant 0 : i32
      %dma_start3A_400 = arith.constant 0 : i32
      %dma_start3A_401 = tpu.memref_slice %arg5[%dma_start3A_398, %dma_start3A_399, %dma_start3A_400] : memref<3x2x128xi32, #tpu.memory_space<vmem>> -> memref<1x2x128xi32, #tpu.memory_space<vmem>>
      %dma_start3A_402 = tpu.memref_squeeze %dma_start3A_401 : memref<1x2x128xi32, #tpu.memory_space<vmem>> -> memref<2x128xi32, #tpu.memory_space<vmem>>
      %dma_start3A_403 = arith.constant 0 : i32
      %dma_start3A_404 = arith.constant 0 : i32
      %dma_start3A_405 = tpu.memref_slice %arg3[%add3A, %add3A_397, %dma_start3A_403, %dma_start3A_404] : memref<32x81x2x128xi32, #tpu.memory_space<hbm>> -> memref<1x1x2x128xi32, #tpu.memory_space<hbm>>
      %dma_start3A_406 = tpu.memref_squeeze %dma_start3A_405 : memref<1x1x2x128xi32, #tpu.memory_space<hbm>> -> memref<2x128xi32, #tpu.memory_space<hbm>>
      %dma_start3A_407 = arith.constant 0 : i32
      %dma_start3A_408 = arith.constant 0 : i32
      %dma_start3A_409 = tpu.memref_slice %arg5[%dma_start3A_398, %dma_start3A_407, %dma_start3A_408] : memref<3x2x128xi32, #tpu.memory_space<vmem>> -> memref<1x2x128xi32, #tpu.memory_space<vmem>>
      %dma_start3A_410 = tpu.memref_squeeze %dma_start3A_409 : memref<1x2x128xi32, #tpu.memory_space<vmem>> -> memref<2x128xi32, #tpu.memory_space<vmem>>
      %dma_start3A_411 = arith.constant 0 : i32
      %dma_start3A_412 = arith.constant 0 : i32
      %dma_start3A_413 = tpu.memref_slice %arg3[%add3A, %add3A_397, %dma_start3A_411, %dma_start3A_412] : memref<32x81x2x128xi32, #tpu.memory_space<hbm>> -> memref<1x1x2x128xi32, #tpu.memory_space<hbm>>
      %dma_start3A_414 = tpu.memref_squeeze %dma_start3A_413 : memref<1x1x2x128xi32, #tpu.memory_space<hbm>> -> memref<2x128xi32, #tpu.memory_space<hbm>>
      tpu.enqueue_dma source(%dma_start3A_414 : memref<2x128xi32, #tpu.memory_space<hbm>>) target(%dma_start3A_410 : memref<2x128xi32, #tpu.memory_space<vmem>>) target_semaphore(%arg10 : memref<!tpu.dma_semaphore, #tpu.memory_space<semaphore_mem>>)
    }
    %scan3A_121 = arith.constant 26 : i32
    %dma_wait3A_122 = arith.constant 0 : i32
    %dma_wait3A_123 = arith.constant 0 : i32
    %dma_wait3A_124 = arith.constant 0 : i32
    %dma_wait3A_125 = arith.constant 0 : i32
    %dma_wait3A_126 = arith.constant 0 : i32
    %dma_wait3A_127 = tpu.memref_slice %arg6[%dma_wait3A_124, %dma_wait3A_125, %dma_wait3A_126] : memref<3x128x128xf32, #tpu.memory_space<vmem>> -> memref<1x128x128xf32, #tpu.memory_space<vmem>>
    %dma_wait3A_128 = tpu.memref_squeeze %dma_wait3A_127 : memref<1x128x128xf32, #tpu.memory_space<vmem>> -> memref<128x128xf32, #tpu.memory_space<vmem>>
    %dma_wait3A_129 = arith.constant 0 : i32
    %dma_wait3A_130 = tpu.memref_slice %arg5[%dma_wait3A_122, %dma_wait3A_123, %dma_wait3A_129] : memref<3x2x128xi32, #tpu.memory_space<vmem>> -> memref<1x1x128xi32, #tpu.memory_space<vmem>>
    %dma_wait3A_131 = tpu.memref_squeeze %dma_wait3A_130 : memref<1x1x128xi32, #tpu.memory_space<vmem>> -> memref<128xi32, #tpu.memory_space<vmem>>
    %dma_wait3A_132 = arith.constant 0 : i32
    %dma_wait3A_133 = arith.constant 0 : i32
    %dma_wait3A_134 = tpu.memref_slice %arg2[%dma_wait3A_132, %dma_wait3A_133] : memref<10112x128xf32, #tpu.memory_space<hbm>> -> memref<10112x128xf32, #tpu.memory_space<hbm>>
    tpu.wait_indirect_dma semaphore(%arg11 : memref<!tpu.dma_semaphore, #tpu.memory_space<semaphore_mem>>) src(%dma_wait3A_134 : memref<10112x128xf32, #tpu.memory_space<hbm>>) dst(%dma_wait3A_128 : memref<128x128xf32, #tpu.memory_space<vmem>>)
    %dma_wait3A_135 = arith.constant 80 : i32
    %dma_wait3A_136 = arith.constant 2 : i32
    %dma_wait3A_137 = arith.constant 0 : i32
    %dma_wait3A_138 = arith.constant 0 : i32
    %dma_wait3A_139 = tpu.memref_slice %arg5[%dma_wait3A_136, %dma_wait3A_137, %dma_wait3A_138] : memref<3x2x128xi32, #tpu.memory_space<vmem>> -> memref<1x2x128xi32, #tpu.memory_space<vmem>>
    %dma_wait3A_140 = tpu.memref_squeeze %dma_wait3A_139 : memref<1x2x128xi32, #tpu.memory_space<vmem>> -> memref<2x128xi32, #tpu.memory_space<vmem>>
    %dma_wait3A_141 = arith.constant 0 : i32
    %dma_wait3A_142 = arith.constant 0 : i32
    %dma_wait3A_143 = tpu.memref_slice %arg3[%add3A, %dma_wait3A_135, %dma_wait3A_141, %dma_wait3A_142] : memref<32x81x2x128xi32, #tpu.memory_space<hbm>> -> memref<1x1x2x128xi32, #tpu.memory_space<hbm>>
    %dma_wait3A_144 = tpu.memref_squeeze %dma_wait3A_143 : memref<1x1x2x128xi32, #tpu.memory_space<hbm>> -> memref<2x128xi32, #tpu.memory_space<hbm>>
    %dma_wait3A_145 = arith.constant 0 : i32
    %dma_wait3A_146 = arith.constant 0 : i32
    %dma_wait3A_147 = tpu.memref_slice %arg5[%dma_wait3A_136, %dma_wait3A_145, %dma_wait3A_146] : memref<3x2x128xi32, #tpu.memory_space<vmem>> -> memref<1x2x128xi32, #tpu.memory_space<vmem>>
    %dma_wait3A_148 = tpu.memref_squeeze %dma_wait3A_147 : memref<1x2x128xi32, #tpu.memory_space<vmem>> -> memref<2x128xi32, #tpu.memory_space<vmem>>
    %dma_wait3A_149 = arith.constant 0 : i32
    %dma_wait3A_150 = arith.constant 0 : i32
    %dma_wait3A_151 = tpu.memref_slice %arg3[%add3A, %dma_wait3A_135, %dma_wait3A_149, %dma_wait3A_150] : memref<32x81x2x128xi32, #tpu.memory_space<hbm>> -> memref<1x1x2x128xi32, #tpu.memory_space<hbm>>
    %dma_wait3A_152 = tpu.memref_squeeze %dma_wait3A_151 : memref<1x1x2x128xi32, #tpu.memory_space<hbm>> -> memref<2x128xi32, #tpu.memory_space<hbm>>
    tpu.wait_dma2 semaphore(%arg10 : memref<!tpu.dma_semaphore, #tpu.memory_space<semaphore_mem>>) src(%dma_wait3A_152 : memref<2x128xi32, #tpu.memory_space<hbm>>) dst(%dma_wait3A_148 : memref<2x128xi32, #tpu.memory_space<vmem>>)
    %dma_start3A_153 = arith.constant 2 : i32
    %dma_start3A_154 = arith.constant 0 : i32
    %dma_start3A_155 = arith.constant 2 : i32
    %dma_start3A_156 = arith.constant 0 : i32
    %dma_start3A_157 = arith.constant 0 : i32
    %dma_start3A_158 = tpu.memref_slice %arg6[%dma_start3A_155, %dma_start3A_156, %dma_start3A_157] : memref<3x128x128xf32, #tpu.memory_space<vmem>> -> memref<1x128x128xf32, #tpu.memory_space<vmem>>
    %dma_start3A_159 = tpu.memref_squeeze %dma_start3A_158 : memref<1x128x128xf32, #tpu.memory_space<vmem>> -> memref<128x128xf32, #tpu.memory_space<vmem>>
    %dma_start3A_160 = arith.constant 0 : i32
    %dma_start3A_161 = tpu.memref_slice %arg5[%dma_start3A_153, %dma_start3A_154, %dma_start3A_160] : memref<3x2x128xi32, #tpu.memory_space<vmem>> -> memref<1x1x128xi32, #tpu.memory_space<vmem>>
    %dma_start3A_162 = tpu.memref_squeeze %dma_start3A_161 : memref<1x1x128xi32, #tpu.memory_space<vmem>> -> memref<128xi32, #tpu.memory_space<vmem>>
    %dma_start3A_163 = arith.constant 0 : i32
    %dma_start3A_164 = arith.constant 0 : i32
    %dma_start3A_165 = tpu.memref_slice %arg2[%dma_start3A_163, %dma_start3A_164] : memref<10112x128xf32, #tpu.memory_space<hbm>> -> memref<10112x128xf32, #tpu.memory_space<hbm>>
    tpu.enqueue_indirect_dma source(%dma_start3A_165 : memref<10112x128xf32, #tpu.memory_space<hbm>>) target(%dma_start3A_159 : memref<128x128xf32, #tpu.memory_space<vmem>>) offsets(%dma_start3A_162 : memref<128xi32, #tpu.memory_space<vmem>>) semaphore(%arg13 : memref<!tpu.dma_semaphore, #tpu.memory_space<semaphore_mem>>)
    %run_scoped3A = arith.constant 0 : i32
    %run_scoped3A_166 = arith.constant 0 : i32
    %run_scoped3A_167 = arith.constant 1 : i32
    "tpu.region"() ({
      %run_scoped3A_201 = tpu.sem_alloc : memref<!tpu.dma_semaphore, #tpu.memory_space<semaphore_mem>>
      %dma_start3A_202 = arith.constant 0 : i32
      %dma_start3A_203 = arith.constant 0 : i32
      %dma_start3A_204 = tpu.memref_slice %arg6[%run_scoped3A, %dma_start3A_202, %dma_start3A_203] : memref<3x128x128xf32, #tpu.memory_space<vmem>> -> memref<1x128x128xf32, #tpu.memory_space<vmem>>
      %dma_start3A_205 = tpu.memref_squeeze %dma_start3A_204 : memref<1x128x128xf32, #tpu.memory_space<vmem>> -> memref<128x128xf32, #tpu.memory_space<vmem>>
      %dma_start3A_206 = arith.constant 0 : i32
      %dma_start3A_207 = tpu.memref_slice %arg5[%run_scoped3A_166, %run_scoped3A_167, %dma_start3A_206] : memref<3x2x128xi32, #tpu.memory_space<vmem>> -> memref<1x1x128xi32, #tpu.memory_space<vmem>>
      %dma_start3A_208 = tpu.memref_squeeze %dma_start3A_207 : memref<1x1x128xi32, #tpu.memory_space<vmem>> -> memref<128xi32, #tpu.memory_space<vmem>>
      %dma_start3A_209 = arith.constant 0 : i32
      %dma_start3A_210 = arith.constant 0 : i32
      %dma_start3A_211 = tpu.memref_slice %arg7[%dma_start3A_209, %dma_start3A_210] : memref<10112x128xf32, #tpu.memory_space<vmem_shared>> -> memref<10112x128xf32, #tpu.memory_space<vmem_shared>>
      tpu.enqueue_indirect_dma source(%dma_start3A_205 : memref<128x128xf32, #tpu.memory_space<vmem>>) target(%dma_start3A_211 : memref<10112x128xf32, #tpu.memory_space<vmem_shared>>) offsets(%dma_start3A_208 : memref<128xi32, #tpu.memory_space<vmem>>) semaphore(%run_scoped3A_201 : memref<!tpu.dma_semaphore, #tpu.memory_space<semaphore_mem>>) {add = true}
      %dma_wait3A_212 = arith.constant 0 : i32
      %dma_wait3A_213 = arith.constant 0 : i32
      %dma_wait3A_214 = tpu.memref_slice %arg6[%run_scoped3A, %dma_wait3A_212, %dma_wait3A_213] : memref<3x128x128xf32, #tpu.memory_space<vmem>> -> memref<1x128x128xf32, #tpu.memory_space<vmem>>
      %dma_wait3A_215 = tpu.memref_squeeze %dma_wait3A_214 : memref<1x128x128xf32, #tpu.memory_space<vmem>> -> memref<128x128xf32, #tpu.memory_space<vmem>>
      %dma_wait3A_216 = arith.constant 0 : i32
      %dma_wait3A_217 = tpu.memref_slice %arg5[%run_scoped3A_166, %run_scoped3A_167, %dma_wait3A_216] : memref<3x2x128xi32, #tpu.memory_space<vmem>> -> memref<1x1x128xi32, #tpu.memory_space<vmem>>
      %dma_wait3A_218 = tpu.memref_squeeze %dma_wait3A_217 : memref<1x1x128xi32, #tpu.memory_space<vmem>> -> memref<128xi32, #tpu.memory_space<vmem>>
      %dma_wait3A_219 = arith.constant 0 : i32
      %dma_wait3A_220 = arith.constant 0 : i32
      %dma_wait3A_221 = tpu.memref_slice %arg7[%dma_wait3A_219, %dma_wait3A_220] : memref<10112x128xf32, #tpu.memory_space<vmem_shared>> -> memref<10112x128xf32, #tpu.memory_space<vmem_shared>>
      tpu.wait_indirect_dma semaphore(%run_scoped3A_201 : memref<!tpu.dma_semaphore, #tpu.memory_space<semaphore_mem>>) src(%dma_wait3A_215 : memref<128x128xf32, #tpu.memory_space<vmem>>) dst(%dma_wait3A_221 : memref<10112x128xf32, #tpu.memory_space<vmem_shared>>)
      tpu.yield
    }) : () -> ()
    %dma_wait3A_168 = arith.constant 1 : i32
    %dma_wait3A_169 = arith.constant 0 : i32
    %dma_wait3A_170 = arith.constant 1 : i32
    %dma_wait3A_171 = arith.constant 0 : i32
    %dma_wait3A_172 = arith.constant 0 : i32
    %dma_wait3A_173 = tpu.memref_slice %arg6[%dma_wait3A_170, %dma_wait3A_171, %dma_wait3A_172] : memref<3x128x128xf32, #tpu.memory_space<vmem>> -> memref<1x128x128xf32, #tpu.memory_space<vmem>>
    %dma_wait3A_174 = tpu.memref_squeeze %dma_wait3A_173 : memref<1x128x128xf32, #tpu.memory_space<vmem>> -> memref<128x128xf32, #tpu.memory_space<vmem>>
    %dma_wait3A_175 = arith.constant 0 : i32
    %dma_wait3A_176 = tpu.memref_slice %arg5[%dma_wait3A_168, %dma_wait3A_169, %dma_wait3A_175] : memref<3x2x128xi32, #tpu.memory_space<vmem>> -> memref<1x1x128xi32, #tpu.memory_space<vmem>>
    %dma_wait3A_177 = tpu.memref_squeeze %dma_wait3A_176 : memref<1x1x128xi32, #tpu.memory_space<vmem>> -> memref<128xi32, #tpu.memory_space<vmem>>
    %dma_wait3A_178 = arith.constant 0 : i32
    %dma_wait3A_179 = arith.constant 0 : i32
    %dma_wait3A_180 = tpu.memref_slice %arg2[%dma_wait3A_178, %dma_wait3A_179] : memref<10112x128xf32, #tpu.memory_space<hbm>> -> memref<10112x128xf32, #tpu.memory_space<hbm>>
    tpu.wait_indirect_dma semaphore(%arg12 : memref<!tpu.dma_semaphore, #tpu.memory_space<semaphore_mem>>) src(%dma_wait3A_180 : memref<10112x128xf32, #tpu.memory_space<hbm>>) dst(%dma_wait3A_174 : memref<128x128xf32, #tpu.memory_space<vmem>>)
    %run_scoped3A_181 = arith.constant 1 : i32
    %run_scoped3A_182 = arith.constant 1 : i32
    %run_scoped3A_183 = arith.constant 1 : i32
    "tpu.region"() ({
      %run_scoped3A_201 = tpu.sem_alloc : memref<!tpu.dma_semaphore, #tpu.memory_space<semaphore_mem>>
      %dma_start3A_202 = arith.constant 0 : i32
      %dma_start3A_203 = arith.constant 0 : i32
      %dma_start3A_204 = tpu.memref_slice %arg6[%run_scoped3A_181, %dma_start3A_202, %dma_start3A_203] : memref<3x128x128xf32, #tpu.memory_space<vmem>> -> memref<1x128x128xf32, #tpu.memory_space<vmem>>
      %dma_start3A_205 = tpu.memref_squeeze %dma_start3A_204 : memref<1x128x128xf32, #tpu.memory_space<vmem>> -> memref<128x128xf32, #tpu.memory_space<vmem>>
      %dma_start3A_206 = arith.constant 0 : i32
      %dma_start3A_207 = tpu.memref_slice %arg5[%run_scoped3A_182, %run_scoped3A_183, %dma_start3A_206] : memref<3x2x128xi32, #tpu.memory_space<vmem>> -> memref<1x1x128xi32, #tpu.memory_space<vmem>>
      %dma_start3A_208 = tpu.memref_squeeze %dma_start3A_207 : memref<1x1x128xi32, #tpu.memory_space<vmem>> -> memref<128xi32, #tpu.memory_space<vmem>>
      %dma_start3A_209 = arith.constant 0 : i32
      %dma_start3A_210 = arith.constant 0 : i32
      %dma_start3A_211 = tpu.memref_slice %arg7[%dma_start3A_209, %dma_start3A_210] : memref<10112x128xf32, #tpu.memory_space<vmem_shared>> -> memref<10112x128xf32, #tpu.memory_space<vmem_shared>>
      tpu.enqueue_indirect_dma source(%dma_start3A_205 : memref<128x128xf32, #tpu.memory_space<vmem>>) target(%dma_start3A_211 : memref<10112x128xf32, #tpu.memory_space<vmem_shared>>) offsets(%dma_start3A_208 : memref<128xi32, #tpu.memory_space<vmem>>) semaphore(%run_scoped3A_201 : memref<!tpu.dma_semaphore, #tpu.memory_space<semaphore_mem>>) {add = true}
      %dma_wait3A_212 = arith.constant 0 : i32
      %dma_wait3A_213 = arith.constant 0 : i32
      %dma_wait3A_214 = tpu.memref_slice %arg6[%run_scoped3A_181, %dma_wait3A_212, %dma_wait3A_213] : memref<3x128x128xf32, #tpu.memory_space<vmem>> -> memref<1x128x128xf32, #tpu.memory_space<vmem>>
      %dma_wait3A_215 = tpu.memref_squeeze %dma_wait3A_214 : memref<1x128x128xf32, #tpu.memory_space<vmem>> -> memref<128x128xf32, #tpu.memory_space<vmem>>
      %dma_wait3A_216 = arith.constant 0 : i32
      %dma_wait3A_217 = tpu.memref_slice %arg5[%run_scoped3A_182, %run_scoped3A_183, %dma_wait3A_216] : memref<3x2x128xi32, #tpu.memory_space<vmem>> -> memref<1x1x128xi32, #tpu.memory_space<vmem>>
      %dma_wait3A_218 = tpu.memref_squeeze %dma_wait3A_217 : memref<1x1x128xi32, #tpu.memory_space<vmem>> -> memref<128xi32, #tpu.memory_space<vmem>>
      %dma_wait3A_219 = arith.constant 0 : i32
      %dma_wait3A_220 = arith.constant 0 : i32
      %dma_wait3A_221 = tpu.memref_slice %arg7[%dma_wait3A_219, %dma_wait3A_220] : memref<10112x128xf32, #tpu.memory_space<vmem_shared>> -> memref<10112x128xf32, #tpu.memory_space<vmem_shared>>
      tpu.wait_indirect_dma semaphore(%run_scoped3A_201 : memref<!tpu.dma_semaphore, #tpu.memory_space<semaphore_mem>>) src(%dma_wait3A_215 : memref<128x128xf32, #tpu.memory_space<vmem>>) dst(%dma_wait3A_221 : memref<10112x128xf32, #tpu.memory_space<vmem_shared>>)
      tpu.yield
    }) : () -> ()
    %dma_wait3A_184 = arith.constant 2 : i32
    %dma_wait3A_185 = arith.constant 0 : i32
    %dma_wait3A_186 = arith.constant 2 : i32
    %dma_wait3A_187 = arith.constant 0 : i32
    %dma_wait3A_188 = arith.constant 0 : i32
    %dma_wait3A_189 = tpu.memref_slice %arg6[%dma_wait3A_186, %dma_wait3A_187, %dma_wait3A_188] : memref<3x128x128xf32, #tpu.memory_space<vmem>> -> memref<1x128x128xf32, #tpu.memory_space<vmem>>
    %dma_wait3A_190 = tpu.memref_squeeze %dma_wait3A_189 : memref<1x128x128xf32, #tpu.memory_space<vmem>> -> memref<128x128xf32, #tpu.memory_space<vmem>>
    %dma_wait3A_191 = arith.constant 0 : i32
    %dma_wait3A_192 = tpu.memref_slice %arg5[%dma_wait3A_184, %dma_wait3A_185, %dma_wait3A_191] : memref<3x2x128xi32, #tpu.memory_space<vmem>> -> memref<1x1x128xi32, #tpu.memory_space<vmem>>
    %dma_wait3A_193 = tpu.memref_squeeze %dma_wait3A_192 : memref<1x1x128xi32, #tpu.memory_space<vmem>> -> memref<128xi32, #tpu.memory_space<vmem>>
    %dma_wait3A_194 = arith.constant 0 : i32
    %dma_wait3A_195 = arith.constant 0 : i32
    %dma_wait3A_196 = tpu.memref_slice %arg2[%dma_wait3A_194, %dma_wait3A_195] : memref<10112x128xf32, #tpu.memory_space<hbm>> -> memref<10112x128xf32, #tpu.memory_space<hbm>>
    tpu.wait_indirect_dma semaphore(%arg13 : memref<!tpu.dma_semaphore, #tpu.memory_space<semaphore_mem>>) src(%dma_wait3A_196 : memref<10112x128xf32, #tpu.memory_space<hbm>>) dst(%dma_wait3A_190 : memref<128x128xf32, #tpu.memory_space<vmem>>)
    %run_scoped3A_197 = arith.constant 2 : i32
    %run_scoped3A_198 = arith.constant 2 : i32
    %run_scoped3A_199 = arith.constant 1 : i32
    "tpu.region"() ({
      %run_scoped3A_201 = tpu.sem_alloc : memref<!tpu.dma_semaphore, #tpu.memory_space<semaphore_mem>>
      %dma_start3A_202 = arith.constant 0 : i32
      %dma_start3A_203 = arith.constant 0 : i32
      %dma_start3A_204 = tpu.memref_slice %arg6[%run_scoped3A_197, %dma_start3A_202, %dma_start3A_203] : memref<3x128x128xf32, #tpu.memory_space<vmem>> -> memref<1x128x128xf32, #tpu.memory_space<vmem>>
      %dma_start3A_205 = tpu.memref_squeeze %dma_start3A_204 : memref<1x128x128xf32, #tpu.memory_space<vmem>> -> memref<128x128xf32, #tpu.memory_space<vmem>>
      %dma_start3A_206 = arith.constant 0 : i32
      %dma_start3A_207 = tpu.memref_slice %arg5[%run_scoped3A_198, %run_scoped3A_199, %dma_start3A_206] : memref<3x2x128xi32, #tpu.memory_space<vmem>> -> memref<1x1x128xi32, #tpu.memory_space<vmem>>
      %dma_start3A_208 = tpu.memref_squeeze %dma_start3A_207 : memref<1x1x128xi32, #tpu.memory_space<vmem>> -> memref<128xi32, #tpu.memory_space<vmem>>
      %dma_start3A_209 = arith.constant 0 : i32
      %dma_start3A_210 = arith.constant 0 : i32
      %dma_start3A_211 = tpu.memref_slice %arg7[%dma_start3A_209, %dma_start3A_210] : memref<10112x128xf32, #tpu.memory_space<vmem_shared>> -> memref<10112x128xf32, #tpu.memory_space<vmem_shared>>
      tpu.enqueue_indirect_dma source(%dma_start3A_205 : memref<128x128xf32, #tpu.memory_space<vmem>>) target(%dma_start3A_211 : memref<10112x128xf32, #tpu.memory_space<vmem_shared>>) offsets(%dma_start3A_208 : memref<128xi32, #tpu.memory_space<vmem>>) semaphore(%run_scoped3A_201 : memref<!tpu.dma_semaphore, #tpu.memory_space<semaphore_mem>>) {add = true}
      %dma_wait3A_212 = arith.constant 0 : i32
      %dma_wait3A_213 = arith.constant 0 : i32
      %dma_wait3A_214 = tpu.memref_slice %arg6[%run_scoped3A_197, %dma_wait3A_212, %dma_wait3A_213] : memref<3x128x128xf32, #tpu.memory_space<vmem>> -> memref<1x128x128xf32, #tpu.memory_space<vmem>>
      %dma_wait3A_215 = tpu.memref_squeeze %dma_wait3A_214 : memref<1x128x128xf32, #tpu.memory_space<vmem>> -> memref<128x128xf32, #tpu.memory_space<vmem>>
      %dma_wait3A_216 = arith.constant 0 : i32
      %dma_wait3A_217 = tpu.memref_slice %arg5[%run_scoped3A_198, %run_scoped3A_199, %dma_wait3A_216] : memref<3x2x128xi32, #tpu.memory_space<vmem>> -> memref<1x1x128xi32, #tpu.memory_space<vmem>>
      %dma_wait3A_218 = tpu.memref_squeeze %dma_wait3A_217 : memref<1x1x128xi32, #tpu.memory_space<vmem>> -> memref<128xi32, #tpu.memory_space<vmem>>
      %dma_wait3A_219 = arith.constant 0 : i32
      %dma_wait3A_220 = arith.constant 0 : i32
      %dma_wait3A_221 = tpu.memref_slice %arg7[%dma_wait3A_219, %dma_wait3A_220] : memref<10112x128xf32, #tpu.memory_space<vmem_shared>> -> memref<10112x128xf32, #tpu.memory_space<vmem_shared>>
      tpu.wait_indirect_dma semaphore(%run_scoped3A_201 : memref<!tpu.dma_semaphore, #tpu.memory_space<semaphore_mem>>) src(%dma_wait3A_215 : memref<128x128xf32, #tpu.memory_space<vmem>>) dst(%dma_wait3A_221 : memref<10112x128xf32, #tpu.memory_space<vmem_shared>>)
      tpu.yield
    }) : () -> ()
    %barrier3A_200 = arith.constant 0 : index
    tpu.barrier barrier_id(%barrier3A_200)
    "tpu.region"() ({
      %run_scoped3A_201 = tpu.sem_alloc : memref<!tpu.dma_semaphore, #tpu.memory_space<semaphore_mem>>
      %dma_start3A_202 = arith.constant 0 : i32
      %dma_start3A_203 = tpu.memref_slice %arg4[%arg0, %mul3A_2, %dma_start3A_202] : memref<2x10112x128xf32, #tpu.memory_space<hbm>> -> memref<1x632x128xf32, #tpu.memory_space<hbm>>
      %dma_start3A_204 = tpu.memref_squeeze %dma_start3A_203 : memref<1x632x128xf32, #tpu.memory_space<hbm>> -> memref<632x128xf32, #tpu.memory_space<hbm>>
      %dma_start3A_205 = arith.constant 0 : i32
      %dma_start3A_206 = tpu.memref_slice %arg7[%mul3A_2, %dma_start3A_205] : memref<10112x128xf32, #tpu.memory_space<vmem_shared>> -> memref<632x128xf32, #tpu.memory_space<vmem_shared>>
      tpu.enqueue_dma source(%dma_start3A_206 : memref<632x128xf32, #tpu.memory_space<vmem_shared>>) target(%dma_start3A_204 : memref<632x128xf32, #tpu.memory_space<hbm>>) target_semaphore(%run_scoped3A_201 : memref<!tpu.dma_semaphore, #tpu.memory_space<semaphore_mem>>)
      %dma_wait3A_207 = arith.constant 0 : i32
      %dma_wait3A_208 = tpu.memref_slice %arg4[%arg0, %mul3A_2, %dma_wait3A_207] : memref<2x10112x128xf32, #tpu.memory_space<hbm>> -> memref<1x632x128xf32, #tpu.memory_space<hbm>>
      %dma_wait3A_209 = tpu.memref_squeeze %dma_wait3A_208 : memref<1x632x128xf32, #tpu.memory_space<hbm>> -> memref<632x128xf32, #tpu.memory_space<hbm>>
      %dma_wait3A_210 = arith.constant 0 : i32
      %dma_wait3A_211 = tpu.memref_slice %arg7[%mul3A_2, %dma_wait3A_210] : memref<10112x128xf32, #tpu.memory_space<vmem_shared>> -> memref<632x128xf32, #tpu.memory_space<vmem_shared>>
      tpu.wait_dma2 semaphore(%run_scoped3A_201 : memref<!tpu.dma_semaphore, #tpu.memory_space<semaphore_mem>>) src(%dma_wait3A_211 : memref<632x128xf32, #tpu.memory_space<vmem_shared>>) dst(%dma_wait3A_209 : memref<632x128xf32, #tpu.memory_space<hbm>>)
      tpu.yield
    }) : () -> ()
    return
  }
}

#map = affine_map<(d0, d1) -> (0, 0)>
#map1 = affine_map<(d0, d1) -> (0, 0, 0, 0)>
#map2 = affine_map<(d0, d1) -> (0, 0, 0)>
module attributes {stable_mosaic.version = 14 : i64} {
  func.func @_edge_sc(%arg0: i32, %arg1: i32, %arg2: memref<10112x128xf32, #tpu.memory_space<hbm>>, %arg3: memref<32x81x2x128xi32, #tpu.memory_space<hbm>>, %arg4: memref<2x10112x128xf32, #tpu.memory_space<hbm>>, %arg5: memref<3x2x128xi32, #tpu.memory_space<vmem>>, %arg6: memref<3x128x128xf32, #tpu.memory_space<vmem>>, %arg7: memref<10112x128xf32, #tpu.memory_space<vmem_shared>>, %arg8: memref<!tpu.dma_semaphore, #tpu.memory_space<semaphore_mem>>, %arg9: memref<!tpu.dma_semaphore, #tpu.memory_space<semaphore_mem>>, %arg10: memref<!tpu.dma_semaphore, #tpu.memory_space<semaphore_mem>>, %arg11: memref<!tpu.dma_semaphore, #tpu.memory_space<semaphore_mem>>, %arg12: memref<!tpu.dma_semaphore, #tpu.memory_space<semaphore_mem>>, %arg13: memref<!tpu.dma_semaphore, #tpu.memory_space<semaphore_mem>>) attributes {dimension_semantics = [#tpu.dimension_semantics<core_parallel>, #tpu.dimension_semantics<subcore_parallel>], iteration_bounds = array<i64: 2, 16>, scalar_prefetch = 0 : i64, scratch_operands = 9 : i64, tpu.core_type = #tpu.core_type<sc_vector_subcore>, window_params = [{transform_indices = #map}, {transform_indices = #map1}, {transform_indices = #map2}]} {
    %mul3A = arith.constant 2 : i32
    %mul3A_0 = arith.muli %arg1, %mul3A : i32
    %add3A = arith.addi %mul3A_0, %arg0 : i32
    %mul3A_1 = arith.constant 632 : i32
    %mul3A_2 = arith.muli %arg1, %mul3A_1 : i32
    "tpu.region"() ({
      %run_scoped3A_201 = tpu.sem_alloc : memref<!tpu.dma_semaphore, #tpu.memory_space<semaphore_mem>>
      %dma_start3A_202 = arith.constant 0 : i32
      %dma_start3A_203 = tpu.memref_slice %arg7[%mul3A_2, %dma_start3A_202] : memref<10112x128xf32, #tpu.memory_space<vmem_shared>> -> memref<632x128xf32, #tpu.memory_space<vmem_shared>>
      %dma_start3A_204 = arith.constant 0 : i32
      %dma_start3A_205 = tpu.memref_slice %arg2[%mul3A_2, %dma_start3A_204] : memref<10112x128xf32, #tpu.memory_space<hbm>> -> memref<632x128xf32, #tpu.memory_space<hbm>>
      tpu.enqueue_dma source(%dma_start3A_205 : memref<632x128xf32, #tpu.memory_space<hbm>>) target(%dma_start3A_203 : memref<632x128xf32, #tpu.memory_space<vmem_shared>>) target_semaphore(%run_scoped3A_201 : memref<!tpu.dma_semaphore, #tpu.memory_space<semaphore_mem>>)
      %dma_wait3A_206 = arith.constant 0 : i32
      %dma_wait3A_207 = tpu.memref_slice %arg7[%mul3A_2, %dma_wait3A_206] : memref<10112x128xf32, #tpu.memory_space<vmem_shared>> -> memref<632x128xf32, #tpu.memory_space<vmem_shared>>
      %dma_wait3A_208 = arith.constant 0 : i32
      %dma_wait3A_209 = tpu.memref_slice %arg2[%mul3A_2, %dma_wait3A_208] : memref<10112x128xf32, #tpu.memory_space<hbm>> -> memref<632x128xf32, #tpu.memory_space<hbm>>
      tpu.wait_dma2 semaphore(%run_scoped3A_201 : memref<!tpu.dma_semaphore, #tpu.memory_space<semaphore_mem>>) src(%dma_wait3A_209 : memref<632x128xf32, #tpu.memory_space<hbm>>) dst(%dma_wait3A_207 : memref<632x128xf32, #tpu.memory_space<vmem_shared>>)
      tpu.yield
    }) : () -> ()
    %barrier3A = arith.constant 0 : index
    tpu.barrier barrier_id(%barrier3A)
    %dma_start3A = arith.constant 0 : i32
    %dma_start3A_3 = arith.constant 0 : i32
    %dma_start3A_4 = arith.constant 0 : i32
    %dma_start3A_5 = arith.constant 0 : i32
    %dma_start3A_6 = tpu.memref_slice %arg5[%dma_start3A_3, %dma_start3A_4, %dma_start3A_5] : memref<3x2x128xi32, #tpu.memory_space<vmem>> -> memref<1x2x128xi32, #tpu.memory_space<vmem>>
    %dma_start3A_7 = tpu.memref_squeeze %dma_start3A_6 : memref<1x2x128xi32, #tpu.memory_space<vmem>> -> memref<2x128xi32, #tpu.memory_space<vmem>>
    %dma_start3A_8 = arith.constant 0 : i32
    %dma_start3A_9 = arith.constant 0 : i32
    %dma_start3A_10 = tpu.memref_slice %arg3[%add3A, %dma_start3A, %dma_start3A_8, %dma_start3A_9] : memref<32x81x2x128xi32, #tpu.memory_space<hbm>> -> memref<1x1x2x128xi32, #tpu.memory_space<hbm>>
    %dma_start3A_11 = tpu.memref_squeeze %dma_start3A_10 : memref<1x1x2x128xi32, #tpu.memory_space<hbm>> -> memref<2x128xi32, #tpu.memory_space<hbm>>
    %dma_start3A_12 = arith.constant 0 : i32
    %dma_start3A_13 = arith.constant 0 : i32
    %dma_start3A_14 = tpu.memref_slice %arg5[%dma_start3A_3, %dma_start3A_12, %dma_start3A_13] : memref<3x2x128xi32, #tpu.memory_space<vmem>> -> memref<1x2x128xi32, #tpu.memory_space<vmem>>
    %dma_start3A_15 = tpu.memref_squeeze %dma_start3A_14 : memref<1x2x128xi32, #tpu.memory_space<vmem>> -> memref<2x128xi32, #tpu.memory_space<vmem>>
    %dma_start3A_16 = arith.constant 0 : i32
    %dma_start3A_17 = arith.constant 0 : i32
    %dma_start3A_18 = tpu.memref_slice %arg3[%add3A, %dma_start3A, %dma_start3A_16, %dma_start3A_17] : memref<32x81x2x128xi32, #tpu.memory_space<hbm>> -> memref<1x1x2x128xi32, #tpu.memory_space<hbm>>
    %dma_start3A_19 = tpu.memref_squeeze %dma_start3A_18 : memref<1x1x2x128xi32, #tpu.memory_space<hbm>> -> memref<2x128xi32, #tpu.memory_space<hbm>>
    tpu.enqueue_dma source(%dma_start3A_19 : memref<2x128xi32, #tpu.memory_space<hbm>>) target(%dma_start3A_15 : memref<2x128xi32, #tpu.memory_space<vmem>>) target_semaphore(%arg8 : memref<!tpu.dma_semaphore, #tpu.memory_space<semaphore_mem>>)
    %dma_start3A_20 = arith.constant 1 : i32
    %dma_start3A_21 = arith.constant 1 : i32
    %dma_start3A_22 = arith.constant 0 : i32
    %dma_start3A_23 = arith.constant 0 : i32
    %dma_start3A_24 = tpu.memref_slice %arg5[%dma_start3A_21, %dma_start3A_22, %dma_start3A_23] : memref<3x2x128xi32, #tpu.memory_space<vmem>> -> memref<1x2x128xi32, #tpu.memory_space<vmem>>
    %dma_start3A_25 = tpu.memref_squeeze %dma_start3A_24 : memref<1x2x128xi32, #tpu.memory_space<vmem>> -> memref<2x128xi32, #tpu.memory_space<vmem>>
    %dma_start3A_26 = arith.constant 0 : i32
    %dma_start3A_27 = arith.constant 0 : i32
    %dma_start3A_28 = tpu.memref_slice %arg3[%add3A, %dma_start3A_20, %dma_start3A_26, %dma_start3A_27] : memref<32x81x2x128xi32, #tpu.memory_space<hbm>> -> memref<1x1x2x128xi32, #tpu.memory_space<hbm>>
    %dma_start3A_29 = tpu.memref_squeeze %dma_start3A_28 : memref<1x1x2x128xi32, #tpu.memory_space<hbm>> -> memref<2x128xi32, #tpu.memory_space<hbm>>
    %dma_start3A_30 = arith.constant 0 : i32
    %dma_start3A_31 = arith.constant 0 : i32
    %dma_start3A_32 = tpu.memref_slice %arg5[%dma_start3A_21, %dma_start3A_30, %dma_start3A_31] : memref<3x2x128xi32, #tpu.memory_space<vmem>> -> memref<1x2x128xi32, #tpu.memory_space<vmem>>
    %dma_start3A_33 = tpu.memref_squeeze %dma_start3A_32 : memref<1x2x128xi32, #tpu.memory_space<vmem>> -> memref<2x128xi32, #tpu.memory_space<vmem>>
    %dma_start3A_34 = arith.constant 0 : i32
    %dma_start3A_35 = arith.constant 0 : i32
    %dma_start3A_36 = tpu.memref_slice %arg3[%add3A, %dma_start3A_20, %dma_start3A_34, %dma_start3A_35] : memref<32x81x2x128xi32, #tpu.memory_space<hbm>> -> memref<1x1x2x128xi32, #tpu.memory_space<hbm>>
    %dma_start3A_37 = tpu.memref_squeeze %dma_start3A_36 : memref<1x1x2x128xi32, #tpu.memory_space<hbm>> -> memref<2x128xi32, #tpu.memory_space<hbm>>
    tpu.enqueue_dma source(%dma_start3A_37 : memref<2x128xi32, #tpu.memory_space<hbm>>) target(%dma_start3A_33 : memref<2x128xi32, #tpu.memory_space<vmem>>) target_semaphore(%arg9 : memref<!tpu.dma_semaphore, #tpu.memory_space<semaphore_mem>>)
    %dma_start3A_38 = arith.constant 2 : i32
    %dma_start3A_39 = arith.constant 2 : i32
    %dma_start3A_40 = arith.constant 0 : i32
    %dma_start3A_41 = arith.constant 0 : i32
    %dma_start3A_42 = tpu.memref_slice %arg5[%dma_start3A_39, %dma_start3A_40, %dma_start3A_41] : memref<3x2x128xi32, #tpu.memory_space<vmem>> -> memref<1x2x128xi32, #tpu.memory_space<vmem>>
    %dma_start3A_43 = tpu.memref_squeeze %dma_start3A_42 : memref<1x2x128xi32, #tpu.memory_space<vmem>> -> memref<2x128xi32, #tpu.memory_space<vmem>>
    %dma_start3A_44 = arith.constant 0 : i32
    %dma_start3A_45 = arith.constant 0 : i32
    %dma_start3A_46 = tpu.memref_slice %arg3[%add3A, %dma_start3A_38, %dma_start3A_44, %dma_start3A_45] : memref<32x81x2x128xi32, #tpu.memory_space<hbm>> -> memref<1x1x2x128xi32, #tpu.memory_space<hbm>>
    %dma_start3A_47 = tpu.memref_squeeze %dma_start3A_46 : memref<1x1x2x128xi32, #tpu.memory_space<hbm>> -> memref<2x128xi32, #tpu.memory_space<hbm>>
    %dma_start3A_48 = arith.constant 0 : i32
    %dma_start3A_49 = arith.constant 0 : i32
    %dma_start3A_50 = tpu.memref_slice %arg5[%dma_start3A_39, %dma_start3A_48, %dma_start3A_49] : memref<3x2x128xi32, #tpu.memory_space<vmem>> -> memref<1x2x128xi32, #tpu.memory_space<vmem>>
    %dma_start3A_51 = tpu.memref_squeeze %dma_start3A_50 : memref<1x2x128xi32, #tpu.memory_space<vmem>> -> memref<2x128xi32, #tpu.memory_space<vmem>>
    %dma_start3A_52 = arith.constant 0 : i32
    %dma_start3A_53 = arith.constant 0 : i32
    %dma_start3A_54 = tpu.memref_slice %arg3[%add3A, %dma_start3A_38, %dma_start3A_52, %dma_start3A_53] : memref<32x81x2x128xi32, #tpu.memory_space<hbm>> -> memref<1x1x2x128xi32, #tpu.memory_space<hbm>>
    %dma_start3A_55 = tpu.memref_squeeze %dma_start3A_54 : memref<1x1x2x128xi32, #tpu.memory_space<hbm>> -> memref<2x128xi32, #tpu.memory_space<hbm>>
    tpu.enqueue_dma source(%dma_start3A_55 : memref<2x128xi32, #tpu.memory_space<hbm>>) target(%dma_start3A_51 : memref<2x128xi32, #tpu.memory_space<vmem>>) target_semaphore(%arg10 : memref<!tpu.dma_semaphore, #tpu.memory_space<semaphore_mem>>)
    %dma_wait3A = arith.constant 0 : i32
    %dma_wait3A_56 = arith.constant 0 : i32
    %dma_wait3A_57 = arith.constant 0 : i32
    %dma_wait3A_58 = arith.constant 0 : i32
    %dma_wait3A_59 = tpu.memref_slice %arg5[%dma_wait3A_56, %dma_wait3A_57, %dma_wait3A_58] : memref<3x2x128xi32, #tpu.memory_space<vmem>> -> memref<1x2x128xi32, #tpu.memory_space<vmem>>
    %dma_wait3A_60 = tpu.memref_squeeze %dma_wait3A_59 : memref<1x2x128xi32, #tpu.memory_space<vmem>> -> memref<2x128xi32, #tpu.memory_space<vmem>>
    %dma_wait3A_61 = arith.constant 0 : i32
    %dma_wait3A_62 = arith.constant 0 : i32
    %dma_wait3A_63 = tpu.memref_slice %arg3[%add3A, %dma_wait3A, %dma_wait3A_61, %dma_wait3A_62] : memref<32x81x2x128xi32, #tpu.memory_space<hbm>> -> memref<1x1x2x128xi32, #tpu.memory_space<hbm>>
    %dma_wait3A_64 = tpu.memref_squeeze %dma_wait3A_63 : memref<1x1x2x128xi32, #tpu.memory_space<hbm>> -> memref<2x128xi32, #tpu.memory_space<hbm>>
    %dma_wait3A_65 = arith.constant 0 : i32
    %dma_wait3A_66 = arith.constant 0 : i32
    %dma_wait3A_67 = tpu.memref_slice %arg5[%dma_wait3A_56, %dma_wait3A_65, %dma_wait3A_66] : memref<3x2x128xi32, #tpu.memory_space<vmem>> -> memref<1x2x128xi32, #tpu.memory_space<vmem>>
    %dma_wait3A_68 = tpu.memref_squeeze %dma_wait3A_67 : memref<1x2x128xi32, #tpu.memory_space<vmem>> -> memref<2x128xi32, #tpu.memory_space<vmem>>
    %dma_wait3A_69 = arith.constant 0 : i32
    %dma_wait3A_70 = arith.constant 0 : i32
    %dma_wait3A_71 = tpu.memref_slice %arg3[%add3A, %dma_wait3A, %dma_wait3A_69, %dma_wait3A_70] : memref<32x81x2x128xi32, #tpu.memory_space<hbm>> -> memref<1x1x2x128xi32, #tpu.memory_space<hbm>>
    %dma_wait3A_72 = tpu.memref_squeeze %dma_wait3A_71 : memref<1x1x2x128xi32, #tpu.memory_space<hbm>> -> memref<2x128xi32, #tpu.memory_space<hbm>>
    tpu.wait_dma2 semaphore(%arg8 : memref<!tpu.dma_semaphore, #tpu.memory_space<semaphore_mem>>) src(%dma_wait3A_72 : memref<2x128xi32, #tpu.memory_space<hbm>>) dst(%dma_wait3A_68 : memref<2x128xi32, #tpu.memory_space<vmem>>)
    %dma_start3A_73 = arith.constant 0 : i32
    %dma_start3A_74 = arith.constant 0 : i32
    %dma_start3A_75 = arith.constant 0 : i32
    %dma_start3A_76 = arith.constant 0 : i32
    %dma_start3A_77 = arith.constant 0 : i32
    %dma_start3A_78 = tpu.memref_slice %arg6[%dma_start3A_75, %dma_start3A_76, %dma_start3A_77] : memref<3x128x128xf32, #tpu.memory_space<vmem>> -> memref<1x128x128xf32, #tpu.memory_space<vmem>>
    %dma_start3A_79 = tpu.memref_squeeze %dma_start3A_78 : memref<1x128x128xf32, #tpu.memory_space<vmem>> -> memref<128x128xf32, #tpu.memory_space<vmem>>
    %dma_start3A_80 = arith.constant 0 : i32
    %dma_start3A_81 = tpu.memref_slice %arg5[%dma_start3A_73, %dma_start3A_74, %dma_start3A_80] : memref<3x2x128xi32, #tpu.memory_space<vmem>> -> memref<1x1x128xi32, #tpu.memory_space<vmem>>
    %dma_start3A_82 = tpu.memref_squeeze %dma_start3A_81 : memref<1x1x128xi32, #tpu.memory_space<vmem>> -> memref<128xi32, #tpu.memory_space<vmem>>
    %dma_start3A_83 = arith.constant 0 : i32
    %dma_start3A_84 = arith.constant 0 : i32
    %dma_start3A_85 = tpu.memref_slice %arg2[%dma_start3A_83, %dma_start3A_84] : memref<10112x128xf32, #tpu.memory_space<hbm>> -> memref<10112x128xf32, #tpu.memory_space<hbm>>
    tpu.enqueue_indirect_dma source(%dma_start3A_85 : memref<10112x128xf32, #tpu.memory_space<hbm>>) target(%dma_start3A_79 : memref<128x128xf32, #tpu.memory_space<vmem>>) offsets(%dma_start3A_82 : memref<128xi32, #tpu.memory_space<vmem>>) semaphore(%arg11 : memref<!tpu.dma_semaphore, #tpu.memory_space<semaphore_mem>>)
    %dma_wait3A_86 = arith.constant 1 : i32
    %dma_wait3A_87 = arith.constant 1 : i32
    %dma_wait3A_88 = arith.constant 0 : i32
    %dma_wait3A_89 = arith.constant 0 : i32
    %dma_wait3A_90 = tpu.memref_slice %arg5[%dma_wait3A_87, %dma_wait3A_88, %dma_wait3A_89] : memref<3x2x128xi32, #tpu.memory_space<vmem>> -> memref<1x2x128xi32, #tpu.memory_space<vmem>>
    %dma_wait3A_91 = tpu.memref_squeeze %dma_wait3A_90 : memref<1x2x128xi32, #tpu.memory_space<vmem>> -> memref<2x128xi32, #tpu.memory_space<vmem>>
    %dma_wait3A_92 = arith.constant 0 : i32
    %dma_wait3A_93 = arith.constant 0 : i32
    %dma_wait3A_94 = tpu.memref_slice %arg3[%add3A, %dma_wait3A_86, %dma_wait3A_92, %dma_wait3A_93] : memref<32x81x2x128xi32, #tpu.memory_space<hbm>> -> memref<1x1x2x128xi32, #tpu.memory_space<hbm>>
    %dma_wait3A_95 = tpu.memref_squeeze %dma_wait3A_94 : memref<1x1x2x128xi32, #tpu.memory_space<hbm>> -> memref<2x128xi32, #tpu.memory_space<hbm>>
    %dma_wait3A_96 = arith.constant 0 : i32
    %dma_wait3A_97 = arith.constant 0 : i32
    %dma_wait3A_98 = tpu.memref_slice %arg5[%dma_wait3A_87, %dma_wait3A_96, %dma_wait3A_97] : memref<3x2x128xi32, #tpu.memory_space<vmem>> -> memref<1x2x128xi32, #tpu.memory_space<vmem>>
    %dma_wait3A_99 = tpu.memref_squeeze %dma_wait3A_98 : memref<1x2x128xi32, #tpu.memory_space<vmem>> -> memref<2x128xi32, #tpu.memory_space<vmem>>
    %dma_wait3A_100 = arith.constant 0 : i32
    %dma_wait3A_101 = arith.constant 0 : i32
    %dma_wait3A_102 = tpu.memref_slice %arg3[%add3A, %dma_wait3A_86, %dma_wait3A_100, %dma_wait3A_101] : memref<32x81x2x128xi32, #tpu.memory_space<hbm>> -> memref<1x1x2x128xi32, #tpu.memory_space<hbm>>
    %dma_wait3A_103 = tpu.memref_squeeze %dma_wait3A_102 : memref<1x1x2x128xi32, #tpu.memory_space<hbm>> -> memref<2x128xi32, #tpu.memory_space<hbm>>
    tpu.wait_dma2 semaphore(%arg9 : memref<!tpu.dma_semaphore, #tpu.memory_space<semaphore_mem>>) src(%dma_wait3A_103 : memref<2x128xi32, #tpu.memory_space<hbm>>) dst(%dma_wait3A_99 : memref<2x128xi32, #tpu.memory_space<vmem>>)
    %dma_start3A_104 = arith.constant 1 : i32
    %dma_start3A_105 = arith.constant 0 : i32
    %dma_start3A_106 = arith.constant 1 : i32
    %dma_start3A_107 = arith.constant 0 : i32
    %dma_start3A_108 = arith.constant 0 : i32
    %dma_start3A_109 = tpu.memref_slice %arg6[%dma_start3A_106, %dma_start3A_107, %dma_start3A_108] : memref<3x128x128xf32, #tpu.memory_space<vmem>> -> memref<1x128x128xf32, #tpu.memory_space<vmem>>
    %dma_start3A_110 = tpu.memref_squeeze %dma_start3A_109 : memref<1x128x128xf32, #tpu.memory_space<vmem>> -> memref<128x128xf32, #tpu.memory_space<vmem>>
    %dma_start3A_111 = arith.constant 0 : i32
    %dma_start3A_112 = tpu.memref_slice %arg5[%dma_start3A_104, %dma_start3A_105, %dma_start3A_111] : memref<3x2x128xi32, #tpu.memory_space<vmem>> -> memref<1x1x128xi32, #tpu.memory_space<vmem>>
    %dma_start3A_113 = tpu.memref_squeeze %dma_start3A_112 : memref<1x1x128xi32, #tpu.memory_space<vmem>> -> memref<128xi32, #tpu.memory_space<vmem>>
    %dma_start3A_114 = arith.constant 0 : i32
    %dma_start3A_115 = arith.constant 0 : i32
    %dma_start3A_116 = tpu.memref_slice %arg2[%dma_start3A_114, %dma_start3A_115] : memref<10112x128xf32, #tpu.memory_space<hbm>> -> memref<10112x128xf32, #tpu.memory_space<hbm>>
    tpu.enqueue_indirect_dma source(%dma_start3A_116 : memref<10112x128xf32, #tpu.memory_space<hbm>>) target(%dma_start3A_110 : memref<128x128xf32, #tpu.memory_space<vmem>>) offsets(%dma_start3A_113 : memref<128xi32, #tpu.memory_space<vmem>>) semaphore(%arg12 : memref<!tpu.dma_semaphore, #tpu.memory_space<semaphore_mem>>)
    %scan3A = arith.constant 0 : i32
    %scan3A_117 = arith.constant 0 : i32
    %scan3A_118 = arith.constant 26 : i32
    %scan3A_119 = arith.addi %scan3A_117, %scan3A_118 : i32
    %scan3A_120 = arith.constant 1 : i32
    scf.for %scan3A_201 = %scan3A_117 to %scan3A_119 step %scan3A_120  : i32 {
      %mul3A_202 = arith.constant 3 : i32
      %mul3A_203 = arith.muli %scan3A_201, %mul3A_202 : i32
      %add3A_204 = arith.constant 0 : i32
      %add3A_205 = arith.addi %mul3A_203, %add3A_204 : i32
      %dma_wait3A_206 = arith.constant 0 : i32
      %dma_wait3A_207 = arith.constant 0 : i32
      %dma_wait3A_208 = arith.constant 0 : i32
      %dma_wait3A_209 = arith.constant 0 : i32
      %dma_wait3A_210 = arith.constant 0 : i32
      %dma_wait3A_211 = tpu.memref_slice %arg6[%dma_wait3A_208, %dma_wait3A_209, %dma_wait3A_210] : memref<3x128x128xf32, #tpu.memory_space<vmem>> -> memref<1x128x128xf32, #tpu.memory_space<vmem>>
      %dma_wait3A_212 = tpu.memref_squeeze %dma_wait3A_211 : memref<1x128x128xf32, #tpu.memory_space<vmem>> -> memref<128x128xf32, #tpu.memory_space<vmem>>
      %dma_wait3A_213 = arith.constant 0 : i32
      %dma_wait3A_214 = tpu.memref_slice %arg5[%dma_wait3A_206, %dma_wait3A_207, %dma_wait3A_213] : memref<3x2x128xi32, #tpu.memory_space<vmem>> -> memref<1x1x128xi32, #tpu.memory_space<vmem>>
      %dma_wait3A_215 = tpu.memref_squeeze %dma_wait3A_214 : memref<1x1x128xi32, #tpu.memory_space<vmem>> -> memref<128xi32, #tpu.memory_space<vmem>>
      %dma_wait3A_216 = arith.constant 0 : i32
      %dma_wait3A_217 = arith.constant 0 : i32
      %dma_wait3A_218 = tpu.memref_slice %arg2[%dma_wait3A_216, %dma_wait3A_217] : memref<10112x128xf32, #tpu.memory_space<hbm>> -> memref<10112x128xf32, #tpu.memory_space<hbm>>
      tpu.wait_indirect_dma semaphore(%arg11 : memref<!tpu.dma_semaphore, #tpu.memory_space<semaphore_mem>>) src(%dma_wait3A_218 : memref<10112x128xf32, #tpu.memory_space<hbm>>) dst(%dma_wait3A_212 : memref<128x128xf32, #tpu.memory_space<vmem>>)
      %add3A_219 = arith.constant 2 : i32
      %add3A_220 = arith.addi %add3A_205, %add3A_219 : i32
      %dma_wait3A_221 = arith.constant 2 : i32
      %dma_wait3A_222 = arith.constant 0 : i32
      %dma_wait3A_223 = arith.constant 0 : i32
      %dma_wait3A_224 = tpu.memref_slice %arg5[%dma_wait3A_221, %dma_wait3A_222, %dma_wait3A_223] : memref<3x2x128xi32, #tpu.memory_space<vmem>> -> memref<1x2x128xi32, #tpu.memory_space<vmem>>
      %dma_wait3A_225 = tpu.memref_squeeze %dma_wait3A_224 : memref<1x2x128xi32, #tpu.memory_space<vmem>> -> memref<2x128xi32, #tpu.memory_space<vmem>>
      %dma_wait3A_226 = arith.constant 0 : i32
      %dma_wait3A_227 = arith.constant 0 : i32
      %dma_wait3A_228 = tpu.memref_slice %arg3[%add3A, %add3A_220, %dma_wait3A_226, %dma_wait3A_227] : memref<32x81x2x128xi32, #tpu.memory_space<hbm>> -> memref<1x1x2x128xi32, #tpu.memory_space<hbm>>
      %dma_wait3A_229 = tpu.memref_squeeze %dma_wait3A_228 : memref<1x1x2x128xi32, #tpu.memory_space<hbm>> -> memref<2x128xi32, #tpu.memory_space<hbm>>
      %dma_wait3A_230 = arith.constant 0 : i32
      %dma_wait3A_231 = arith.constant 0 : i32
      %dma_wait3A_232 = tpu.memref_slice %arg5[%dma_wait3A_221, %dma_wait3A_230, %dma_wait3A_231] : memref<3x2x128xi32, #tpu.memory_space<vmem>> -> memref<1x2x128xi32, #tpu.memory_space<vmem>>
      %dma_wait3A_233 = tpu.memref_squeeze %dma_wait3A_232 : memref<1x2x128xi32, #tpu.memory_space<vmem>> -> memref<2x128xi32, #tpu.memory_space<vmem>>
      %dma_wait3A_234 = arith.constant 0 : i32
      %dma_wait3A_235 = arith.constant 0 : i32
      %dma_wait3A_236 = tpu.memref_slice %arg3[%add3A, %add3A_220, %dma_wait3A_234, %dma_wait3A_235] : memref<32x81x2x128xi32, #tpu.memory_space<hbm>> -> memref<1x1x2x128xi32, #tpu.memory_space<hbm>>
      %dma_wait3A_237 = tpu.memref_squeeze %dma_wait3A_236 : memref<1x1x2x128xi32, #tpu.memory_space<hbm>> -> memref<2x128xi32, #tpu.memory_space<hbm>>
      tpu.wait_dma2 semaphore(%arg10 : memref<!tpu.dma_semaphore, #tpu.memory_space<semaphore_mem>>) src(%dma_wait3A_237 : memref<2x128xi32, #tpu.memory_space<hbm>>) dst(%dma_wait3A_233 : memref<2x128xi32, #tpu.memory_space<vmem>>)
      %dma_start3A_238 = arith.constant 2 : i32
      %dma_start3A_239 = arith.constant 0 : i32
      %dma_start3A_240 = arith.constant 2 : i32
      %dma_start3A_241 = arith.constant 0 : i32
      %dma_start3A_242 = arith.constant 0 : i32
      %dma_start3A_243 = tpu.memref_slice %arg6[%dma_start3A_240, %dma_start3A_241, %dma_start3A_242] : memref<3x128x128xf32, #tpu.memory_space<vmem>> -> memref<1x128x128xf32, #tpu.memory_space<vmem>>
      %dma_start3A_244 = tpu.memref_squeeze %dma_start3A_243 : memref<1x128x128xf32, #tpu.memory_space<vmem>> -> memref<128x128xf32, #tpu.memory_space<vmem>>
      %dma_start3A_245 = arith.constant 0 : i32
      %dma_start3A_246 = tpu.memref_slice %arg5[%dma_start3A_238, %dma_start3A_239, %dma_start3A_245] : memref<3x2x128xi32, #tpu.memory_space<vmem>> -> memref<1x1x128xi32, #tpu.memory_space<vmem>>
      %dma_start3A_247 = tpu.memref_squeeze %dma_start3A_246 : memref<1x1x128xi32, #tpu.memory_space<vmem>> -> memref<128xi32, #tpu.memory_space<vmem>>
      %dma_start3A_248 = arith.constant 0 : i32
      %dma_start3A_249 = arith.constant 0 : i32
      %dma_start3A_250 = tpu.memref_slice %arg2[%dma_start3A_248, %dma_start3A_249] : memref<10112x128xf32, #tpu.memory_space<hbm>> -> memref<10112x128xf32, #tpu.memory_space<hbm>>
      tpu.enqueue_indirect_dma source(%dma_start3A_250 : memref<10112x128xf32, #tpu.memory_space<hbm>>) target(%dma_start3A_244 : memref<128x128xf32, #tpu.memory_space<vmem>>) offsets(%dma_start3A_247 : memref<128xi32, #tpu.memory_space<vmem>>) semaphore(%arg13 : memref<!tpu.dma_semaphore, #tpu.memory_space<semaphore_mem>>)
      %run_scoped3A_251 = arith.constant 0 : i32
      %run_scoped3A_252 = arith.constant 0 : i32
      %run_scoped3A_253 = arith.constant 1 : i32
      "tpu.region"() ({
        %run_scoped3A_415 = tpu.sem_alloc : memref<!tpu.dma_semaphore, #tpu.memory_space<semaphore_mem>>
        %dma_start3A_416 = arith.constant 0 : i32
        %dma_start3A_417 = arith.constant 0 : i32
        %dma_start3A_418 = tpu.memref_slice %arg6[%run_scoped3A_251, %dma_start3A_416, %dma_start3A_417] : memref<3x128x128xf32, #tpu.memory_space<vmem>> -> memref<1x128x128xf32, #tpu.memory_space<vmem>>
        %dma_start3A_419 = tpu.memref_squeeze %dma_start3A_418 : memref<1x128x128xf32, #tpu.memory_space<vmem>> -> memref<128x128xf32, #tpu.memory_space<vmem>>
        %dma_start3A_420 = arith.constant 0 : i32
        %dma_start3A_421 = tpu.memref_slice %arg5[%run_scoped3A_252, %run_scoped3A_253, %dma_start3A_420] : memref<3x2x128xi32, #tpu.memory_space<vmem>> -> memref<1x1x128xi32, #tpu.memory_space<vmem>>
        %dma_start3A_422 = tpu.memref_squeeze %dma_start3A_421 : memref<1x1x128xi32, #tpu.memory_space<vmem>> -> memref<128xi32, #tpu.memory_space<vmem>>
        %dma_start3A_423 = arith.constant 0 : i32
        %dma_start3A_424 = arith.constant 0 : i32
        %dma_start3A_425 = tpu.memref_slice %arg7[%dma_start3A_423, %dma_start3A_424] : memref<10112x128xf32, #tpu.memory_space<vmem_shared>> -> memref<10112x128xf32, #tpu.memory_space<vmem_shared>>
        tpu.enqueue_indirect_dma source(%dma_start3A_419 : memref<128x128xf32, #tpu.memory_space<vmem>>) target(%dma_start3A_425 : memref<10112x128xf32, #tpu.memory_space<vmem_shared>>) offsets(%dma_start3A_422 : memref<128xi32, #tpu.memory_space<vmem>>) semaphore(%run_scoped3A_415 : memref<!tpu.dma_semaphore, #tpu.memory_space<semaphore_mem>>) {add = true}
        %dma_wait3A_426 = arith.constant 0 : i32
        %dma_wait3A_427 = arith.constant 0 : i32
        %dma_wait3A_428 = tpu.memref_slice %arg6[%run_scoped3A_251, %dma_wait3A_426, %dma_wait3A_427] : memref<3x128x128xf32, #tpu.memory_space<vmem>> -> memref<1x128x128xf32, #tpu.memory_space<vmem>>
        %dma_wait3A_429 = tpu.memref_squeeze %dma_wait3A_428 : memref<1x128x128xf32, #tpu.memory_space<vmem>> -> memref<128x128xf32, #tpu.memory_space<vmem>>
        %dma_wait3A_430 = arith.constant 0 : i32
        %dma_wait3A_431 = tpu.memref_slice %arg5[%run_scoped3A_252, %run_scoped3A_253, %dma_wait3A_430] : memref<3x2x128xi32, #tpu.memory_space<vmem>> -> memref<1x1x128xi32, #tpu.memory_space<vmem>>
        %dma_wait3A_432 = tpu.memref_squeeze %dma_wait3A_431 : memref<1x1x128xi32, #tpu.memory_space<vmem>> -> memref<128xi32, #tpu.memory_space<vmem>>
        %dma_wait3A_433 = arith.constant 0 : i32
        %dma_wait3A_434 = arith.constant 0 : i32
        %dma_wait3A_435 = tpu.memref_slice %arg7[%dma_wait3A_433, %dma_wait3A_434] : memref<10112x128xf32, #tpu.memory_space<vmem_shared>> -> memref<10112x128xf32, #tpu.memory_space<vmem_shared>>
        tpu.wait_indirect_dma semaphore(%run_scoped3A_415 : memref<!tpu.dma_semaphore, #tpu.memory_space<semaphore_mem>>) src(%dma_wait3A_429 : memref<128x128xf32, #tpu.memory_space<vmem>>) dst(%dma_wait3A_435 : memref<10112x128xf32, #tpu.memory_space<vmem_shared>>)
        tpu.yield
      }) : () -> ()
      %add3A_254 = arith.constant 3 : i32
      %add3A_255 = arith.addi %add3A_205, %add3A_254 : i32
      %dma_start3A_256 = arith.constant 0 : i32
      %dma_start3A_257 = arith.constant 0 : i32
      %dma_start3A_258 = arith.constant 0 : i32
      %dma_start3A_259 = tpu.memref_slice %arg5[%dma_start3A_256, %dma_start3A_257, %dma_start3A_258] : memref<3x2x128xi32, #tpu.memory_space<vmem>> -> memref<1x2x128xi32, #tpu.memory_space<vmem>>
      %dma_start3A_260 = tpu.memref_squeeze %dma_start3A_259 : memref<1x2x128xi32, #tpu.memory_space<vmem>> -> memref<2x128xi32, #tpu.memory_space<vmem>>
      %dma_start3A_261 = arith.constant 0 : i32
      %dma_start3A_262 = arith.constant 0 : i32
      %dma_start3A_263 = tpu.memref_slice %arg3[%add3A, %add3A_255, %dma_start3A_261, %dma_start3A_262] : memref<32x81x2x128xi32, #tpu.memory_space<hbm>> -> memref<1x1x2x128xi32, #tpu.memory_space<hbm>>
      %dma_start3A_264 = tpu.memref_squeeze %dma_start3A_263 : memref<1x1x2x128xi32, #tpu.memory_space<hbm>> -> memref<2x128xi32, #tpu.memory_space<hbm>>
      %dma_start3A_265 = arith.constant 0 : i32
      %dma_start3A_266 = arith.constant 0 : i32
      %dma_start3A_267 = tpu.memref_slice %arg5[%dma_start3A_256, %dma_start3A_265, %dma_start3A_266] : memref<3x2x128xi32, #tpu.memory_space<vmem>> -> memref<1x2x128xi32, #tpu.memory_space<vmem>>
      %dma_start3A_268 = tpu.memref_squeeze %dma_start3A_267 : memref<1x2x128xi32, #tpu.memory_space<vmem>> -> memref<2x128xi32, #tpu.memory_space<vmem>>
      %dma_start3A_269 = arith.constant 0 : i32
      %dma_start3A_270 = arith.constant 0 : i32
      %dma_start3A_271 = tpu.memref_slice %arg3[%add3A, %add3A_255, %dma_start3A_269, %dma_start3A_270] : memref<32x81x2x128xi32, #tpu.memory_space<hbm>> -> memref<1x1x2x128xi32, #tpu.memory_space<hbm>>
      %dma_start3A_272 = tpu.memref_squeeze %dma_start3A_271 : memref<1x1x2x128xi32, #tpu.memory_space<hbm>> -> memref<2x128xi32, #tpu.memory_space<hbm>>
      tpu.enqueue_dma source(%dma_start3A_272 : memref<2x128xi32, #tpu.memory_space<hbm>>) target(%dma_start3A_268 : memref<2x128xi32, #tpu.memory_space<vmem>>) target_semaphore(%arg8 : memref<!tpu.dma_semaphore, #tpu.memory_space<semaphore_mem>>)
      %mul3A_273 = arith.constant 3 : i32
      %mul3A_274 = arith.muli %scan3A_201, %mul3A_273 : i32
      %add3A_275 = arith.constant 1 : i32
      %add3A_276 = arith.addi %mul3A_274, %add3A_275 : i32
      %dma_wait3A_277 = arith.constant 1 : i32
      %dma_wait3A_278 = arith.constant 0 : i32
      %dma_wait3A_279 = arith.constant 1 : i32
      %dma_wait3A_280 = arith.constant 0 : i32
      %dma_wait3A_281 = arith.constant 0 : i32
      %dma_wait3A_282 = tpu.memref_slice %arg6[%dma_wait3A_279, %dma_wait3A_280, %dma_wait3A_281] : memref<3x128x128xf32, #tpu.memory_space<vmem>> -> memref<1x128x128xf32, #tpu.memory_space<vmem>>
      %dma_wait3A_283 = tpu.memref_squeeze %dma_wait3A_282 : memref<1x128x128xf32, #tpu.memory_space<vmem>> -> memref<128x128xf32, #tpu.memory_space<vmem>>
      %dma_wait3A_284 = arith.constant 0 : i32
      %dma_wait3A_285 = tpu.memref_slice %arg5[%dma_wait3A_277, %dma_wait3A_278, %dma_wait3A_284] : memref<3x2x128xi32, #tpu.memory_space<vmem>> -> memref<1x1x128xi32, #tpu.memory_space<vmem>>
      %dma_wait3A_286 = tpu.memref_squeeze %dma_wait3A_285 : memref<1x1x128xi32, #tpu.memory_space<vmem>> -> memref<128xi32, #tpu.memory_space<vmem>>
      %dma_wait3A_287 = arith.constant 0 : i32
      %dma_wait3A_288 = arith.constant 0 : i32
      %dma_wait3A_289 = tpu.memref_slice %arg2[%dma_wait3A_287, %dma_wait3A_288] : memref<10112x128xf32, #tpu.memory_space<hbm>> -> memref<10112x128xf32, #tpu.memory_space<hbm>>
      tpu.wait_indirect_dma semaphore(%arg12 : memref<!tpu.dma_semaphore, #tpu.memory_space<semaphore_mem>>) src(%dma_wait3A_289 : memref<10112x128xf32, #tpu.memory_space<hbm>>) dst(%dma_wait3A_283 : memref<128x128xf32, #tpu.memory_space<vmem>>)
      %add3A_290 = arith.constant 2 : i32
      %add3A_291 = arith.addi %add3A_276, %add3A_290 : i32
      %dma_wait3A_292 = arith.constant 0 : i32
      %dma_wait3A_293 = arith.constant 0 : i32
      %dma_wait3A_294 = arith.constant 0 : i32
      %dma_wait3A_295 = tpu.memref_slice %arg5[%dma_wait3A_292, %dma_wait3A_293, %dma_wait3A_294] : memref<3x2x128xi32, #tpu.memory_space<vmem>> -> memref<1x2x128xi32, #tpu.memory_space<vmem>>
      %dma_wait3A_296 = tpu.memref_squeeze %dma_wait3A_295 : memref<1x2x128xi32, #tpu.memory_space<vmem>> -> memref<2x128xi32, #tpu.memory_space<vmem>>
      %dma_wait3A_297 = arith.constant 0 : i32
      %dma_wait3A_298 = arith.constant 0 : i32
      %dma_wait3A_299 = tpu.memref_slice %arg3[%add3A, %add3A_291, %dma_wait3A_297, %dma_wait3A_298] : memref<32x81x2x128xi32, #tpu.memory_space<hbm>> -> memref<1x1x2x128xi32, #tpu.memory_space<hbm>>
      %dma_wait3A_300 = tpu.memref_squeeze %dma_wait3A_299 : memref<1x1x2x128xi32, #tpu.memory_space<hbm>> -> memref<2x128xi32, #tpu.memory_space<hbm>>
      %dma_wait3A_301 = arith.constant 0 : i32
      %dma_wait3A_302 = arith.constant 0 : i32
      %dma_wait3A_303 = tpu.memref_slice %arg5[%dma_wait3A_292, %dma_wait3A_301, %dma_wait3A_302] : memref<3x2x128xi32, #tpu.memory_space<vmem>> -> memref<1x2x128xi32, #tpu.memory_space<vmem>>
      %dma_wait3A_304 = tpu.memref_squeeze %dma_wait3A_303 : memref<1x2x128xi32, #tpu.memory_space<vmem>> -> memref<2x128xi32, #tpu.memory_space<vmem>>
      %dma_wait3A_305 = arith.constant 0 : i32
      %dma_wait3A_306 = arith.constant 0 : i32
      %dma_wait3A_307 = tpu.memref_slice %arg3[%add3A, %add3A_291, %dma_wait3A_305, %dma_wait3A_306] : memref<32x81x2x128xi32, #tpu.memory_space<hbm>> -> memref<1x1x2x128xi32, #tpu.memory_space<hbm>>
      %dma_wait3A_308 = tpu.memref_squeeze %dma_wait3A_307 : memref<1x1x2x128xi32, #tpu.memory_space<hbm>> -> memref<2x128xi32, #tpu.memory_space<hbm>>
      tpu.wait_dma2 semaphore(%arg8 : memref<!tpu.dma_semaphore, #tpu.memory_space<semaphore_mem>>) src(%dma_wait3A_308 : memref<2x128xi32, #tpu.memory_space<hbm>>) dst(%dma_wait3A_304 : memref<2x128xi32, #tpu.memory_space<vmem>>)
      %dma_start3A_309 = arith.constant 0 : i32
      %dma_start3A_310 = arith.constant 0 : i32
      %dma_start3A_311 = arith.constant 0 : i32
      %dma_start3A_312 = arith.constant 0 : i32
      %dma_start3A_313 = arith.constant 0 : i32
      %dma_start3A_314 = tpu.memref_slice %arg6[%dma_start3A_311, %dma_start3A_312, %dma_start3A_313] : memref<3x128x128xf32, #tpu.memory_space<vmem>> -> memref<1x128x128xf32, #tpu.memory_space<vmem>>
      %dma_start3A_315 = tpu.memref_squeeze %dma_start3A_314 : memref<1x128x128xf32, #tpu.memory_space<vmem>> -> memref<128x128xf32, #tpu.memory_space<vmem>>
      %dma_start3A_316 = arith.constant 0 : i32
      %dma_start3A_317 = tpu.memref_slice %arg5[%dma_start3A_309, %dma_start3A_310, %dma_start3A_316] : memref<3x2x128xi32, #tpu.memory_space<vmem>> -> memref<1x1x128xi32, #tpu.memory_space<vmem>>
      %dma_start3A_318 = tpu.memref_squeeze %dma_start3A_317 : memref<1x1x128xi32, #tpu.memory_space<vmem>> -> memref<128xi32, #tpu.memory_space<vmem>>
      %dma_start3A_319 = arith.constant 0 : i32
      %dma_start3A_320 = arith.constant 0 : i32
      %dma_start3A_321 = tpu.memref_slice %arg2[%dma_start3A_319, %dma_start3A_320] : memref<10112x128xf32, #tpu.memory_space<hbm>> -> memref<10112x128xf32, #tpu.memory_space<hbm>>
      tpu.enqueue_indirect_dma source(%dma_start3A_321 : memref<10112x128xf32, #tpu.memory_space<hbm>>) target(%dma_start3A_315 : memref<128x128xf32, #tpu.memory_space<vmem>>) offsets(%dma_start3A_318 : memref<128xi32, #tpu.memory_space<vmem>>) semaphore(%arg11 : memref<!tpu.dma_semaphore, #tpu.memory_space<semaphore_mem>>)
      %run_scoped3A_322 = arith.constant 1 : i32
      %run_scoped3A_323 = arith.constant 1 : i32
      %run_scoped3A_324 = arith.constant 1 : i32
      "tpu.region"() ({
        %run_scoped3A_415 = tpu.sem_alloc : memref<!tpu.dma_semaphore, #tpu.memory_space<semaphore_mem>>
        %dma_start3A_416 = arith.constant 0 : i32
        %dma_start3A_417 = arith.constant 0 : i32
        %dma_start3A_418 = tpu.memref_slice %arg6[%run_scoped3A_322, %dma_start3A_416, %dma_start3A_417] : memref<3x128x128xf32, #tpu.memory_space<vmem>> -> memref<1x128x128xf32, #tpu.memory_space<vmem>>
        %dma_start3A_419 = tpu.memref_squeeze %dma_start3A_418 : memref<1x128x128xf32, #tpu.memory_space<vmem>> -> memref<128x128xf32, #tpu.memory_space<vmem>>
        %dma_start3A_420 = arith.constant 0 : i32
        %dma_start3A_421 = tpu.memref_slice %arg5[%run_scoped3A_323, %run_scoped3A_324, %dma_start3A_420] : memref<3x2x128xi32, #tpu.memory_space<vmem>> -> memref<1x1x128xi32, #tpu.memory_space<vmem>>
        %dma_start3A_422 = tpu.memref_squeeze %dma_start3A_421 : memref<1x1x128xi32, #tpu.memory_space<vmem>> -> memref<128xi32, #tpu.memory_space<vmem>>
        %dma_start3A_423 = arith.constant 0 : i32
        %dma_start3A_424 = arith.constant 0 : i32
        %dma_start3A_425 = tpu.memref_slice %arg7[%dma_start3A_423, %dma_start3A_424] : memref<10112x128xf32, #tpu.memory_space<vmem_shared>> -> memref<10112x128xf32, #tpu.memory_space<vmem_shared>>
        tpu.enqueue_indirect_dma source(%dma_start3A_419 : memref<128x128xf32, #tpu.memory_space<vmem>>) target(%dma_start3A_425 : memref<10112x128xf32, #tpu.memory_space<vmem_shared>>) offsets(%dma_start3A_422 : memref<128xi32, #tpu.memory_space<vmem>>) semaphore(%run_scoped3A_415 : memref<!tpu.dma_semaphore, #tpu.memory_space<semaphore_mem>>) {add = true}
        %dma_wait3A_426 = arith.constant 0 : i32
        %dma_wait3A_427 = arith.constant 0 : i32
        %dma_wait3A_428 = tpu.memref_slice %arg6[%run_scoped3A_322, %dma_wait3A_426, %dma_wait3A_427] : memref<3x128x128xf32, #tpu.memory_space<vmem>> -> memref<1x128x128xf32, #tpu.memory_space<vmem>>
        %dma_wait3A_429 = tpu.memref_squeeze %dma_wait3A_428 : memref<1x128x128xf32, #tpu.memory_space<vmem>> -> memref<128x128xf32, #tpu.memory_space<vmem>>
        %dma_wait3A_430 = arith.constant 0 : i32
        %dma_wait3A_431 = tpu.memref_slice %arg5[%run_scoped3A_323, %run_scoped3A_324, %dma_wait3A_430] : memref<3x2x128xi32, #tpu.memory_space<vmem>> -> memref<1x1x128xi32, #tpu.memory_space<vmem>>
        %dma_wait3A_432 = tpu.memref_squeeze %dma_wait3A_431 : memref<1x1x128xi32, #tpu.memory_space<vmem>> -> memref<128xi32, #tpu.memory_space<vmem>>
        %dma_wait3A_433 = arith.constant 0 : i32
        %dma_wait3A_434 = arith.constant 0 : i32
        %dma_wait3A_435 = tpu.memref_slice %arg7[%dma_wait3A_433, %dma_wait3A_434] : memref<10112x128xf32, #tpu.memory_space<vmem_shared>> -> memref<10112x128xf32, #tpu.memory_space<vmem_shared>>
        tpu.wait_indirect_dma semaphore(%run_scoped3A_415 : memref<!tpu.dma_semaphore, #tpu.memory_space<semaphore_mem>>) src(%dma_wait3A_429 : memref<128x128xf32, #tpu.memory_space<vmem>>) dst(%dma_wait3A_435 : memref<10112x128xf32, #tpu.memory_space<vmem_shared>>)
        tpu.yield
      }) : () -> ()
      %add3A_325 = arith.constant 3 : i32
      %add3A_326 = arith.addi %add3A_276, %add3A_325 : i32
      %dma_start3A_327 = arith.constant 1 : i32
      %dma_start3A_328 = arith.constant 0 : i32
      %dma_start3A_329 = arith.constant 0 : i32
      %dma_start3A_330 = tpu.memref_slice %arg5[%dma_start3A_327, %dma_start3A_328, %dma_start3A_329] : memref<3x2x128xi32, #tpu.memory_space<vmem>> -> memref<1x2x128xi32, #tpu.memory_space<vmem>>
      %dma_start3A_331 = tpu.memref_squeeze %dma_start3A_330 : memref<1x2x128xi32, #tpu.memory_space<vmem>> -> memref<2x128xi32, #tpu.memory_space<vmem>>
      %dma_start3A_332 = arith.constant 0 : i32
      %dma_start3A_333 = arith.constant 0 : i32
      %dma_start3A_334 = tpu.memref_slice %arg3[%add3A, %add3A_326, %dma_start3A_332, %dma_start3A_333] : memref<32x81x2x128xi32, #tpu.memory_space<hbm>> -> memref<1x1x2x128xi32, #tpu.memory_space<hbm>>
      %dma_start3A_335 = tpu.memref_squeeze %dma_start3A_334 : memref<1x1x2x128xi32, #tpu.memory_space<hbm>> -> memref<2x128xi32, #tpu.memory_space<hbm>>
      %dma_start3A_336 = arith.constant 0 : i32
      %dma_start3A_337 = arith.constant 0 : i32
      %dma_start3A_338 = tpu.memref_slice %arg5[%dma_start3A_327, %dma_start3A_336, %dma_start3A_337] : memref<3x2x128xi32, #tpu.memory_space<vmem>> -> memref<1x2x128xi32, #tpu.memory_space<vmem>>
      %dma_start3A_339 = tpu.memref_squeeze %dma_start3A_338 : memref<1x2x128xi32, #tpu.memory_space<vmem>> -> memref<2x128xi32, #tpu.memory_space<vmem>>
      %dma_start3A_340 = arith.constant 0 : i32
      %dma_start3A_341 = arith.constant 0 : i32
      %dma_start3A_342 = tpu.memref_slice %arg3[%add3A, %add3A_326, %dma_start3A_340, %dma_start3A_341] : memref<32x81x2x128xi32, #tpu.memory_space<hbm>> -> memref<1x1x2x128xi32, #tpu.memory_space<hbm>>
      %dma_start3A_343 = tpu.memref_squeeze %dma_start3A_342 : memref<1x1x2x128xi32, #tpu.memory_space<hbm>> -> memref<2x128xi32, #tpu.memory_space<hbm>>
      tpu.enqueue_dma source(%dma_start3A_343 : memref<2x128xi32, #tpu.memory_space<hbm>>) target(%dma_start3A_339 : memref<2x128xi32, #tpu.memory_space<vmem>>) target_semaphore(%arg9 : memref<!tpu.dma_semaphore, #tpu.memory_space<semaphore_mem>>)
      %mul3A_344 = arith.constant 3 : i32
      %mul3A_345 = arith.muli %scan3A_201, %mul3A_344 : i32
      %add3A_346 = arith.constant 2 : i32
      %add3A_347 = arith.addi %mul3A_345, %add3A_346 : i32
      %dma_wait3A_348 = arith.constant 2 : i32
      %dma_wait3A_349 = arith.constant 0 : i32
      %dma_wait3A_350 = arith.constant 2 : i32
      %dma_wait3A_351 = arith.constant 0 : i32
      %dma_wait3A_352 = arith.constant 0 : i32
      %dma_wait3A_353 = tpu.memref_slice %arg6[%dma_wait3A_350, %dma_wait3A_351, %dma_wait3A_352] : memref<3x128x128xf32, #tpu.memory_space<vmem>> -> memref<1x128x128xf32, #tpu.memory_space<vmem>>
      %dma_wait3A_354 = tpu.memref_squeeze %dma_wait3A_353 : memref<1x128x128xf32, #tpu.memory_space<vmem>> -> memref<128x128xf32, #tpu.memory_space<vmem>>
      %dma_wait3A_355 = arith.constant 0 : i32
      %dma_wait3A_356 = tpu.memref_slice %arg5[%dma_wait3A_348, %dma_wait3A_349, %dma_wait3A_355] : memref<3x2x128xi32, #tpu.memory_space<vmem>> -> memref<1x1x128xi32, #tpu.memory_space<vmem>>
      %dma_wait3A_357 = tpu.memref_squeeze %dma_wait3A_356 : memref<1x1x128xi32, #tpu.memory_space<vmem>> -> memref<128xi32, #tpu.memory_space<vmem>>
      %dma_wait3A_358 = arith.constant 0 : i32
      %dma_wait3A_359 = arith.constant 0 : i32
      %dma_wait3A_360 = tpu.memref_slice %arg2[%dma_wait3A_358, %dma_wait3A_359] : memref<10112x128xf32, #tpu.memory_space<hbm>> -> memref<10112x128xf32, #tpu.memory_space<hbm>>
      tpu.wait_indirect_dma semaphore(%arg13 : memref<!tpu.dma_semaphore, #tpu.memory_space<semaphore_mem>>) src(%dma_wait3A_360 : memref<10112x128xf32, #tpu.memory_space<hbm>>) dst(%dma_wait3A_354 : memref<128x128xf32, #tpu.memory_space<vmem>>)
      %add3A_361 = arith.constant 2 : i32
      %add3A_362 = arith.addi %add3A_347, %add3A_361 : i32
      %dma_wait3A_363 = arith.constant 1 : i32
      %dma_wait3A_364 = arith.constant 0 : i32
      %dma_wait3A_365 = arith.constant 0 : i32
      %dma_wait3A_366 = tpu.memref_slice %arg5[%dma_wait3A_363, %dma_wait3A_364, %dma_wait3A_365] : memref<3x2x128xi32, #tpu.memory_space<vmem>> -> memref<1x2x128xi32, #tpu.memory_space<vmem>>
      %dma_wait3A_367 = tpu.memref_squeeze %dma_wait3A_366 : memref<1x2x128xi32, #tpu.memory_space<vmem>> -> memref<2x128xi32, #tpu.memory_space<vmem>>
      %dma_wait3A_368 = arith.constant 0 : i32
      %dma_wait3A_369 = arith.constant 0 : i32
      %dma_wait3A_370 = tpu.memref_slice %arg3[%add3A, %add3A_362, %dma_wait3A_368, %dma_wait3A_369] : memref<32x81x2x128xi32, #tpu.memory_space<hbm>> -> memref<1x1x2x128xi32, #tpu.memory_space<hbm>>
      %dma_wait3A_371 = tpu.memref_squeeze %dma_wait3A_370 : memref<1x1x2x128xi32, #tpu.memory_space<hbm>> -> memref<2x128xi32, #tpu.memory_space<hbm>>
      %dma_wait3A_372 = arith.constant 0 : i32
      %dma_wait3A_373 = arith.constant 0 : i32
      %dma_wait3A_374 = tpu.memref_slice %arg5[%dma_wait3A_363, %dma_wait3A_372, %dma_wait3A_373] : memref<3x2x128xi32, #tpu.memory_space<vmem>> -> memref<1x2x128xi32, #tpu.memory_space<vmem>>
      %dma_wait3A_375 = tpu.memref_squeeze %dma_wait3A_374 : memref<1x2x128xi32, #tpu.memory_space<vmem>> -> memref<2x128xi32, #tpu.memory_space<vmem>>
      %dma_wait3A_376 = arith.constant 0 : i32
      %dma_wait3A_377 = arith.constant 0 : i32
      %dma_wait3A_378 = tpu.memref_slice %arg3[%add3A, %add3A_362, %dma_wait3A_376, %dma_wait3A_377] : memref<32x81x2x128xi32, #tpu.memory_space<hbm>> -> memref<1x1x2x128xi32, #tpu.memory_space<hbm>>
      %dma_wait3A_379 = tpu.memref_squeeze %dma_wait3A_378 : memref<1x1x2x128xi32, #tpu.memory_space<hbm>> -> memref<2x128xi32, #tpu.memory_space<hbm>>
      tpu.wait_dma2 semaphore(%arg9 : memref<!tpu.dma_semaphore, #tpu.memory_space<semaphore_mem>>) src(%dma_wait3A_379 : memref<2x128xi32, #tpu.memory_space<hbm>>) dst(%dma_wait3A_375 : memref<2x128xi32, #tpu.memory_space<vmem>>)
      %dma_start3A_380 = arith.constant 1 : i32
      %dma_start3A_381 = arith.constant 0 : i32
      %dma_start3A_382 = arith.constant 1 : i32
      %dma_start3A_383 = arith.constant 0 : i32
      %dma_start3A_384 = arith.constant 0 : i32
      %dma_start3A_385 = tpu.memref_slice %arg6[%dma_start3A_382, %dma_start3A_383, %dma_start3A_384] : memref<3x128x128xf32, #tpu.memory_space<vmem>> -> memref<1x128x128xf32, #tpu.memory_space<vmem>>
      %dma_start3A_386 = tpu.memref_squeeze %dma_start3A_385 : memref<1x128x128xf32, #tpu.memory_space<vmem>> -> memref<128x128xf32, #tpu.memory_space<vmem>>
      %dma_start3A_387 = arith.constant 0 : i32
      %dma_start3A_388 = tpu.memref_slice %arg5[%dma_start3A_380, %dma_start3A_381, %dma_start3A_387] : memref<3x2x128xi32, #tpu.memory_space<vmem>> -> memref<1x1x128xi32, #tpu.memory_space<vmem>>
      %dma_start3A_389 = tpu.memref_squeeze %dma_start3A_388 : memref<1x1x128xi32, #tpu.memory_space<vmem>> -> memref<128xi32, #tpu.memory_space<vmem>>
      %dma_start3A_390 = arith.constant 0 : i32
      %dma_start3A_391 = arith.constant 0 : i32
      %dma_start3A_392 = tpu.memref_slice %arg2[%dma_start3A_390, %dma_start3A_391] : memref<10112x128xf32, #tpu.memory_space<hbm>> -> memref<10112x128xf32, #tpu.memory_space<hbm>>
      tpu.enqueue_indirect_dma source(%dma_start3A_392 : memref<10112x128xf32, #tpu.memory_space<hbm>>) target(%dma_start3A_386 : memref<128x128xf32, #tpu.memory_space<vmem>>) offsets(%dma_start3A_389 : memref<128xi32, #tpu.memory_space<vmem>>) semaphore(%arg12 : memref<!tpu.dma_semaphore, #tpu.memory_space<semaphore_mem>>)
      %run_scoped3A_393 = arith.constant 2 : i32
      %run_scoped3A_394 = arith.constant 2 : i32
      %run_scoped3A_395 = arith.constant 1 : i32
      "tpu.region"() ({
        %run_scoped3A_415 = tpu.sem_alloc : memref<!tpu.dma_semaphore, #tpu.memory_space<semaphore_mem>>
        %dma_start3A_416 = arith.constant 0 : i32
        %dma_start3A_417 = arith.constant 0 : i32
        %dma_start3A_418 = tpu.memref_slice %arg6[%run_scoped3A_393, %dma_start3A_416, %dma_start3A_417] : memref<3x128x128xf32, #tpu.memory_space<vmem>> -> memref<1x128x128xf32, #tpu.memory_space<vmem>>
        %dma_start3A_419 = tpu.memref_squeeze %dma_start3A_418 : memref<1x128x128xf32, #tpu.memory_space<vmem>> -> memref<128x128xf32, #tpu.memory_space<vmem>>
        %dma_start3A_420 = arith.constant 0 : i32
        %dma_start3A_421 = tpu.memref_slice %arg5[%run_scoped3A_394, %run_scoped3A_395, %dma_start3A_420] : memref<3x2x128xi32, #tpu.memory_space<vmem>> -> memref<1x1x128xi32, #tpu.memory_space<vmem>>
        %dma_start3A_422 = tpu.memref_squeeze %dma_start3A_421 : memref<1x1x128xi32, #tpu.memory_space<vmem>> -> memref<128xi32, #tpu.memory_space<vmem>>
        %dma_start3A_423 = arith.constant 0 : i32
        %dma_start3A_424 = arith.constant 0 : i32
        %dma_start3A_425 = tpu.memref_slice %arg7[%dma_start3A_423, %dma_start3A_424] : memref<10112x128xf32, #tpu.memory_space<vmem_shared>> -> memref<10112x128xf32, #tpu.memory_space<vmem_shared>>
        tpu.enqueue_indirect_dma source(%dma_start3A_419 : memref<128x128xf32, #tpu.memory_space<vmem>>) target(%dma_start3A_425 : memref<10112x128xf32, #tpu.memory_space<vmem_shared>>) offsets(%dma_start3A_422 : memref<128xi32, #tpu.memory_space<vmem>>) semaphore(%run_scoped3A_415 : memref<!tpu.dma_semaphore, #tpu.memory_space<semaphore_mem>>) {add = true}
        %dma_wait3A_426 = arith.constant 0 : i32
        %dma_wait3A_427 = arith.constant 0 : i32
        %dma_wait3A_428 = tpu.memref_slice %arg6[%run_scoped3A_393, %dma_wait3A_426, %dma_wait3A_427] : memref<3x128x128xf32, #tpu.memory_space<vmem>> -> memref<1x128x128xf32, #tpu.memory_space<vmem>>
        %dma_wait3A_429 = tpu.memref_squeeze %dma_wait3A_428 : memref<1x128x128xf32, #tpu.memory_space<vmem>> -> memref<128x128xf32, #tpu.memory_space<vmem>>
        %dma_wait3A_430 = arith.constant 0 : i32
        %dma_wait3A_431 = tpu.memref_slice %arg5[%run_scoped3A_394, %run_scoped3A_395, %dma_wait3A_430] : memref<3x2x128xi32, #tpu.memory_space<vmem>> -> memref<1x1x128xi32, #tpu.memory_space<vmem>>
        %dma_wait3A_432 = tpu.memref_squeeze %dma_wait3A_431 : memref<1x1x128xi32, #tpu.memory_space<vmem>> -> memref<128xi32, #tpu.memory_space<vmem>>
        %dma_wait3A_433 = arith.constant 0 : i32
        %dma_wait3A_434 = arith.constant 0 : i32
        %dma_wait3A_435 = tpu.memref_slice %arg7[%dma_wait3A_433, %dma_wait3A_434] : memref<10112x128xf32, #tpu.memory_space<vmem_shared>> -> memref<10112x128xf32, #tpu.memory_space<vmem_shared>>
        tpu.wait_indirect_dma semaphore(%run_scoped3A_415 : memref<!tpu.dma_semaphore, #tpu.memory_space<semaphore_mem>>) src(%dma_wait3A_429 : memref<128x128xf32, #tpu.memory_space<vmem>>) dst(%dma_wait3A_435 : memref<10112x128xf32, #tpu.memory_space<vmem_shared>>)
        tpu.yield
      }) : () -> ()
      %add3A_396 = arith.constant 3 : i32
      %add3A_397 = arith.addi %add3A_347, %add3A_396 : i32
      %dma_start3A_398 = arith.constant 2 : i32
      %dma_start3A_399 = arith.constant 0 : i32
      %dma_start3A_400 = arith.constant 0 : i32
      %dma_start3A_401 = tpu.memref_slice %arg5[%dma_start3A_398, %dma_start3A_399, %dma_start3A_400] : memref<3x2x128xi32, #tpu.memory_space<vmem>> -> memref<1x2x128xi32, #tpu.memory_space<vmem>>
      %dma_start3A_402 = tpu.memref_squeeze %dma_start3A_401 : memref<1x2x128xi32, #tpu.memory_space<vmem>> -> memref<2x128xi32, #tpu.memory_space<vmem>>
      %dma_start3A_403 = arith.constant 0 : i32
      %dma_start3A_404 = arith.constant 0 : i32
      %dma_start3A_405 = tpu.memref_slice %arg3[%add3A, %add3A_397, %dma_start3A_403, %dma_start3A_404] : memref<32x81x2x128xi32, #tpu.memory_space<hbm>> -> memref<1x1x2x128xi32, #tpu.memory_space<hbm>>
      %dma_start3A_406 = tpu.memref_squeeze %dma_start3A_405 : memref<1x1x2x128xi32, #tpu.memory_space<hbm>> -> memref<2x128xi32, #tpu.memory_space<hbm>>
      %dma_start3A_407 = arith.constant 0 : i32
      %dma_start3A_408 = arith.constant 0 : i32
      %dma_start3A_409 = tpu.memref_slice %arg5[%dma_start3A_398, %dma_start3A_407, %dma_start3A_408] : memref<3x2x128xi32, #tpu.memory_space<vmem>> -> memref<1x2x128xi32, #tpu.memory_space<vmem>>
      %dma_start3A_410 = tpu.memref_squeeze %dma_start3A_409 : memref<1x2x128xi32, #tpu.memory_space<vmem>> -> memref<2x128xi32, #tpu.memory_space<vmem>>
      %dma_start3A_411 = arith.constant 0 : i32
      %dma_start3A_412 = arith.constant 0 : i32
      %dma_start3A_413 = tpu.memref_slice %arg3[%add3A, %add3A_397, %dma_start3A_411, %dma_start3A_412] : memref<32x81x2x128xi32, #tpu.memory_space<hbm>> -> memref<1x1x2x128xi32, #tpu.memory_space<hbm>>
      %dma_start3A_414 = tpu.memref_squeeze %dma_start3A_413 : memref<1x1x2x128xi32, #tpu.memory_space<hbm>> -> memref<2x128xi32, #tpu.memory_space<hbm>>
      tpu.enqueue_dma source(%dma_start3A_414 : memref<2x128xi32, #tpu.memory_space<hbm>>) target(%dma_start3A_410 : memref<2x128xi32, #tpu.memory_space<vmem>>) target_semaphore(%arg10 : memref<!tpu.dma_semaphore, #tpu.memory_space<semaphore_mem>>)
    }
    %scan3A_121 = arith.constant 26 : i32
    %dma_wait3A_122 = arith.constant 0 : i32
    %dma_wait3A_123 = arith.constant 0 : i32
    %dma_wait3A_124 = arith.constant 0 : i32
    %dma_wait3A_125 = arith.constant 0 : i32
    %dma_wait3A_126 = arith.constant 0 : i32
    %dma_wait3A_127 = tpu.memref_slice %arg6[%dma_wait3A_124, %dma_wait3A_125, %dma_wait3A_126] : memref<3x128x128xf32, #tpu.memory_space<vmem>> -> memref<1x128x128xf32, #tpu.memory_space<vmem>>
    %dma_wait3A_128 = tpu.memref_squeeze %dma_wait3A_127 : memref<1x128x128xf32, #tpu.memory_space<vmem>> -> memref<128x128xf32, #tpu.memory_space<vmem>>
    %dma_wait3A_129 = arith.constant 0 : i32
    %dma_wait3A_130 = tpu.memref_slice %arg5[%dma_wait3A_122, %dma_wait3A_123, %dma_wait3A_129] : memref<3x2x128xi32, #tpu.memory_space<vmem>> -> memref<1x1x128xi32, #tpu.memory_space<vmem>>
    %dma_wait3A_131 = tpu.memref_squeeze %dma_wait3A_130 : memref<1x1x128xi32, #tpu.memory_space<vmem>> -> memref<128xi32, #tpu.memory_space<vmem>>
    %dma_wait3A_132 = arith.constant 0 : i32
    %dma_wait3A_133 = arith.constant 0 : i32
    %dma_wait3A_134 = tpu.memref_slice %arg2[%dma_wait3A_132, %dma_wait3A_133] : memref<10112x128xf32, #tpu.memory_space<hbm>> -> memref<10112x128xf32, #tpu.memory_space<hbm>>
    tpu.wait_indirect_dma semaphore(%arg11 : memref<!tpu.dma_semaphore, #tpu.memory_space<semaphore_mem>>) src(%dma_wait3A_134 : memref<10112x128xf32, #tpu.memory_space<hbm>>) dst(%dma_wait3A_128 : memref<128x128xf32, #tpu.memory_space<vmem>>)
    %dma_wait3A_135 = arith.constant 80 : i32
    %dma_wait3A_136 = arith.constant 2 : i32
    %dma_wait3A_137 = arith.constant 0 : i32
    %dma_wait3A_138 = arith.constant 0 : i32
    %dma_wait3A_139 = tpu.memref_slice %arg5[%dma_wait3A_136, %dma_wait3A_137, %dma_wait3A_138] : memref<3x2x128xi32, #tpu.memory_space<vmem>> -> memref<1x2x128xi32, #tpu.memory_space<vmem>>
    %dma_wait3A_140 = tpu.memref_squeeze %dma_wait3A_139 : memref<1x2x128xi32, #tpu.memory_space<vmem>> -> memref<2x128xi32, #tpu.memory_space<vmem>>
    %dma_wait3A_141 = arith.constant 0 : i32
    %dma_wait3A_142 = arith.constant 0 : i32
    %dma_wait3A_143 = tpu.memref_slice %arg3[%add3A, %dma_wait3A_135, %dma_wait3A_141, %dma_wait3A_142] : memref<32x81x2x128xi32, #tpu.memory_space<hbm>> -> memref<1x1x2x128xi32, #tpu.memory_space<hbm>>
    %dma_wait3A_144 = tpu.memref_squeeze %dma_wait3A_143 : memref<1x1x2x128xi32, #tpu.memory_space<hbm>> -> memref<2x128xi32, #tpu.memory_space<hbm>>
    %dma_wait3A_145 = arith.constant 0 : i32
    %dma_wait3A_146 = arith.constant 0 : i32
    %dma_wait3A_147 = tpu.memref_slice %arg5[%dma_wait3A_136, %dma_wait3A_145, %dma_wait3A_146] : memref<3x2x128xi32, #tpu.memory_space<vmem>> -> memref<1x2x128xi32, #tpu.memory_space<vmem>>
    %dma_wait3A_148 = tpu.memref_squeeze %dma_wait3A_147 : memref<1x2x128xi32, #tpu.memory_space<vmem>> -> memref<2x128xi32, #tpu.memory_space<vmem>>
    %dma_wait3A_149 = arith.constant 0 : i32
    %dma_wait3A_150 = arith.constant 0 : i32
    %dma_wait3A_151 = tpu.memref_slice %arg3[%add3A, %dma_wait3A_135, %dma_wait3A_149, %dma_wait3A_150] : memref<32x81x2x128xi32, #tpu.memory_space<hbm>> -> memref<1x1x2x128xi32, #tpu.memory_space<hbm>>
    %dma_wait3A_152 = tpu.memref_squeeze %dma_wait3A_151 : memref<1x1x2x128xi32, #tpu.memory_space<hbm>> -> memref<2x128xi32, #tpu.memory_space<hbm>>
    tpu.wait_dma2 semaphore(%arg10 : memref<!tpu.dma_semaphore, #tpu.memory_space<semaphore_mem>>) src(%dma_wait3A_152 : memref<2x128xi32, #tpu.memory_space<hbm>>) dst(%dma_wait3A_148 : memref<2x128xi32, #tpu.memory_space<vmem>>)
    %dma_start3A_153 = arith.constant 2 : i32
    %dma_start3A_154 = arith.constant 0 : i32
    %dma_start3A_155 = arith.constant 2 : i32
    %dma_start3A_156 = arith.constant 0 : i32
    %dma_start3A_157 = arith.constant 0 : i32
    %dma_start3A_158 = tpu.memref_slice %arg6[%dma_start3A_155, %dma_start3A_156, %dma_start3A_157] : memref<3x128x128xf32, #tpu.memory_space<vmem>> -> memref<1x128x128xf32, #tpu.memory_space<vmem>>
    %dma_start3A_159 = tpu.memref_squeeze %dma_start3A_158 : memref<1x128x128xf32, #tpu.memory_space<vmem>> -> memref<128x128xf32, #tpu.memory_space<vmem>>
    %dma_start3A_160 = arith.constant 0 : i32
    %dma_start3A_161 = tpu.memref_slice %arg5[%dma_start3A_153, %dma_start3A_154, %dma_start3A_160] : memref<3x2x128xi32, #tpu.memory_space<vmem>> -> memref<1x1x128xi32, #tpu.memory_space<vmem>>
    %dma_start3A_162 = tpu.memref_squeeze %dma_start3A_161 : memref<1x1x128xi32, #tpu.memory_space<vmem>> -> memref<128xi32, #tpu.memory_space<vmem>>
    %dma_start3A_163 = arith.constant 0 : i32
    %dma_start3A_164 = arith.constant 0 : i32
    %dma_start3A_165 = tpu.memref_slice %arg2[%dma_start3A_163, %dma_start3A_164] : memref<10112x128xf32, #tpu.memory_space<hbm>> -> memref<10112x128xf32, #tpu.memory_space<hbm>>
    tpu.enqueue_indirect_dma source(%dma_start3A_165 : memref<10112x128xf32, #tpu.memory_space<hbm>>) target(%dma_start3A_159 : memref<128x128xf32, #tpu.memory_space<vmem>>) offsets(%dma_start3A_162 : memref<128xi32, #tpu.memory_space<vmem>>) semaphore(%arg13 : memref<!tpu.dma_semaphore, #tpu.memory_space<semaphore_mem>>)
    %run_scoped3A = arith.constant 0 : i32
    %run_scoped3A_166 = arith.constant 0 : i32
    %run_scoped3A_167 = arith.constant 1 : i32
    "tpu.region"() ({
      %run_scoped3A_201 = tpu.sem_alloc : memref<!tpu.dma_semaphore, #tpu.memory_space<semaphore_mem>>
      %dma_start3A_202 = arith.constant 0 : i32
      %dma_start3A_203 = arith.constant 0 : i32
      %dma_start3A_204 = tpu.memref_slice %arg6[%run_scoped3A, %dma_start3A_202, %dma_start3A_203] : memref<3x128x128xf32, #tpu.memory_space<vmem>> -> memref<1x128x128xf32, #tpu.memory_space<vmem>>
      %dma_start3A_205 = tpu.memref_squeeze %dma_start3A_204 : memref<1x128x128xf32, #tpu.memory_space<vmem>> -> memref<128x128xf32, #tpu.memory_space<vmem>>
      %dma_start3A_206 = arith.constant 0 : i32
      %dma_start3A_207 = tpu.memref_slice %arg5[%run_scoped3A_166, %run_scoped3A_167, %dma_start3A_206] : memref<3x2x128xi32, #tpu.memory_space<vmem>> -> memref<1x1x128xi32, #tpu.memory_space<vmem>>
      %dma_start3A_208 = tpu.memref_squeeze %dma_start3A_207 : memref<1x1x128xi32, #tpu.memory_space<vmem>> -> memref<128xi32, #tpu.memory_space<vmem>>
      %dma_start3A_209 = arith.constant 0 : i32
      %dma_start3A_210 = arith.constant 0 : i32
      %dma_start3A_211 = tpu.memref_slice %arg7[%dma_start3A_209, %dma_start3A_210] : memref<10112x128xf32, #tpu.memory_space<vmem_shared>> -> memref<10112x128xf32, #tpu.memory_space<vmem_shared>>
      tpu.enqueue_indirect_dma source(%dma_start3A_205 : memref<128x128xf32, #tpu.memory_space<vmem>>) target(%dma_start3A_211 : memref<10112x128xf32, #tpu.memory_space<vmem_shared>>) offsets(%dma_start3A_208 : memref<128xi32, #tpu.memory_space<vmem>>) semaphore(%run_scoped3A_201 : memref<!tpu.dma_semaphore, #tpu.memory_space<semaphore_mem>>) {add = true}
      %dma_wait3A_212 = arith.constant 0 : i32
      %dma_wait3A_213 = arith.constant 0 : i32
      %dma_wait3A_214 = tpu.memref_slice %arg6[%run_scoped3A, %dma_wait3A_212, %dma_wait3A_213] : memref<3x128x128xf32, #tpu.memory_space<vmem>> -> memref<1x128x128xf32, #tpu.memory_space<vmem>>
      %dma_wait3A_215 = tpu.memref_squeeze %dma_wait3A_214 : memref<1x128x128xf32, #tpu.memory_space<vmem>> -> memref<128x128xf32, #tpu.memory_space<vmem>>
      %dma_wait3A_216 = arith.constant 0 : i32
      %dma_wait3A_217 = tpu.memref_slice %arg5[%run_scoped3A_166, %run_scoped3A_167, %dma_wait3A_216] : memref<3x2x128xi32, #tpu.memory_space<vmem>> -> memref<1x1x128xi32, #tpu.memory_space<vmem>>
      %dma_wait3A_218 = tpu.memref_squeeze %dma_wait3A_217 : memref<1x1x128xi32, #tpu.memory_space<vmem>> -> memref<128xi32, #tpu.memory_space<vmem>>
      %dma_wait3A_219 = arith.constant 0 : i32
      %dma_wait3A_220 = arith.constant 0 : i32
      %dma_wait3A_221 = tpu.memref_slice %arg7[%dma_wait3A_219, %dma_wait3A_220] : memref<10112x128xf32, #tpu.memory_space<vmem_shared>> -> memref<10112x128xf32, #tpu.memory_space<vmem_shared>>
      tpu.wait_indirect_dma semaphore(%run_scoped3A_201 : memref<!tpu.dma_semaphore, #tpu.memory_space<semaphore_mem>>) src(%dma_wait3A_215 : memref<128x128xf32, #tpu.memory_space<vmem>>) dst(%dma_wait3A_221 : memref<10112x128xf32, #tpu.memory_space<vmem_shared>>)
      tpu.yield
    }) : () -> ()
    %dma_wait3A_168 = arith.constant 1 : i32
    %dma_wait3A_169 = arith.constant 0 : i32
    %dma_wait3A_170 = arith.constant 1 : i32
    %dma_wait3A_171 = arith.constant 0 : i32
    %dma_wait3A_172 = arith.constant 0 : i32
    %dma_wait3A_173 = tpu.memref_slice %arg6[%dma_wait3A_170, %dma_wait3A_171, %dma_wait3A_172] : memref<3x128x128xf32, #tpu.memory_space<vmem>> -> memref<1x128x128xf32, #tpu.memory_space<vmem>>
    %dma_wait3A_174 = tpu.memref_squeeze %dma_wait3A_173 : memref<1x128x128xf32, #tpu.memory_space<vmem>> -> memref<128x128xf32, #tpu.memory_space<vmem>>
    %dma_wait3A_175 = arith.constant 0 : i32
    %dma_wait3A_176 = tpu.memref_slice %arg5[%dma_wait3A_168, %dma_wait3A_169, %dma_wait3A_175] : memref<3x2x128xi32, #tpu.memory_space<vmem>> -> memref<1x1x128xi32, #tpu.memory_space<vmem>>
    %dma_wait3A_177 = tpu.memref_squeeze %dma_wait3A_176 : memref<1x1x128xi32, #tpu.memory_space<vmem>> -> memref<128xi32, #tpu.memory_space<vmem>>
    %dma_wait3A_178 = arith.constant 0 : i32
    %dma_wait3A_179 = arith.constant 0 : i32
    %dma_wait3A_180 = tpu.memref_slice %arg2[%dma_wait3A_178, %dma_wait3A_179] : memref<10112x128xf32, #tpu.memory_space<hbm>> -> memref<10112x128xf32, #tpu.memory_space<hbm>>
    tpu.wait_indirect_dma semaphore(%arg12 : memref<!tpu.dma_semaphore, #tpu.memory_space<semaphore_mem>>) src(%dma_wait3A_180 : memref<10112x128xf32, #tpu.memory_space<hbm>>) dst(%dma_wait3A_174 : memref<128x128xf32, #tpu.memory_space<vmem>>)
    %run_scoped3A_181 = arith.constant 1 : i32
    %run_scoped3A_182 = arith.constant 1 : i32
    %run_scoped3A_183 = arith.constant 1 : i32
    "tpu.region"() ({
      %run_scoped3A_201 = tpu.sem_alloc : memref<!tpu.dma_semaphore, #tpu.memory_space<semaphore_mem>>
      %dma_start3A_202 = arith.constant 0 : i32
      %dma_start3A_203 = arith.constant 0 : i32
      %dma_start3A_204 = tpu.memref_slice %arg6[%run_scoped3A_181, %dma_start3A_202, %dma_start3A_203] : memref<3x128x128xf32, #tpu.memory_space<vmem>> -> memref<1x128x128xf32, #tpu.memory_space<vmem>>
      %dma_start3A_205 = tpu.memref_squeeze %dma_start3A_204 : memref<1x128x128xf32, #tpu.memory_space<vmem>> -> memref<128x128xf32, #tpu.memory_space<vmem>>
      %dma_start3A_206 = arith.constant 0 : i32
      %dma_start3A_207 = tpu.memref_slice %arg5[%run_scoped3A_182, %run_scoped3A_183, %dma_start3A_206] : memref<3x2x128xi32, #tpu.memory_space<vmem>> -> memref<1x1x128xi32, #tpu.memory_space<vmem>>
      %dma_start3A_208 = tpu.memref_squeeze %dma_start3A_207 : memref<1x1x128xi32, #tpu.memory_space<vmem>> -> memref<128xi32, #tpu.memory_space<vmem>>
      %dma_start3A_209 = arith.constant 0 : i32
      %dma_start3A_210 = arith.constant 0 : i32
      %dma_start3A_211 = tpu.memref_slice %arg7[%dma_start3A_209, %dma_start3A_210] : memref<10112x128xf32, #tpu.memory_space<vmem_shared>> -> memref<10112x128xf32, #tpu.memory_space<vmem_shared>>
      tpu.enqueue_indirect_dma source(%dma_start3A_205 : memref<128x128xf32, #tpu.memory_space<vmem>>) target(%dma_start3A_211 : memref<10112x128xf32, #tpu.memory_space<vmem_shared>>) offsets(%dma_start3A_208 : memref<128xi32, #tpu.memory_space<vmem>>) semaphore(%run_scoped3A_201 : memref<!tpu.dma_semaphore, #tpu.memory_space<semaphore_mem>>) {add = true}
      %dma_wait3A_212 = arith.constant 0 : i32
      %dma_wait3A_213 = arith.constant 0 : i32
      %dma_wait3A_214 = tpu.memref_slice %arg6[%run_scoped3A_181, %dma_wait3A_212, %dma_wait3A_213] : memref<3x128x128xf32, #tpu.memory_space<vmem>> -> memref<1x128x128xf32, #tpu.memory_space<vmem>>
      %dma_wait3A_215 = tpu.memref_squeeze %dma_wait3A_214 : memref<1x128x128xf32, #tpu.memory_space<vmem>> -> memref<128x128xf32, #tpu.memory_space<vmem>>
      %dma_wait3A_216 = arith.constant 0 : i32
      %dma_wait3A_217 = tpu.memref_slice %arg5[%run_scoped3A_182, %run_scoped3A_183, %dma_wait3A_216] : memref<3x2x128xi32, #tpu.memory_space<vmem>> -> memref<1x1x128xi32, #tpu.memory_space<vmem>>
      %dma_wait3A_218 = tpu.memref_squeeze %dma_wait3A_217 : memref<1x1x128xi32, #tpu.memory_space<vmem>> -> memref<128xi32, #tpu.memory_space<vmem>>
      %dma_wait3A_219 = arith.constant 0 : i32
      %dma_wait3A_220 = arith.constant 0 : i32
      %dma_wait3A_221 = tpu.memref_slice %arg7[%dma_wait3A_219, %dma_wait3A_220] : memref<10112x128xf32, #tpu.memory_space<vmem_shared>> -> memref<10112x128xf32, #tpu.memory_space<vmem_shared>>
      tpu.wait_indirect_dma semaphore(%run_scoped3A_201 : memref<!tpu.dma_semaphore, #tpu.memory_space<semaphore_mem>>) src(%dma_wait3A_215 : memref<128x128xf32, #tpu.memory_space<vmem>>) dst(%dma_wait3A_221 : memref<10112x128xf32, #tpu.memory_space<vmem_shared>>)
      tpu.yield
    }) : () -> ()
    %dma_wait3A_184 = arith.constant 2 : i32
    %dma_wait3A_185 = arith.constant 0 : i32
    %dma_wait3A_186 = arith.constant 2 : i32
    %dma_wait3A_187 = arith.constant 0 : i32
    %dma_wait3A_188 = arith.constant 0 : i32
    %dma_wait3A_189 = tpu.memref_slice %arg6[%dma_wait3A_186, %dma_wait3A_187, %dma_wait3A_188] : memref<3x128x128xf32, #tpu.memory_space<vmem>> -> memref<1x128x128xf32, #tpu.memory_space<vmem>>
    %dma_wait3A_190 = tpu.memref_squeeze %dma_wait3A_189 : memref<1x128x128xf32, #tpu.memory_space<vmem>> -> memref<128x128xf32, #tpu.memory_space<vmem>>
    %dma_wait3A_191 = arith.constant 0 : i32
    %dma_wait3A_192 = tpu.memref_slice %arg5[%dma_wait3A_184, %dma_wait3A_185, %dma_wait3A_191] : memref<3x2x128xi32, #tpu.memory_space<vmem>> -> memref<1x1x128xi32, #tpu.memory_space<vmem>>
    %dma_wait3A_193 = tpu.memref_squeeze %dma_wait3A_192 : memref<1x1x128xi32, #tpu.memory_space<vmem>> -> memref<128xi32, #tpu.memory_space<vmem>>
    %dma_wait3A_194 = arith.constant 0 : i32
    %dma_wait3A_195 = arith.constant 0 : i32
    %dma_wait3A_196 = tpu.memref_slice %arg2[%dma_wait3A_194, %dma_wait3A_195] : memref<10112x128xf32, #tpu.memory_space<hbm>> -> memref<10112x128xf32, #tpu.memory_space<hbm>>
    tpu.wait_indirect_dma semaphore(%arg13 : memref<!tpu.dma_semaphore, #tpu.memory_space<semaphore_mem>>) src(%dma_wait3A_196 : memref<10112x128xf32, #tpu.memory_space<hbm>>) dst(%dma_wait3A_190 : memref<128x128xf32, #tpu.memory_space<vmem>>)
    %run_scoped3A_197 = arith.constant 2 : i32
    %run_scoped3A_198 = arith.constant 2 : i32
    %run_scoped3A_199 = arith.constant 1 : i32
    "tpu.region"() ({
      %run_scoped3A_201 = tpu.sem_alloc : memref<!tpu.dma_semaphore, #tpu.memory_space<semaphore_mem>>
      %dma_start3A_202 = arith.constant 0 : i32
      %dma_start3A_203 = arith.constant 0 : i32
      %dma_start3A_204 = tpu.memref_slice %arg6[%run_scoped3A_197, %dma_start3A_202, %dma_start3A_203] : memref<3x128x128xf32, #tpu.memory_space<vmem>> -> memref<1x128x128xf32, #tpu.memory_space<vmem>>
      %dma_start3A_205 = tpu.memref_squeeze %dma_start3A_204 : memref<1x128x128xf32, #tpu.memory_space<vmem>> -> memref<128x128xf32, #tpu.memory_space<vmem>>
      %dma_start3A_206 = arith.constant 0 : i32
      %dma_start3A_207 = tpu.memref_slice %arg5[%run_scoped3A_198, %run_scoped3A_199, %dma_start3A_206] : memref<3x2x128xi32, #tpu.memory_space<vmem>> -> memref<1x1x128xi32, #tpu.memory_space<vmem>>
      %dma_start3A_208 = tpu.memref_squeeze %dma_start3A_207 : memref<1x1x128xi32, #tpu.memory_space<vmem>> -> memref<128xi32, #tpu.memory_space<vmem>>
      %dma_start3A_209 = arith.constant 0 : i32
      %dma_start3A_210 = arith.constant 0 : i32
      %dma_start3A_211 = tpu.memref_slice %arg7[%dma_start3A_209, %dma_start3A_210] : memref<10112x128xf32, #tpu.memory_space<vmem_shared>> -> memref<10112x128xf32, #tpu.memory_space<vmem_shared>>
      tpu.enqueue_indirect_dma source(%dma_start3A_205 : memref<128x128xf32, #tpu.memory_space<vmem>>) target(%dma_start3A_211 : memref<10112x128xf32, #tpu.memory_space<vmem_shared>>) offsets(%dma_start3A_208 : memref<128xi32, #tpu.memory_space<vmem>>) semaphore(%run_scoped3A_201 : memref<!tpu.dma_semaphore, #tpu.memory_space<semaphore_mem>>) {add = true}
      %dma_wait3A_212 = arith.constant 0 : i32
      %dma_wait3A_213 = arith.constant 0 : i32
      %dma_wait3A_214 = tpu.memref_slice %arg6[%run_scoped3A_197, %dma_wait3A_212, %dma_wait3A_213] : memref<3x128x128xf32, #tpu.memory_space<vmem>> -> memref<1x128x128xf32, #tpu.memory_space<vmem>>
      %dma_wait3A_215 = tpu.memref_squeeze %dma_wait3A_214 : memref<1x128x128xf32, #tpu.memory_space<vmem>> -> memref<128x128xf32, #tpu.memory_space<vmem>>
      %dma_wait3A_216 = arith.constant 0 : i32
      %dma_wait3A_217 = tpu.memref_slice %arg5[%run_scoped3A_198, %run_scoped3A_199, %dma_wait3A_216] : memref<3x2x128xi32, #tpu.memory_space<vmem>> -> memref<1x1x128xi32, #tpu.memory_space<vmem>>
      %dma_wait3A_218 = tpu.memref_squeeze %dma_wait3A_217 : memref<1x1x128xi32, #tpu.memory_space<vmem>> -> memref<128xi32, #tpu.memory_space<vmem>>
      %dma_wait3A_219 = arith.constant 0 : i32
      %dma_wait3A_220 = arith.constant 0 : i32
      %dma_wait3A_221 = tpu.memref_slice %arg7[%dma_wait3A_219, %dma_wait3A_220] : memref<10112x128xf32, #tpu.memory_space<vmem_shared>> -> memref<10112x128xf32, #tpu.memory_space<vmem_shared>>
      tpu.wait_indirect_dma semaphore(%run_scoped3A_201 : memref<!tpu.dma_semaphore, #tpu.memory_space<semaphore_mem>>) src(%dma_wait3A_215 : memref<128x128xf32, #tpu.memory_space<vmem>>) dst(%dma_wait3A_221 : memref<10112x128xf32, #tpu.memory_space<vmem_shared>>)
      tpu.yield
    }) : () -> ()
    %barrier3A_200 = arith.constant 0 : index
    tpu.barrier barrier_id(%barrier3A_200)
    "tpu.region"() ({
      %run_scoped3A_201 = tpu.sem_alloc : memref<!tpu.dma_semaphore, #tpu.memory_space<semaphore_mem>>
      %dma_start3A_202 = arith.constant 0 : i32
      %dma_start3A_203 = tpu.memref_slice %arg4[%arg0, %mul3A_2, %dma_start3A_202] : memref<2x10112x128xf32, #tpu.memory_space<hbm>> -> memref<1x632x128xf32, #tpu.memory_space<hbm>>
      %dma_start3A_204 = tpu.memref_squeeze %dma_start3A_203 : memref<1x632x128xf32, #tpu.memory_space<hbm>> -> memref<632x128xf32, #tpu.memory_space<hbm>>
      %dma_start3A_205 = arith.constant 0 : i32
      %dma_start3A_206 = tpu.memref_slice %arg7[%mul3A_2, %dma_start3A_205] : memref<10112x128xf32, #tpu.memory_space<vmem_shared>> -> memref<632x128xf32, #tpu.memory_space<vmem_shared>>
      tpu.enqueue_dma source(%dma_start3A_206 : memref<632x128xf32, #tpu.memory_space<vmem_shared>>) target(%dma_start3A_204 : memref<632x128xf32, #tpu.memory_space<hbm>>) target_semaphore(%run_scoped3A_201 : memref<!tpu.dma_semaphore, #tpu.memory_space<semaphore_mem>>)
      %dma_wait3A_207 = arith.constant 0 : i32
      %dma_wait3A_208 = tpu.memref_slice %arg4[%arg0, %mul3A_2, %dma_wait3A_207] : memref<2x10112x128xf32, #tpu.memory_space<hbm>> -> memref<1x632x128xf32, #tpu.memory_space<hbm>>
      %dma_wait3A_209 = tpu.memref_squeeze %dma_wait3A_208 : memref<1x632x128xf32, #tpu.memory_space<hbm>> -> memref<632x128xf32, #tpu.memory_space<hbm>>
      %dma_wait3A_210 = arith.constant 0 : i32
      %dma_wait3A_211 = tpu.memref_slice %arg7[%mul3A_2, %dma_wait3A_210] : memref<10112x128xf32, #tpu.memory_space<vmem_shared>> -> memref<632x128xf32, #tpu.memory_space<vmem_shared>>
      tpu.wait_dma2 semaphore(%run_scoped3A_201 : memref<!tpu.dma_semaphore, #tpu.memory_space<semaphore_mem>>) src(%dma_wait3A_211 : memref<632x128xf32, #tpu.memory_space<vmem_shared>>) dst(%dma_wait3A_209 : memref<632x128xf32, #tpu.memory_space<hbm>>)
      tpu.yield
    }) : () -> ()
    return
  }
}

#map = affine_map<(d0, d1) -> (0, 0)>
#map1 = affine_map<(d0, d1) -> (0, 0, 0, 0)>
#map2 = affine_map<(d0, d1) -> (0, 0, 0)>
module attributes {stable_mosaic.version = 14 : i64} {
  func.func @_edge_sc(%arg0: i32, %arg1: i32, %arg2: memref<10112x128xf32, #tpu.memory_space<hbm>>, %arg3: memref<32x81x2x128xi32, #tpu.memory_space<hbm>>, %arg4: memref<2x10112x128xf32, #tpu.memory_space<hbm>>, %arg5: memref<3x2x128xi32, #tpu.memory_space<vmem>>, %arg6: memref<3x128x128xf32, #tpu.memory_space<vmem>>, %arg7: memref<10112x128xf32, #tpu.memory_space<vmem_shared>>, %arg8: memref<!tpu.dma_semaphore, #tpu.memory_space<semaphore_mem>>, %arg9: memref<!tpu.dma_semaphore, #tpu.memory_space<semaphore_mem>>, %arg10: memref<!tpu.dma_semaphore, #tpu.memory_space<semaphore_mem>>, %arg11: memref<!tpu.dma_semaphore, #tpu.memory_space<semaphore_mem>>, %arg12: memref<!tpu.dma_semaphore, #tpu.memory_space<semaphore_mem>>, %arg13: memref<!tpu.dma_semaphore, #tpu.memory_space<semaphore_mem>>) attributes {dimension_semantics = [#tpu.dimension_semantics<core_parallel>, #tpu.dimension_semantics<subcore_parallel>], iteration_bounds = array<i64: 2, 16>, scalar_prefetch = 0 : i64, scratch_operands = 9 : i64, tpu.core_type = #tpu.core_type<sc_vector_subcore>, window_params = [{transform_indices = #map}, {transform_indices = #map1}, {transform_indices = #map2}]} {
    %mul3A = arith.constant 2 : i32
    %mul3A_0 = arith.muli %arg1, %mul3A : i32
    %add3A = arith.addi %mul3A_0, %arg0 : i32
    %mul3A_1 = arith.constant 632 : i32
    %mul3A_2 = arith.muli %arg1, %mul3A_1 : i32
    "tpu.region"() ({
      %run_scoped3A_201 = tpu.sem_alloc : memref<!tpu.dma_semaphore, #tpu.memory_space<semaphore_mem>>
      %dma_start3A_202 = arith.constant 0 : i32
      %dma_start3A_203 = tpu.memref_slice %arg7[%mul3A_2, %dma_start3A_202] : memref<10112x128xf32, #tpu.memory_space<vmem_shared>> -> memref<632x128xf32, #tpu.memory_space<vmem_shared>>
      %dma_start3A_204 = arith.constant 0 : i32
      %dma_start3A_205 = tpu.memref_slice %arg2[%mul3A_2, %dma_start3A_204] : memref<10112x128xf32, #tpu.memory_space<hbm>> -> memref<632x128xf32, #tpu.memory_space<hbm>>
      tpu.enqueue_dma source(%dma_start3A_205 : memref<632x128xf32, #tpu.memory_space<hbm>>) target(%dma_start3A_203 : memref<632x128xf32, #tpu.memory_space<vmem_shared>>) target_semaphore(%run_scoped3A_201 : memref<!tpu.dma_semaphore, #tpu.memory_space<semaphore_mem>>)
      %dma_wait3A_206 = arith.constant 0 : i32
      %dma_wait3A_207 = tpu.memref_slice %arg7[%mul3A_2, %dma_wait3A_206] : memref<10112x128xf32, #tpu.memory_space<vmem_shared>> -> memref<632x128xf32, #tpu.memory_space<vmem_shared>>
      %dma_wait3A_208 = arith.constant 0 : i32
      %dma_wait3A_209 = tpu.memref_slice %arg2[%mul3A_2, %dma_wait3A_208] : memref<10112x128xf32, #tpu.memory_space<hbm>> -> memref<632x128xf32, #tpu.memory_space<hbm>>
      tpu.wait_dma2 semaphore(%run_scoped3A_201 : memref<!tpu.dma_semaphore, #tpu.memory_space<semaphore_mem>>) src(%dma_wait3A_209 : memref<632x128xf32, #tpu.memory_space<hbm>>) dst(%dma_wait3A_207 : memref<632x128xf32, #tpu.memory_space<vmem_shared>>)
      tpu.yield
    }) : () -> ()
    %barrier3A = arith.constant 0 : index
    tpu.barrier barrier_id(%barrier3A)
    %dma_start3A = arith.constant 0 : i32
    %dma_start3A_3 = arith.constant 0 : i32
    %dma_start3A_4 = arith.constant 0 : i32
    %dma_start3A_5 = arith.constant 0 : i32
    %dma_start3A_6 = tpu.memref_slice %arg5[%dma_start3A_3, %dma_start3A_4, %dma_start3A_5] : memref<3x2x128xi32, #tpu.memory_space<vmem>> -> memref<1x2x128xi32, #tpu.memory_space<vmem>>
    %dma_start3A_7 = tpu.memref_squeeze %dma_start3A_6 : memref<1x2x128xi32, #tpu.memory_space<vmem>> -> memref<2x128xi32, #tpu.memory_space<vmem>>
    %dma_start3A_8 = arith.constant 0 : i32
    %dma_start3A_9 = arith.constant 0 : i32
    %dma_start3A_10 = tpu.memref_slice %arg3[%add3A, %dma_start3A, %dma_start3A_8, %dma_start3A_9] : memref<32x81x2x128xi32, #tpu.memory_space<hbm>> -> memref<1x1x2x128xi32, #tpu.memory_space<hbm>>
    %dma_start3A_11 = tpu.memref_squeeze %dma_start3A_10 : memref<1x1x2x128xi32, #tpu.memory_space<hbm>> -> memref<2x128xi32, #tpu.memory_space<hbm>>
    %dma_start3A_12 = arith.constant 0 : i32
    %dma_start3A_13 = arith.constant 0 : i32
    %dma_start3A_14 = tpu.memref_slice %arg5[%dma_start3A_3, %dma_start3A_12, %dma_start3A_13] : memref<3x2x128xi32, #tpu.memory_space<vmem>> -> memref<1x2x128xi32, #tpu.memory_space<vmem>>
    %dma_start3A_15 = tpu.memref_squeeze %dma_start3A_14 : memref<1x2x128xi32, #tpu.memory_space<vmem>> -> memref<2x128xi32, #tpu.memory_space<vmem>>
    %dma_start3A_16 = arith.constant 0 : i32
    %dma_start3A_17 = arith.constant 0 : i32
    %dma_start3A_18 = tpu.memref_slice %arg3[%add3A, %dma_start3A, %dma_start3A_16, %dma_start3A_17] : memref<32x81x2x128xi32, #tpu.memory_space<hbm>> -> memref<1x1x2x128xi32, #tpu.memory_space<hbm>>
    %dma_start3A_19 = tpu.memref_squeeze %dma_start3A_18 : memref<1x1x2x128xi32, #tpu.memory_space<hbm>> -> memref<2x128xi32, #tpu.memory_space<hbm>>
    tpu.enqueue_dma source(%dma_start3A_19 : memref<2x128xi32, #tpu.memory_space<hbm>>) target(%dma_start3A_15 : memref<2x128xi32, #tpu.memory_space<vmem>>) target_semaphore(%arg8 : memref<!tpu.dma_semaphore, #tpu.memory_space<semaphore_mem>>)
    %dma_start3A_20 = arith.constant 1 : i32
    %dma_start3A_21 = arith.constant 1 : i32
    %dma_start3A_22 = arith.constant 0 : i32
    %dma_start3A_23 = arith.constant 0 : i32
    %dma_start3A_24 = tpu.memref_slice %arg5[%dma_start3A_21, %dma_start3A_22, %dma_start3A_23] : memref<3x2x128xi32, #tpu.memory_space<vmem>> -> memref<1x2x128xi32, #tpu.memory_space<vmem>>
    %dma_start3A_25 = tpu.memref_squeeze %dma_start3A_24 : memref<1x2x128xi32, #tpu.memory_space<vmem>> -> memref<2x128xi32, #tpu.memory_space<vmem>>
    %dma_start3A_26 = arith.constant 0 : i32
    %dma_start3A_27 = arith.constant 0 : i32
    %dma_start3A_28 = tpu.memref_slice %arg3[%add3A, %dma_start3A_20, %dma_start3A_26, %dma_start3A_27] : memref<32x81x2x128xi32, #tpu.memory_space<hbm>> -> memref<1x1x2x128xi32, #tpu.memory_space<hbm>>
    %dma_start3A_29 = tpu.memref_squeeze %dma_start3A_28 : memref<1x1x2x128xi32, #tpu.memory_space<hbm>> -> memref<2x128xi32, #tpu.memory_space<hbm>>
    %dma_start3A_30 = arith.constant 0 : i32
    %dma_start3A_31 = arith.constant 0 : i32
    %dma_start3A_32 = tpu.memref_slice %arg5[%dma_start3A_21, %dma_start3A_30, %dma_start3A_31] : memref<3x2x128xi32, #tpu.memory_space<vmem>> -> memref<1x2x128xi32, #tpu.memory_space<vmem>>
    %dma_start3A_33 = tpu.memref_squeeze %dma_start3A_32 : memref<1x2x128xi32, #tpu.memory_space<vmem>> -> memref<2x128xi32, #tpu.memory_space<vmem>>
    %dma_start3A_34 = arith.constant 0 : i32
    %dma_start3A_35 = arith.constant 0 : i32
    %dma_start3A_36 = tpu.memref_slice %arg3[%add3A, %dma_start3A_20, %dma_start3A_34, %dma_start3A_35] : memref<32x81x2x128xi32, #tpu.memory_space<hbm>> -> memref<1x1x2x128xi32, #tpu.memory_space<hbm>>
    %dma_start3A_37 = tpu.memref_squeeze %dma_start3A_36 : memref<1x1x2x128xi32, #tpu.memory_space<hbm>> -> memref<2x128xi32, #tpu.memory_space<hbm>>
    tpu.enqueue_dma source(%dma_start3A_37 : memref<2x128xi32, #tpu.memory_space<hbm>>) target(%dma_start3A_33 : memref<2x128xi32, #tpu.memory_space<vmem>>) target_semaphore(%arg9 : memref<!tpu.dma_semaphore, #tpu.memory_space<semaphore_mem>>)
    %dma_start3A_38 = arith.constant 2 : i32
    %dma_start3A_39 = arith.constant 2 : i32
    %dma_start3A_40 = arith.constant 0 : i32
    %dma_start3A_41 = arith.constant 0 : i32
    %dma_start3A_42 = tpu.memref_slice %arg5[%dma_start3A_39, %dma_start3A_40, %dma_start3A_41] : memref<3x2x128xi32, #tpu.memory_space<vmem>> -> memref<1x2x128xi32, #tpu.memory_space<vmem>>
    %dma_start3A_43 = tpu.memref_squeeze %dma_start3A_42 : memref<1x2x128xi32, #tpu.memory_space<vmem>> -> memref<2x128xi32, #tpu.memory_space<vmem>>
    %dma_start3A_44 = arith.constant 0 : i32
    %dma_start3A_45 = arith.constant 0 : i32
    %dma_start3A_46 = tpu.memref_slice %arg3[%add3A, %dma_start3A_38, %dma_start3A_44, %dma_start3A_45] : memref<32x81x2x128xi32, #tpu.memory_space<hbm>> -> memref<1x1x2x128xi32, #tpu.memory_space<hbm>>
    %dma_start3A_47 = tpu.memref_squeeze %dma_start3A_46 : memref<1x1x2x128xi32, #tpu.memory_space<hbm>> -> memref<2x128xi32, #tpu.memory_space<hbm>>
    %dma_start3A_48 = arith.constant 0 : i32
    %dma_start3A_49 = arith.constant 0 : i32
    %dma_start3A_50 = tpu.memref_slice %arg5[%dma_start3A_39, %dma_start3A_48, %dma_start3A_49] : memref<3x2x128xi32, #tpu.memory_space<vmem>> -> memref<1x2x128xi32, #tpu.memory_space<vmem>>
    %dma_start3A_51 = tpu.memref_squeeze %dma_start3A_50 : memref<1x2x128xi32, #tpu.memory_space<vmem>> -> memref<2x128xi32, #tpu.memory_space<vmem>>
    %dma_start3A_52 = arith.constant 0 : i32
    %dma_start3A_53 = arith.constant 0 : i32
    %dma_start3A_54 = tpu.memref_slice %arg3[%add3A, %dma_start3A_38, %dma_start3A_52, %dma_start3A_53] : memref<32x81x2x128xi32, #tpu.memory_space<hbm>> -> memref<1x1x2x128xi32, #tpu.memory_space<hbm>>
    %dma_start3A_55 = tpu.memref_squeeze %dma_start3A_54 : memref<1x1x2x128xi32, #tpu.memory_space<hbm>> -> memref<2x128xi32, #tpu.memory_space<hbm>>
    tpu.enqueue_dma source(%dma_start3A_55 : memref<2x128xi32, #tpu.memory_space<hbm>>) target(%dma_start3A_51 : memref<2x128xi32, #tpu.memory_space<vmem>>) target_semaphore(%arg10 : memref<!tpu.dma_semaphore, #tpu.memory_space<semaphore_mem>>)
    %dma_wait3A = arith.constant 0 : i32
    %dma_wait3A_56 = arith.constant 0 : i32
    %dma_wait3A_57 = arith.constant 0 : i32
    %dma_wait3A_58 = arith.constant 0 : i32
    %dma_wait3A_59 = tpu.memref_slice %arg5[%dma_wait3A_56, %dma_wait3A_57, %dma_wait3A_58] : memref<3x2x128xi32, #tpu.memory_space<vmem>> -> memref<1x2x128xi32, #tpu.memory_space<vmem>>
    %dma_wait3A_60 = tpu.memref_squeeze %dma_wait3A_59 : memref<1x2x128xi32, #tpu.memory_space<vmem>> -> memref<2x128xi32, #tpu.memory_space<vmem>>
    %dma_wait3A_61 = arith.constant 0 : i32
    %dma_wait3A_62 = arith.constant 0 : i32
    %dma_wait3A_63 = tpu.memref_slice %arg3[%add3A, %dma_wait3A, %dma_wait3A_61, %dma_wait3A_62] : memref<32x81x2x128xi32, #tpu.memory_space<hbm>> -> memref<1x1x2x128xi32, #tpu.memory_space<hbm>>
    %dma_wait3A_64 = tpu.memref_squeeze %dma_wait3A_63 : memref<1x1x2x128xi32, #tpu.memory_space<hbm>> -> memref<2x128xi32, #tpu.memory_space<hbm>>
    %dma_wait3A_65 = arith.constant 0 : i32
    %dma_wait3A_66 = arith.constant 0 : i32
    %dma_wait3A_67 = tpu.memref_slice %arg5[%dma_wait3A_56, %dma_wait3A_65, %dma_wait3A_66] : memref<3x2x128xi32, #tpu.memory_space<vmem>> -> memref<1x2x128xi32, #tpu.memory_space<vmem>>
    %dma_wait3A_68 = tpu.memref_squeeze %dma_wait3A_67 : memref<1x2x128xi32, #tpu.memory_space<vmem>> -> memref<2x128xi32, #tpu.memory_space<vmem>>
    %dma_wait3A_69 = arith.constant 0 : i32
    %dma_wait3A_70 = arith.constant 0 : i32
    %dma_wait3A_71 = tpu.memref_slice %arg3[%add3A, %dma_wait3A, %dma_wait3A_69, %dma_wait3A_70] : memref<32x81x2x128xi32, #tpu.memory_space<hbm>> -> memref<1x1x2x128xi32, #tpu.memory_space<hbm>>
    %dma_wait3A_72 = tpu.memref_squeeze %dma_wait3A_71 : memref<1x1x2x128xi32, #tpu.memory_space<hbm>> -> memref<2x128xi32, #tpu.memory_space<hbm>>
    tpu.wait_dma2 semaphore(%arg8 : memref<!tpu.dma_semaphore, #tpu.memory_space<semaphore_mem>>) src(%dma_wait3A_72 : memref<2x128xi32, #tpu.memory_space<hbm>>) dst(%dma_wait3A_68 : memref<2x128xi32, #tpu.memory_space<vmem>>)
    %dma_start3A_73 = arith.constant 0 : i32
    %dma_start3A_74 = arith.constant 0 : i32
    %dma_start3A_75 = arith.constant 0 : i32
    %dma_start3A_76 = arith.constant 0 : i32
    %dma_start3A_77 = arith.constant 0 : i32
    %dma_start3A_78 = tpu.memref_slice %arg6[%dma_start3A_75, %dma_start3A_76, %dma_start3A_77] : memref<3x128x128xf32, #tpu.memory_space<vmem>> -> memref<1x128x128xf32, #tpu.memory_space<vmem>>
    %dma_start3A_79 = tpu.memref_squeeze %dma_start3A_78 : memref<1x128x128xf32, #tpu.memory_space<vmem>> -> memref<128x128xf32, #tpu.memory_space<vmem>>
    %dma_start3A_80 = arith.constant 0 : i32
    %dma_start3A_81 = tpu.memref_slice %arg5[%dma_start3A_73, %dma_start3A_74, %dma_start3A_80] : memref<3x2x128xi32, #tpu.memory_space<vmem>> -> memref<1x1x128xi32, #tpu.memory_space<vmem>>
    %dma_start3A_82 = tpu.memref_squeeze %dma_start3A_81 : memref<1x1x128xi32, #tpu.memory_space<vmem>> -> memref<128xi32, #tpu.memory_space<vmem>>
    %dma_start3A_83 = arith.constant 0 : i32
    %dma_start3A_84 = arith.constant 0 : i32
    %dma_start3A_85 = tpu.memref_slice %arg2[%dma_start3A_83, %dma_start3A_84] : memref<10112x128xf32, #tpu.memory_space<hbm>> -> memref<10112x128xf32, #tpu.memory_space<hbm>>
    tpu.enqueue_indirect_dma source(%dma_start3A_85 : memref<10112x128xf32, #tpu.memory_space<hbm>>) target(%dma_start3A_79 : memref<128x128xf32, #tpu.memory_space<vmem>>) offsets(%dma_start3A_82 : memref<128xi32, #tpu.memory_space<vmem>>) semaphore(%arg11 : memref<!tpu.dma_semaphore, #tpu.memory_space<semaphore_mem>>)
    %dma_wait3A_86 = arith.constant 1 : i32
    %dma_wait3A_87 = arith.constant 1 : i32
    %dma_wait3A_88 = arith.constant 0 : i32
    %dma_wait3A_89 = arith.constant 0 : i32
    %dma_wait3A_90 = tpu.memref_slice %arg5[%dma_wait3A_87, %dma_wait3A_88, %dma_wait3A_89] : memref<3x2x128xi32, #tpu.memory_space<vmem>> -> memref<1x2x128xi32, #tpu.memory_space<vmem>>
    %dma_wait3A_91 = tpu.memref_squeeze %dma_wait3A_90 : memref<1x2x128xi32, #tpu.memory_space<vmem>> -> memref<2x128xi32, #tpu.memory_space<vmem>>
    %dma_wait3A_92 = arith.constant 0 : i32
    %dma_wait3A_93 = arith.constant 0 : i32
    %dma_wait3A_94 = tpu.memref_slice %arg3[%add3A, %dma_wait3A_86, %dma_wait3A_92, %dma_wait3A_93] : memref<32x81x2x128xi32, #tpu.memory_space<hbm>> -> memref<1x1x2x128xi32, #tpu.memory_space<hbm>>
    %dma_wait3A_95 = tpu.memref_squeeze %dma_wait3A_94 : memref<1x1x2x128xi32, #tpu.memory_space<hbm>> -> memref<2x128xi32, #tpu.memory_space<hbm>>
    %dma_wait3A_96 = arith.constant 0 : i32
    %dma_wait3A_97 = arith.constant 0 : i32
    %dma_wait3A_98 = tpu.memref_slice %arg5[%dma_wait3A_87, %dma_wait3A_96, %dma_wait3A_97] : memref<3x2x128xi32, #tpu.memory_space<vmem>> -> memref<1x2x128xi32, #tpu.memory_space<vmem>>
    %dma_wait3A_99 = tpu.memref_squeeze %dma_wait3A_98 : memref<1x2x128xi32, #tpu.memory_space<vmem>> -> memref<2x128xi32, #tpu.memory_space<vmem>>
    %dma_wait3A_100 = arith.constant 0 : i32
    %dma_wait3A_101 = arith.constant 0 : i32
    %dma_wait3A_102 = tpu.memref_slice %arg3[%add3A, %dma_wait3A_86, %dma_wait3A_100, %dma_wait3A_101] : memref<32x81x2x128xi32, #tpu.memory_space<hbm>> -> memref<1x1x2x128xi32, #tpu.memory_space<hbm>>
    %dma_wait3A_103 = tpu.memref_squeeze %dma_wait3A_102 : memref<1x1x2x128xi32, #tpu.memory_space<hbm>> -> memref<2x128xi32, #tpu.memory_space<hbm>>
    tpu.wait_dma2 semaphore(%arg9 : memref<!tpu.dma_semaphore, #tpu.memory_space<semaphore_mem>>) src(%dma_wait3A_103 : memref<2x128xi32, #tpu.memory_space<hbm>>) dst(%dma_wait3A_99 : memref<2x128xi32, #tpu.memory_space<vmem>>)
    %dma_start3A_104 = arith.constant 1 : i32
    %dma_start3A_105 = arith.constant 0 : i32
    %dma_start3A_106 = arith.constant 1 : i32
    %dma_start3A_107 = arith.constant 0 : i32
    %dma_start3A_108 = arith.constant 0 : i32
    %dma_start3A_109 = tpu.memref_slice %arg6[%dma_start3A_106, %dma_start3A_107, %dma_start3A_108] : memref<3x128x128xf32, #tpu.memory_space<vmem>> -> memref<1x128x128xf32, #tpu.memory_space<vmem>>
    %dma_start3A_110 = tpu.memref_squeeze %dma_start3A_109 : memref<1x128x128xf32, #tpu.memory_space<vmem>> -> memref<128x128xf32, #tpu.memory_space<vmem>>
    %dma_start3A_111 = arith.constant 0 : i32
    %dma_start3A_112 = tpu.memref_slice %arg5[%dma_start3A_104, %dma_start3A_105, %dma_start3A_111] : memref<3x2x128xi32, #tpu.memory_space<vmem>> -> memref<1x1x128xi32, #tpu.memory_space<vmem>>
    %dma_start3A_113 = tpu.memref_squeeze %dma_start3A_112 : memref<1x1x128xi32, #tpu.memory_space<vmem>> -> memref<128xi32, #tpu.memory_space<vmem>>
    %dma_start3A_114 = arith.constant 0 : i32
    %dma_start3A_115 = arith.constant 0 : i32
    %dma_start3A_116 = tpu.memref_slice %arg2[%dma_start3A_114, %dma_start3A_115] : memref<10112x128xf32, #tpu.memory_space<hbm>> -> memref<10112x128xf32, #tpu.memory_space<hbm>>
    tpu.enqueue_indirect_dma source(%dma_start3A_116 : memref<10112x128xf32, #tpu.memory_space<hbm>>) target(%dma_start3A_110 : memref<128x128xf32, #tpu.memory_space<vmem>>) offsets(%dma_start3A_113 : memref<128xi32, #tpu.memory_space<vmem>>) semaphore(%arg12 : memref<!tpu.dma_semaphore, #tpu.memory_space<semaphore_mem>>)
    %scan3A = arith.constant 0 : i32
    %scan3A_117 = arith.constant 0 : i32
    %scan3A_118 = arith.constant 26 : i32
    %scan3A_119 = arith.addi %scan3A_117, %scan3A_118 : i32
    %scan3A_120 = arith.constant 1 : i32
    scf.for %scan3A_201 = %scan3A_117 to %scan3A_119 step %scan3A_120  : i32 {
      %mul3A_202 = arith.constant 3 : i32
      %mul3A_203 = arith.muli %scan3A_201, %mul3A_202 : i32
      %add3A_204 = arith.constant 0 : i32
      %add3A_205 = arith.addi %mul3A_203, %add3A_204 : i32
      %dma_wait3A_206 = arith.constant 0 : i32
      %dma_wait3A_207 = arith.constant 0 : i32
      %dma_wait3A_208 = arith.constant 0 : i32
      %dma_wait3A_209 = arith.constant 0 : i32
      %dma_wait3A_210 = arith.constant 0 : i32
      %dma_wait3A_211 = tpu.memref_slice %arg6[%dma_wait3A_208, %dma_wait3A_209, %dma_wait3A_210] : memref<3x128x128xf32, #tpu.memory_space<vmem>> -> memref<1x128x128xf32, #tpu.memory_space<vmem>>
      %dma_wait3A_212 = tpu.memref_squeeze %dma_wait3A_211 : memref<1x128x128xf32, #tpu.memory_space<vmem>> -> memref<128x128xf32, #tpu.memory_space<vmem>>
      %dma_wait3A_213 = arith.constant 0 : i32
      %dma_wait3A_214 = tpu.memref_slice %arg5[%dma_wait3A_206, %dma_wait3A_207, %dma_wait3A_213] : memref<3x2x128xi32, #tpu.memory_space<vmem>> -> memref<1x1x128xi32, #tpu.memory_space<vmem>>
      %dma_wait3A_215 = tpu.memref_squeeze %dma_wait3A_214 : memref<1x1x128xi32, #tpu.memory_space<vmem>> -> memref<128xi32, #tpu.memory_space<vmem>>
      %dma_wait3A_216 = arith.constant 0 : i32
      %dma_wait3A_217 = arith.constant 0 : i32
      %dma_wait3A_218 = tpu.memref_slice %arg2[%dma_wait3A_216, %dma_wait3A_217] : memref<10112x128xf32, #tpu.memory_space<hbm>> -> memref<10112x128xf32, #tpu.memory_space<hbm>>
      tpu.wait_indirect_dma semaphore(%arg11 : memref<!tpu.dma_semaphore, #tpu.memory_space<semaphore_mem>>) src(%dma_wait3A_218 : memref<10112x128xf32, #tpu.memory_space<hbm>>) dst(%dma_wait3A_212 : memref<128x128xf32, #tpu.memory_space<vmem>>)
      %add3A_219 = arith.constant 2 : i32
      %add3A_220 = arith.addi %add3A_205, %add3A_219 : i32
      %dma_wait3A_221 = arith.constant 2 : i32
      %dma_wait3A_222 = arith.constant 0 : i32
      %dma_wait3A_223 = arith.constant 0 : i32
      %dma_wait3A_224 = tpu.memref_slice %arg5[%dma_wait3A_221, %dma_wait3A_222, %dma_wait3A_223] : memref<3x2x128xi32, #tpu.memory_space<vmem>> -> memref<1x2x128xi32, #tpu.memory_space<vmem>>
      %dma_wait3A_225 = tpu.memref_squeeze %dma_wait3A_224 : memref<1x2x128xi32, #tpu.memory_space<vmem>> -> memref<2x128xi32, #tpu.memory_space<vmem>>
      %dma_wait3A_226 = arith.constant 0 : i32
      %dma_wait3A_227 = arith.constant 0 : i32
      %dma_wait3A_228 = tpu.memref_slice %arg3[%add3A, %add3A_220, %dma_wait3A_226, %dma_wait3A_227] : memref<32x81x2x128xi32, #tpu.memory_space<hbm>> -> memref<1x1x2x128xi32, #tpu.memory_space<hbm>>
      %dma_wait3A_229 = tpu.memref_squeeze %dma_wait3A_228 : memref<1x1x2x128xi32, #tpu.memory_space<hbm>> -> memref<2x128xi32, #tpu.memory_space<hbm>>
      %dma_wait3A_230 = arith.constant 0 : i32
      %dma_wait3A_231 = arith.constant 0 : i32
      %dma_wait3A_232 = tpu.memref_slice %arg5[%dma_wait3A_221, %dma_wait3A_230, %dma_wait3A_231] : memref<3x2x128xi32, #tpu.memory_space<vmem>> -> memref<1x2x128xi32, #tpu.memory_space<vmem>>
      %dma_wait3A_233 = tpu.memref_squeeze %dma_wait3A_232 : memref<1x2x128xi32, #tpu.memory_space<vmem>> -> memref<2x128xi32, #tpu.memory_space<vmem>>
      %dma_wait3A_234 = arith.constant 0 : i32
      %dma_wait3A_235 = arith.constant 0 : i32
      %dma_wait3A_236 = tpu.memref_slice %arg3[%add3A, %add3A_220, %dma_wait3A_234, %dma_wait3A_235] : memref<32x81x2x128xi32, #tpu.memory_space<hbm>> -> memref<1x1x2x128xi32, #tpu.memory_space<hbm>>
      %dma_wait3A_237 = tpu.memref_squeeze %dma_wait3A_236 : memref<1x1x2x128xi32, #tpu.memory_space<hbm>> -> memref<2x128xi32, #tpu.memory_space<hbm>>
      tpu.wait_dma2 semaphore(%arg10 : memref<!tpu.dma_semaphore, #tpu.memory_space<semaphore_mem>>) src(%dma_wait3A_237 : memref<2x128xi32, #tpu.memory_space<hbm>>) dst(%dma_wait3A_233 : memref<2x128xi32, #tpu.memory_space<vmem>>)
      %dma_start3A_238 = arith.constant 2 : i32
      %dma_start3A_239 = arith.constant 0 : i32
      %dma_start3A_240 = arith.constant 2 : i32
      %dma_start3A_241 = arith.constant 0 : i32
      %dma_start3A_242 = arith.constant 0 : i32
      %dma_start3A_243 = tpu.memref_slice %arg6[%dma_start3A_240, %dma_start3A_241, %dma_start3A_242] : memref<3x128x128xf32, #tpu.memory_space<vmem>> -> memref<1x128x128xf32, #tpu.memory_space<vmem>>
      %dma_start3A_244 = tpu.memref_squeeze %dma_start3A_243 : memref<1x128x128xf32, #tpu.memory_space<vmem>> -> memref<128x128xf32, #tpu.memory_space<vmem>>
      %dma_start3A_245 = arith.constant 0 : i32
      %dma_start3A_246 = tpu.memref_slice %arg5[%dma_start3A_238, %dma_start3A_239, %dma_start3A_245] : memref<3x2x128xi32, #tpu.memory_space<vmem>> -> memref<1x1x128xi32, #tpu.memory_space<vmem>>
      %dma_start3A_247 = tpu.memref_squeeze %dma_start3A_246 : memref<1x1x128xi32, #tpu.memory_space<vmem>> -> memref<128xi32, #tpu.memory_space<vmem>>
      %dma_start3A_248 = arith.constant 0 : i32
      %dma_start3A_249 = arith.constant 0 : i32
      %dma_start3A_250 = tpu.memref_slice %arg2[%dma_start3A_248, %dma_start3A_249] : memref<10112x128xf32, #tpu.memory_space<hbm>> -> memref<10112x128xf32, #tpu.memory_space<hbm>>
      tpu.enqueue_indirect_dma source(%dma_start3A_250 : memref<10112x128xf32, #tpu.memory_space<hbm>>) target(%dma_start3A_244 : memref<128x128xf32, #tpu.memory_space<vmem>>) offsets(%dma_start3A_247 : memref<128xi32, #tpu.memory_space<vmem>>) semaphore(%arg13 : memref<!tpu.dma_semaphore, #tpu.memory_space<semaphore_mem>>)
      %run_scoped3A_251 = arith.constant 0 : i32
      %run_scoped3A_252 = arith.constant 0 : i32
      %run_scoped3A_253 = arith.constant 1 : i32
      "tpu.region"() ({
        %run_scoped3A_415 = tpu.sem_alloc : memref<!tpu.dma_semaphore, #tpu.memory_space<semaphore_mem>>
        %dma_start3A_416 = arith.constant 0 : i32
        %dma_start3A_417 = arith.constant 0 : i32
        %dma_start3A_418 = tpu.memref_slice %arg6[%run_scoped3A_251, %dma_start3A_416, %dma_start3A_417] : memref<3x128x128xf32, #tpu.memory_space<vmem>> -> memref<1x128x128xf32, #tpu.memory_space<vmem>>
        %dma_start3A_419 = tpu.memref_squeeze %dma_start3A_418 : memref<1x128x128xf32, #tpu.memory_space<vmem>> -> memref<128x128xf32, #tpu.memory_space<vmem>>
        %dma_start3A_420 = arith.constant 0 : i32
        %dma_start3A_421 = tpu.memref_slice %arg5[%run_scoped3A_252, %run_scoped3A_253, %dma_start3A_420] : memref<3x2x128xi32, #tpu.memory_space<vmem>> -> memref<1x1x128xi32, #tpu.memory_space<vmem>>
        %dma_start3A_422 = tpu.memref_squeeze %dma_start3A_421 : memref<1x1x128xi32, #tpu.memory_space<vmem>> -> memref<128xi32, #tpu.memory_space<vmem>>
        %dma_start3A_423 = arith.constant 0 : i32
        %dma_start3A_424 = arith.constant 0 : i32
        %dma_start3A_425 = tpu.memref_slice %arg7[%dma_start3A_423, %dma_start3A_424] : memref<10112x128xf32, #tpu.memory_space<vmem_shared>> -> memref<10112x128xf32, #tpu.memory_space<vmem_shared>>
        tpu.enqueue_indirect_dma source(%dma_start3A_419 : memref<128x128xf32, #tpu.memory_space<vmem>>) target(%dma_start3A_425 : memref<10112x128xf32, #tpu.memory_space<vmem_shared>>) offsets(%dma_start3A_422 : memref<128xi32, #tpu.memory_space<vmem>>) semaphore(%run_scoped3A_415 : memref<!tpu.dma_semaphore, #tpu.memory_space<semaphore_mem>>) {add = true}
        %dma_wait3A_426 = arith.constant 0 : i32
        %dma_wait3A_427 = arith.constant 0 : i32
        %dma_wait3A_428 = tpu.memref_slice %arg6[%run_scoped3A_251, %dma_wait3A_426, %dma_wait3A_427] : memref<3x128x128xf32, #tpu.memory_space<vmem>> -> memref<1x128x128xf32, #tpu.memory_space<vmem>>
        %dma_wait3A_429 = tpu.memref_squeeze %dma_wait3A_428 : memref<1x128x128xf32, #tpu.memory_space<vmem>> -> memref<128x128xf32, #tpu.memory_space<vmem>>
        %dma_wait3A_430 = arith.constant 0 : i32
        %dma_wait3A_431 = tpu.memref_slice %arg5[%run_scoped3A_252, %run_scoped3A_253, %dma_wait3A_430] : memref<3x2x128xi32, #tpu.memory_space<vmem>> -> memref<1x1x128xi32, #tpu.memory_space<vmem>>
        %dma_wait3A_432 = tpu.memref_squeeze %dma_wait3A_431 : memref<1x1x128xi32, #tpu.memory_space<vmem>> -> memref<128xi32, #tpu.memory_space<vmem>>
        %dma_wait3A_433 = arith.constant 0 : i32
        %dma_wait3A_434 = arith.constant 0 : i32
        %dma_wait3A_435 = tpu.memref_slice %arg7[%dma_wait3A_433, %dma_wait3A_434] : memref<10112x128xf32, #tpu.memory_space<vmem_shared>> -> memref<10112x128xf32, #tpu.memory_space<vmem_shared>>
        tpu.wait_indirect_dma semaphore(%run_scoped3A_415 : memref<!tpu.dma_semaphore, #tpu.memory_space<semaphore_mem>>) src(%dma_wait3A_429 : memref<128x128xf32, #tpu.memory_space<vmem>>) dst(%dma_wait3A_435 : memref<10112x128xf32, #tpu.memory_space<vmem_shared>>)
        tpu.yield
      }) : () -> ()
      %add3A_254 = arith.constant 3 : i32
      %add3A_255 = arith.addi %add3A_205, %add3A_254 : i32
      %dma_start3A_256 = arith.constant 0 : i32
      %dma_start3A_257 = arith.constant 0 : i32
      %dma_start3A_258 = arith.constant 0 : i32
      %dma_start3A_259 = tpu.memref_slice %arg5[%dma_start3A_256, %dma_start3A_257, %dma_start3A_258] : memref<3x2x128xi32, #tpu.memory_space<vmem>> -> memref<1x2x128xi32, #tpu.memory_space<vmem>>
      %dma_start3A_260 = tpu.memref_squeeze %dma_start3A_259 : memref<1x2x128xi32, #tpu.memory_space<vmem>> -> memref<2x128xi32, #tpu.memory_space<vmem>>
      %dma_start3A_261 = arith.constant 0 : i32
      %dma_start3A_262 = arith.constant 0 : i32
      %dma_start3A_263 = tpu.memref_slice %arg3[%add3A, %add3A_255, %dma_start3A_261, %dma_start3A_262] : memref<32x81x2x128xi32, #tpu.memory_space<hbm>> -> memref<1x1x2x128xi32, #tpu.memory_space<hbm>>
      %dma_start3A_264 = tpu.memref_squeeze %dma_start3A_263 : memref<1x1x2x128xi32, #tpu.memory_space<hbm>> -> memref<2x128xi32, #tpu.memory_space<hbm>>
      %dma_start3A_265 = arith.constant 0 : i32
      %dma_start3A_266 = arith.constant 0 : i32
      %dma_start3A_267 = tpu.memref_slice %arg5[%dma_start3A_256, %dma_start3A_265, %dma_start3A_266] : memref<3x2x128xi32, #tpu.memory_space<vmem>> -> memref<1x2x128xi32, #tpu.memory_space<vmem>>
      %dma_start3A_268 = tpu.memref_squeeze %dma_start3A_267 : memref<1x2x128xi32, #tpu.memory_space<vmem>> -> memref<2x128xi32, #tpu.memory_space<vmem>>
      %dma_start3A_269 = arith.constant 0 : i32
      %dma_start3A_270 = arith.constant 0 : i32
      %dma_start3A_271 = tpu.memref_slice %arg3[%add3A, %add3A_255, %dma_start3A_269, %dma_start3A_270] : memref<32x81x2x128xi32, #tpu.memory_space<hbm>> -> memref<1x1x2x128xi32, #tpu.memory_space<hbm>>
      %dma_start3A_272 = tpu.memref_squeeze %dma_start3A_271 : memref<1x1x2x128xi32, #tpu.memory_space<hbm>> -> memref<2x128xi32, #tpu.memory_space<hbm>>
      tpu.enqueue_dma source(%dma_start3A_272 : memref<2x128xi32, #tpu.memory_space<hbm>>) target(%dma_start3A_268 : memref<2x128xi32, #tpu.memory_space<vmem>>) target_semaphore(%arg8 : memref<!tpu.dma_semaphore, #tpu.memory_space<semaphore_mem>>)
      %mul3A_273 = arith.constant 3 : i32
      %mul3A_274 = arith.muli %scan3A_201, %mul3A_273 : i32
      %add3A_275 = arith.constant 1 : i32
      %add3A_276 = arith.addi %mul3A_274, %add3A_275 : i32
      %dma_wait3A_277 = arith.constant 1 : i32
      %dma_wait3A_278 = arith.constant 0 : i32
      %dma_wait3A_279 = arith.constant 1 : i32
      %dma_wait3A_280 = arith.constant 0 : i32
      %dma_wait3A_281 = arith.constant 0 : i32
      %dma_wait3A_282 = tpu.memref_slice %arg6[%dma_wait3A_279, %dma_wait3A_280, %dma_wait3A_281] : memref<3x128x128xf32, #tpu.memory_space<vmem>> -> memref<1x128x128xf32, #tpu.memory_space<vmem>>
      %dma_wait3A_283 = tpu.memref_squeeze %dma_wait3A_282 : memref<1x128x128xf32, #tpu.memory_space<vmem>> -> memref<128x128xf32, #tpu.memory_space<vmem>>
      %dma_wait3A_284 = arith.constant 0 : i32
      %dma_wait3A_285 = tpu.memref_slice %arg5[%dma_wait3A_277, %dma_wait3A_278, %dma_wait3A_284] : memref<3x2x128xi32, #tpu.memory_space<vmem>> -> memref<1x1x128xi32, #tpu.memory_space<vmem>>
      %dma_wait3A_286 = tpu.memref_squeeze %dma_wait3A_285 : memref<1x1x128xi32, #tpu.memory_space<vmem>> -> memref<128xi32, #tpu.memory_space<vmem>>
      %dma_wait3A_287 = arith.constant 0 : i32
      %dma_wait3A_288 = arith.constant 0 : i32
      %dma_wait3A_289 = tpu.memref_slice %arg2[%dma_wait3A_287, %dma_wait3A_288] : memref<10112x128xf32, #tpu.memory_space<hbm>> -> memref<10112x128xf32, #tpu.memory_space<hbm>>
      tpu.wait_indirect_dma semaphore(%arg12 : memref<!tpu.dma_semaphore, #tpu.memory_space<semaphore_mem>>) src(%dma_wait3A_289 : memref<10112x128xf32, #tpu.memory_space<hbm>>) dst(%dma_wait3A_283 : memref<128x128xf32, #tpu.memory_space<vmem>>)
      %add3A_290 = arith.constant 2 : i32
      %add3A_291 = arith.addi %add3A_276, %add3A_290 : i32
      %dma_wait3A_292 = arith.constant 0 : i32
      %dma_wait3A_293 = arith.constant 0 : i32
      %dma_wait3A_294 = arith.constant 0 : i32
      %dma_wait3A_295 = tpu.memref_slice %arg5[%dma_wait3A_292, %dma_wait3A_293, %dma_wait3A_294] : memref<3x2x128xi32, #tpu.memory_space<vmem>> -> memref<1x2x128xi32, #tpu.memory_space<vmem>>
      %dma_wait3A_296 = tpu.memref_squeeze %dma_wait3A_295 : memref<1x2x128xi32, #tpu.memory_space<vmem>> -> memref<2x128xi32, #tpu.memory_space<vmem>>
      %dma_wait3A_297 = arith.constant 0 : i32
      %dma_wait3A_298 = arith.constant 0 : i32
      %dma_wait3A_299 = tpu.memref_slice %arg3[%add3A, %add3A_291, %dma_wait3A_297, %dma_wait3A_298] : memref<32x81x2x128xi32, #tpu.memory_space<hbm>> -> memref<1x1x2x128xi32, #tpu.memory_space<hbm>>
      %dma_wait3A_300 = tpu.memref_squeeze %dma_wait3A_299 : memref<1x1x2x128xi32, #tpu.memory_space<hbm>> -> memref<2x128xi32, #tpu.memory_space<hbm>>
      %dma_wait3A_301 = arith.constant 0 : i32
      %dma_wait3A_302 = arith.constant 0 : i32
      %dma_wait3A_303 = tpu.memref_slice %arg5[%dma_wait3A_292, %dma_wait3A_301, %dma_wait3A_302] : memref<3x2x128xi32, #tpu.memory_space<vmem>> -> memref<1x2x128xi32, #tpu.memory_space<vmem>>
      %dma_wait3A_304 = tpu.memref_squeeze %dma_wait3A_303 : memref<1x2x128xi32, #tpu.memory_space<vmem>> -> memref<2x128xi32, #tpu.memory_space<vmem>>
      %dma_wait3A_305 = arith.constant 0 : i32
      %dma_wait3A_306 = arith.constant 0 : i32
      %dma_wait3A_307 = tpu.memref_slice %arg3[%add3A, %add3A_291, %dma_wait3A_305, %dma_wait3A_306] : memref<32x81x2x128xi32, #tpu.memory_space<hbm>> -> memref<1x1x2x128xi32, #tpu.memory_space<hbm>>
      %dma_wait3A_308 = tpu.memref_squeeze %dma_wait3A_307 : memref<1x1x2x128xi32, #tpu.memory_space<hbm>> -> memref<2x128xi32, #tpu.memory_space<hbm>>
      tpu.wait_dma2 semaphore(%arg8 : memref<!tpu.dma_semaphore, #tpu.memory_space<semaphore_mem>>) src(%dma_wait3A_308 : memref<2x128xi32, #tpu.memory_space<hbm>>) dst(%dma_wait3A_304 : memref<2x128xi32, #tpu.memory_space<vmem>>)
      %dma_start3A_309 = arith.constant 0 : i32
      %dma_start3A_310 = arith.constant 0 : i32
      %dma_start3A_311 = arith.constant 0 : i32
      %dma_start3A_312 = arith.constant 0 : i32
      %dma_start3A_313 = arith.constant 0 : i32
      %dma_start3A_314 = tpu.memref_slice %arg6[%dma_start3A_311, %dma_start3A_312, %dma_start3A_313] : memref<3x128x128xf32, #tpu.memory_space<vmem>> -> memref<1x128x128xf32, #tpu.memory_space<vmem>>
      %dma_start3A_315 = tpu.memref_squeeze %dma_start3A_314 : memref<1x128x128xf32, #tpu.memory_space<vmem>> -> memref<128x128xf32, #tpu.memory_space<vmem>>
      %dma_start3A_316 = arith.constant 0 : i32
      %dma_start3A_317 = tpu.memref_slice %arg5[%dma_start3A_309, %dma_start3A_310, %dma_start3A_316] : memref<3x2x128xi32, #tpu.memory_space<vmem>> -> memref<1x1x128xi32, #tpu.memory_space<vmem>>
      %dma_start3A_318 = tpu.memref_squeeze %dma_start3A_317 : memref<1x1x128xi32, #tpu.memory_space<vmem>> -> memref<128xi32, #tpu.memory_space<vmem>>
      %dma_start3A_319 = arith.constant 0 : i32
      %dma_start3A_320 = arith.constant 0 : i32
      %dma_start3A_321 = tpu.memref_slice %arg2[%dma_start3A_319, %dma_start3A_320] : memref<10112x128xf32, #tpu.memory_space<hbm>> -> memref<10112x128xf32, #tpu.memory_space<hbm>>
      tpu.enqueue_indirect_dma source(%dma_start3A_321 : memref<10112x128xf32, #tpu.memory_space<hbm>>) target(%dma_start3A_315 : memref<128x128xf32, #tpu.memory_space<vmem>>) offsets(%dma_start3A_318 : memref<128xi32, #tpu.memory_space<vmem>>) semaphore(%arg11 : memref<!tpu.dma_semaphore, #tpu.memory_space<semaphore_mem>>)
      %run_scoped3A_322 = arith.constant 1 : i32
      %run_scoped3A_323 = arith.constant 1 : i32
      %run_scoped3A_324 = arith.constant 1 : i32
      "tpu.region"() ({
        %run_scoped3A_415 = tpu.sem_alloc : memref<!tpu.dma_semaphore, #tpu.memory_space<semaphore_mem>>
        %dma_start3A_416 = arith.constant 0 : i32
        %dma_start3A_417 = arith.constant 0 : i32
        %dma_start3A_418 = tpu.memref_slice %arg6[%run_scoped3A_322, %dma_start3A_416, %dma_start3A_417] : memref<3x128x128xf32, #tpu.memory_space<vmem>> -> memref<1x128x128xf32, #tpu.memory_space<vmem>>
        %dma_start3A_419 = tpu.memref_squeeze %dma_start3A_418 : memref<1x128x128xf32, #tpu.memory_space<vmem>> -> memref<128x128xf32, #tpu.memory_space<vmem>>
        %dma_start3A_420 = arith.constant 0 : i32
        %dma_start3A_421 = tpu.memref_slice %arg5[%run_scoped3A_323, %run_scoped3A_324, %dma_start3A_420] : memref<3x2x128xi32, #tpu.memory_space<vmem>> -> memref<1x1x128xi32, #tpu.memory_space<vmem>>
        %dma_start3A_422 = tpu.memref_squeeze %dma_start3A_421 : memref<1x1x128xi32, #tpu.memory_space<vmem>> -> memref<128xi32, #tpu.memory_space<vmem>>
        %dma_start3A_423 = arith.constant 0 : i32
        %dma_start3A_424 = arith.constant 0 : i32
        %dma_start3A_425 = tpu.memref_slice %arg7[%dma_start3A_423, %dma_start3A_424] : memref<10112x128xf32, #tpu.memory_space<vmem_shared>> -> memref<10112x128xf32, #tpu.memory_space<vmem_shared>>
        tpu.enqueue_indirect_dma source(%dma_start3A_419 : memref<128x128xf32, #tpu.memory_space<vmem>>) target(%dma_start3A_425 : memref<10112x128xf32, #tpu.memory_space<vmem_shared>>) offsets(%dma_start3A_422 : memref<128xi32, #tpu.memory_space<vmem>>) semaphore(%run_scoped3A_415 : memref<!tpu.dma_semaphore, #tpu.memory_space<semaphore_mem>>) {add = true}
        %dma_wait3A_426 = arith.constant 0 : i32
        %dma_wait3A_427 = arith.constant 0 : i32
        %dma_wait3A_428 = tpu.memref_slice %arg6[%run_scoped3A_322, %dma_wait3A_426, %dma_wait3A_427] : memref<3x128x128xf32, #tpu.memory_space<vmem>> -> memref<1x128x128xf32, #tpu.memory_space<vmem>>
        %dma_wait3A_429 = tpu.memref_squeeze %dma_wait3A_428 : memref<1x128x128xf32, #tpu.memory_space<vmem>> -> memref<128x128xf32, #tpu.memory_space<vmem>>
        %dma_wait3A_430 = arith.constant 0 : i32
        %dma_wait3A_431 = tpu.memref_slice %arg5[%run_scoped3A_323, %run_scoped3A_324, %dma_wait3A_430] : memref<3x2x128xi32, #tpu.memory_space<vmem>> -> memref<1x1x128xi32, #tpu.memory_space<vmem>>
        %dma_wait3A_432 = tpu.memref_squeeze %dma_wait3A_431 : memref<1x1x128xi32, #tpu.memory_space<vmem>> -> memref<128xi32, #tpu.memory_space<vmem>>
        %dma_wait3A_433 = arith.constant 0 : i32
        %dma_wait3A_434 = arith.constant 0 : i32
        %dma_wait3A_435 = tpu.memref_slice %arg7[%dma_wait3A_433, %dma_wait3A_434] : memref<10112x128xf32, #tpu.memory_space<vmem_shared>> -> memref<10112x128xf32, #tpu.memory_space<vmem_shared>>
        tpu.wait_indirect_dma semaphore(%run_scoped3A_415 : memref<!tpu.dma_semaphore, #tpu.memory_space<semaphore_mem>>) src(%dma_wait3A_429 : memref<128x128xf32, #tpu.memory_space<vmem>>) dst(%dma_wait3A_435 : memref<10112x128xf32, #tpu.memory_space<vmem_shared>>)
        tpu.yield
      }) : () -> ()
      %add3A_325 = arith.constant 3 : i32
      %add3A_326 = arith.addi %add3A_276, %add3A_325 : i32
      %dma_start3A_327 = arith.constant 1 : i32
      %dma_start3A_328 = arith.constant 0 : i32
      %dma_start3A_329 = arith.constant 0 : i32
      %dma_start3A_330 = tpu.memref_slice %arg5[%dma_start3A_327, %dma_start3A_328, %dma_start3A_329] : memref<3x2x128xi32, #tpu.memory_space<vmem>> -> memref<1x2x128xi32, #tpu.memory_space<vmem>>
      %dma_start3A_331 = tpu.memref_squeeze %dma_start3A_330 : memref<1x2x128xi32, #tpu.memory_space<vmem>> -> memref<2x128xi32, #tpu.memory_space<vmem>>
      %dma_start3A_332 = arith.constant 0 : i32
      %dma_start3A_333 = arith.constant 0 : i32
      %dma_start3A_334 = tpu.memref_slice %arg3[%add3A, %add3A_326, %dma_start3A_332, %dma_start3A_333] : memref<32x81x2x128xi32, #tpu.memory_space<hbm>> -> memref<1x1x2x128xi32, #tpu.memory_space<hbm>>
      %dma_start3A_335 = tpu.memref_squeeze %dma_start3A_334 : memref<1x1x2x128xi32, #tpu.memory_space<hbm>> -> memref<2x128xi32, #tpu.memory_space<hbm>>
      %dma_start3A_336 = arith.constant 0 : i32
      %dma_start3A_337 = arith.constant 0 : i32
      %dma_start3A_338 = tpu.memref_slice %arg5[%dma_start3A_327, %dma_start3A_336, %dma_start3A_337] : memref<3x2x128xi32, #tpu.memory_space<vmem>> -> memref<1x2x128xi32, #tpu.memory_space<vmem>>
      %dma_start3A_339 = tpu.memref_squeeze %dma_start3A_338 : memref<1x2x128xi32, #tpu.memory_space<vmem>> -> memref<2x128xi32, #tpu.memory_space<vmem>>
      %dma_start3A_340 = arith.constant 0 : i32
      %dma_start3A_341 = arith.constant 0 : i32
      %dma_start3A_342 = tpu.memref_slice %arg3[%add3A, %add3A_326, %dma_start3A_340, %dma_start3A_341] : memref<32x81x2x128xi32, #tpu.memory_space<hbm>> -> memref<1x1x2x128xi32, #tpu.memory_space<hbm>>
      %dma_start3A_343 = tpu.memref_squeeze %dma_start3A_342 : memref<1x1x2x128xi32, #tpu.memory_space<hbm>> -> memref<2x128xi32, #tpu.memory_space<hbm>>
      tpu.enqueue_dma source(%dma_start3A_343 : memref<2x128xi32, #tpu.memory_space<hbm>>) target(%dma_start3A_339 : memref<2x128xi32, #tpu.memory_space<vmem>>) target_semaphore(%arg9 : memref<!tpu.dma_semaphore, #tpu.memory_space<semaphore_mem>>)
      %mul3A_344 = arith.constant 3 : i32
      %mul3A_345 = arith.muli %scan3A_201, %mul3A_344 : i32
      %add3A_346 = arith.constant 2 : i32
      %add3A_347 = arith.addi %mul3A_345, %add3A_346 : i32
      %dma_wait3A_348 = arith.constant 2 : i32
      %dma_wait3A_349 = arith.constant 0 : i32
      %dma_wait3A_350 = arith.constant 2 : i32
      %dma_wait3A_351 = arith.constant 0 : i32
      %dma_wait3A_352 = arith.constant 0 : i32
      %dma_wait3A_353 = tpu.memref_slice %arg6[%dma_wait3A_350, %dma_wait3A_351, %dma_wait3A_352] : memref<3x128x128xf32, #tpu.memory_space<vmem>> -> memref<1x128x128xf32, #tpu.memory_space<vmem>>
      %dma_wait3A_354 = tpu.memref_squeeze %dma_wait3A_353 : memref<1x128x128xf32, #tpu.memory_space<vmem>> -> memref<128x128xf32, #tpu.memory_space<vmem>>
      %dma_wait3A_355 = arith.constant 0 : i32
      %dma_wait3A_356 = tpu.memref_slice %arg5[%dma_wait3A_348, %dma_wait3A_349, %dma_wait3A_355] : memref<3x2x128xi32, #tpu.memory_space<vmem>> -> memref<1x1x128xi32, #tpu.memory_space<vmem>>
      %dma_wait3A_357 = tpu.memref_squeeze %dma_wait3A_356 : memref<1x1x128xi32, #tpu.memory_space<vmem>> -> memref<128xi32, #tpu.memory_space<vmem>>
      %dma_wait3A_358 = arith.constant 0 : i32
      %dma_wait3A_359 = arith.constant 0 : i32
      %dma_wait3A_360 = tpu.memref_slice %arg2[%dma_wait3A_358, %dma_wait3A_359] : memref<10112x128xf32, #tpu.memory_space<hbm>> -> memref<10112x128xf32, #tpu.memory_space<hbm>>
      tpu.wait_indirect_dma semaphore(%arg13 : memref<!tpu.dma_semaphore, #tpu.memory_space<semaphore_mem>>) src(%dma_wait3A_360 : memref<10112x128xf32, #tpu.memory_space<hbm>>) dst(%dma_wait3A_354 : memref<128x128xf32, #tpu.memory_space<vmem>>)
      %add3A_361 = arith.constant 2 : i32
      %add3A_362 = arith.addi %add3A_347, %add3A_361 : i32
      %dma_wait3A_363 = arith.constant 1 : i32
      %dma_wait3A_364 = arith.constant 0 : i32
      %dma_wait3A_365 = arith.constant 0 : i32
      %dma_wait3A_366 = tpu.memref_slice %arg5[%dma_wait3A_363, %dma_wait3A_364, %dma_wait3A_365] : memref<3x2x128xi32, #tpu.memory_space<vmem>> -> memref<1x2x128xi32, #tpu.memory_space<vmem>>
      %dma_wait3A_367 = tpu.memref_squeeze %dma_wait3A_366 : memref<1x2x128xi32, #tpu.memory_space<vmem>> -> memref<2x128xi32, #tpu.memory_space<vmem>>
      %dma_wait3A_368 = arith.constant 0 : i32
      %dma_wait3A_369 = arith.constant 0 : i32
      %dma_wait3A_370 = tpu.memref_slice %arg3[%add3A, %add3A_362, %dma_wait3A_368, %dma_wait3A_369] : memref<32x81x2x128xi32, #tpu.memory_space<hbm>> -> memref<1x1x2x128xi32, #tpu.memory_space<hbm>>
      %dma_wait3A_371 = tpu.memref_squeeze %dma_wait3A_370 : memref<1x1x2x128xi32, #tpu.memory_space<hbm>> -> memref<2x128xi32, #tpu.memory_space<hbm>>
      %dma_wait3A_372 = arith.constant 0 : i32
      %dma_wait3A_373 = arith.constant 0 : i32
      %dma_wait3A_374 = tpu.memref_slice %arg5[%dma_wait3A_363, %dma_wait3A_372, %dma_wait3A_373] : memref<3x2x128xi32, #tpu.memory_space<vmem>> -> memref<1x2x128xi32, #tpu.memory_space<vmem>>
      %dma_wait3A_375 = tpu.memref_squeeze %dma_wait3A_374 : memref<1x2x128xi32, #tpu.memory_space<vmem>> -> memref<2x128xi32, #tpu.memory_space<vmem>>
      %dma_wait3A_376 = arith.constant 0 : i32
      %dma_wait3A_377 = arith.constant 0 : i32
      %dma_wait3A_378 = tpu.memref_slice %arg3[%add3A, %add3A_362, %dma_wait3A_376, %dma_wait3A_377] : memref<32x81x2x128xi32, #tpu.memory_space<hbm>> -> memref<1x1x2x128xi32, #tpu.memory_space<hbm>>
      %dma_wait3A_379 = tpu.memref_squeeze %dma_wait3A_378 : memref<1x1x2x128xi32, #tpu.memory_space<hbm>> -> memref<2x128xi32, #tpu.memory_space<hbm>>
      tpu.wait_dma2 semaphore(%arg9 : memref<!tpu.dma_semaphore, #tpu.memory_space<semaphore_mem>>) src(%dma_wait3A_379 : memref<2x128xi32, #tpu.memory_space<hbm>>) dst(%dma_wait3A_375 : memref<2x128xi32, #tpu.memory_space<vmem>>)
      %dma_start3A_380 = arith.constant 1 : i32
      %dma_start3A_381 = arith.constant 0 : i32
      %dma_start3A_382 = arith.constant 1 : i32
      %dma_start3A_383 = arith.constant 0 : i32
      %dma_start3A_384 = arith.constant 0 : i32
      %dma_start3A_385 = tpu.memref_slice %arg6[%dma_start3A_382, %dma_start3A_383, %dma_start3A_384] : memref<3x128x128xf32, #tpu.memory_space<vmem>> -> memref<1x128x128xf32, #tpu.memory_space<vmem>>
      %dma_start3A_386 = tpu.memref_squeeze %dma_start3A_385 : memref<1x128x128xf32, #tpu.memory_space<vmem>> -> memref<128x128xf32, #tpu.memory_space<vmem>>
      %dma_start3A_387 = arith.constant 0 : i32
      %dma_start3A_388 = tpu.memref_slice %arg5[%dma_start3A_380, %dma_start3A_381, %dma_start3A_387] : memref<3x2x128xi32, #tpu.memory_space<vmem>> -> memref<1x1x128xi32, #tpu.memory_space<vmem>>
      %dma_start3A_389 = tpu.memref_squeeze %dma_start3A_388 : memref<1x1x128xi32, #tpu.memory_space<vmem>> -> memref<128xi32, #tpu.memory_space<vmem>>
      %dma_start3A_390 = arith.constant 0 : i32
      %dma_start3A_391 = arith.constant 0 : i32
      %dma_start3A_392 = tpu.memref_slice %arg2[%dma_start3A_390, %dma_start3A_391] : memref<10112x128xf32, #tpu.memory_space<hbm>> -> memref<10112x128xf32, #tpu.memory_space<hbm>>
      tpu.enqueue_indirect_dma source(%dma_start3A_392 : memref<10112x128xf32, #tpu.memory_space<hbm>>) target(%dma_start3A_386 : memref<128x128xf32, #tpu.memory_space<vmem>>) offsets(%dma_start3A_389 : memref<128xi32, #tpu.memory_space<vmem>>) semaphore(%arg12 : memref<!tpu.dma_semaphore, #tpu.memory_space<semaphore_mem>>)
      %run_scoped3A_393 = arith.constant 2 : i32
      %run_scoped3A_394 = arith.constant 2 : i32
      %run_scoped3A_395 = arith.constant 1 : i32
      "tpu.region"() ({
        %run_scoped3A_415 = tpu.sem_alloc : memref<!tpu.dma_semaphore, #tpu.memory_space<semaphore_mem>>
        %dma_start3A_416 = arith.constant 0 : i32
        %dma_start3A_417 = arith.constant 0 : i32
        %dma_start3A_418 = tpu.memref_slice %arg6[%run_scoped3A_393, %dma_start3A_416, %dma_start3A_417] : memref<3x128x128xf32, #tpu.memory_space<vmem>> -> memref<1x128x128xf32, #tpu.memory_space<vmem>>
        %dma_start3A_419 = tpu.memref_squeeze %dma_start3A_418 : memref<1x128x128xf32, #tpu.memory_space<vmem>> -> memref<128x128xf32, #tpu.memory_space<vmem>>
        %dma_start3A_420 = arith.constant 0 : i32
        %dma_start3A_421 = tpu.memref_slice %arg5[%run_scoped3A_394, %run_scoped3A_395, %dma_start3A_420] : memref<3x2x128xi32, #tpu.memory_space<vmem>> -> memref<1x1x128xi32, #tpu.memory_space<vmem>>
        %dma_start3A_422 = tpu.memref_squeeze %dma_start3A_421 : memref<1x1x128xi32, #tpu.memory_space<vmem>> -> memref<128xi32, #tpu.memory_space<vmem>>
        %dma_start3A_423 = arith.constant 0 : i32
        %dma_start3A_424 = arith.constant 0 : i32
        %dma_start3A_425 = tpu.memref_slice %arg7[%dma_start3A_423, %dma_start3A_424] : memref<10112x128xf32, #tpu.memory_space<vmem_shared>> -> memref<10112x128xf32, #tpu.memory_space<vmem_shared>>
        tpu.enqueue_indirect_dma source(%dma_start3A_419 : memref<128x128xf32, #tpu.memory_space<vmem>>) target(%dma_start3A_425 : memref<10112x128xf32, #tpu.memory_space<vmem_shared>>) offsets(%dma_start3A_422 : memref<128xi32, #tpu.memory_space<vmem>>) semaphore(%run_scoped3A_415 : memref<!tpu.dma_semaphore, #tpu.memory_space<semaphore_mem>>) {add = true}
        %dma_wait3A_426 = arith.constant 0 : i32
        %dma_wait3A_427 = arith.constant 0 : i32
        %dma_wait3A_428 = tpu.memref_slice %arg6[%run_scoped3A_393, %dma_wait3A_426, %dma_wait3A_427] : memref<3x128x128xf32, #tpu.memory_space<vmem>> -> memref<1x128x128xf32, #tpu.memory_space<vmem>>
        %dma_wait3A_429 = tpu.memref_squeeze %dma_wait3A_428 : memref<1x128x128xf32, #tpu.memory_space<vmem>> -> memref<128x128xf32, #tpu.memory_space<vmem>>
        %dma_wait3A_430 = arith.constant 0 : i32
        %dma_wait3A_431 = tpu.memref_slice %arg5[%run_scoped3A_394, %run_scoped3A_395, %dma_wait3A_430] : memref<3x2x128xi32, #tpu.memory_space<vmem>> -> memref<1x1x128xi32, #tpu.memory_space<vmem>>
        %dma_wait3A_432 = tpu.memref_squeeze %dma_wait3A_431 : memref<1x1x128xi32, #tpu.memory_space<vmem>> -> memref<128xi32, #tpu.memory_space<vmem>>
        %dma_wait3A_433 = arith.constant 0 : i32
        %dma_wait3A_434 = arith.constant 0 : i32
        %dma_wait3A_435 = tpu.memref_slice %arg7[%dma_wait3A_433, %dma_wait3A_434] : memref<10112x128xf32, #tpu.memory_space<vmem_shared>> -> memref<10112x128xf32, #tpu.memory_space<vmem_shared>>
        tpu.wait_indirect_dma semaphore(%run_scoped3A_415 : memref<!tpu.dma_semaphore, #tpu.memory_space<semaphore_mem>>) src(%dma_wait3A_429 : memref<128x128xf32, #tpu.memory_space<vmem>>) dst(%dma_wait3A_435 : memref<10112x128xf32, #tpu.memory_space<vmem_shared>>)
        tpu.yield
      }) : () -> ()
      %add3A_396 = arith.constant 3 : i32
      %add3A_397 = arith.addi %add3A_347, %add3A_396 : i32
      %dma_start3A_398 = arith.constant 2 : i32
      %dma_start3A_399 = arith.constant 0 : i32
      %dma_start3A_400 = arith.constant 0 : i32
      %dma_start3A_401 = tpu.memref_slice %arg5[%dma_start3A_398, %dma_start3A_399, %dma_start3A_400] : memref<3x2x128xi32, #tpu.memory_space<vmem>> -> memref<1x2x128xi32, #tpu.memory_space<vmem>>
      %dma_start3A_402 = tpu.memref_squeeze %dma_start3A_401 : memref<1x2x128xi32, #tpu.memory_space<vmem>> -> memref<2x128xi32, #tpu.memory_space<vmem>>
      %dma_start3A_403 = arith.constant 0 : i32
      %dma_start3A_404 = arith.constant 0 : i32
      %dma_start3A_405 = tpu.memref_slice %arg3[%add3A, %add3A_397, %dma_start3A_403, %dma_start3A_404] : memref<32x81x2x128xi32, #tpu.memory_space<hbm>> -> memref<1x1x2x128xi32, #tpu.memory_space<hbm>>
      %dma_start3A_406 = tpu.memref_squeeze %dma_start3A_405 : memref<1x1x2x128xi32, #tpu.memory_space<hbm>> -> memref<2x128xi32, #tpu.memory_space<hbm>>
      %dma_start3A_407 = arith.constant 0 : i32
      %dma_start3A_408 = arith.constant 0 : i32
      %dma_start3A_409 = tpu.memref_slice %arg5[%dma_start3A_398, %dma_start3A_407, %dma_start3A_408] : memref<3x2x128xi32, #tpu.memory_space<vmem>> -> memref<1x2x128xi32, #tpu.memory_space<vmem>>
      %dma_start3A_410 = tpu.memref_squeeze %dma_start3A_409 : memref<1x2x128xi32, #tpu.memory_space<vmem>> -> memref<2x128xi32, #tpu.memory_space<vmem>>
      %dma_start3A_411 = arith.constant 0 : i32
      %dma_start3A_412 = arith.constant 0 : i32
      %dma_start3A_413 = tpu.memref_slice %arg3[%add3A, %add3A_397, %dma_start3A_411, %dma_start3A_412] : memref<32x81x2x128xi32, #tpu.memory_space<hbm>> -> memref<1x1x2x128xi32, #tpu.memory_space<hbm>>
      %dma_start3A_414 = tpu.memref_squeeze %dma_start3A_413 : memref<1x1x2x128xi32, #tpu.memory_space<hbm>> -> memref<2x128xi32, #tpu.memory_space<hbm>>
      tpu.enqueue_dma source(%dma_start3A_414 : memref<2x128xi32, #tpu.memory_space<hbm>>) target(%dma_start3A_410 : memref<2x128xi32, #tpu.memory_space<vmem>>) target_semaphore(%arg10 : memref<!tpu.dma_semaphore, #tpu.memory_space<semaphore_mem>>)
    }
    %scan3A_121 = arith.constant 26 : i32
    %dma_wait3A_122 = arith.constant 0 : i32
    %dma_wait3A_123 = arith.constant 0 : i32
    %dma_wait3A_124 = arith.constant 0 : i32
    %dma_wait3A_125 = arith.constant 0 : i32
    %dma_wait3A_126 = arith.constant 0 : i32
    %dma_wait3A_127 = tpu.memref_slice %arg6[%dma_wait3A_124, %dma_wait3A_125, %dma_wait3A_126] : memref<3x128x128xf32, #tpu.memory_space<vmem>> -> memref<1x128x128xf32, #tpu.memory_space<vmem>>
    %dma_wait3A_128 = tpu.memref_squeeze %dma_wait3A_127 : memref<1x128x128xf32, #tpu.memory_space<vmem>> -> memref<128x128xf32, #tpu.memory_space<vmem>>
    %dma_wait3A_129 = arith.constant 0 : i32
    %dma_wait3A_130 = tpu.memref_slice %arg5[%dma_wait3A_122, %dma_wait3A_123, %dma_wait3A_129] : memref<3x2x128xi32, #tpu.memory_space<vmem>> -> memref<1x1x128xi32, #tpu.memory_space<vmem>>
    %dma_wait3A_131 = tpu.memref_squeeze %dma_wait3A_130 : memref<1x1x128xi32, #tpu.memory_space<vmem>> -> memref<128xi32, #tpu.memory_space<vmem>>
    %dma_wait3A_132 = arith.constant 0 : i32
    %dma_wait3A_133 = arith.constant 0 : i32
    %dma_wait3A_134 = tpu.memref_slice %arg2[%dma_wait3A_132, %dma_wait3A_133] : memref<10112x128xf32, #tpu.memory_space<hbm>> -> memref<10112x128xf32, #tpu.memory_space<hbm>>
    tpu.wait_indirect_dma semaphore(%arg11 : memref<!tpu.dma_semaphore, #tpu.memory_space<semaphore_mem>>) src(%dma_wait3A_134 : memref<10112x128xf32, #tpu.memory_space<hbm>>) dst(%dma_wait3A_128 : memref<128x128xf32, #tpu.memory_space<vmem>>)
    %dma_wait3A_135 = arith.constant 80 : i32
    %dma_wait3A_136 = arith.constant 2 : i32
    %dma_wait3A_137 = arith.constant 0 : i32
    %dma_wait3A_138 = arith.constant 0 : i32
    %dma_wait3A_139 = tpu.memref_slice %arg5[%dma_wait3A_136, %dma_wait3A_137, %dma_wait3A_138] : memref<3x2x128xi32, #tpu.memory_space<vmem>> -> memref<1x2x128xi32, #tpu.memory_space<vmem>>
    %dma_wait3A_140 = tpu.memref_squeeze %dma_wait3A_139 : memref<1x2x128xi32, #tpu.memory_space<vmem>> -> memref<2x128xi32, #tpu.memory_space<vmem>>
    %dma_wait3A_141 = arith.constant 0 : i32
    %dma_wait3A_142 = arith.constant 0 : i32
    %dma_wait3A_143 = tpu.memref_slice %arg3[%add3A, %dma_wait3A_135, %dma_wait3A_141, %dma_wait3A_142] : memref<32x81x2x128xi32, #tpu.memory_space<hbm>> -> memref<1x1x2x128xi32, #tpu.memory_space<hbm>>
    %dma_wait3A_144 = tpu.memref_squeeze %dma_wait3A_143 : memref<1x1x2x128xi32, #tpu.memory_space<hbm>> -> memref<2x128xi32, #tpu.memory_space<hbm>>
    %dma_wait3A_145 = arith.constant 0 : i32
    %dma_wait3A_146 = arith.constant 0 : i32
    %dma_wait3A_147 = tpu.memref_slice %arg5[%dma_wait3A_136, %dma_wait3A_145, %dma_wait3A_146] : memref<3x2x128xi32, #tpu.memory_space<vmem>> -> memref<1x2x128xi32, #tpu.memory_space<vmem>>
    %dma_wait3A_148 = tpu.memref_squeeze %dma_wait3A_147 : memref<1x2x128xi32, #tpu.memory_space<vmem>> -> memref<2x128xi32, #tpu.memory_space<vmem>>
    %dma_wait3A_149 = arith.constant 0 : i32
    %dma_wait3A_150 = arith.constant 0 : i32
    %dma_wait3A_151 = tpu.memref_slice %arg3[%add3A, %dma_wait3A_135, %dma_wait3A_149, %dma_wait3A_150] : memref<32x81x2x128xi32, #tpu.memory_space<hbm>> -> memref<1x1x2x128xi32, #tpu.memory_space<hbm>>
    %dma_wait3A_152 = tpu.memref_squeeze %dma_wait3A_151 : memref<1x1x2x128xi32, #tpu.memory_space<hbm>> -> memref<2x128xi32, #tpu.memory_space<hbm>>
    tpu.wait_dma2 semaphore(%arg10 : memref<!tpu.dma_semaphore, #tpu.memory_space<semaphore_mem>>) src(%dma_wait3A_152 : memref<2x128xi32, #tpu.memory_space<hbm>>) dst(%dma_wait3A_148 : memref<2x128xi32, #tpu.memory_space<vmem>>)
    %dma_start3A_153 = arith.constant 2 : i32
    %dma_start3A_154 = arith.constant 0 : i32
    %dma_start3A_155 = arith.constant 2 : i32
    %dma_start3A_156 = arith.constant 0 : i32
    %dma_start3A_157 = arith.constant 0 : i32
    %dma_start3A_158 = tpu.memref_slice %arg6[%dma_start3A_155, %dma_start3A_156, %dma_start3A_157] : memref<3x128x128xf32, #tpu.memory_space<vmem>> -> memref<1x128x128xf32, #tpu.memory_space<vmem>>
    %dma_start3A_159 = tpu.memref_squeeze %dma_start3A_158 : memref<1x128x128xf32, #tpu.memory_space<vmem>> -> memref<128x128xf32, #tpu.memory_space<vmem>>
    %dma_start3A_160 = arith.constant 0 : i32
    %dma_start3A_161 = tpu.memref_slice %arg5[%dma_start3A_153, %dma_start3A_154, %dma_start3A_160] : memref<3x2x128xi32, #tpu.memory_space<vmem>> -> memref<1x1x128xi32, #tpu.memory_space<vmem>>
    %dma_start3A_162 = tpu.memref_squeeze %dma_start3A_161 : memref<1x1x128xi32, #tpu.memory_space<vmem>> -> memref<128xi32, #tpu.memory_space<vmem>>
    %dma_start3A_163 = arith.constant 0 : i32
    %dma_start3A_164 = arith.constant 0 : i32
    %dma_start3A_165 = tpu.memref_slice %arg2[%dma_start3A_163, %dma_start3A_164] : memref<10112x128xf32, #tpu.memory_space<hbm>> -> memref<10112x128xf32, #tpu.memory_space<hbm>>
    tpu.enqueue_indirect_dma source(%dma_start3A_165 : memref<10112x128xf32, #tpu.memory_space<hbm>>) target(%dma_start3A_159 : memref<128x128xf32, #tpu.memory_space<vmem>>) offsets(%dma_start3A_162 : memref<128xi32, #tpu.memory_space<vmem>>) semaphore(%arg13 : memref<!tpu.dma_semaphore, #tpu.memory_space<semaphore_mem>>)
    %run_scoped3A = arith.constant 0 : i32
    %run_scoped3A_166 = arith.constant 0 : i32
    %run_scoped3A_167 = arith.constant 1 : i32
    "tpu.region"() ({
      %run_scoped3A_201 = tpu.sem_alloc : memref<!tpu.dma_semaphore, #tpu.memory_space<semaphore_mem>>
      %dma_start3A_202 = arith.constant 0 : i32
      %dma_start3A_203 = arith.constant 0 : i32
      %dma_start3A_204 = tpu.memref_slice %arg6[%run_scoped3A, %dma_start3A_202, %dma_start3A_203] : memref<3x128x128xf32, #tpu.memory_space<vmem>> -> memref<1x128x128xf32, #tpu.memory_space<vmem>>
      %dma_start3A_205 = tpu.memref_squeeze %dma_start3A_204 : memref<1x128x128xf32, #tpu.memory_space<vmem>> -> memref<128x128xf32, #tpu.memory_space<vmem>>
      %dma_start3A_206 = arith.constant 0 : i32
      %dma_start3A_207 = tpu.memref_slice %arg5[%run_scoped3A_166, %run_scoped3A_167, %dma_start3A_206] : memref<3x2x128xi32, #tpu.memory_space<vmem>> -> memref<1x1x128xi32, #tpu.memory_space<vmem>>
      %dma_start3A_208 = tpu.memref_squeeze %dma_start3A_207 : memref<1x1x128xi32, #tpu.memory_space<vmem>> -> memref<128xi32, #tpu.memory_space<vmem>>
      %dma_start3A_209 = arith.constant 0 : i32
      %dma_start3A_210 = arith.constant 0 : i32
      %dma_start3A_211 = tpu.memref_slice %arg7[%dma_start3A_209, %dma_start3A_210] : memref<10112x128xf32, #tpu.memory_space<vmem_shared>> -> memref<10112x128xf32, #tpu.memory_space<vmem_shared>>
      tpu.enqueue_indirect_dma source(%dma_start3A_205 : memref<128x128xf32, #tpu.memory_space<vmem>>) target(%dma_start3A_211 : memref<10112x128xf32, #tpu.memory_space<vmem_shared>>) offsets(%dma_start3A_208 : memref<128xi32, #tpu.memory_space<vmem>>) semaphore(%run_scoped3A_201 : memref<!tpu.dma_semaphore, #tpu.memory_space<semaphore_mem>>) {add = true}
      %dma_wait3A_212 = arith.constant 0 : i32
      %dma_wait3A_213 = arith.constant 0 : i32
      %dma_wait3A_214 = tpu.memref_slice %arg6[%run_scoped3A, %dma_wait3A_212, %dma_wait3A_213] : memref<3x128x128xf32, #tpu.memory_space<vmem>> -> memref<1x128x128xf32, #tpu.memory_space<vmem>>
      %dma_wait3A_215 = tpu.memref_squeeze %dma_wait3A_214 : memref<1x128x128xf32, #tpu.memory_space<vmem>> -> memref<128x128xf32, #tpu.memory_space<vmem>>
      %dma_wait3A_216 = arith.constant 0 : i32
      %dma_wait3A_217 = tpu.memref_slice %arg5[%run_scoped3A_166, %run_scoped3A_167, %dma_wait3A_216] : memref<3x2x128xi32, #tpu.memory_space<vmem>> -> memref<1x1x128xi32, #tpu.memory_space<vmem>>
      %dma_wait3A_218 = tpu.memref_squeeze %dma_wait3A_217 : memref<1x1x128xi32, #tpu.memory_space<vmem>> -> memref<128xi32, #tpu.memory_space<vmem>>
      %dma_wait3A_219 = arith.constant 0 : i32
      %dma_wait3A_220 = arith.constant 0 : i32
      %dma_wait3A_221 = tpu.memref_slice %arg7[%dma_wait3A_219, %dma_wait3A_220] : memref<10112x128xf32, #tpu.memory_space<vmem_shared>> -> memref<10112x128xf32, #tpu.memory_space<vmem_shared>>
      tpu.wait_indirect_dma semaphore(%run_scoped3A_201 : memref<!tpu.dma_semaphore, #tpu.memory_space<semaphore_mem>>) src(%dma_wait3A_215 : memref<128x128xf32, #tpu.memory_space<vmem>>) dst(%dma_wait3A_221 : memref<10112x128xf32, #tpu.memory_space<vmem_shared>>)
      tpu.yield
    }) : () -> ()
    %dma_wait3A_168 = arith.constant 1 : i32
    %dma_wait3A_169 = arith.constant 0 : i32
    %dma_wait3A_170 = arith.constant 1 : i32
    %dma_wait3A_171 = arith.constant 0 : i32
    %dma_wait3A_172 = arith.constant 0 : i32
    %dma_wait3A_173 = tpu.memref_slice %arg6[%dma_wait3A_170, %dma_wait3A_171, %dma_wait3A_172] : memref<3x128x128xf32, #tpu.memory_space<vmem>> -> memref<1x128x128xf32, #tpu.memory_space<vmem>>
    %dma_wait3A_174 = tpu.memref_squeeze %dma_wait3A_173 : memref<1x128x128xf32, #tpu.memory_space<vmem>> -> memref<128x128xf32, #tpu.memory_space<vmem>>
    %dma_wait3A_175 = arith.constant 0 : i32
    %dma_wait3A_176 = tpu.memref_slice %arg5[%dma_wait3A_168, %dma_wait3A_169, %dma_wait3A_175] : memref<3x2x128xi32, #tpu.memory_space<vmem>> -> memref<1x1x128xi32, #tpu.memory_space<vmem>>
    %dma_wait3A_177 = tpu.memref_squeeze %dma_wait3A_176 : memref<1x1x128xi32, #tpu.memory_space<vmem>> -> memref<128xi32, #tpu.memory_space<vmem>>
    %dma_wait3A_178 = arith.constant 0 : i32
    %dma_wait3A_179 = arith.constant 0 : i32
    %dma_wait3A_180 = tpu.memref_slice %arg2[%dma_wait3A_178, %dma_wait3A_179] : memref<10112x128xf32, #tpu.memory_space<hbm>> -> memref<10112x128xf32, #tpu.memory_space<hbm>>
    tpu.wait_indirect_dma semaphore(%arg12 : memref<!tpu.dma_semaphore, #tpu.memory_space<semaphore_mem>>) src(%dma_wait3A_180 : memref<10112x128xf32, #tpu.memory_space<hbm>>) dst(%dma_wait3A_174 : memref<128x128xf32, #tpu.memory_space<vmem>>)
    %run_scoped3A_181 = arith.constant 1 : i32
    %run_scoped3A_182 = arith.constant 1 : i32
    %run_scoped3A_183 = arith.constant 1 : i32
    "tpu.region"() ({
      %run_scoped3A_201 = tpu.sem_alloc : memref<!tpu.dma_semaphore, #tpu.memory_space<semaphore_mem>>
      %dma_start3A_202 = arith.constant 0 : i32
      %dma_start3A_203 = arith.constant 0 : i32
      %dma_start3A_204 = tpu.memref_slice %arg6[%run_scoped3A_181, %dma_start3A_202, %dma_start3A_203] : memref<3x128x128xf32, #tpu.memory_space<vmem>> -> memref<1x128x128xf32, #tpu.memory_space<vmem>>
      %dma_start3A_205 = tpu.memref_squeeze %dma_start3A_204 : memref<1x128x128xf32, #tpu.memory_space<vmem>> -> memref<128x128xf32, #tpu.memory_space<vmem>>
      %dma_start3A_206 = arith.constant 0 : i32
      %dma_start3A_207 = tpu.memref_slice %arg5[%run_scoped3A_182, %run_scoped3A_183, %dma_start3A_206] : memref<3x2x128xi32, #tpu.memory_space<vmem>> -> memref<1x1x128xi32, #tpu.memory_space<vmem>>
      %dma_start3A_208 = tpu.memref_squeeze %dma_start3A_207 : memref<1x1x128xi32, #tpu.memory_space<vmem>> -> memref<128xi32, #tpu.memory_space<vmem>>
      %dma_start3A_209 = arith.constant 0 : i32
      %dma_start3A_210 = arith.constant 0 : i32
      %dma_start3A_211 = tpu.memref_slice %arg7[%dma_start3A_209, %dma_start3A_210] : memref<10112x128xf32, #tpu.memory_space<vmem_shared>> -> memref<10112x128xf32, #tpu.memory_space<vmem_shared>>
      tpu.enqueue_indirect_dma source(%dma_start3A_205 : memref<128x128xf32, #tpu.memory_space<vmem>>) target(%dma_start3A_211 : memref<10112x128xf32, #tpu.memory_space<vmem_shared>>) offsets(%dma_start3A_208 : memref<128xi32, #tpu.memory_space<vmem>>) semaphore(%run_scoped3A_201 : memref<!tpu.dma_semaphore, #tpu.memory_space<semaphore_mem>>) {add = true}
      %dma_wait3A_212 = arith.constant 0 : i32
      %dma_wait3A_213 = arith.constant 0 : i32
      %dma_wait3A_214 = tpu.memref_slice %arg6[%run_scoped3A_181, %dma_wait3A_212, %dma_wait3A_213] : memref<3x128x128xf32, #tpu.memory_space<vmem>> -> memref<1x128x128xf32, #tpu.memory_space<vmem>>
      %dma_wait3A_215 = tpu.memref_squeeze %dma_wait3A_214 : memref<1x128x128xf32, #tpu.memory_space<vmem>> -> memref<128x128xf32, #tpu.memory_space<vmem>>
      %dma_wait3A_216 = arith.constant 0 : i32
      %dma_wait3A_217 = tpu.memref_slice %arg5[%run_scoped3A_182, %run_scoped3A_183, %dma_wait3A_216] : memref<3x2x128xi32, #tpu.memory_space<vmem>> -> memref<1x1x128xi32, #tpu.memory_space<vmem>>
      %dma_wait3A_218 = tpu.memref_squeeze %dma_wait3A_217 : memref<1x1x128xi32, #tpu.memory_space<vmem>> -> memref<128xi32, #tpu.memory_space<vmem>>
      %dma_wait3A_219 = arith.constant 0 : i32
      %dma_wait3A_220 = arith.constant 0 : i32
      %dma_wait3A_221 = tpu.memref_slice %arg7[%dma_wait3A_219, %dma_wait3A_220] : memref<10112x128xf32, #tpu.memory_space<vmem_shared>> -> memref<10112x128xf32, #tpu.memory_space<vmem_shared>>
      tpu.wait_indirect_dma semaphore(%run_scoped3A_201 : memref<!tpu.dma_semaphore, #tpu.memory_space<semaphore_mem>>) src(%dma_wait3A_215 : memref<128x128xf32, #tpu.memory_space<vmem>>) dst(%dma_wait3A_221 : memref<10112x128xf32, #tpu.memory_space<vmem_shared>>)
      tpu.yield
    }) : () -> ()
    %dma_wait3A_184 = arith.constant 2 : i32
    %dma_wait3A_185 = arith.constant 0 : i32
    %dma_wait3A_186 = arith.constant 2 : i32
    %dma_wait3A_187 = arith.constant 0 : i32
    %dma_wait3A_188 = arith.constant 0 : i32
    %dma_wait3A_189 = tpu.memref_slice %arg6[%dma_wait3A_186, %dma_wait3A_187, %dma_wait3A_188] : memref<3x128x128xf32, #tpu.memory_space<vmem>> -> memref<1x128x128xf32, #tpu.memory_space<vmem>>
    %dma_wait3A_190 = tpu.memref_squeeze %dma_wait3A_189 : memref<1x128x128xf32, #tpu.memory_space<vmem>> -> memref<128x128xf32, #tpu.memory_space<vmem>>
    %dma_wait3A_191 = arith.constant 0 : i32
    %dma_wait3A_192 = tpu.memref_slice %arg5[%dma_wait3A_184, %dma_wait3A_185, %dma_wait3A_191] : memref<3x2x128xi32, #tpu.memory_space<vmem>> -> memref<1x1x128xi32, #tpu.memory_space<vmem>>
    %dma_wait3A_193 = tpu.memref_squeeze %dma_wait3A_192 : memref<1x1x128xi32, #tpu.memory_space<vmem>> -> memref<128xi32, #tpu.memory_space<vmem>>
    %dma_wait3A_194 = arith.constant 0 : i32
    %dma_wait3A_195 = arith.constant 0 : i32
    %dma_wait3A_196 = tpu.memref_slice %arg2[%dma_wait3A_194, %dma_wait3A_195] : memref<10112x128xf32, #tpu.memory_space<hbm>> -> memref<10112x128xf32, #tpu.memory_space<hbm>>
    tpu.wait_indirect_dma semaphore(%arg13 : memref<!tpu.dma_semaphore, #tpu.memory_space<semaphore_mem>>) src(%dma_wait3A_196 : memref<10112x128xf32, #tpu.memory_space<hbm>>) dst(%dma_wait3A_190 : memref<128x128xf32, #tpu.memory_space<vmem>>)
    %run_scoped3A_197 = arith.constant 2 : i32
    %run_scoped3A_198 = arith.constant 2 : i32
    %run_scoped3A_199 = arith.constant 1 : i32
    "tpu.region"() ({
      %run_scoped3A_201 = tpu.sem_alloc : memref<!tpu.dma_semaphore, #tpu.memory_space<semaphore_mem>>
      %dma_start3A_202 = arith.constant 0 : i32
      %dma_start3A_203 = arith.constant 0 : i32
      %dma_start3A_204 = tpu.memref_slice %arg6[%run_scoped3A_197, %dma_start3A_202, %dma_start3A_203] : memref<3x128x128xf32, #tpu.memory_space<vmem>> -> memref<1x128x128xf32, #tpu.memory_space<vmem>>
      %dma_start3A_205 = tpu.memref_squeeze %dma_start3A_204 : memref<1x128x128xf32, #tpu.memory_space<vmem>> -> memref<128x128xf32, #tpu.memory_space<vmem>>
      %dma_start3A_206 = arith.constant 0 : i32
      %dma_start3A_207 = tpu.memref_slice %arg5[%run_scoped3A_198, %run_scoped3A_199, %dma_start3A_206] : memref<3x2x128xi32, #tpu.memory_space<vmem>> -> memref<1x1x128xi32, #tpu.memory_space<vmem>>
      %dma_start3A_208 = tpu.memref_squeeze %dma_start3A_207 : memref<1x1x128xi32, #tpu.memory_space<vmem>> -> memref<128xi32, #tpu.memory_space<vmem>>
      %dma_start3A_209 = arith.constant 0 : i32
      %dma_start3A_210 = arith.constant 0 : i32
      %dma_start3A_211 = tpu.memref_slice %arg7[%dma_start3A_209, %dma_start3A_210] : memref<10112x128xf32, #tpu.memory_space<vmem_shared>> -> memref<10112x128xf32, #tpu.memory_space<vmem_shared>>
      tpu.enqueue_indirect_dma source(%dma_start3A_205 : memref<128x128xf32, #tpu.memory_space<vmem>>) target(%dma_start3A_211 : memref<10112x128xf32, #tpu.memory_space<vmem_shared>>) offsets(%dma_start3A_208 : memref<128xi32, #tpu.memory_space<vmem>>) semaphore(%run_scoped3A_201 : memref<!tpu.dma_semaphore, #tpu.memory_space<semaphore_mem>>) {add = true}
      %dma_wait3A_212 = arith.constant 0 : i32
      %dma_wait3A_213 = arith.constant 0 : i32
      %dma_wait3A_214 = tpu.memref_slice %arg6[%run_scoped3A_197, %dma_wait3A_212, %dma_wait3A_213] : memref<3x128x128xf32, #tpu.memory_space<vmem>> -> memref<1x128x128xf32, #tpu.memory_space<vmem>>
      %dma_wait3A_215 = tpu.memref_squeeze %dma_wait3A_214 : memref<1x128x128xf32, #tpu.memory_space<vmem>> -> memref<128x128xf32, #tpu.memory_space<vmem>>
      %dma_wait3A_216 = arith.constant 0 : i32
      %dma_wait3A_217 = tpu.memref_slice %arg5[%run_scoped3A_198, %run_scoped3A_199, %dma_wait3A_216] : memref<3x2x128xi32, #tpu.memory_space<vmem>> -> memref<1x1x128xi32, #tpu.memory_space<vmem>>
      %dma_wait3A_218 = tpu.memref_squeeze %dma_wait3A_217 : memref<1x1x128xi32, #tpu.memory_space<vmem>> -> memref<128xi32, #tpu.memory_space<vmem>>
      %dma_wait3A_219 = arith.constant 0 : i32
      %dma_wait3A_220 = arith.constant 0 : i32
      %dma_wait3A_221 = tpu.memref_slice %arg7[%dma_wait3A_219, %dma_wait3A_220] : memref<10112x128xf32, #tpu.memory_space<vmem_shared>> -> memref<10112x128xf32, #tpu.memory_space<vmem_shared>>
      tpu.wait_indirect_dma semaphore(%run_scoped3A_201 : memref<!tpu.dma_semaphore, #tpu.memory_space<semaphore_mem>>) src(%dma_wait3A_215 : memref<128x128xf32, #tpu.memory_space<vmem>>) dst(%dma_wait3A_221 : memref<10112x128xf32, #tpu.memory_space<vmem_shared>>)
      tpu.yield
    }) : () -> ()
    %barrier3A_200 = arith.constant 0 : index
    tpu.barrier barrier_id(%barrier3A_200)
    "tpu.region"() ({
      %run_scoped3A_201 = tpu.sem_alloc : memref<!tpu.dma_semaphore, #tpu.memory_space<semaphore_mem>>
      %dma_start3A_202 = arith.constant 0 : i32
      %dma_start3A_203 = tpu.memref_slice %arg4[%arg0, %mul3A_2, %dma_start3A_202] : memref<2x10112x128xf32, #tpu.memory_space<hbm>> -> memref<1x632x128xf32, #tpu.memory_space<hbm>>
      %dma_start3A_204 = tpu.memref_squeeze %dma_start3A_203 : memref<1x632x128xf32, #tpu.memory_space<hbm>> -> memref<632x128xf32, #tpu.memory_space<hbm>>
      %dma_start3A_205 = arith.constant 0 : i32
      %dma_start3A_206 = tpu.memref_slice %arg7[%mul3A_2, %dma_start3A_205] : memref<10112x128xf32, #tpu.memory_space<vmem_shared>> -> memref<632x128xf32, #tpu.memory_space<vmem_shared>>
      tpu.enqueue_dma source(%dma_start3A_206 : memref<632x128xf32, #tpu.memory_space<vmem_shared>>) target(%dma_start3A_204 : memref<632x128xf32, #tpu.memory_space<hbm>>) target_semaphore(%run_scoped3A_201 : memref<!tpu.dma_semaphore, #tpu.memory_space<semaphore_mem>>)
      %dma_wait3A_207 = arith.constant 0 : i32
      %dma_wait3A_208 = tpu.memref_slice %arg4[%arg0, %mul3A_2, %dma_wait3A_207] : memref<2x10112x128xf32, #tpu.memory_space<hbm>> -> memref<1x632x128xf32, #tpu.memory_space<hbm>>
      %dma_wait3A_209 = tpu.memref_squeeze %dma_wait3A_208 : memref<1x632x128xf32, #tpu.memory_space<hbm>> -> memref<632x128xf32, #tpu.memory_space<hbm>>
      %dma_wait3A_210 = arith.constant 0 : i32
      %dma_wait3A_211 = tpu.memref_slice %arg7[%mul3A_2, %dma_wait3A_210] : memref<10112x128xf32, #tpu.memory_space<vmem_shared>> -> memref<632x128xf32, #tpu.memory_space<vmem_shared>>
      tpu.wait_dma2 semaphore(%run_scoped3A_201 : memref<!tpu.dma_semaphore, #tpu.memory_space<semaphore_mem>>) src(%dma_wait3A_211 : memref<632x128xf32, #tpu.memory_space<vmem_shared>>) dst(%dma_wait3A_209 : memref<632x128xf32, #tpu.memory_space<hbm>>)
      tpu.yield
    }) : () -> ()
    return
  }
}

#map = affine_map<(d0, d1) -> (0, 0)>
#map1 = affine_map<(d0, d1) -> (0, 0, 0, 0)>
#map2 = affine_map<(d0, d1) -> (0, 0, 0)>
module attributes {stable_mosaic.version = 14 : i64} {
  func.func @_edge_sc(%arg0: i32, %arg1: i32, %arg2: memref<10112x128xf32, #tpu.memory_space<hbm>>, %arg3: memref<32x81x2x128xi32, #tpu.memory_space<hbm>>, %arg4: memref<2x10112x128xf32, #tpu.memory_space<hbm>>, %arg5: memref<3x2x128xi32, #tpu.memory_space<vmem>>, %arg6: memref<3x128x128xf32, #tpu.memory_space<vmem>>, %arg7: memref<10112x128xf32, #tpu.memory_space<vmem_shared>>, %arg8: memref<!tpu.dma_semaphore, #tpu.memory_space<semaphore_mem>>, %arg9: memref<!tpu.dma_semaphore, #tpu.memory_space<semaphore_mem>>, %arg10: memref<!tpu.dma_semaphore, #tpu.memory_space<semaphore_mem>>, %arg11: memref<!tpu.dma_semaphore, #tpu.memory_space<semaphore_mem>>, %arg12: memref<!tpu.dma_semaphore, #tpu.memory_space<semaphore_mem>>, %arg13: memref<!tpu.dma_semaphore, #tpu.memory_space<semaphore_mem>>) attributes {dimension_semantics = [#tpu.dimension_semantics<core_parallel>, #tpu.dimension_semantics<subcore_parallel>], iteration_bounds = array<i64: 2, 16>, scalar_prefetch = 0 : i64, scratch_operands = 9 : i64, tpu.core_type = #tpu.core_type<sc_vector_subcore>, window_params = [{transform_indices = #map}, {transform_indices = #map1}, {transform_indices = #map2}]} {
    %mul3A = arith.constant 2 : i32
    %mul3A_0 = arith.muli %arg1, %mul3A : i32
    %add3A = arith.addi %mul3A_0, %arg0 : i32
    %mul3A_1 = arith.constant 632 : i32
    %mul3A_2 = arith.muli %arg1, %mul3A_1 : i32
    "tpu.region"() ({
      %run_scoped3A_201 = tpu.sem_alloc : memref<!tpu.dma_semaphore, #tpu.memory_space<semaphore_mem>>
      %dma_start3A_202 = arith.constant 0 : i32
      %dma_start3A_203 = tpu.memref_slice %arg7[%mul3A_2, %dma_start3A_202] : memref<10112x128xf32, #tpu.memory_space<vmem_shared>> -> memref<632x128xf32, #tpu.memory_space<vmem_shared>>
      %dma_start3A_204 = arith.constant 0 : i32
      %dma_start3A_205 = tpu.memref_slice %arg2[%mul3A_2, %dma_start3A_204] : memref<10112x128xf32, #tpu.memory_space<hbm>> -> memref<632x128xf32, #tpu.memory_space<hbm>>
      tpu.enqueue_dma source(%dma_start3A_205 : memref<632x128xf32, #tpu.memory_space<hbm>>) target(%dma_start3A_203 : memref<632x128xf32, #tpu.memory_space<vmem_shared>>) target_semaphore(%run_scoped3A_201 : memref<!tpu.dma_semaphore, #tpu.memory_space<semaphore_mem>>)
      %dma_wait3A_206 = arith.constant 0 : i32
      %dma_wait3A_207 = tpu.memref_slice %arg7[%mul3A_2, %dma_wait3A_206] : memref<10112x128xf32, #tpu.memory_space<vmem_shared>> -> memref<632x128xf32, #tpu.memory_space<vmem_shared>>
      %dma_wait3A_208 = arith.constant 0 : i32
      %dma_wait3A_209 = tpu.memref_slice %arg2[%mul3A_2, %dma_wait3A_208] : memref<10112x128xf32, #tpu.memory_space<hbm>> -> memref<632x128xf32, #tpu.memory_space<hbm>>
      tpu.wait_dma2 semaphore(%run_scoped3A_201 : memref<!tpu.dma_semaphore, #tpu.memory_space<semaphore_mem>>) src(%dma_wait3A_209 : memref<632x128xf32, #tpu.memory_space<hbm>>) dst(%dma_wait3A_207 : memref<632x128xf32, #tpu.memory_space<vmem_shared>>)
      tpu.yield
    }) : () -> ()
    %barrier3A = arith.constant 0 : index
    tpu.barrier barrier_id(%barrier3A)
    %dma_start3A = arith.constant 0 : i32
    %dma_start3A_3 = arith.constant 0 : i32
    %dma_start3A_4 = arith.constant 0 : i32
    %dma_start3A_5 = arith.constant 0 : i32
    %dma_start3A_6 = tpu.memref_slice %arg5[%dma_start3A_3, %dma_start3A_4, %dma_start3A_5] : memref<3x2x128xi32, #tpu.memory_space<vmem>> -> memref<1x2x128xi32, #tpu.memory_space<vmem>>
    %dma_start3A_7 = tpu.memref_squeeze %dma_start3A_6 : memref<1x2x128xi32, #tpu.memory_space<vmem>> -> memref<2x128xi32, #tpu.memory_space<vmem>>
    %dma_start3A_8 = arith.constant 0 : i32
    %dma_start3A_9 = arith.constant 0 : i32
    %dma_start3A_10 = tpu.memref_slice %arg3[%add3A, %dma_start3A, %dma_start3A_8, %dma_start3A_9] : memref<32x81x2x128xi32, #tpu.memory_space<hbm>> -> memref<1x1x2x128xi32, #tpu.memory_space<hbm>>
    %dma_start3A_11 = tpu.memref_squeeze %dma_start3A_10 : memref<1x1x2x128xi32, #tpu.memory_space<hbm>> -> memref<2x128xi32, #tpu.memory_space<hbm>>
    %dma_start3A_12 = arith.constant 0 : i32
    %dma_start3A_13 = arith.constant 0 : i32
    %dma_start3A_14 = tpu.memref_slice %arg5[%dma_start3A_3, %dma_start3A_12, %dma_start3A_13] : memref<3x2x128xi32, #tpu.memory_space<vmem>> -> memref<1x2x128xi32, #tpu.memory_space<vmem>>
    %dma_start3A_15 = tpu.memref_squeeze %dma_start3A_14 : memref<1x2x128xi32, #tpu.memory_space<vmem>> -> memref<2x128xi32, #tpu.memory_space<vmem>>
    %dma_start3A_16 = arith.constant 0 : i32
    %dma_start3A_17 = arith.constant 0 : i32
    %dma_start3A_18 = tpu.memref_slice %arg3[%add3A, %dma_start3A, %dma_start3A_16, %dma_start3A_17] : memref<32x81x2x128xi32, #tpu.memory_space<hbm>> -> memref<1x1x2x128xi32, #tpu.memory_space<hbm>>
    %dma_start3A_19 = tpu.memref_squeeze %dma_start3A_18 : memref<1x1x2x128xi32, #tpu.memory_space<hbm>> -> memref<2x128xi32, #tpu.memory_space<hbm>>
    tpu.enqueue_dma source(%dma_start3A_19 : memref<2x128xi32, #tpu.memory_space<hbm>>) target(%dma_start3A_15 : memref<2x128xi32, #tpu.memory_space<vmem>>) target_semaphore(%arg8 : memref<!tpu.dma_semaphore, #tpu.memory_space<semaphore_mem>>)
    %dma_start3A_20 = arith.constant 1 : i32
    %dma_start3A_21 = arith.constant 1 : i32
    %dma_start3A_22 = arith.constant 0 : i32
    %dma_start3A_23 = arith.constant 0 : i32
    %dma_start3A_24 = tpu.memref_slice %arg5[%dma_start3A_21, %dma_start3A_22, %dma_start3A_23] : memref<3x2x128xi32, #tpu.memory_space<vmem>> -> memref<1x2x128xi32, #tpu.memory_space<vmem>>
    %dma_start3A_25 = tpu.memref_squeeze %dma_start3A_24 : memref<1x2x128xi32, #tpu.memory_space<vmem>> -> memref<2x128xi32, #tpu.memory_space<vmem>>
    %dma_start3A_26 = arith.constant 0 : i32
    %dma_start3A_27 = arith.constant 0 : i32
    %dma_start3A_28 = tpu.memref_slice %arg3[%add3A, %dma_start3A_20, %dma_start3A_26, %dma_start3A_27] : memref<32x81x2x128xi32, #tpu.memory_space<hbm>> -> memref<1x1x2x128xi32, #tpu.memory_space<hbm>>
    %dma_start3A_29 = tpu.memref_squeeze %dma_start3A_28 : memref<1x1x2x128xi32, #tpu.memory_space<hbm>> -> memref<2x128xi32, #tpu.memory_space<hbm>>
    %dma_start3A_30 = arith.constant 0 : i32
    %dma_start3A_31 = arith.constant 0 : i32
    %dma_start3A_32 = tpu.memref_slice %arg5[%dma_start3A_21, %dma_start3A_30, %dma_start3A_31] : memref<3x2x128xi32, #tpu.memory_space<vmem>> -> memref<1x2x128xi32, #tpu.memory_space<vmem>>
    %dma_start3A_33 = tpu.memref_squeeze %dma_start3A_32 : memref<1x2x128xi32, #tpu.memory_space<vmem>> -> memref<2x128xi32, #tpu.memory_space<vmem>>
    %dma_start3A_34 = arith.constant 0 : i32
    %dma_start3A_35 = arith.constant 0 : i32
    %dma_start3A_36 = tpu.memref_slice %arg3[%add3A, %dma_start3A_20, %dma_start3A_34, %dma_start3A_35] : memref<32x81x2x128xi32, #tpu.memory_space<hbm>> -> memref<1x1x2x128xi32, #tpu.memory_space<hbm>>
    %dma_start3A_37 = tpu.memref_squeeze %dma_start3A_36 : memref<1x1x2x128xi32, #tpu.memory_space<hbm>> -> memref<2x128xi32, #tpu.memory_space<hbm>>
    tpu.enqueue_dma source(%dma_start3A_37 : memref<2x128xi32, #tpu.memory_space<hbm>>) target(%dma_start3A_33 : memref<2x128xi32, #tpu.memory_space<vmem>>) target_semaphore(%arg9 : memref<!tpu.dma_semaphore, #tpu.memory_space<semaphore_mem>>)
    %dma_start3A_38 = arith.constant 2 : i32
    %dma_start3A_39 = arith.constant 2 : i32
    %dma_start3A_40 = arith.constant 0 : i32
    %dma_start3A_41 = arith.constant 0 : i32
    %dma_start3A_42 = tpu.memref_slice %arg5[%dma_start3A_39, %dma_start3A_40, %dma_start3A_41] : memref<3x2x128xi32, #tpu.memory_space<vmem>> -> memref<1x2x128xi32, #tpu.memory_space<vmem>>
    %dma_start3A_43 = tpu.memref_squeeze %dma_start3A_42 : memref<1x2x128xi32, #tpu.memory_space<vmem>> -> memref<2x128xi32, #tpu.memory_space<vmem>>
    %dma_start3A_44 = arith.constant 0 : i32
    %dma_start3A_45 = arith.constant 0 : i32
    %dma_start3A_46 = tpu.memref_slice %arg3[%add3A, %dma_start3A_38, %dma_start3A_44, %dma_start3A_45] : memref<32x81x2x128xi32, #tpu.memory_space<hbm>> -> memref<1x1x2x128xi32, #tpu.memory_space<hbm>>
    %dma_start3A_47 = tpu.memref_squeeze %dma_start3A_46 : memref<1x1x2x128xi32, #tpu.memory_space<hbm>> -> memref<2x128xi32, #tpu.memory_space<hbm>>
    %dma_start3A_48 = arith.constant 0 : i32
    %dma_start3A_49 = arith.constant 0 : i32
    %dma_start3A_50 = tpu.memref_slice %arg5[%dma_start3A_39, %dma_start3A_48, %dma_start3A_49] : memref<3x2x128xi32, #tpu.memory_space<vmem>> -> memref<1x2x128xi32, #tpu.memory_space<vmem>>
    %dma_start3A_51 = tpu.memref_squeeze %dma_start3A_50 : memref<1x2x128xi32, #tpu.memory_space<vmem>> -> memref<2x128xi32, #tpu.memory_space<vmem>>
    %dma_start3A_52 = arith.constant 0 : i32
    %dma_start3A_53 = arith.constant 0 : i32
    %dma_start3A_54 = tpu.memref_slice %arg3[%add3A, %dma_start3A_38, %dma_start3A_52, %dma_start3A_53] : memref<32x81x2x128xi32, #tpu.memory_space<hbm>> -> memref<1x1x2x128xi32, #tpu.memory_space<hbm>>
    %dma_start3A_55 = tpu.memref_squeeze %dma_start3A_54 : memref<1x1x2x128xi32, #tpu.memory_space<hbm>> -> memref<2x128xi32, #tpu.memory_space<hbm>>
    tpu.enqueue_dma source(%dma_start3A_55 : memref<2x128xi32, #tpu.memory_space<hbm>>) target(%dma_start3A_51 : memref<2x128xi32, #tpu.memory_space<vmem>>) target_semaphore(%arg10 : memref<!tpu.dma_semaphore, #tpu.memory_space<semaphore_mem>>)
    %dma_wait3A = arith.constant 0 : i32
    %dma_wait3A_56 = arith.constant 0 : i32
    %dma_wait3A_57 = arith.constant 0 : i32
    %dma_wait3A_58 = arith.constant 0 : i32
    %dma_wait3A_59 = tpu.memref_slice %arg5[%dma_wait3A_56, %dma_wait3A_57, %dma_wait3A_58] : memref<3x2x128xi32, #tpu.memory_space<vmem>> -> memref<1x2x128xi32, #tpu.memory_space<vmem>>
    %dma_wait3A_60 = tpu.memref_squeeze %dma_wait3A_59 : memref<1x2x128xi32, #tpu.memory_space<vmem>> -> memref<2x128xi32, #tpu.memory_space<vmem>>
    %dma_wait3A_61 = arith.constant 0 : i32
    %dma_wait3A_62 = arith.constant 0 : i32
    %dma_wait3A_63 = tpu.memref_slice %arg3[%add3A, %dma_wait3A, %dma_wait3A_61, %dma_wait3A_62] : memref<32x81x2x128xi32, #tpu.memory_space<hbm>> -> memref<1x1x2x128xi32, #tpu.memory_space<hbm>>
    %dma_wait3A_64 = tpu.memref_squeeze %dma_wait3A_63 : memref<1x1x2x128xi32, #tpu.memory_space<hbm>> -> memref<2x128xi32, #tpu.memory_space<hbm>>
    %dma_wait3A_65 = arith.constant 0 : i32
    %dma_wait3A_66 = arith.constant 0 : i32
    %dma_wait3A_67 = tpu.memref_slice %arg5[%dma_wait3A_56, %dma_wait3A_65, %dma_wait3A_66] : memref<3x2x128xi32, #tpu.memory_space<vmem>> -> memref<1x2x128xi32, #tpu.memory_space<vmem>>
    %dma_wait3A_68 = tpu.memref_squeeze %dma_wait3A_67 : memref<1x2x128xi32, #tpu.memory_space<vmem>> -> memref<2x128xi32, #tpu.memory_space<vmem>>
    %dma_wait3A_69 = arith.constant 0 : i32
    %dma_wait3A_70 = arith.constant 0 : i32
    %dma_wait3A_71 = tpu.memref_slice %arg3[%add3A, %dma_wait3A, %dma_wait3A_69, %dma_wait3A_70] : memref<32x81x2x128xi32, #tpu.memory_space<hbm>> -> memref<1x1x2x128xi32, #tpu.memory_space<hbm>>
    %dma_wait3A_72 = tpu.memref_squeeze %dma_wait3A_71 : memref<1x1x2x128xi32, #tpu.memory_space<hbm>> -> memref<2x128xi32, #tpu.memory_space<hbm>>
    tpu.wait_dma2 semaphore(%arg8 : memref<!tpu.dma_semaphore, #tpu.memory_space<semaphore_mem>>) src(%dma_wait3A_72 : memref<2x128xi32, #tpu.memory_space<hbm>>) dst(%dma_wait3A_68 : memref<2x128xi32, #tpu.memory_space<vmem>>)
    %dma_start3A_73 = arith.constant 0 : i32
    %dma_start3A_74 = arith.constant 0 : i32
    %dma_start3A_75 = arith.constant 0 : i32
    %dma_start3A_76 = arith.constant 0 : i32
    %dma_start3A_77 = arith.constant 0 : i32
    %dma_start3A_78 = tpu.memref_slice %arg6[%dma_start3A_75, %dma_start3A_76, %dma_start3A_77] : memref<3x128x128xf32, #tpu.memory_space<vmem>> -> memref<1x128x128xf32, #tpu.memory_space<vmem>>
    %dma_start3A_79 = tpu.memref_squeeze %dma_start3A_78 : memref<1x128x128xf32, #tpu.memory_space<vmem>> -> memref<128x128xf32, #tpu.memory_space<vmem>>
    %dma_start3A_80 = arith.constant 0 : i32
    %dma_start3A_81 = tpu.memref_slice %arg5[%dma_start3A_73, %dma_start3A_74, %dma_start3A_80] : memref<3x2x128xi32, #tpu.memory_space<vmem>> -> memref<1x1x128xi32, #tpu.memory_space<vmem>>
    %dma_start3A_82 = tpu.memref_squeeze %dma_start3A_81 : memref<1x1x128xi32, #tpu.memory_space<vmem>> -> memref<128xi32, #tpu.memory_space<vmem>>
    %dma_start3A_83 = arith.constant 0 : i32
    %dma_start3A_84 = arith.constant 0 : i32
    %dma_start3A_85 = tpu.memref_slice %arg2[%dma_start3A_83, %dma_start3A_84] : memref<10112x128xf32, #tpu.memory_space<hbm>> -> memref<10112x128xf32, #tpu.memory_space<hbm>>
    tpu.enqueue_indirect_dma source(%dma_start3A_85 : memref<10112x128xf32, #tpu.memory_space<hbm>>) target(%dma_start3A_79 : memref<128x128xf32, #tpu.memory_space<vmem>>) offsets(%dma_start3A_82 : memref<128xi32, #tpu.memory_space<vmem>>) semaphore(%arg11 : memref<!tpu.dma_semaphore, #tpu.memory_space<semaphore_mem>>)
    %dma_wait3A_86 = arith.constant 1 : i32
    %dma_wait3A_87 = arith.constant 1 : i32
    %dma_wait3A_88 = arith.constant 0 : i32
    %dma_wait3A_89 = arith.constant 0 : i32
    %dma_wait3A_90 = tpu.memref_slice %arg5[%dma_wait3A_87, %dma_wait3A_88, %dma_wait3A_89] : memref<3x2x128xi32, #tpu.memory_space<vmem>> -> memref<1x2x128xi32, #tpu.memory_space<vmem>>
    %dma_wait3A_91 = tpu.memref_squeeze %dma_wait3A_90 : memref<1x2x128xi32, #tpu.memory_space<vmem>> -> memref<2x128xi32, #tpu.memory_space<vmem>>
    %dma_wait3A_92 = arith.constant 0 : i32
    %dma_wait3A_93 = arith.constant 0 : i32
    %dma_wait3A_94 = tpu.memref_slice %arg3[%add3A, %dma_wait3A_86, %dma_wait3A_92, %dma_wait3A_93] : memref<32x81x2x128xi32, #tpu.memory_space<hbm>> -> memref<1x1x2x128xi32, #tpu.memory_space<hbm>>
    %dma_wait3A_95 = tpu.memref_squeeze %dma_wait3A_94 : memref<1x1x2x128xi32, #tpu.memory_space<hbm>> -> memref<2x128xi32, #tpu.memory_space<hbm>>
    %dma_wait3A_96 = arith.constant 0 : i32
    %dma_wait3A_97 = arith.constant 0 : i32
    %dma_wait3A_98 = tpu.memref_slice %arg5[%dma_wait3A_87, %dma_wait3A_96, %dma_wait3A_97] : memref<3x2x128xi32, #tpu.memory_space<vmem>> -> memref<1x2x128xi32, #tpu.memory_space<vmem>>
    %dma_wait3A_99 = tpu.memref_squeeze %dma_wait3A_98 : memref<1x2x128xi32, #tpu.memory_space<vmem>> -> memref<2x128xi32, #tpu.memory_space<vmem>>
    %dma_wait3A_100 = arith.constant 0 : i32
    %dma_wait3A_101 = arith.constant 0 : i32
    %dma_wait3A_102 = tpu.memref_slice %arg3[%add3A, %dma_wait3A_86, %dma_wait3A_100, %dma_wait3A_101] : memref<32x81x2x128xi32, #tpu.memory_space<hbm>> -> memref<1x1x2x128xi32, #tpu.memory_space<hbm>>
    %dma_wait3A_103 = tpu.memref_squeeze %dma_wait3A_102 : memref<1x1x2x128xi32, #tpu.memory_space<hbm>> -> memref<2x128xi32, #tpu.memory_space<hbm>>
    tpu.wait_dma2 semaphore(%arg9 : memref<!tpu.dma_semaphore, #tpu.memory_space<semaphore_mem>>) src(%dma_wait3A_103 : memref<2x128xi32, #tpu.memory_space<hbm>>) dst(%dma_wait3A_99 : memref<2x128xi32, #tpu.memory_space<vmem>>)
    %dma_start3A_104 = arith.constant 1 : i32
    %dma_start3A_105 = arith.constant 0 : i32
    %dma_start3A_106 = arith.constant 1 : i32
    %dma_start3A_107 = arith.constant 0 : i32
    %dma_start3A_108 = arith.constant 0 : i32
    %dma_start3A_109 = tpu.memref_slice %arg6[%dma_start3A_106, %dma_start3A_107, %dma_start3A_108] : memref<3x128x128xf32, #tpu.memory_space<vmem>> -> memref<1x128x128xf32, #tpu.memory_space<vmem>>
    %dma_start3A_110 = tpu.memref_squeeze %dma_start3A_109 : memref<1x128x128xf32, #tpu.memory_space<vmem>> -> memref<128x128xf32, #tpu.memory_space<vmem>>
    %dma_start3A_111 = arith.constant 0 : i32
    %dma_start3A_112 = tpu.memref_slice %arg5[%dma_start3A_104, %dma_start3A_105, %dma_start3A_111] : memref<3x2x128xi32, #tpu.memory_space<vmem>> -> memref<1x1x128xi32, #tpu.memory_space<vmem>>
    %dma_start3A_113 = tpu.memref_squeeze %dma_start3A_112 : memref<1x1x128xi32, #tpu.memory_space<vmem>> -> memref<128xi32, #tpu.memory_space<vmem>>
    %dma_start3A_114 = arith.constant 0 : i32
    %dma_start3A_115 = arith.constant 0 : i32
    %dma_start3A_116 = tpu.memref_slice %arg2[%dma_start3A_114, %dma_start3A_115] : memref<10112x128xf32, #tpu.memory_space<hbm>> -> memref<10112x128xf32, #tpu.memory_space<hbm>>
    tpu.enqueue_indirect_dma source(%dma_start3A_116 : memref<10112x128xf32, #tpu.memory_space<hbm>>) target(%dma_start3A_110 : memref<128x128xf32, #tpu.memory_space<vmem>>) offsets(%dma_start3A_113 : memref<128xi32, #tpu.memory_space<vmem>>) semaphore(%arg12 : memref<!tpu.dma_semaphore, #tpu.memory_space<semaphore_mem>>)
    %scan3A = arith.constant 0 : i32
    %scan3A_117 = arith.constant 0 : i32
    %scan3A_118 = arith.constant 26 : i32
    %scan3A_119 = arith.addi %scan3A_117, %scan3A_118 : i32
    %scan3A_120 = arith.constant 1 : i32
    scf.for %scan3A_201 = %scan3A_117 to %scan3A_119 step %scan3A_120  : i32 {
      %mul3A_202 = arith.constant 3 : i32
      %mul3A_203 = arith.muli %scan3A_201, %mul3A_202 : i32
      %add3A_204 = arith.constant 0 : i32
      %add3A_205 = arith.addi %mul3A_203, %add3A_204 : i32
      %dma_wait3A_206 = arith.constant 0 : i32
      %dma_wait3A_207 = arith.constant 0 : i32
      %dma_wait3A_208 = arith.constant 0 : i32
      %dma_wait3A_209 = arith.constant 0 : i32
      %dma_wait3A_210 = arith.constant 0 : i32
      %dma_wait3A_211 = tpu.memref_slice %arg6[%dma_wait3A_208, %dma_wait3A_209, %dma_wait3A_210] : memref<3x128x128xf32, #tpu.memory_space<vmem>> -> memref<1x128x128xf32, #tpu.memory_space<vmem>>
      %dma_wait3A_212 = tpu.memref_squeeze %dma_wait3A_211 : memref<1x128x128xf32, #tpu.memory_space<vmem>> -> memref<128x128xf32, #tpu.memory_space<vmem>>
      %dma_wait3A_213 = arith.constant 0 : i32
      %dma_wait3A_214 = tpu.memref_slice %arg5[%dma_wait3A_206, %dma_wait3A_207, %dma_wait3A_213] : memref<3x2x128xi32, #tpu.memory_space<vmem>> -> memref<1x1x128xi32, #tpu.memory_space<vmem>>
      %dma_wait3A_215 = tpu.memref_squeeze %dma_wait3A_214 : memref<1x1x128xi32, #tpu.memory_space<vmem>> -> memref<128xi32, #tpu.memory_space<vmem>>
      %dma_wait3A_216 = arith.constant 0 : i32
      %dma_wait3A_217 = arith.constant 0 : i32
      %dma_wait3A_218 = tpu.memref_slice %arg2[%dma_wait3A_216, %dma_wait3A_217] : memref<10112x128xf32, #tpu.memory_space<hbm>> -> memref<10112x128xf32, #tpu.memory_space<hbm>>
      tpu.wait_indirect_dma semaphore(%arg11 : memref<!tpu.dma_semaphore, #tpu.memory_space<semaphore_mem>>) src(%dma_wait3A_218 : memref<10112x128xf32, #tpu.memory_space<hbm>>) dst(%dma_wait3A_212 : memref<128x128xf32, #tpu.memory_space<vmem>>)
      %add3A_219 = arith.constant 2 : i32
      %add3A_220 = arith.addi %add3A_205, %add3A_219 : i32
      %dma_wait3A_221 = arith.constant 2 : i32
      %dma_wait3A_222 = arith.constant 0 : i32
      %dma_wait3A_223 = arith.constant 0 : i32
      %dma_wait3A_224 = tpu.memref_slice %arg5[%dma_wait3A_221, %dma_wait3A_222, %dma_wait3A_223] : memref<3x2x128xi32, #tpu.memory_space<vmem>> -> memref<1x2x128xi32, #tpu.memory_space<vmem>>
      %dma_wait3A_225 = tpu.memref_squeeze %dma_wait3A_224 : memref<1x2x128xi32, #tpu.memory_space<vmem>> -> memref<2x128xi32, #tpu.memory_space<vmem>>
      %dma_wait3A_226 = arith.constant 0 : i32
      %dma_wait3A_227 = arith.constant 0 : i32
      %dma_wait3A_228 = tpu.memref_slice %arg3[%add3A, %add3A_220, %dma_wait3A_226, %dma_wait3A_227] : memref<32x81x2x128xi32, #tpu.memory_space<hbm>> -> memref<1x1x2x128xi32, #tpu.memory_space<hbm>>
      %dma_wait3A_229 = tpu.memref_squeeze %dma_wait3A_228 : memref<1x1x2x128xi32, #tpu.memory_space<hbm>> -> memref<2x128xi32, #tpu.memory_space<hbm>>
      %dma_wait3A_230 = arith.constant 0 : i32
      %dma_wait3A_231 = arith.constant 0 : i32
      %dma_wait3A_232 = tpu.memref_slice %arg5[%dma_wait3A_221, %dma_wait3A_230, %dma_wait3A_231] : memref<3x2x128xi32, #tpu.memory_space<vmem>> -> memref<1x2x128xi32, #tpu.memory_space<vmem>>
      %dma_wait3A_233 = tpu.memref_squeeze %dma_wait3A_232 : memref<1x2x128xi32, #tpu.memory_space<vmem>> -> memref<2x128xi32, #tpu.memory_space<vmem>>
      %dma_wait3A_234 = arith.constant 0 : i32
      %dma_wait3A_235 = arith.constant 0 : i32
      %dma_wait3A_236 = tpu.memref_slice %arg3[%add3A, %add3A_220, %dma_wait3A_234, %dma_wait3A_235] : memref<32x81x2x128xi32, #tpu.memory_space<hbm>> -> memref<1x1x2x128xi32, #tpu.memory_space<hbm>>
      %dma_wait3A_237 = tpu.memref_squeeze %dma_wait3A_236 : memref<1x1x2x128xi32, #tpu.memory_space<hbm>> -> memref<2x128xi32, #tpu.memory_space<hbm>>
      tpu.wait_dma2 semaphore(%arg10 : memref<!tpu.dma_semaphore, #tpu.memory_space<semaphore_mem>>) src(%dma_wait3A_237 : memref<2x128xi32, #tpu.memory_space<hbm>>) dst(%dma_wait3A_233 : memref<2x128xi32, #tpu.memory_space<vmem>>)
      %dma_start3A_238 = arith.constant 2 : i32
      %dma_start3A_239 = arith.constant 0 : i32
      %dma_start3A_240 = arith.constant 2 : i32
      %dma_start3A_241 = arith.constant 0 : i32
      %dma_start3A_242 = arith.constant 0 : i32
      %dma_start3A_243 = tpu.memref_slice %arg6[%dma_start3A_240, %dma_start3A_241, %dma_start3A_242] : memref<3x128x128xf32, #tpu.memory_space<vmem>> -> memref<1x128x128xf32, #tpu.memory_space<vmem>>
      %dma_start3A_244 = tpu.memref_squeeze %dma_start3A_243 : memref<1x128x128xf32, #tpu.memory_space<vmem>> -> memref<128x128xf32, #tpu.memory_space<vmem>>
      %dma_start3A_245 = arith.constant 0 : i32
      %dma_start3A_246 = tpu.memref_slice %arg5[%dma_start3A_238, %dma_start3A_239, %dma_start3A_245] : memref<3x2x128xi32, #tpu.memory_space<vmem>> -> memref<1x1x128xi32, #tpu.memory_space<vmem>>
      %dma_start3A_247 = tpu.memref_squeeze %dma_start3A_246 : memref<1x1x128xi32, #tpu.memory_space<vmem>> -> memref<128xi32, #tpu.memory_space<vmem>>
      %dma_start3A_248 = arith.constant 0 : i32
      %dma_start3A_249 = arith.constant 0 : i32
      %dma_start3A_250 = tpu.memref_slice %arg2[%dma_start3A_248, %dma_start3A_249] : memref<10112x128xf32, #tpu.memory_space<hbm>> -> memref<10112x128xf32, #tpu.memory_space<hbm>>
      tpu.enqueue_indirect_dma source(%dma_start3A_250 : memref<10112x128xf32, #tpu.memory_space<hbm>>) target(%dma_start3A_244 : memref<128x128xf32, #tpu.memory_space<vmem>>) offsets(%dma_start3A_247 : memref<128xi32, #tpu.memory_space<vmem>>) semaphore(%arg13 : memref<!tpu.dma_semaphore, #tpu.memory_space<semaphore_mem>>)
      %run_scoped3A_251 = arith.constant 0 : i32
      %run_scoped3A_252 = arith.constant 0 : i32
      %run_scoped3A_253 = arith.constant 1 : i32
      "tpu.region"() ({
        %run_scoped3A_415 = tpu.sem_alloc : memref<!tpu.dma_semaphore, #tpu.memory_space<semaphore_mem>>
        %dma_start3A_416 = arith.constant 0 : i32
        %dma_start3A_417 = arith.constant 0 : i32
        %dma_start3A_418 = tpu.memref_slice %arg6[%run_scoped3A_251, %dma_start3A_416, %dma_start3A_417] : memref<3x128x128xf32, #tpu.memory_space<vmem>> -> memref<1x128x128xf32, #tpu.memory_space<vmem>>
        %dma_start3A_419 = tpu.memref_squeeze %dma_start3A_418 : memref<1x128x128xf32, #tpu.memory_space<vmem>> -> memref<128x128xf32, #tpu.memory_space<vmem>>
        %dma_start3A_420 = arith.constant 0 : i32
        %dma_start3A_421 = tpu.memref_slice %arg5[%run_scoped3A_252, %run_scoped3A_253, %dma_start3A_420] : memref<3x2x128xi32, #tpu.memory_space<vmem>> -> memref<1x1x128xi32, #tpu.memory_space<vmem>>
        %dma_start3A_422 = tpu.memref_squeeze %dma_start3A_421 : memref<1x1x128xi32, #tpu.memory_space<vmem>> -> memref<128xi32, #tpu.memory_space<vmem>>
        %dma_start3A_423 = arith.constant 0 : i32
        %dma_start3A_424 = arith.constant 0 : i32
        %dma_start3A_425 = tpu.memref_slice %arg7[%dma_start3A_423, %dma_start3A_424] : memref<10112x128xf32, #tpu.memory_space<vmem_shared>> -> memref<10112x128xf32, #tpu.memory_space<vmem_shared>>
        tpu.enqueue_indirect_dma source(%dma_start3A_419 : memref<128x128xf32, #tpu.memory_space<vmem>>) target(%dma_start3A_425 : memref<10112x128xf32, #tpu.memory_space<vmem_shared>>) offsets(%dma_start3A_422 : memref<128xi32, #tpu.memory_space<vmem>>) semaphore(%run_scoped3A_415 : memref<!tpu.dma_semaphore, #tpu.memory_space<semaphore_mem>>) {add = true}
        %dma_wait3A_426 = arith.constant 0 : i32
        %dma_wait3A_427 = arith.constant 0 : i32
        %dma_wait3A_428 = tpu.memref_slice %arg6[%run_scoped3A_251, %dma_wait3A_426, %dma_wait3A_427] : memref<3x128x128xf32, #tpu.memory_space<vmem>> -> memref<1x128x128xf32, #tpu.memory_space<vmem>>
        %dma_wait3A_429 = tpu.memref_squeeze %dma_wait3A_428 : memref<1x128x128xf32, #tpu.memory_space<vmem>> -> memref<128x128xf32, #tpu.memory_space<vmem>>
        %dma_wait3A_430 = arith.constant 0 : i32
        %dma_wait3A_431 = tpu.memref_slice %arg5[%run_scoped3A_252, %run_scoped3A_253, %dma_wait3A_430] : memref<3x2x128xi32, #tpu.memory_space<vmem>> -> memref<1x1x128xi32, #tpu.memory_space<vmem>>
        %dma_wait3A_432 = tpu.memref_squeeze %dma_wait3A_431 : memref<1x1x128xi32, #tpu.memory_space<vmem>> -> memref<128xi32, #tpu.memory_space<vmem>>
        %dma_wait3A_433 = arith.constant 0 : i32
        %dma_wait3A_434 = arith.constant 0 : i32
        %dma_wait3A_435 = tpu.memref_slice %arg7[%dma_wait3A_433, %dma_wait3A_434] : memref<10112x128xf32, #tpu.memory_space<vmem_shared>> -> memref<10112x128xf32, #tpu.memory_space<vmem_shared>>
        tpu.wait_indirect_dma semaphore(%run_scoped3A_415 : memref<!tpu.dma_semaphore, #tpu.memory_space<semaphore_mem>>) src(%dma_wait3A_429 : memref<128x128xf32, #tpu.memory_space<vmem>>) dst(%dma_wait3A_435 : memref<10112x128xf32, #tpu.memory_space<vmem_shared>>)
        tpu.yield
      }) : () -> ()
      %add3A_254 = arith.constant 3 : i32
      %add3A_255 = arith.addi %add3A_205, %add3A_254 : i32
      %dma_start3A_256 = arith.constant 0 : i32
      %dma_start3A_257 = arith.constant 0 : i32
      %dma_start3A_258 = arith.constant 0 : i32
      %dma_start3A_259 = tpu.memref_slice %arg5[%dma_start3A_256, %dma_start3A_257, %dma_start3A_258] : memref<3x2x128xi32, #tpu.memory_space<vmem>> -> memref<1x2x128xi32, #tpu.memory_space<vmem>>
      %dma_start3A_260 = tpu.memref_squeeze %dma_start3A_259 : memref<1x2x128xi32, #tpu.memory_space<vmem>> -> memref<2x128xi32, #tpu.memory_space<vmem>>
      %dma_start3A_261 = arith.constant 0 : i32
      %dma_start3A_262 = arith.constant 0 : i32
      %dma_start3A_263 = tpu.memref_slice %arg3[%add3A, %add3A_255, %dma_start3A_261, %dma_start3A_262] : memref<32x81x2x128xi32, #tpu.memory_space<hbm>> -> memref<1x1x2x128xi32, #tpu.memory_space<hbm>>
      %dma_start3A_264 = tpu.memref_squeeze %dma_start3A_263 : memref<1x1x2x128xi32, #tpu.memory_space<hbm>> -> memref<2x128xi32, #tpu.memory_space<hbm>>
      %dma_start3A_265 = arith.constant 0 : i32
      %dma_start3A_266 = arith.constant 0 : i32
      %dma_start3A_267 = tpu.memref_slice %arg5[%dma_start3A_256, %dma_start3A_265, %dma_start3A_266] : memref<3x2x128xi32, #tpu.memory_space<vmem>> -> memref<1x2x128xi32, #tpu.memory_space<vmem>>
      %dma_start3A_268 = tpu.memref_squeeze %dma_start3A_267 : memref<1x2x128xi32, #tpu.memory_space<vmem>> -> memref<2x128xi32, #tpu.memory_space<vmem>>
      %dma_start3A_269 = arith.constant 0 : i32
      %dma_start3A_270 = arith.constant 0 : i32
      %dma_start3A_271 = tpu.memref_slice %arg3[%add3A, %add3A_255, %dma_start3A_269, %dma_start3A_270] : memref<32x81x2x128xi32, #tpu.memory_space<hbm>> -> memref<1x1x2x128xi32, #tpu.memory_space<hbm>>
      %dma_start3A_272 = tpu.memref_squeeze %dma_start3A_271 : memref<1x1x2x128xi32, #tpu.memory_space<hbm>> -> memref<2x128xi32, #tpu.memory_space<hbm>>
      tpu.enqueue_dma source(%dma_start3A_272 : memref<2x128xi32, #tpu.memory_space<hbm>>) target(%dma_start3A_268 : memref<2x128xi32, #tpu.memory_space<vmem>>) target_semaphore(%arg8 : memref<!tpu.dma_semaphore, #tpu.memory_space<semaphore_mem>>)
      %mul3A_273 = arith.constant 3 : i32
      %mul3A_274 = arith.muli %scan3A_201, %mul3A_273 : i32
      %add3A_275 = arith.constant 1 : i32
      %add3A_276 = arith.addi %mul3A_274, %add3A_275 : i32
      %dma_wait3A_277 = arith.constant 1 : i32
      %dma_wait3A_278 = arith.constant 0 : i32
      %dma_wait3A_279 = arith.constant 1 : i32
      %dma_wait3A_280 = arith.constant 0 : i32
      %dma_wait3A_281 = arith.constant 0 : i32
      %dma_wait3A_282 = tpu.memref_slice %arg6[%dma_wait3A_279, %dma_wait3A_280, %dma_wait3A_281] : memref<3x128x128xf32, #tpu.memory_space<vmem>> -> memref<1x128x128xf32, #tpu.memory_space<vmem>>
      %dma_wait3A_283 = tpu.memref_squeeze %dma_wait3A_282 : memref<1x128x128xf32, #tpu.memory_space<vmem>> -> memref<128x128xf32, #tpu.memory_space<vmem>>
      %dma_wait3A_284 = arith.constant 0 : i32
      %dma_wait3A_285 = tpu.memref_slice %arg5[%dma_wait3A_277, %dma_wait3A_278, %dma_wait3A_284] : memref<3x2x128xi32, #tpu.memory_space<vmem>> -> memref<1x1x128xi32, #tpu.memory_space<vmem>>
      %dma_wait3A_286 = tpu.memref_squeeze %dma_wait3A_285 : memref<1x1x128xi32, #tpu.memory_space<vmem>> -> memref<128xi32, #tpu.memory_space<vmem>>
      %dma_wait3A_287 = arith.constant 0 : i32
      %dma_wait3A_288 = arith.constant 0 : i32
      %dma_wait3A_289 = tpu.memref_slice %arg2[%dma_wait3A_287, %dma_wait3A_288] : memref<10112x128xf32, #tpu.memory_space<hbm>> -> memref<10112x128xf32, #tpu.memory_space<hbm>>
      tpu.wait_indirect_dma semaphore(%arg12 : memref<!tpu.dma_semaphore, #tpu.memory_space<semaphore_mem>>) src(%dma_wait3A_289 : memref<10112x128xf32, #tpu.memory_space<hbm>>) dst(%dma_wait3A_283 : memref<128x128xf32, #tpu.memory_space<vmem>>)
      %add3A_290 = arith.constant 2 : i32
      %add3A_291 = arith.addi %add3A_276, %add3A_290 : i32
      %dma_wait3A_292 = arith.constant 0 : i32
      %dma_wait3A_293 = arith.constant 0 : i32
      %dma_wait3A_294 = arith.constant 0 : i32
      %dma_wait3A_295 = tpu.memref_slice %arg5[%dma_wait3A_292, %dma_wait3A_293, %dma_wait3A_294] : memref<3x2x128xi32, #tpu.memory_space<vmem>> -> memref<1x2x128xi32, #tpu.memory_space<vmem>>
      %dma_wait3A_296 = tpu.memref_squeeze %dma_wait3A_295 : memref<1x2x128xi32, #tpu.memory_space<vmem>> -> memref<2x128xi32, #tpu.memory_space<vmem>>
      %dma_wait3A_297 = arith.constant 0 : i32
      %dma_wait3A_298 = arith.constant 0 : i32
      %dma_wait3A_299 = tpu.memref_slice %arg3[%add3A, %add3A_291, %dma_wait3A_297, %dma_wait3A_298] : memref<32x81x2x128xi32, #tpu.memory_space<hbm>> -> memref<1x1x2x128xi32, #tpu.memory_space<hbm>>
      %dma_wait3A_300 = tpu.memref_squeeze %dma_wait3A_299 : memref<1x1x2x128xi32, #tpu.memory_space<hbm>> -> memref<2x128xi32, #tpu.memory_space<hbm>>
      %dma_wait3A_301 = arith.constant 0 : i32
      %dma_wait3A_302 = arith.constant 0 : i32
      %dma_wait3A_303 = tpu.memref_slice %arg5[%dma_wait3A_292, %dma_wait3A_301, %dma_wait3A_302] : memref<3x2x128xi32, #tpu.memory_space<vmem>> -> memref<1x2x128xi32, #tpu.memory_space<vmem>>
      %dma_wait3A_304 = tpu.memref_squeeze %dma_wait3A_303 : memref<1x2x128xi32, #tpu.memory_space<vmem>> -> memref<2x128xi32, #tpu.memory_space<vmem>>
      %dma_wait3A_305 = arith.constant 0 : i32
      %dma_wait3A_306 = arith.constant 0 : i32
      %dma_wait3A_307 = tpu.memref_slice %arg3[%add3A, %add3A_291, %dma_wait3A_305, %dma_wait3A_306] : memref<32x81x2x128xi32, #tpu.memory_space<hbm>> -> memref<1x1x2x128xi32, #tpu.memory_space<hbm>>
      %dma_wait3A_308 = tpu.memref_squeeze %dma_wait3A_307 : memref<1x1x2x128xi32, #tpu.memory_space<hbm>> -> memref<2x128xi32, #tpu.memory_space<hbm>>
      tpu.wait_dma2 semaphore(%arg8 : memref<!tpu.dma_semaphore, #tpu.memory_space<semaphore_mem>>) src(%dma_wait3A_308 : memref<2x128xi32, #tpu.memory_space<hbm>>) dst(%dma_wait3A_304 : memref<2x128xi32, #tpu.memory_space<vmem>>)
      %dma_start3A_309 = arith.constant 0 : i32
      %dma_start3A_310 = arith.constant 0 : i32
      %dma_start3A_311 = arith.constant 0 : i32
      %dma_start3A_312 = arith.constant 0 : i32
      %dma_start3A_313 = arith.constant 0 : i32
      %dma_start3A_314 = tpu.memref_slice %arg6[%dma_start3A_311, %dma_start3A_312, %dma_start3A_313] : memref<3x128x128xf32, #tpu.memory_space<vmem>> -> memref<1x128x128xf32, #tpu.memory_space<vmem>>
      %dma_start3A_315 = tpu.memref_squeeze %dma_start3A_314 : memref<1x128x128xf32, #tpu.memory_space<vmem>> -> memref<128x128xf32, #tpu.memory_space<vmem>>
      %dma_start3A_316 = arith.constant 0 : i32
      %dma_start3A_317 = tpu.memref_slice %arg5[%dma_start3A_309, %dma_start3A_310, %dma_start3A_316] : memref<3x2x128xi32, #tpu.memory_space<vmem>> -> memref<1x1x128xi32, #tpu.memory_space<vmem>>
      %dma_start3A_318 = tpu.memref_squeeze %dma_start3A_317 : memref<1x1x128xi32, #tpu.memory_space<vmem>> -> memref<128xi32, #tpu.memory_space<vmem>>
      %dma_start3A_319 = arith.constant 0 : i32
      %dma_start3A_320 = arith.constant 0 : i32
      %dma_start3A_321 = tpu.memref_slice %arg2[%dma_start3A_319, %dma_start3A_320] : memref<10112x128xf32, #tpu.memory_space<hbm>> -> memref<10112x128xf32, #tpu.memory_space<hbm>>
      tpu.enqueue_indirect_dma source(%dma_start3A_321 : memref<10112x128xf32, #tpu.memory_space<hbm>>) target(%dma_start3A_315 : memref<128x128xf32, #tpu.memory_space<vmem>>) offsets(%dma_start3A_318 : memref<128xi32, #tpu.memory_space<vmem>>) semaphore(%arg11 : memref<!tpu.dma_semaphore, #tpu.memory_space<semaphore_mem>>)
      %run_scoped3A_322 = arith.constant 1 : i32
      %run_scoped3A_323 = arith.constant 1 : i32
      %run_scoped3A_324 = arith.constant 1 : i32
      "tpu.region"() ({
        %run_scoped3A_415 = tpu.sem_alloc : memref<!tpu.dma_semaphore, #tpu.memory_space<semaphore_mem>>
        %dma_start3A_416 = arith.constant 0 : i32
        %dma_start3A_417 = arith.constant 0 : i32
        %dma_start3A_418 = tpu.memref_slice %arg6[%run_scoped3A_322, %dma_start3A_416, %dma_start3A_417] : memref<3x128x128xf32, #tpu.memory_space<vmem>> -> memref<1x128x128xf32, #tpu.memory_space<vmem>>
        %dma_start3A_419 = tpu.memref_squeeze %dma_start3A_418 : memref<1x128x128xf32, #tpu.memory_space<vmem>> -> memref<128x128xf32, #tpu.memory_space<vmem>>
        %dma_start3A_420 = arith.constant 0 : i32
        %dma_start3A_421 = tpu.memref_slice %arg5[%run_scoped3A_323, %run_scoped3A_324, %dma_start3A_420] : memref<3x2x128xi32, #tpu.memory_space<vmem>> -> memref<1x1x128xi32, #tpu.memory_space<vmem>>
        %dma_start3A_422 = tpu.memref_squeeze %dma_start3A_421 : memref<1x1x128xi32, #tpu.memory_space<vmem>> -> memref<128xi32, #tpu.memory_space<vmem>>
        %dma_start3A_423 = arith.constant 0 : i32
        %dma_start3A_424 = arith.constant 0 : i32
        %dma_start3A_425 = tpu.memref_slice %arg7[%dma_start3A_423, %dma_start3A_424] : memref<10112x128xf32, #tpu.memory_space<vmem_shared>> -> memref<10112x128xf32, #tpu.memory_space<vmem_shared>>
        tpu.enqueue_indirect_dma source(%dma_start3A_419 : memref<128x128xf32, #tpu.memory_space<vmem>>) target(%dma_start3A_425 : memref<10112x128xf32, #tpu.memory_space<vmem_shared>>) offsets(%dma_start3A_422 : memref<128xi32, #tpu.memory_space<vmem>>) semaphore(%run_scoped3A_415 : memref<!tpu.dma_semaphore, #tpu.memory_space<semaphore_mem>>) {add = true}
        %dma_wait3A_426 = arith.constant 0 : i32
        %dma_wait3A_427 = arith.constant 0 : i32
        %dma_wait3A_428 = tpu.memref_slice %arg6[%run_scoped3A_322, %dma_wait3A_426, %dma_wait3A_427] : memref<3x128x128xf32, #tpu.memory_space<vmem>> -> memref<1x128x128xf32, #tpu.memory_space<vmem>>
        %dma_wait3A_429 = tpu.memref_squeeze %dma_wait3A_428 : memref<1x128x128xf32, #tpu.memory_space<vmem>> -> memref<128x128xf32, #tpu.memory_space<vmem>>
        %dma_wait3A_430 = arith.constant 0 : i32
        %dma_wait3A_431 = tpu.memref_slice %arg5[%run_scoped3A_323, %run_scoped3A_324, %dma_wait3A_430] : memref<3x2x128xi32, #tpu.memory_space<vmem>> -> memref<1x1x128xi32, #tpu.memory_space<vmem>>
        %dma_wait3A_432 = tpu.memref_squeeze %dma_wait3A_431 : memref<1x1x128xi32, #tpu.memory_space<vmem>> -> memref<128xi32, #tpu.memory_space<vmem>>
        %dma_wait3A_433 = arith.constant 0 : i32
        %dma_wait3A_434 = arith.constant 0 : i32
        %dma_wait3A_435 = tpu.memref_slice %arg7[%dma_wait3A_433, %dma_wait3A_434] : memref<10112x128xf32, #tpu.memory_space<vmem_shared>> -> memref<10112x128xf32, #tpu.memory_space<vmem_shared>>
        tpu.wait_indirect_dma semaphore(%run_scoped3A_415 : memref<!tpu.dma_semaphore, #tpu.memory_space<semaphore_mem>>) src(%dma_wait3A_429 : memref<128x128xf32, #tpu.memory_space<vmem>>) dst(%dma_wait3A_435 : memref<10112x128xf32, #tpu.memory_space<vmem_shared>>)
        tpu.yield
      }) : () -> ()
      %add3A_325 = arith.constant 3 : i32
      %add3A_326 = arith.addi %add3A_276, %add3A_325 : i32
      %dma_start3A_327 = arith.constant 1 : i32
      %dma_start3A_328 = arith.constant 0 : i32
      %dma_start3A_329 = arith.constant 0 : i32
      %dma_start3A_330 = tpu.memref_slice %arg5[%dma_start3A_327, %dma_start3A_328, %dma_start3A_329] : memref<3x2x128xi32, #tpu.memory_space<vmem>> -> memref<1x2x128xi32, #tpu.memory_space<vmem>>
      %dma_start3A_331 = tpu.memref_squeeze %dma_start3A_330 : memref<1x2x128xi32, #tpu.memory_space<vmem>> -> memref<2x128xi32, #tpu.memory_space<vmem>>
      %dma_start3A_332 = arith.constant 0 : i32
      %dma_start3A_333 = arith.constant 0 : i32
      %dma_start3A_334 = tpu.memref_slice %arg3[%add3A, %add3A_326, %dma_start3A_332, %dma_start3A_333] : memref<32x81x2x128xi32, #tpu.memory_space<hbm>> -> memref<1x1x2x128xi32, #tpu.memory_space<hbm>>
      %dma_start3A_335 = tpu.memref_squeeze %dma_start3A_334 : memref<1x1x2x128xi32, #tpu.memory_space<hbm>> -> memref<2x128xi32, #tpu.memory_space<hbm>>
      %dma_start3A_336 = arith.constant 0 : i32
      %dma_start3A_337 = arith.constant 0 : i32
      %dma_start3A_338 = tpu.memref_slice %arg5[%dma_start3A_327, %dma_start3A_336, %dma_start3A_337] : memref<3x2x128xi32, #tpu.memory_space<vmem>> -> memref<1x2x128xi32, #tpu.memory_space<vmem>>
      %dma_start3A_339 = tpu.memref_squeeze %dma_start3A_338 : memref<1x2x128xi32, #tpu.memory_space<vmem>> -> memref<2x128xi32, #tpu.memory_space<vmem>>
      %dma_start3A_340 = arith.constant 0 : i32
      %dma_start3A_341 = arith.constant 0 : i32
      %dma_start3A_342 = tpu.memref_slice %arg3[%add3A, %add3A_326, %dma_start3A_340, %dma_start3A_341] : memref<32x81x2x128xi32, #tpu.memory_space<hbm>> -> memref<1x1x2x128xi32, #tpu.memory_space<hbm>>
      %dma_start3A_343 = tpu.memref_squeeze %dma_start3A_342 : memref<1x1x2x128xi32, #tpu.memory_space<hbm>> -> memref<2x128xi32, #tpu.memory_space<hbm>>
      tpu.enqueue_dma source(%dma_start3A_343 : memref<2x128xi32, #tpu.memory_space<hbm>>) target(%dma_start3A_339 : memref<2x128xi32, #tpu.memory_space<vmem>>) target_semaphore(%arg9 : memref<!tpu.dma_semaphore, #tpu.memory_space<semaphore_mem>>)
      %mul3A_344 = arith.constant 3 : i32
      %mul3A_345 = arith.muli %scan3A_201, %mul3A_344 : i32
      %add3A_346 = arith.constant 2 : i32
      %add3A_347 = arith.addi %mul3A_345, %add3A_346 : i32
      %dma_wait3A_348 = arith.constant 2 : i32
      %dma_wait3A_349 = arith.constant 0 : i32
      %dma_wait3A_350 = arith.constant 2 : i32
      %dma_wait3A_351 = arith.constant 0 : i32
      %dma_wait3A_352 = arith.constant 0 : i32
      %dma_wait3A_353 = tpu.memref_slice %arg6[%dma_wait3A_350, %dma_wait3A_351, %dma_wait3A_352] : memref<3x128x128xf32, #tpu.memory_space<vmem>> -> memref<1x128x128xf32, #tpu.memory_space<vmem>>
      %dma_wait3A_354 = tpu.memref_squeeze %dma_wait3A_353 : memref<1x128x128xf32, #tpu.memory_space<vmem>> -> memref<128x128xf32, #tpu.memory_space<vmem>>
      %dma_wait3A_355 = arith.constant 0 : i32
      %dma_wait3A_356 = tpu.memref_slice %arg5[%dma_wait3A_348, %dma_wait3A_349, %dma_wait3A_355] : memref<3x2x128xi32, #tpu.memory_space<vmem>> -> memref<1x1x128xi32, #tpu.memory_space<vmem>>
      %dma_wait3A_357 = tpu.memref_squeeze %dma_wait3A_356 : memref<1x1x128xi32, #tpu.memory_space<vmem>> -> memref<128xi32, #tpu.memory_space<vmem>>
      %dma_wait3A_358 = arith.constant 0 : i32
      %dma_wait3A_359 = arith.constant 0 : i32
      %dma_wait3A_360 = tpu.memref_slice %arg2[%dma_wait3A_358, %dma_wait3A_359] : memref<10112x128xf32, #tpu.memory_space<hbm>> -> memref<10112x128xf32, #tpu.memory_space<hbm>>
      tpu.wait_indirect_dma semaphore(%arg13 : memref<!tpu.dma_semaphore, #tpu.memory_space<semaphore_mem>>) src(%dma_wait3A_360 : memref<10112x128xf32, #tpu.memory_space<hbm>>) dst(%dma_wait3A_354 : memref<128x128xf32, #tpu.memory_space<vmem>>)
      %add3A_361 = arith.constant 2 : i32
      %add3A_362 = arith.addi %add3A_347, %add3A_361 : i32
      %dma_wait3A_363 = arith.constant 1 : i32
      %dma_wait3A_364 = arith.constant 0 : i32
      %dma_wait3A_365 = arith.constant 0 : i32
      %dma_wait3A_366 = tpu.memref_slice %arg5[%dma_wait3A_363, %dma_wait3A_364, %dma_wait3A_365] : memref<3x2x128xi32, #tpu.memory_space<vmem>> -> memref<1x2x128xi32, #tpu.memory_space<vmem>>
      %dma_wait3A_367 = tpu.memref_squeeze %dma_wait3A_366 : memref<1x2x128xi32, #tpu.memory_space<vmem>> -> memref<2x128xi32, #tpu.memory_space<vmem>>
      %dma_wait3A_368 = arith.constant 0 : i32
      %dma_wait3A_369 = arith.constant 0 : i32
      %dma_wait3A_370 = tpu.memref_slice %arg3[%add3A, %add3A_362, %dma_wait3A_368, %dma_wait3A_369] : memref<32x81x2x128xi32, #tpu.memory_space<hbm>> -> memref<1x1x2x128xi32, #tpu.memory_space<hbm>>
      %dma_wait3A_371 = tpu.memref_squeeze %dma_wait3A_370 : memref<1x1x2x128xi32, #tpu.memory_space<hbm>> -> memref<2x128xi32, #tpu.memory_space<hbm>>
      %dma_wait3A_372 = arith.constant 0 : i32
      %dma_wait3A_373 = arith.constant 0 : i32
      %dma_wait3A_374 = tpu.memref_slice %arg5[%dma_wait3A_363, %dma_wait3A_372, %dma_wait3A_373] : memref<3x2x128xi32, #tpu.memory_space<vmem>> -> memref<1x2x128xi32, #tpu.memory_space<vmem>>
      %dma_wait3A_375 = tpu.memref_squeeze %dma_wait3A_374 : memref<1x2x128xi32, #tpu.memory_space<vmem>> -> memref<2x128xi32, #tpu.memory_space<vmem>>
      %dma_wait3A_376 = arith.constant 0 : i32
      %dma_wait3A_377 = arith.constant 0 : i32
      %dma_wait3A_378 = tpu.memref_slice %arg3[%add3A, %add3A_362, %dma_wait3A_376, %dma_wait3A_377] : memref<32x81x2x128xi32, #tpu.memory_space<hbm>> -> memref<1x1x2x128xi32, #tpu.memory_space<hbm>>
      %dma_wait3A_379 = tpu.memref_squeeze %dma_wait3A_378 : memref<1x1x2x128xi32, #tpu.memory_space<hbm>> -> memref<2x128xi32, #tpu.memory_space<hbm>>
      tpu.wait_dma2 semaphore(%arg9 : memref<!tpu.dma_semaphore, #tpu.memory_space<semaphore_mem>>) src(%dma_wait3A_379 : memref<2x128xi32, #tpu.memory_space<hbm>>) dst(%dma_wait3A_375 : memref<2x128xi32, #tpu.memory_space<vmem>>)
      %dma_start3A_380 = arith.constant 1 : i32
      %dma_start3A_381 = arith.constant 0 : i32
      %dma_start3A_382 = arith.constant 1 : i32
      %dma_start3A_383 = arith.constant 0 : i32
      %dma_start3A_384 = arith.constant 0 : i32
      %dma_start3A_385 = tpu.memref_slice %arg6[%dma_start3A_382, %dma_start3A_383, %dma_start3A_384] : memref<3x128x128xf32, #tpu.memory_space<vmem>> -> memref<1x128x128xf32, #tpu.memory_space<vmem>>
      %dma_start3A_386 = tpu.memref_squeeze %dma_start3A_385 : memref<1x128x128xf32, #tpu.memory_space<vmem>> -> memref<128x128xf32, #tpu.memory_space<vmem>>
      %dma_start3A_387 = arith.constant 0 : i32
      %dma_start3A_388 = tpu.memref_slice %arg5[%dma_start3A_380, %dma_start3A_381, %dma_start3A_387] : memref<3x2x128xi32, #tpu.memory_space<vmem>> -> memref<1x1x128xi32, #tpu.memory_space<vmem>>
      %dma_start3A_389 = tpu.memref_squeeze %dma_start3A_388 : memref<1x1x128xi32, #tpu.memory_space<vmem>> -> memref<128xi32, #tpu.memory_space<vmem>>
      %dma_start3A_390 = arith.constant 0 : i32
      %dma_start3A_391 = arith.constant 0 : i32
      %dma_start3A_392 = tpu.memref_slice %arg2[%dma_start3A_390, %dma_start3A_391] : memref<10112x128xf32, #tpu.memory_space<hbm>> -> memref<10112x128xf32, #tpu.memory_space<hbm>>
      tpu.enqueue_indirect_dma source(%dma_start3A_392 : memref<10112x128xf32, #tpu.memory_space<hbm>>) target(%dma_start3A_386 : memref<128x128xf32, #tpu.memory_space<vmem>>) offsets(%dma_start3A_389 : memref<128xi32, #tpu.memory_space<vmem>>) semaphore(%arg12 : memref<!tpu.dma_semaphore, #tpu.memory_space<semaphore_mem>>)
      %run_scoped3A_393 = arith.constant 2 : i32
      %run_scoped3A_394 = arith.constant 2 : i32
      %run_scoped3A_395 = arith.constant 1 : i32
      "tpu.region"() ({
        %run_scoped3A_415 = tpu.sem_alloc : memref<!tpu.dma_semaphore, #tpu.memory_space<semaphore_mem>>
        %dma_start3A_416 = arith.constant 0 : i32
        %dma_start3A_417 = arith.constant 0 : i32
        %dma_start3A_418 = tpu.memref_slice %arg6[%run_scoped3A_393, %dma_start3A_416, %dma_start3A_417] : memref<3x128x128xf32, #tpu.memory_space<vmem>> -> memref<1x128x128xf32, #tpu.memory_space<vmem>>
        %dma_start3A_419 = tpu.memref_squeeze %dma_start3A_418 : memref<1x128x128xf32, #tpu.memory_space<vmem>> -> memref<128x128xf32, #tpu.memory_space<vmem>>
        %dma_start3A_420 = arith.constant 0 : i32
        %dma_start3A_421 = tpu.memref_slice %arg5[%run_scoped3A_394, %run_scoped3A_395, %dma_start3A_420] : memref<3x2x128xi32, #tpu.memory_space<vmem>> -> memref<1x1x128xi32, #tpu.memory_space<vmem>>
        %dma_start3A_422 = tpu.memref_squeeze %dma_start3A_421 : memref<1x1x128xi32, #tpu.memory_space<vmem>> -> memref<128xi32, #tpu.memory_space<vmem>>
        %dma_start3A_423 = arith.constant 0 : i32
        %dma_start3A_424 = arith.constant 0 : i32
        %dma_start3A_425 = tpu.memref_slice %arg7[%dma_start3A_423, %dma_start3A_424] : memref<10112x128xf32, #tpu.memory_space<vmem_shared>> -> memref<10112x128xf32, #tpu.memory_space<vmem_shared>>
        tpu.enqueue_indirect_dma source(%dma_start3A_419 : memref<128x128xf32, #tpu.memory_space<vmem>>) target(%dma_start3A_425 : memref<10112x128xf32, #tpu.memory_space<vmem_shared>>) offsets(%dma_start3A_422 : memref<128xi32, #tpu.memory_space<vmem>>) semaphore(%run_scoped3A_415 : memref<!tpu.dma_semaphore, #tpu.memory_space<semaphore_mem>>) {add = true}
        %dma_wait3A_426 = arith.constant 0 : i32
        %dma_wait3A_427 = arith.constant 0 : i32
        %dma_wait3A_428 = tpu.memref_slice %arg6[%run_scoped3A_393, %dma_wait3A_426, %dma_wait3A_427] : memref<3x128x128xf32, #tpu.memory_space<vmem>> -> memref<1x128x128xf32, #tpu.memory_space<vmem>>
        %dma_wait3A_429 = tpu.memref_squeeze %dma_wait3A_428 : memref<1x128x128xf32, #tpu.memory_space<vmem>> -> memref<128x128xf32, #tpu.memory_space<vmem>>
        %dma_wait3A_430 = arith.constant 0 : i32
        %dma_wait3A_431 = tpu.memref_slice %arg5[%run_scoped3A_394, %run_scoped3A_395, %dma_wait3A_430] : memref<3x2x128xi32, #tpu.memory_space<vmem>> -> memref<1x1x128xi32, #tpu.memory_space<vmem>>
        %dma_wait3A_432 = tpu.memref_squeeze %dma_wait3A_431 : memref<1x1x128xi32, #tpu.memory_space<vmem>> -> memref<128xi32, #tpu.memory_space<vmem>>
        %dma_wait3A_433 = arith.constant 0 : i32
        %dma_wait3A_434 = arith.constant 0 : i32
        %dma_wait3A_435 = tpu.memref_slice %arg7[%dma_wait3A_433, %dma_wait3A_434] : memref<10112x128xf32, #tpu.memory_space<vmem_shared>> -> memref<10112x128xf32, #tpu.memory_space<vmem_shared>>
        tpu.wait_indirect_dma semaphore(%run_scoped3A_415 : memref<!tpu.dma_semaphore, #tpu.memory_space<semaphore_mem>>) src(%dma_wait3A_429 : memref<128x128xf32, #tpu.memory_space<vmem>>) dst(%dma_wait3A_435 : memref<10112x128xf32, #tpu.memory_space<vmem_shared>>)
        tpu.yield
      }) : () -> ()
      %add3A_396 = arith.constant 3 : i32
      %add3A_397 = arith.addi %add3A_347, %add3A_396 : i32
      %dma_start3A_398 = arith.constant 2 : i32
      %dma_start3A_399 = arith.constant 0 : i32
      %dma_start3A_400 = arith.constant 0 : i32
      %dma_start3A_401 = tpu.memref_slice %arg5[%dma_start3A_398, %dma_start3A_399, %dma_start3A_400] : memref<3x2x128xi32, #tpu.memory_space<vmem>> -> memref<1x2x128xi32, #tpu.memory_space<vmem>>
      %dma_start3A_402 = tpu.memref_squeeze %dma_start3A_401 : memref<1x2x128xi32, #tpu.memory_space<vmem>> -> memref<2x128xi32, #tpu.memory_space<vmem>>
      %dma_start3A_403 = arith.constant 0 : i32
      %dma_start3A_404 = arith.constant 0 : i32
      %dma_start3A_405 = tpu.memref_slice %arg3[%add3A, %add3A_397, %dma_start3A_403, %dma_start3A_404] : memref<32x81x2x128xi32, #tpu.memory_space<hbm>> -> memref<1x1x2x128xi32, #tpu.memory_space<hbm>>
      %dma_start3A_406 = tpu.memref_squeeze %dma_start3A_405 : memref<1x1x2x128xi32, #tpu.memory_space<hbm>> -> memref<2x128xi32, #tpu.memory_space<hbm>>
      %dma_start3A_407 = arith.constant 0 : i32
      %dma_start3A_408 = arith.constant 0 : i32
      %dma_start3A_409 = tpu.memref_slice %arg5[%dma_start3A_398, %dma_start3A_407, %dma_start3A_408] : memref<3x2x128xi32, #tpu.memory_space<vmem>> -> memref<1x2x128xi32, #tpu.memory_space<vmem>>
      %dma_start3A_410 = tpu.memref_squeeze %dma_start3A_409 : memref<1x2x128xi32, #tpu.memory_space<vmem>> -> memref<2x128xi32, #tpu.memory_space<vmem>>
      %dma_start3A_411 = arith.constant 0 : i32
      %dma_start3A_412 = arith.constant 0 : i32
      %dma_start3A_413 = tpu.memref_slice %arg3[%add3A, %add3A_397, %dma_start3A_411, %dma_start3A_412] : memref<32x81x2x128xi32, #tpu.memory_space<hbm>> -> memref<1x1x2x128xi32, #tpu.memory_space<hbm>>
      %dma_start3A_414 = tpu.memref_squeeze %dma_start3A_413 : memref<1x1x2x128xi32, #tpu.memory_space<hbm>> -> memref<2x128xi32, #tpu.memory_space<hbm>>
      tpu.enqueue_dma source(%dma_start3A_414 : memref<2x128xi32, #tpu.memory_space<hbm>>) target(%dma_start3A_410 : memref<2x128xi32, #tpu.memory_space<vmem>>) target_semaphore(%arg10 : memref<!tpu.dma_semaphore, #tpu.memory_space<semaphore_mem>>)
    }
    %scan3A_121 = arith.constant 26 : i32
    %dma_wait3A_122 = arith.constant 0 : i32
    %dma_wait3A_123 = arith.constant 0 : i32
    %dma_wait3A_124 = arith.constant 0 : i32
    %dma_wait3A_125 = arith.constant 0 : i32
    %dma_wait3A_126 = arith.constant 0 : i32
    %dma_wait3A_127 = tpu.memref_slice %arg6[%dma_wait3A_124, %dma_wait3A_125, %dma_wait3A_126] : memref<3x128x128xf32, #tpu.memory_space<vmem>> -> memref<1x128x128xf32, #tpu.memory_space<vmem>>
    %dma_wait3A_128 = tpu.memref_squeeze %dma_wait3A_127 : memref<1x128x128xf32, #tpu.memory_space<vmem>> -> memref<128x128xf32, #tpu.memory_space<vmem>>
    %dma_wait3A_129 = arith.constant 0 : i32
    %dma_wait3A_130 = tpu.memref_slice %arg5[%dma_wait3A_122, %dma_wait3A_123, %dma_wait3A_129] : memref<3x2x128xi32, #tpu.memory_space<vmem>> -> memref<1x1x128xi32, #tpu.memory_space<vmem>>
    %dma_wait3A_131 = tpu.memref_squeeze %dma_wait3A_130 : memref<1x1x128xi32, #tpu.memory_space<vmem>> -> memref<128xi32, #tpu.memory_space<vmem>>
    %dma_wait3A_132 = arith.constant 0 : i32
    %dma_wait3A_133 = arith.constant 0 : i32
    %dma_wait3A_134 = tpu.memref_slice %arg2[%dma_wait3A_132, %dma_wait3A_133] : memref<10112x128xf32, #tpu.memory_space<hbm>> -> memref<10112x128xf32, #tpu.memory_space<hbm>>
    tpu.wait_indirect_dma semaphore(%arg11 : memref<!tpu.dma_semaphore, #tpu.memory_space<semaphore_mem>>) src(%dma_wait3A_134 : memref<10112x128xf32, #tpu.memory_space<hbm>>) dst(%dma_wait3A_128 : memref<128x128xf32, #tpu.memory_space<vmem>>)
    %dma_wait3A_135 = arith.constant 80 : i32
    %dma_wait3A_136 = arith.constant 2 : i32
    %dma_wait3A_137 = arith.constant 0 : i32
    %dma_wait3A_138 = arith.constant 0 : i32
    %dma_wait3A_139 = tpu.memref_slice %arg5[%dma_wait3A_136, %dma_wait3A_137, %dma_wait3A_138] : memref<3x2x128xi32, #tpu.memory_space<vmem>> -> memref<1x2x128xi32, #tpu.memory_space<vmem>>
    %dma_wait3A_140 = tpu.memref_squeeze %dma_wait3A_139 : memref<1x2x128xi32, #tpu.memory_space<vmem>> -> memref<2x128xi32, #tpu.memory_space<vmem>>
    %dma_wait3A_141 = arith.constant 0 : i32
    %dma_wait3A_142 = arith.constant 0 : i32
    %dma_wait3A_143 = tpu.memref_slice %arg3[%add3A, %dma_wait3A_135, %dma_wait3A_141, %dma_wait3A_142] : memref<32x81x2x128xi32, #tpu.memory_space<hbm>> -> memref<1x1x2x128xi32, #tpu.memory_space<hbm>>
    %dma_wait3A_144 = tpu.memref_squeeze %dma_wait3A_143 : memref<1x1x2x128xi32, #tpu.memory_space<hbm>> -> memref<2x128xi32, #tpu.memory_space<hbm>>
    %dma_wait3A_145 = arith.constant 0 : i32
    %dma_wait3A_146 = arith.constant 0 : i32
    %dma_wait3A_147 = tpu.memref_slice %arg5[%dma_wait3A_136, %dma_wait3A_145, %dma_wait3A_146] : memref<3x2x128xi32, #tpu.memory_space<vmem>> -> memref<1x2x128xi32, #tpu.memory_space<vmem>>
    %dma_wait3A_148 = tpu.memref_squeeze %dma_wait3A_147 : memref<1x2x128xi32, #tpu.memory_space<vmem>> -> memref<2x128xi32, #tpu.memory_space<vmem>>
    %dma_wait3A_149 = arith.constant 0 : i32
    %dma_wait3A_150 = arith.constant 0 : i32
    %dma_wait3A_151 = tpu.memref_slice %arg3[%add3A, %dma_wait3A_135, %dma_wait3A_149, %dma_wait3A_150] : memref<32x81x2x128xi32, #tpu.memory_space<hbm>> -> memref<1x1x2x128xi32, #tpu.memory_space<hbm>>
    %dma_wait3A_152 = tpu.memref_squeeze %dma_wait3A_151 : memref<1x1x2x128xi32, #tpu.memory_space<hbm>> -> memref<2x128xi32, #tpu.memory_space<hbm>>
    tpu.wait_dma2 semaphore(%arg10 : memref<!tpu.dma_semaphore, #tpu.memory_space<semaphore_mem>>) src(%dma_wait3A_152 : memref<2x128xi32, #tpu.memory_space<hbm>>) dst(%dma_wait3A_148 : memref<2x128xi32, #tpu.memory_space<vmem>>)
    %dma_start3A_153 = arith.constant 2 : i32
    %dma_start3A_154 = arith.constant 0 : i32
    %dma_start3A_155 = arith.constant 2 : i32
    %dma_start3A_156 = arith.constant 0 : i32
    %dma_start3A_157 = arith.constant 0 : i32
    %dma_start3A_158 = tpu.memref_slice %arg6[%dma_start3A_155, %dma_start3A_156, %dma_start3A_157] : memref<3x128x128xf32, #tpu.memory_space<vmem>> -> memref<1x128x128xf32, #tpu.memory_space<vmem>>
    %dma_start3A_159 = tpu.memref_squeeze %dma_start3A_158 : memref<1x128x128xf32, #tpu.memory_space<vmem>> -> memref<128x128xf32, #tpu.memory_space<vmem>>
    %dma_start3A_160 = arith.constant 0 : i32
    %dma_start3A_161 = tpu.memref_slice %arg5[%dma_start3A_153, %dma_start3A_154, %dma_start3A_160] : memref<3x2x128xi32, #tpu.memory_space<vmem>> -> memref<1x1x128xi32, #tpu.memory_space<vmem>>
    %dma_start3A_162 = tpu.memref_squeeze %dma_start3A_161 : memref<1x1x128xi32, #tpu.memory_space<vmem>> -> memref<128xi32, #tpu.memory_space<vmem>>
    %dma_start3A_163 = arith.constant 0 : i32
    %dma_start3A_164 = arith.constant 0 : i32
    %dma_start3A_165 = tpu.memref_slice %arg2[%dma_start3A_163, %dma_start3A_164] : memref<10112x128xf32, #tpu.memory_space<hbm>> -> memref<10112x128xf32, #tpu.memory_space<hbm>>
    tpu.enqueue_indirect_dma source(%dma_start3A_165 : memref<10112x128xf32, #tpu.memory_space<hbm>>) target(%dma_start3A_159 : memref<128x128xf32, #tpu.memory_space<vmem>>) offsets(%dma_start3A_162 : memref<128xi32, #tpu.memory_space<vmem>>) semaphore(%arg13 : memref<!tpu.dma_semaphore, #tpu.memory_space<semaphore_mem>>)
    %run_scoped3A = arith.constant 0 : i32
    %run_scoped3A_166 = arith.constant 0 : i32
    %run_scoped3A_167 = arith.constant 1 : i32
    "tpu.region"() ({
      %run_scoped3A_201 = tpu.sem_alloc : memref<!tpu.dma_semaphore, #tpu.memory_space<semaphore_mem>>
      %dma_start3A_202 = arith.constant 0 : i32
      %dma_start3A_203 = arith.constant 0 : i32
      %dma_start3A_204 = tpu.memref_slice %arg6[%run_scoped3A, %dma_start3A_202, %dma_start3A_203] : memref<3x128x128xf32, #tpu.memory_space<vmem>> -> memref<1x128x128xf32, #tpu.memory_space<vmem>>
      %dma_start3A_205 = tpu.memref_squeeze %dma_start3A_204 : memref<1x128x128xf32, #tpu.memory_space<vmem>> -> memref<128x128xf32, #tpu.memory_space<vmem>>
      %dma_start3A_206 = arith.constant 0 : i32
      %dma_start3A_207 = tpu.memref_slice %arg5[%run_scoped3A_166, %run_scoped3A_167, %dma_start3A_206] : memref<3x2x128xi32, #tpu.memory_space<vmem>> -> memref<1x1x128xi32, #tpu.memory_space<vmem>>
      %dma_start3A_208 = tpu.memref_squeeze %dma_start3A_207 : memref<1x1x128xi32, #tpu.memory_space<vmem>> -> memref<128xi32, #tpu.memory_space<vmem>>
      %dma_start3A_209 = arith.constant 0 : i32
      %dma_start3A_210 = arith.constant 0 : i32
      %dma_start3A_211 = tpu.memref_slice %arg7[%dma_start3A_209, %dma_start3A_210] : memref<10112x128xf32, #tpu.memory_space<vmem_shared>> -> memref<10112x128xf32, #tpu.memory_space<vmem_shared>>
      tpu.enqueue_indirect_dma source(%dma_start3A_205 : memref<128x128xf32, #tpu.memory_space<vmem>>) target(%dma_start3A_211 : memref<10112x128xf32, #tpu.memory_space<vmem_shared>>) offsets(%dma_start3A_208 : memref<128xi32, #tpu.memory_space<vmem>>) semaphore(%run_scoped3A_201 : memref<!tpu.dma_semaphore, #tpu.memory_space<semaphore_mem>>) {add = true}
      %dma_wait3A_212 = arith.constant 0 : i32
      %dma_wait3A_213 = arith.constant 0 : i32
      %dma_wait3A_214 = tpu.memref_slice %arg6[%run_scoped3A, %dma_wait3A_212, %dma_wait3A_213] : memref<3x128x128xf32, #tpu.memory_space<vmem>> -> memref<1x128x128xf32, #tpu.memory_space<vmem>>
      %dma_wait3A_215 = tpu.memref_squeeze %dma_wait3A_214 : memref<1x128x128xf32, #tpu.memory_space<vmem>> -> memref<128x128xf32, #tpu.memory_space<vmem>>
      %dma_wait3A_216 = arith.constant 0 : i32
      %dma_wait3A_217 = tpu.memref_slice %arg5[%run_scoped3A_166, %run_scoped3A_167, %dma_wait3A_216] : memref<3x2x128xi32, #tpu.memory_space<vmem>> -> memref<1x1x128xi32, #tpu.memory_space<vmem>>
      %dma_wait3A_218 = tpu.memref_squeeze %dma_wait3A_217 : memref<1x1x128xi32, #tpu.memory_space<vmem>> -> memref<128xi32, #tpu.memory_space<vmem>>
      %dma_wait3A_219 = arith.constant 0 : i32
      %dma_wait3A_220 = arith.constant 0 : i32
      %dma_wait3A_221 = tpu.memref_slice %arg7[%dma_wait3A_219, %dma_wait3A_220] : memref<10112x128xf32, #tpu.memory_space<vmem_shared>> -> memref<10112x128xf32, #tpu.memory_space<vmem_shared>>
      tpu.wait_indirect_dma semaphore(%run_scoped3A_201 : memref<!tpu.dma_semaphore, #tpu.memory_space<semaphore_mem>>) src(%dma_wait3A_215 : memref<128x128xf32, #tpu.memory_space<vmem>>) dst(%dma_wait3A_221 : memref<10112x128xf32, #tpu.memory_space<vmem_shared>>)
      tpu.yield
    }) : () -> ()
    %dma_wait3A_168 = arith.constant 1 : i32
    %dma_wait3A_169 = arith.constant 0 : i32
    %dma_wait3A_170 = arith.constant 1 : i32
    %dma_wait3A_171 = arith.constant 0 : i32
    %dma_wait3A_172 = arith.constant 0 : i32
    %dma_wait3A_173 = tpu.memref_slice %arg6[%dma_wait3A_170, %dma_wait3A_171, %dma_wait3A_172] : memref<3x128x128xf32, #tpu.memory_space<vmem>> -> memref<1x128x128xf32, #tpu.memory_space<vmem>>
    %dma_wait3A_174 = tpu.memref_squeeze %dma_wait3A_173 : memref<1x128x128xf32, #tpu.memory_space<vmem>> -> memref<128x128xf32, #tpu.memory_space<vmem>>
    %dma_wait3A_175 = arith.constant 0 : i32
    %dma_wait3A_176 = tpu.memref_slice %arg5[%dma_wait3A_168, %dma_wait3A_169, %dma_wait3A_175] : memref<3x2x128xi32, #tpu.memory_space<vmem>> -> memref<1x1x128xi32, #tpu.memory_space<vmem>>
    %dma_wait3A_177 = tpu.memref_squeeze %dma_wait3A_176 : memref<1x1x128xi32, #tpu.memory_space<vmem>> -> memref<128xi32, #tpu.memory_space<vmem>>
    %dma_wait3A_178 = arith.constant 0 : i32
    %dma_wait3A_179 = arith.constant 0 : i32
    %dma_wait3A_180 = tpu.memref_slice %arg2[%dma_wait3A_178, %dma_wait3A_179] : memref<10112x128xf32, #tpu.memory_space<hbm>> -> memref<10112x128xf32, #tpu.memory_space<hbm>>
    tpu.wait_indirect_dma semaphore(%arg12 : memref<!tpu.dma_semaphore, #tpu.memory_space<semaphore_mem>>) src(%dma_wait3A_180 : memref<10112x128xf32, #tpu.memory_space<hbm>>) dst(%dma_wait3A_174 : memref<128x128xf32, #tpu.memory_space<vmem>>)
    %run_scoped3A_181 = arith.constant 1 : i32
    %run_scoped3A_182 = arith.constant 1 : i32
    %run_scoped3A_183 = arith.constant 1 : i32
    "tpu.region"() ({
      %run_scoped3A_201 = tpu.sem_alloc : memref<!tpu.dma_semaphore, #tpu.memory_space<semaphore_mem>>
      %dma_start3A_202 = arith.constant 0 : i32
      %dma_start3A_203 = arith.constant 0 : i32
      %dma_start3A_204 = tpu.memref_slice %arg6[%run_scoped3A_181, %dma_start3A_202, %dma_start3A_203] : memref<3x128x128xf32, #tpu.memory_space<vmem>> -> memref<1x128x128xf32, #tpu.memory_space<vmem>>
      %dma_start3A_205 = tpu.memref_squeeze %dma_start3A_204 : memref<1x128x128xf32, #tpu.memory_space<vmem>> -> memref<128x128xf32, #tpu.memory_space<vmem>>
      %dma_start3A_206 = arith.constant 0 : i32
      %dma_start3A_207 = tpu.memref_slice %arg5[%run_scoped3A_182, %run_scoped3A_183, %dma_start3A_206] : memref<3x2x128xi32, #tpu.memory_space<vmem>> -> memref<1x1x128xi32, #tpu.memory_space<vmem>>
      %dma_start3A_208 = tpu.memref_squeeze %dma_start3A_207 : memref<1x1x128xi32, #tpu.memory_space<vmem>> -> memref<128xi32, #tpu.memory_space<vmem>>
      %dma_start3A_209 = arith.constant 0 : i32
      %dma_start3A_210 = arith.constant 0 : i32
      %dma_start3A_211 = tpu.memref_slice %arg7[%dma_start3A_209, %dma_start3A_210] : memref<10112x128xf32, #tpu.memory_space<vmem_shared>> -> memref<10112x128xf32, #tpu.memory_space<vmem_shared>>
      tpu.enqueue_indirect_dma source(%dma_start3A_205 : memref<128x128xf32, #tpu.memory_space<vmem>>) target(%dma_start3A_211 : memref<10112x128xf32, #tpu.memory_space<vmem_shared>>) offsets(%dma_start3A_208 : memref<128xi32, #tpu.memory_space<vmem>>) semaphore(%run_scoped3A_201 : memref<!tpu.dma_semaphore, #tpu.memory_space<semaphore_mem>>) {add = true}
      %dma_wait3A_212 = arith.constant 0 : i32
      %dma_wait3A_213 = arith.constant 0 : i32
      %dma_wait3A_214 = tpu.memref_slice %arg6[%run_scoped3A_181, %dma_wait3A_212, %dma_wait3A_213] : memref<3x128x128xf32, #tpu.memory_space<vmem>> -> memref<1x128x128xf32, #tpu.memory_space<vmem>>
      %dma_wait3A_215 = tpu.memref_squeeze %dma_wait3A_214 : memref<1x128x128xf32, #tpu.memory_space<vmem>> -> memref<128x128xf32, #tpu.memory_space<vmem>>
      %dma_wait3A_216 = arith.constant 0 : i32
      %dma_wait3A_217 = tpu.memref_slice %arg5[%run_scoped3A_182, %run_scoped3A_183, %dma_wait3A_216] : memref<3x2x128xi32, #tpu.memory_space<vmem>> -> memref<1x1x128xi32, #tpu.memory_space<vmem>>
      %dma_wait3A_218 = tpu.memref_squeeze %dma_wait3A_217 : memref<1x1x128xi32, #tpu.memory_space<vmem>> -> memref<128xi32, #tpu.memory_space<vmem>>
      %dma_wait3A_219 = arith.constant 0 : i32
      %dma_wait3A_220 = arith.constant 0 : i32
      %dma_wait3A_221 = tpu.memref_slice %arg7[%dma_wait3A_219, %dma_wait3A_220] : memref<10112x128xf32, #tpu.memory_space<vmem_shared>> -> memref<10112x128xf32, #tpu.memory_space<vmem_shared>>
      tpu.wait_indirect_dma semaphore(%run_scoped3A_201 : memref<!tpu.dma_semaphore, #tpu.memory_space<semaphore_mem>>) src(%dma_wait3A_215 : memref<128x128xf32, #tpu.memory_space<vmem>>) dst(%dma_wait3A_221 : memref<10112x128xf32, #tpu.memory_space<vmem_shared>>)
      tpu.yield
    }) : () -> ()
    %dma_wait3A_184 = arith.constant 2 : i32
    %dma_wait3A_185 = arith.constant 0 : i32
    %dma_wait3A_186 = arith.constant 2 : i32
    %dma_wait3A_187 = arith.constant 0 : i32
    %dma_wait3A_188 = arith.constant 0 : i32
    %dma_wait3A_189 = tpu.memref_slice %arg6[%dma_wait3A_186, %dma_wait3A_187, %dma_wait3A_188] : memref<3x128x128xf32, #tpu.memory_space<vmem>> -> memref<1x128x128xf32, #tpu.memory_space<vmem>>
    %dma_wait3A_190 = tpu.memref_squeeze %dma_wait3A_189 : memref<1x128x128xf32, #tpu.memory_space<vmem>> -> memref<128x128xf32, #tpu.memory_space<vmem>>
    %dma_wait3A_191 = arith.constant 0 : i32
    %dma_wait3A_192 = tpu.memref_slice %arg5[%dma_wait3A_184, %dma_wait3A_185, %dma_wait3A_191] : memref<3x2x128xi32, #tpu.memory_space<vmem>> -> memref<1x1x128xi32, #tpu.memory_space<vmem>>
    %dma_wait3A_193 = tpu.memref_squeeze %dma_wait3A_192 : memref<1x1x128xi32, #tpu.memory_space<vmem>> -> memref<128xi32, #tpu.memory_space<vmem>>
    %dma_wait3A_194 = arith.constant 0 : i32
    %dma_wait3A_195 = arith.constant 0 : i32
    %dma_wait3A_196 = tpu.memref_slice %arg2[%dma_wait3A_194, %dma_wait3A_195] : memref<10112x128xf32, #tpu.memory_space<hbm>> -> memref<10112x128xf32, #tpu.memory_space<hbm>>
    tpu.wait_indirect_dma semaphore(%arg13 : memref<!tpu.dma_semaphore, #tpu.memory_space<semaphore_mem>>) src(%dma_wait3A_196 : memref<10112x128xf32, #tpu.memory_space<hbm>>) dst(%dma_wait3A_190 : memref<128x128xf32, #tpu.memory_space<vmem>>)
    %run_scoped3A_197 = arith.constant 2 : i32
    %run_scoped3A_198 = arith.constant 2 : i32
    %run_scoped3A_199 = arith.constant 1 : i32
    "tpu.region"() ({
      %run_scoped3A_201 = tpu.sem_alloc : memref<!tpu.dma_semaphore, #tpu.memory_space<semaphore_mem>>
      %dma_start3A_202 = arith.constant 0 : i32
      %dma_start3A_203 = arith.constant 0 : i32
      %dma_start3A_204 = tpu.memref_slice %arg6[%run_scoped3A_197, %dma_start3A_202, %dma_start3A_203] : memref<3x128x128xf32, #tpu.memory_space<vmem>> -> memref<1x128x128xf32, #tpu.memory_space<vmem>>
      %dma_start3A_205 = tpu.memref_squeeze %dma_start3A_204 : memref<1x128x128xf32, #tpu.memory_space<vmem>> -> memref<128x128xf32, #tpu.memory_space<vmem>>
      %dma_start3A_206 = arith.constant 0 : i32
      %dma_start3A_207 = tpu.memref_slice %arg5[%run_scoped3A_198, %run_scoped3A_199, %dma_start3A_206] : memref<3x2x128xi32, #tpu.memory_space<vmem>> -> memref<1x1x128xi32, #tpu.memory_space<vmem>>
      %dma_start3A_208 = tpu.memref_squeeze %dma_start3A_207 : memref<1x1x128xi32, #tpu.memory_space<vmem>> -> memref<128xi32, #tpu.memory_space<vmem>>
      %dma_start3A_209 = arith.constant 0 : i32
      %dma_start3A_210 = arith.constant 0 : i32
      %dma_start3A_211 = tpu.memref_slice %arg7[%dma_start3A_209, %dma_start3A_210] : memref<10112x128xf32, #tpu.memory_space<vmem_shared>> -> memref<10112x128xf32, #tpu.memory_space<vmem_shared>>
      tpu.enqueue_indirect_dma source(%dma_start3A_205 : memref<128x128xf32, #tpu.memory_space<vmem>>) target(%dma_start3A_211 : memref<10112x128xf32, #tpu.memory_space<vmem_shared>>) offsets(%dma_start3A_208 : memref<128xi32, #tpu.memory_space<vmem>>) semaphore(%run_scoped3A_201 : memref<!tpu.dma_semaphore, #tpu.memory_space<semaphore_mem>>) {add = true}
      %dma_wait3A_212 = arith.constant 0 : i32
      %dma_wait3A_213 = arith.constant 0 : i32
      %dma_wait3A_214 = tpu.memref_slice %arg6[%run_scoped3A_197, %dma_wait3A_212, %dma_wait3A_213] : memref<3x128x128xf32, #tpu.memory_space<vmem>> -> memref<1x128x128xf32, #tpu.memory_space<vmem>>
      %dma_wait3A_215 = tpu.memref_squeeze %dma_wait3A_214 : memref<1x128x128xf32, #tpu.memory_space<vmem>> -> memref<128x128xf32, #tpu.memory_space<vmem>>
      %dma_wait3A_216 = arith.constant 0 : i32
      %dma_wait3A_217 = tpu.memref_slice %arg5[%run_scoped3A_198, %run_scoped3A_199, %dma_wait3A_216] : memref<3x2x128xi32, #tpu.memory_space<vmem>> -> memref<1x1x128xi32, #tpu.memory_space<vmem>>
      %dma_wait3A_218 = tpu.memref_squeeze %dma_wait3A_217 : memref<1x1x128xi32, #tpu.memory_space<vmem>> -> memref<128xi32, #tpu.memory_space<vmem>>
      %dma_wait3A_219 = arith.constant 0 : i32
      %dma_wait3A_220 = arith.constant 0 : i32
      %dma_wait3A_221 = tpu.memref_slice %arg7[%dma_wait3A_219, %dma_wait3A_220] : memref<10112x128xf32, #tpu.memory_space<vmem_shared>> -> memref<10112x128xf32, #tpu.memory_space<vmem_shared>>
      tpu.wait_indirect_dma semaphore(%run_scoped3A_201 : memref<!tpu.dma_semaphore, #tpu.memory_space<semaphore_mem>>) src(%dma_wait3A_215 : memref<128x128xf32, #tpu.memory_space<vmem>>) dst(%dma_wait3A_221 : memref<10112x128xf32, #tpu.memory_space<vmem_shared>>)
      tpu.yield
    }) : () -> ()
    %barrier3A_200 = arith.constant 0 : index
    tpu.barrier barrier_id(%barrier3A_200)
    "tpu.region"() ({
      %run_scoped3A_201 = tpu.sem_alloc : memref<!tpu.dma_semaphore, #tpu.memory_space<semaphore_mem>>
      %dma_start3A_202 = arith.constant 0 : i32
      %dma_start3A_203 = tpu.memref_slice %arg4[%arg0, %mul3A_2, %dma_start3A_202] : memref<2x10112x128xf32, #tpu.memory_space<hbm>> -> memref<1x632x128xf32, #tpu.memory_space<hbm>>
      %dma_start3A_204 = tpu.memref_squeeze %dma_start3A_203 : memref<1x632x128xf32, #tpu.memory_space<hbm>> -> memref<632x128xf32, #tpu.memory_space<hbm>>
      %dma_start3A_205 = arith.constant 0 : i32
      %dma_start3A_206 = tpu.memref_slice %arg7[%mul3A_2, %dma_start3A_205] : memref<10112x128xf32, #tpu.memory_space<vmem_shared>> -> memref<632x128xf32, #tpu.memory_space<vmem_shared>>
      tpu.enqueue_dma source(%dma_start3A_206 : memref<632x128xf32, #tpu.memory_space<vmem_shared>>) target(%dma_start3A_204 : memref<632x128xf32, #tpu.memory_space<hbm>>) target_semaphore(%run_scoped3A_201 : memref<!tpu.dma_semaphore, #tpu.memory_space<semaphore_mem>>)
      %dma_wait3A_207 = arith.constant 0 : i32
      %dma_wait3A_208 = tpu.memref_slice %arg4[%arg0, %mul3A_2, %dma_wait3A_207] : memref<2x10112x128xf32, #tpu.memory_space<hbm>> -> memref<1x632x128xf32, #tpu.memory_space<hbm>>
      %dma_wait3A_209 = tpu.memref_squeeze %dma_wait3A_208 : memref<1x632x128xf32, #tpu.memory_space<hbm>> -> memref<632x128xf32, #tpu.memory_space<hbm>>
      %dma_wait3A_210 = arith.constant 0 : i32
      %dma_wait3A_211 = tpu.memref_slice %arg7[%mul3A_2, %dma_wait3A_210] : memref<10112x128xf32, #tpu.memory_space<vmem_shared>> -> memref<632x128xf32, #tpu.memory_space<vmem_shared>>
      tpu.wait_dma2 semaphore(%run_scoped3A_201 : memref<!tpu.dma_semaphore, #tpu.memory_space<semaphore_mem>>) src(%dma_wait3A_211 : memref<632x128xf32, #tpu.memory_space<vmem_shared>>) dst(%dma_wait3A_209 : memref<632x128xf32, #tpu.memory_space<hbm>>)
      tpu.yield
    }) : () -> ()
    return
  }
}

module attributes {stable_mosaic.version = 14 : i64} {
  func.func @_mm_body(%arg0: i32, %arg1: memref<1264x128xf32, #tpu.memory_space<vmem>>, %arg2: memref<128x128xf32, #tpu.memory_space<vmem>>, %arg3: memref<1264x128xf32, #tpu.memory_space<vmem>>) attributes {dimension_semantics = [#tpu.dimension_semantics<arbitrary>], iteration_bounds = array<i64: 8>, scalar_prefetch = 0 : i64, scratch_operands = 0 : i64, tpu.core_type = #tpu.core_type<tc>, window_params = [{transform_indices = @transform_0, window_bounds = array<i64: 1264, 128>}, {pipeline_mode = #tpu.pipeline_mode<synchronous>, transform_indices = @transform_1, window_bounds = array<i64: 128, 128>}, {transform_indices = @transform_2, window_bounds = array<i64: 1264, 128>}]} {
    %get3A = arith.constant 0 : index
    %get3A_0 = arith.constant 0 : index
    %get3A_1 = vector.load %arg1[%get3A, %get3A_0] : memref<1264x128xf32, #tpu.memory_space<vmem>>, vector<1264x128xf32>
    %get3A_2 = arith.constant 0 : index
    %get3A_3 = arith.constant 0 : index
    %get3A_4 = vector.load %arg2[%get3A_2, %get3A_3] : memref<128x128xf32, #tpu.memory_space<vmem>>, vector<128x128xf32>
    %dot_general3A = arith.constant dense<0.000000e+00> : vector<1264x128xf32>
    %dot_general3A_5 = tpu.matmul %get3A_1, %get3A_4, %dot_general3A {dimension_numbers = #tpu.dot_dimension_numbers<[1], [0], [0], [1], [0, 0, 1, 1], [], []>, transpose_lhs_hint = false} : vector<1264x128xf32>, vector<128x128xf32>, vector<1264x128xf32> -> vector<1264x128xf32>
    %swap3A = arith.constant 0 : index
    %swap3A_6 = arith.constant 0 : index
    %swap3A_7 = vector.load %arg3[%swap3A, %swap3A_6] : memref<1264x128xf32, #tpu.memory_space<vmem>>, vector<1264x128xf32>
    tpu.vector_store %arg3[%swap3A, %swap3A_6], %dot_general3A_5 {strides = array<i32>} : memref<1264x128xf32, #tpu.memory_space<vmem>>, vector<1264x128xf32>,
    return
  }
  func.func @transform_0(%arg0: i32) -> (i32, i32) {
    %c0_i32 = arith.constant 0 : i32
    %c0_i32_0 = arith.constant 0 : i32
    return %arg0, %c0_i32 : i32, i32
  }
  func.func @transform_1(%arg0: i32) -> (i32, i32) {
    %c0_i32 = arith.constant 0 : i32
    %c0_i32_0 = arith.constant 0 : i32
    %c0_i32_1 = arith.constant 0 : i32
    return %c0_i32, %c0_i32_0 : i32, i32
  }
  func.func @transform_2(%arg0: i32) -> (i32, i32) {
    %c0_i32 = arith.constant 0 : i32
    %c0_i32_0 = arith.constant 0 : i32
    return %arg0, %c0_i32 : i32, i32
  }
}

module attributes {stable_mosaic.version = 14 : i64} {
  func.func @_dinv_body(%arg0: i32, %arg1: memref<1264x128xf32, #tpu.memory_space<vmem>>, %arg2: memref<1264x128xf32, #tpu.memory_space<vmem>>, %arg3: memref<1264x128xf32, #tpu.memory_space<vmem>>, %arg4: memref<1264x128xf32, #tpu.memory_space<vmem>>, %arg5: memref<1264x128xf32, #tpu.memory_space<vmem>>) attributes {dimension_semantics = [#tpu.dimension_semantics<arbitrary>], iteration_bounds = array<i64: 8>, scalar_prefetch = 0 : i64, scratch_operands = 0 : i64, tpu.core_type = #tpu.core_type<tc>, window_params = [{transform_indices = @transform_0, window_bounds = array<i64: 1264, 128>}, {transform_indices = @transform_1, window_bounds = array<i64: 1264, 128>}, {transform_indices = @transform_2, window_bounds = array<i64: 1264, 128>}, {transform_indices = @transform_3, window_bounds = array<i64: 1264, 128>}, {transform_indices = @transform_4, window_bounds = array<i64: 1264, 128>}]} {
    %get3A = arith.constant 0 : index
    %get3A_0 = arith.constant 0 : index
    %get3A_1 = vector.load %arg1[%get3A, %get3A_0] : memref<1264x128xf32, #tpu.memory_space<vmem>>, vector<1264x128xf32>
    %get3A_2 = arith.constant 0 : index
    %get3A_3 = arith.constant 0 : index
    %get3A_4 = vector.load %arg2[%get3A_2, %get3A_3] : memref<1264x128xf32, #tpu.memory_space<vmem>>, vector<1264x128xf32>
    %add3A = arith.addf %get3A_1, %get3A_4 : vector<1264x128xf32>
    %sub3A = arith.constant 1.000000e+00 : f32
    %sub3A_5 = vector.broadcast %sub3A : f32 to vector<1264x128xf32>
    %sub3A_6 = arith.subf %add3A, %sub3A_5 : vector<1264x128xf32>
    %rsqrt3A = math.rsqrt %sub3A_6 : vector<1264x128xf32>
    %swap3A = arith.constant 0 : index
    %swap3A_7 = arith.constant 0 : index
    %swap3A_8 = vector.load %arg4[%swap3A, %swap3A_7] : memref<1264x128xf32, #tpu.memory_space<vmem>>, vector<1264x128xf32>
    tpu.vector_store %arg4[%swap3A, %swap3A_7], %rsqrt3A {strides = array<i32>} : memref<1264x128xf32, #tpu.memory_space<vmem>>, vector<1264x128xf32>,
    %get3A_9 = arith.constant 0 : index
    %get3A_10 = arith.constant 0 : index
    %get3A_11 = vector.load %arg3[%get3A_9, %get3A_10] : memref<1264x128xf32, #tpu.memory_space<vmem>>, vector<1264x128xf32>
    %mul3A = arith.mulf %rsqrt3A, %get3A_11 : vector<1264x128xf32>
    %swap3A_12 = arith.constant 0 : index
    %swap3A_13 = arith.constant 0 : index
    %swap3A_14 = vector.load %arg5[%swap3A_12, %swap3A_13] : memref<1264x128xf32, #tpu.memory_space<vmem>>, vector<1264x128xf32>
    tpu.vector_store %arg5[%swap3A_12, %swap3A_13], %mul3A {strides = array<i32>} : memref<1264x128xf32, #tpu.memory_space<vmem>>, vector<1264x128xf32>,
    return
  }
  func.func @transform_0(%arg0: i32) -> (i32, i32) {
    %c0_i32 = arith.constant 0 : i32
    %c0_i32_0 = arith.constant 0 : i32
    return %arg0, %c0_i32 : i32, i32
  }
  func.func @transform_1(%arg0: i32) -> (i32, i32) {
    %c0_i32 = arith.constant 0 : i32
    %c0_i32_0 = arith.constant 0 : i32
    return %arg0, %c0_i32 : i32, i32
  }
  func.func @transform_2(%arg0: i32) -> (i32, i32) {
    %c0_i32 = arith.constant 0 : i32
    %c0_i32_0 = arith.constant 0 : i32
    return %arg0, %c0_i32 : i32, i32
  }
  func.func @transform_3(%arg0: i32) -> (i32, i32) {
    %c0_i32 = arith.constant 0 : i32
    %c0_i32_0 = arith.constant 0 : i32
    return %arg0, %c0_i32 : i32, i32
  }
  func.func @transform_4(%arg0: i32) -> (i32, i32) {
    %c0_i32 = arith.constant 0 : i32
    %c0_i32_0 = arith.constant 0 : i32
    return %arg0, %c0_i32 : i32, i32
  }
}

module attributes {stable_mosaic.version = 14 : i64} {
  func.func @_layer_body(%arg0: i32, %arg1: memref<1264x128xf32, #tpu.memory_space<vmem>>, %arg2: memref<1264x128xf32, #tpu.memory_space<vmem>>, %arg3: memref<1264x128xf32, #tpu.memory_space<vmem>>, %arg4: memref<1264x128xf32, #tpu.memory_space<vmem>>, %arg5: memref<1x128xf32, #tpu.memory_space<vmem>>, %arg6: memref<1x128xf32, #tpu.memory_space<vmem>>, %arg7: memref<1x128xf32, #tpu.memory_space<vmem>>, %arg8: memref<128x128xf32, #tpu.memory_space<vmem>>, %arg9: memref<1264x128xf32, #tpu.memory_space<vmem>>) attributes {dimension_semantics = [#tpu.dimension_semantics<arbitrary>], iteration_bounds = array<i64: 8>, scalar_prefetch = 0 : i64, scratch_operands = 0 : i64, tpu.core_type = #tpu.core_type<tc>, window_params = [{transform_indices = @transform_0, window_bounds = array<i64: 1264, 128>}, {transform_indices = @transform_1, window_bounds = array<i64: 1264, 128>}, {transform_indices = @transform_2, window_bounds = array<i64: 1264, 128>}, {transform_indices = @transform_3, window_bounds = array<i64: 1264, 128>}, {pipeline_mode = #tpu.pipeline_mode<synchronous>, transform_indices = @transform_4, window_bounds = array<i64: 1, 128>}, {pipeline_mode = #tpu.pipeline_mode<synchronous>, transform_indices = @transform_5, window_bounds = array<i64: 1, 128>}, {pipeline_mode = #tpu.pipeline_mode<synchronous>, transform_indices = @transform_6, window_bounds = array<i64: 1, 128>}, {pipeline_mode = #tpu.pipeline_mode<synchronous>, transform_indices = @transform_7, window_bounds = array<i64: 128, 128>}, {transform_indices = @transform_8, window_bounds = array<i64: 1264, 128>}]} {
    %get3A = arith.constant 0 : index
    %get3A_0 = arith.constant 0 : index
    %get3A_1 = vector.load %arg4[%get3A, %get3A_0] : memref<1264x128xf32, #tpu.memory_space<vmem>>, vector<1264x128xf32>
    %get3A_2 = arith.constant 0 : index
    %get3A_3 = arith.constant 0 : index
    %get3A_4 = vector.load %arg1[%get3A_2, %get3A_3] : memref<1264x128xf32, #tpu.memory_space<vmem>>, vector<1264x128xf32>
    %get3A_5 = arith.constant 0 : index
    %get3A_6 = arith.constant 0 : index
    %get3A_7 = vector.load %arg2[%get3A_5, %get3A_6] : memref<1264x128xf32, #tpu.memory_space<vmem>>, vector<1264x128xf32>
    %add3A = arith.addf %get3A_4, %get3A_7 : vector<1264x128xf32>
    %get3A_8 = arith.constant 0 : index
    %get3A_9 = arith.constant 0 : index
    %get3A_10 = vector.load %arg3[%get3A_8, %get3A_9] : memref<1264x128xf32, #tpu.memory_space<vmem>>, vector<1264x128xf32>
    %sub3A = arith.subf %add3A, %get3A_10 : vector<1264x128xf32>
    %mul3A = arith.mulf %get3A_1, %sub3A : vector<1264x128xf32>
    %get3A_11 = arith.constant 0 : index
    %get3A_12 = arith.constant 0 : index
    %get3A_13 = vector.load %arg5[%get3A_11, %get3A_12] : memref<1x128xf32, #tpu.memory_space<vmem>>, vector<1x128xf32>
    %add3A_14 = vector.broadcast %get3A_13 : vector<1x128xf32> to vector<1264x128xf32>
    %add3A_15 = arith.addf %mul3A, %add3A_14 : vector<1264x128xf32>
    %get3A_16 = arith.constant 0 : index
    %get3A_17 = arith.constant 0 : index
    %get3A_18 = vector.load %arg6[%get3A_16, %get3A_17] : memref<1x128xf32, #tpu.memory_space<vmem>>, vector<1x128xf32>
    %mul3A_19 = arith.constant 0.999994993 : f32
    %mul3A_20 = vector.broadcast %mul3A_19 : f32 to vector<1x128xf32>
    %mul3A_21 = arith.mulf %get3A_18, %mul3A_20 : vector<1x128xf32>
    %mul3A_22 = vector.broadcast %mul3A_21 : vector<1x128xf32> to vector<1264x128xf32>
    %mul3A_23 = arith.mulf %add3A_15, %mul3A_22 : vector<1264x128xf32>
    %get3A_24 = arith.constant 0 : index
    %get3A_25 = arith.constant 0 : index
    %get3A_26 = vector.load %arg7[%get3A_24, %get3A_25] : memref<1x128xf32, #tpu.memory_space<vmem>>, vector<1x128xf32>
    %add3A_27 = vector.broadcast %get3A_26 : vector<1x128xf32> to vector<1264x128xf32>
    %add3A_28 = arith.addf %mul3A_23, %add3A_27 : vector<1264x128xf32>
    %max3A = arith.constant 0.000000e+00 : f32
    %max3A_29 = vector.broadcast %max3A : f32 to vector<1264x128xf32>
    %max3A_30 = arith.maximumf %add3A_28, %max3A_29 : vector<1264x128xf32>
    %get3A_31 = arith.constant 0 : index
    %get3A_32 = arith.constant 0 : index
    %get3A_33 = vector.load %arg4[%get3A_31, %get3A_32] : memref<1264x128xf32, #tpu.memory_space<vmem>>, vector<1264x128xf32>
    %get3A_34 = arith.constant 0 : index
    %get3A_35 = arith.constant 0 : index
    %get3A_36 = vector.load %arg8[%get3A_34, %get3A_35] : memref<128x128xf32, #tpu.memory_space<vmem>>, vector<128x128xf32>
    %dot_general3A = arith.constant dense<0.000000e+00> : vector<1264x128xf32>
    %dot_general3A_37 = tpu.matmul %max3A_30, %get3A_36, %dot_general3A {dimension_numbers = #tpu.dot_dimension_numbers<[1], [0], [0], [1], [0, 0, 1, 1], [], []>, transpose_lhs_hint = false} : vector<1264x128xf32>, vector<128x128xf32>, vector<1264x128xf32> -> vector<1264x128xf32>
    %mul3A_38 = arith.mulf %get3A_33, %dot_general3A_37 : vector<1264x128xf32>
    %swap3A = arith.constant 0 : index
    %swap3A_39 = arith.constant 0 : index
    %swap3A_40 = vector.load %arg9[%swap3A, %swap3A_39] : memref<1264x128xf32, #tpu.memory_space<vmem>>, vector<1264x128xf32>
    tpu.vector_store %arg9[%swap3A, %swap3A_39], %mul3A_38 {strides = array<i32>} : memref<1264x128xf32, #tpu.memory_space<vmem>>, vector<1264x128xf32>,
    return
  }
  func.func @transform_0(%arg0: i32) -> (i32, i32) {
    %c0_i32 = arith.constant 0 : i32
    %c0_i32_0 = arith.constant 0 : i32
    return %arg0, %c0_i32 : i32, i32
  }
  func.func @transform_1(%arg0: i32) -> (i32, i32) {
    %c0_i32 = arith.constant 0 : i32
    %c0_i32_0 = arith.constant 0 : i32
    return %arg0, %c0_i32 : i32, i32
  }
  func.func @transform_2(%arg0: i32) -> (i32, i32) {
    %c0_i32 = arith.constant 0 : i32
    %c0_i32_0 = arith.constant 0 : i32
    return %arg0, %c0_i32 : i32, i32
  }
  func.func @transform_3(%arg0: i32) -> (i32, i32) {
    %c0_i32 = arith.constant 0 : i32
    %c0_i32_0 = arith.constant 0 : i32
    return %arg0, %c0_i32 : i32, i32
  }
  func.func @transform_4(%arg0: i32) -> (i32, i32) {
    %c0_i32 = arith.constant 0 : i32
    %c0_i32_0 = arith.constant 0 : i32
    %c0_i32_1 = arith.constant 0 : i32
    return %c0_i32, %c0_i32_0 : i32, i32
  }
  func.func @transform_5(%arg0: i32) -> (i32, i32) {
    %c0_i32 = arith.constant 0 : i32
    %c0_i32_0 = arith.constant 0 : i32
    %c0_i32_1 = arith.constant 0 : i32
    return %c0_i32, %c0_i32_0 : i32, i32
  }
  func.func @transform_6(%arg0: i32) -> (i32, i32) {
    %c0_i32 = arith.constant 0 : i32
    %c0_i32_0 = arith.constant 0 : i32
    %c0_i32_1 = arith.constant 0 : i32
    return %c0_i32, %c0_i32_0 : i32, i32
  }
  func.func @transform_7(%arg0: i32) -> (i32, i32) {
    %c0_i32 = arith.constant 0 : i32
    %c0_i32_0 = arith.constant 0 : i32
    %c0_i32_1 = arith.constant 0 : i32
    return %c0_i32, %c0_i32_0 : i32, i32
  }
  func.func @transform_8(%arg0: i32) -> (i32, i32) {
    %c0_i32 = arith.constant 0 : i32
    %c0_i32_0 = arith.constant 0 : i32
    return %arg0, %c0_i32 : i32, i32
  }
}

module attributes {stable_mosaic.version = 14 : i64} {
  func.func @_final_body(%arg0: i32, %arg1: memref<1264x128xf32, #tpu.memory_space<vmem>>, %arg2: memref<1264x128xf32, #tpu.memory_space<vmem>>, %arg3: memref<1264x128xf32, #tpu.memory_space<vmem>>, %arg4: memref<1264x128xf32, #tpu.memory_space<vmem>>, %arg5: memref<1x128xf32, #tpu.memory_space<vmem>>, %arg6: memref<1264x128xi32, #tpu.memory_space<vmem>>, %arg7: memref<1264x128xf32, #tpu.memory_space<vmem>>, %arg8: memref<64x128xf32, #tpu.memory_space<vmem>>, %arg9: memref<128x128xf32, #tpu.memory_space<vmem>>, %arg10: memref<128x128xf32, #tpu.memory_space<vmem>>) attributes {dimension_semantics = [#tpu.dimension_semantics<arbitrary>], iteration_bounds = array<i64: 8>, scalar_prefetch = 0 : i64, scratch_operands = 2 : i64, tpu.core_type = #tpu.core_type<tc>, window_params = [{transform_indices = @transform_0, window_bounds = array<i64: 1264, 128>}, {transform_indices = @transform_1, window_bounds = array<i64: 1264, 128>}, {transform_indices = @transform_2, window_bounds = array<i64: 1264, 128>}, {transform_indices = @transform_3, window_bounds = array<i64: 1264, 128>}, {pipeline_mode = #tpu.pipeline_mode<synchronous>, transform_indices = @transform_4, window_bounds = array<i64: 1, 128>}, {transform_indices = @transform_5, window_bounds = array<i64: 1264, 128>}, {transform_indices = @transform_6, window_bounds = array<i64: 1264, 128>}, {pipeline_mode = #tpu.pipeline_mode<synchronous>, transform_indices = @transform_7, window_bounds = array<i64: 64, 128>}]} {
    %get3A = arith.constant 0 : index
    %get3A_0 = arith.constant 0 : index
    %get3A_1 = vector.load %arg4[%get3A, %get3A_0] : memref<1264x128xf32, #tpu.memory_space<vmem>>, vector<1264x128xf32>
    %get3A_2 = arith.constant 0 : index
    %get3A_3 = arith.constant 0 : index
    %get3A_4 = vector.load %arg1[%get3A_2, %get3A_3] : memref<1264x128xf32, #tpu.memory_space<vmem>>, vector<1264x128xf32>
    %get3A_5 = arith.constant 0 : index
    %get3A_6 = arith.constant 0 : index
    %get3A_7 = vector.load %arg2[%get3A_5, %get3A_6] : memref<1264x128xf32, #tpu.memory_space<vmem>>, vector<1264x128xf32>
    %add3A = arith.addf %get3A_4, %get3A_7 : vector<1264x128xf32>
    %get3A_8 = arith.constant 0 : index
    %get3A_9 = arith.constant 0 : index
    %get3A_10 = vector.load %arg3[%get3A_8, %get3A_9] : memref<1264x128xf32, #tpu.memory_space<vmem>>, vector<1264x128xf32>
    %sub3A = arith.subf %add3A, %get3A_10 : vector<1264x128xf32>
    %mul3A = arith.mulf %get3A_1, %sub3A : vector<1264x128xf32>
    %get3A_11 = arith.constant 0 : index
    %get3A_12 = arith.constant 0 : index
    %get3A_13 = vector.load %arg5[%get3A_11, %get3A_12] : memref<1x128xf32, #tpu.memory_space<vmem>>, vector<1x128xf32>
    %add3A_14 = vector.broadcast %get3A_13 : vector<1x128xf32> to vector<1264x128xf32>
    %add3A_15 = arith.addf %mul3A, %add3A_14 : vector<1264x128xf32>
    %swap3A = arith.constant 0 : index
    %swap3A_16 = arith.constant 0 : index
    %swap3A_17 = vector.load %arg7[%swap3A, %swap3A_16] : memref<1264x128xf32, #tpu.memory_space<vmem>>, vector<1264x128xf32>
    tpu.vector_store %arg7[%swap3A, %swap3A_16], %add3A_15 {strides = array<i32>} : memref<1264x128xf32, #tpu.memory_space<vmem>>, vector<1264x128xf32>,
    %iota3A = tpu.iota {dimensions = array<i32: 1>} : vector<1264x128xi32>
    %get3A_18 = arith.constant 0 : index
    %get3A_19 = arith.constant 0 : index
    %get3A_20 = vector.load %arg6[%get3A_18, %get3A_19] : memref<1264x128xi32, #tpu.memory_space<vmem>>, vector<1264x128xi32>
    %eq3A = arith.cmpi eq, %get3A_20, %iota3A : vector<1264x128xi32>
    %convert_element_type3A = arith.extui %eq3A : vector<1264x128xi1> to vector<1264x128xi32>
    %convert_element_type3A_21 = arith.sitofp %convert_element_type3A : vector<1264x128xi32> to vector<1264x128xf32>
    %dot_general3A = arith.constant dense<0.000000e+00> : vector<128x128xf32>
    %dot_general3A_22 = tpu.matmul %convert_element_type3A_21, %add3A_15, %dot_general3A {dimension_numbers = #tpu.dot_dimension_numbers<[0], [0], [1], [1], [0, 1, 1, 1], [], []>, transpose_lhs_hint = false} : vector<1264x128xf32>, vector<1264x128xf32>, vector<128x128xf32> -> vector<128x128xf32>
    %broadcast_in_dim3A = arith.constant 1.000000e+00 : f32
    %broadcast_in_dim3A_23 = vector.broadcast %broadcast_in_dim3A : f32 to vector<1264x128xf32>
    %dot_general3A_24 = arith.constant dense<0.000000e+00> : vector<128x128xf32>
    %dot_general3A_25 = tpu.matmul %convert_element_type3A_21, %broadcast_in_dim3A_23, %dot_general3A_24 {dimension_numbers = #tpu.dot_dimension_numbers<[0], [0], [1], [1], [0, 1, 1, 1], [], []>, transpose_lhs_hint = false} : vector<1264x128xf32>, vector<1264x128xf32>, vector<128x128xf32> -> vector<128x128xf32>
    %eq3A_26 = arith.constant 0 : i32
    %eq3A_27 = arith.cmpi eq, %arg0, %eq3A_26 : i32
    %convert_element_type3A_28 = arith.extui %eq3A_27 : i1 to i32
    %cond3A = arith.constant 0 : i32
    %cond3A_29 = arith.cmpi ne, %convert_element_type3A_28, %cond3A : i32
    scf.if %cond3A_29 {
      %broadcast_in_dim3A_49 = arith.constant 0.000000e+00 : f32
      %broadcast_in_dim3A_50 = vector.broadcast %broadcast_in_dim3A_49 : f32 to vector<128x128xf32>
      %swap3A_51 = arith.constant 0 : index
      %swap3A_52 = arith.constant 0 : index
      %swap3A_53 = vector.load %arg9[%swap3A_51, %swap3A_52] : memref<128x128xf32, #tpu.memory_space<vmem>>, vector<128x128xf32>
      tpu.vector_store %arg9[%swap3A_51, %swap3A_52], %broadcast_in_dim3A_50 {strides = array<i32>} : memref<128x128xf32, #tpu.memory_space<vmem>>, vector<128x128xf32>,
      %broadcast_in_dim3A_54 = arith.constant 0.000000e+00 : f32
      %broadcast_in_dim3A_55 = vector.broadcast %broadcast_in_dim3A_54 : f32 to vector<128x128xf32>
      %swap3A_56 = arith.constant 0 : index
      %swap3A_57 = arith.constant 0 : index
      %swap3A_58 = vector.load %arg10[%swap3A_56, %swap3A_57] : memref<128x128xf32, #tpu.memory_space<vmem>>, vector<128x128xf32>
      tpu.vector_store %arg10[%swap3A_56, %swap3A_57], %broadcast_in_dim3A_55 {strides = array<i32>} : memref<128x128xf32, #tpu.memory_space<vmem>>, vector<128x128xf32>,
    } else {
    }
    %get3A_30 = arith.constant 0 : index
    %get3A_31 = arith.constant 0 : index
    %get3A_32 = vector.load %arg9[%get3A_30, %get3A_31] : memref<128x128xf32, #tpu.memory_space<vmem>>, vector<128x128xf32>
    %add3A_33 = arith.addf %get3A_32, %dot_general3A_22 : vector<128x128xf32>
    %swap3A_34 = arith.constant 0 : index
    %swap3A_35 = arith.constant 0 : index
    %swap3A_36 = vector.load %arg9[%swap3A_34, %swap3A_35] : memref<128x128xf32, #tpu.memory_space<vmem>>, vector<128x128xf32>
    tpu.vector_store %arg9[%swap3A_34, %swap3A_35], %add3A_33 {strides = array<i32>} : memref<128x128xf32, #tpu.memory_space<vmem>>, vector<128x128xf32>,
    %get3A_37 = arith.constant 0 : index
    %get3A_38 = arith.constant 0 : index
    %get3A_39 = vector.load %arg10[%get3A_37, %get3A_38] : memref<128x128xf32, #tpu.memory_space<vmem>>, vector<128x128xf32>
    %add3A_40 = arith.addf %get3A_39, %dot_general3A_25 : vector<128x128xf32>
    %swap3A_41 = arith.constant 0 : index
    %swap3A_42 = arith.constant 0 : index
    %swap3A_43 = vector.load %arg10[%swap3A_41, %swap3A_42] : memref<128x128xf32, #tpu.memory_space<vmem>>, vector<128x128xf32>
    tpu.vector_store %arg10[%swap3A_41, %swap3A_42], %add3A_40 {strides = array<i32>} : memref<128x128xf32, #tpu.memory_space<vmem>>, vector<128x128xf32>,
    %eq3A_44 = arith.constant 7 : i32
    %eq3A_45 = arith.cmpi eq, %arg0, %eq3A_44 : i32
    %convert_element_type3A_46 = arith.extui %eq3A_45 : i1 to i32
    %cond3A_47 = arith.constant 0 : i32
    %cond3A_48 = arith.cmpi ne, %convert_element_type3A_46, %cond3A_47 : i32
    scf.if %cond3A_48 {
      %get3A_49 = arith.constant 0 : index
      %get3A_50 = arith.constant 0 : index
      %get3A_51 = vector.load %arg9[%get3A_49, %get3A_50] : memref<128x128xf32, #tpu.memory_space<vmem>>, vector<128x128xf32>
      %get3A_52 = arith.constant 0 : index
      %get3A_53 = arith.constant 0 : index
      %get3A_54 = vector.load %arg10[%get3A_52, %get3A_53] : memref<128x128xf32, #tpu.memory_space<vmem>>, vector<128x128xf32>
      %max3A = arith.constant 1.000000e+00 : f32
      %max3A_55 = vector.broadcast %max3A : f32 to vector<128x128xf32>
      %max3A_56 = arith.maximumf %get3A_54, %max3A_55 : vector<128x128xf32>
      %div3A = arith.divf %get3A_51, %max3A_56 : vector<128x128xf32>
      %slice3A = vector.extract_strided_slice %div3A {offsets = [0, 0], sizes = [64, 128], strides = [1, 1]} : vector<128x128xf32> to vector<64x128xf32>
      %swap3A_57 = arith.constant 0 : index
      %swap3A_58 = arith.constant 0 : index
      %swap3A_59 = vector.load %arg8[%swap3A_57, %swap3A_58] : memref<64x128xf32, #tpu.memory_space<vmem>>, vector<64x128xf32>
      tpu.vector_store %arg8[%swap3A_57, %swap3A_58], %slice3A {strides = array<i32>} : memref<64x128xf32, #tpu.memory_space<vmem>>, vector<64x128xf32>,
    } else {
    }
    return
  }
  func.func @transform_0(%arg0: i32) -> (i32, i32) {
    %c0_i32 = arith.constant 0 : i32
    %c0_i32_0 = arith.constant 0 : i32
    return %arg0, %c0_i32 : i32, i32
  }
  func.func @transform_1(%arg0: i32) -> (i32, i32) {
    %c0_i32 = arith.constant 0 : i32
    %c0_i32_0 = arith.constant 0 : i32
    return %arg0, %c0_i32 : i32, i32
  }
  func.func @transform_2(%arg0: i32) -> (i32, i32) {
    %c0_i32 = arith.constant 0 : i32
    %c0_i32_0 = arith.constant 0 : i32
    return %arg0, %c0_i32 : i32, i32
  }
  func.func @transform_3(%arg0: i32) -> (i32, i32) {
    %c0_i32 = arith.constant 0 : i32
    %c0_i32_0 = arith.constant 0 : i32
    return %arg0, %c0_i32 : i32, i32
  }
  func.func @transform_4(%arg0: i32) -> (i32, i32) {
    %c0_i32 = arith.constant 0 : i32
    %c0_i32_0 = arith.constant 0 : i32
    %c0_i32_1 = arith.constant 0 : i32
    return %c0_i32, %c0_i32_0 : i32, i32
  }
  func.func @transform_5(%arg0: i32) -> (i32, i32) {
    %c0_i32 = arith.constant 0 : i32
    %c0_i32_0 = arith.constant 0 : i32
    return %arg0, %c0_i32 : i32, i32
  }
  func.func @transform_6(%arg0: i32) -> (i32, i32) {
    %c0_i32 = arith.constant 0 : i32
    %c0_i32_0 = arith.constant 0 : i32
    return %arg0, %c0_i32 : i32, i32
  }
  func.func @transform_7(%arg0: i32) -> (i32, i32) {
    %c0_i32 = arith.constant 0 : i32
    %c0_i32_0 = arith.constant 0 : i32
    %c0_i32_1 = arith.constant 0 : i32
    return %c0_i32, %c0_i32_0 : i32, i32
  }
}

</mosaic_0001>

<sc_bundles>
// kernel: kernel.11.cloned.1.call-start
scs
__scs_entry_jumppad:
0x0: {  	(pc) =	sbr.rel $0x88, $3  }
0x1: {  	(tag) =	ssettag $0x0;
	lr =	simm.s32 $0x1  }
0x2: {  	[smem:$0x3F94] =	sst lr;
	_ =	strace $0xD0000000  }
0x3: {  	_ = 	snop  }
0x4: {  	_ = 	snop  }
0x5: {  	_ = 	snop  }
0x6: {  	_ = 	snop  }
0x7: {  	_ = 	snop  }
__scs_overlays_trampoline_lowered:
0x8: {  	[smem:$0x3FA3] =	sst s0  }
0x9: {  	[smem:$0x3FA4] =	sst s1  }
0xa: {  	[smem:$0x3FA5] =	sst s2  }
0xb: {  	[smem:$0x3FA6] =	sst s3  }
0xc: {  	[smem:$0x3FA7] =	sst s4  }
0xd: {  	[smem:$0x3FA8] =	sst s5  }
0xe: {  	[smem:$0x3FA9] =	sst s6  }
0xf: {  	[smem:$0x3FAA] =	sst s7  }
0x10: {  	[smem:$0x3FAB] =	sst s8  }
0x11: {  	[smem:$0x3FAC] =	sst s9;
	s0 =	simm.s32 @!p0 $0x0  }
0x12: {  	s1 =	sld [smem:$0x3F92];
	s0 =	simm.s32 @p0 $0x1  }
0x13: {  	[smem:$0x3FAD] =	sst s0;
	s0 =	simm.s32 @!p1 $0x0  }
0x14: {  	s2 =	sld [smem:$0x3F91];
	s0 =	simm.s32 @p1 $0x1  }
0x15: {  	[smem:$0x3FAE] =	sst s0;
	s0 =	simm.s32 @!p2 $0x0  }
0x16: {  	s3 =	sld [smem:$0x3FDB];
	s0 =	simm.s32 @p2 $0x1  }
0x17: {  	s4 =	simm.s32 $0x1BF5;
	[smem:$0x3FB0] =	sst s0  }
0x18: {  	s0 =	sld [smem:$0x3F93];
	_ =	swait.ge [sflag:s4], $0x0  }
0x19: {  	s7 =	sld [smem:$0x3F94]  }
0x1a: {  	s8 =	sadd.s32 $0xFFFFE003, lr  }
0x1b: {  	s9 =	sadd.s32 $0xFFFFFEF7, lr;
	s5 =	simm.s32 $0xFFFFFFFF;
	p2 =	slt.u32 s8, $0xFFFFF086  }
0x1c: {  	p1 =	slt.u32 s9, $0xF7A;
	s5 =	simm.s32 @!p2 $0x0  }
0x1d: {  	s5 =	simm.s32 @p1 $0x1;
	p0 =	seq.s32 s7, s2  }
0x1e: {  	s7 =	smul.u32 @!p0 $0xF7A, s2;
	p2 =	seq.s32 @!p0 s5, $0x0  }
0x1f: {  	s9 =	smul.u32 $0xF7A, s1;
	s8 =	simm.s32 @!p0 $0x1BF5;
	p2 =	por !p2, p0  }
0x20: {  	[sflag:s8] =	ssyncset.s32 @!p0 $0xFFFFF086;
	s6 =	sadd.s32 @!p0 s3, s7;
	s7 =	simm.s32 @!p0 $0x108  }
0x21: {  	s3 =	sadd.s32 s3, s9;
	s6 =	sadd.s32 @!p0 $0x88, s6;
	s7 =	simm.s32 @p2 $0x1082  }
0x22: {  	[simem:s7], [sflag:s8] =	dma.local @!p0 [hbm:s6], $0xF7A  }
0x23: {  	s9 =	sor.u32 $0xD0000000, s2;
	s6 =	simm.s32 $0x108;
	_ =	swait.ge @!p0 [sflag:s8], $0x0  }
0x24: {  	s3 =	sadd.s32 $0x88, s3;
	s6 =	simm.s32 @!p1 $0x1082;
	[sflag:s4] =	ssyncset.s32 $0xFFFFF086  }
0x25: {  	[simem:s6], [sflag:s4] =	dma.local [hbm:s3], $0xF7A  }
0x26: {  	[smem:$0x3F94] =	sst s1;
	(tag) =	ssettag s2;
	_ =	strace s9  }
0x27: {  	s1 =	sld [smem:$0x3FA4]  }
0x28: {  	s2 =	sld [smem:$0x3FA5]  }
0x29: {  	s4 =	sld [smem:$0x3FA7]  }
0x2a: {  	p0 =	seq.s32 s5, $0x0;
	s5 =	sld [smem:$0x3FA8]  }
0x2b: {  	s6 =	sld [smem:$0x3FA9]  }
0x2c: {  	s7 =	sld [smem:$0x3FAA]  }
0x2d: {  	s3 =	simm.s32 $0x108;
	s8 =	sld [smem:$0x3FAB]  }
0x2e: {  	s3 =	simm.s32 @!p0 $0x1082;
	s9 =	sld [smem:$0x3FAC]  }
0x2f: {  	lr =	sadd.s32 s0, s3;
	s0 =	sld [smem:$0x3FA3]  }
0x30: {  	s3 =	sld [smem:$0x3FA6]  }
0x31: {  	[smem:$0x3FAF] =	sst s10  }
0x32: {  	s10 =	sld [smem:$0x3FAD];
	_ =	sdelay $0x3  }
0x33: {  	p0 =	seq.s32 s10, $0x1;
	s10 =	sld [smem:$0x3FAF];
	_ =	sdelay $0x3  }
0x34: {  	[smem:$0x3FAF] =	sst s10  }
0x35: {  	s10 =	sld [smem:$0x3FAE];
	_ =	sdelay $0x3  }
0x36: {  	p1 =	seq.s32 s10, $0x1;
	s10 =	sld [smem:$0x3FAF];
	_ =	sdelay $0x3  }
0x37: {  	[smem:$0x3FAF] =	sst s10  }
0x38: {  	s10 =	sld [smem:$0x3FB0]  }
0x39: {  	_ = 	snop;
	(pc) =	sbr.ind lr, $3  }
0x3a: {  	_ = 	snop  }
0x3b: {  	_ = 	snop  }
0x3c: {  	p2 =	seq.s32 s10, $0x1;
	s10 =	sld [smem:$0x3FAF]  }
0x3d: {  	_ =	shalt  }
0x3e: {  	_ =	shalt  }
0x3f: {  	_ =	shalt  }
0x40: {  	_ =	shalt  }
0x41: {  	_ =	shalt  }
0x42: {  	_ =	shalt  }
0x43: {  	_ =	shalt  }
0x44: {  	_ =	shalt  }
0x45: {  	_ =	shalt  }
0x46: {  	_ =	shalt  }
0x47: {  	_ =	shalt  }
0x48: {  	_ =	shalt  }
0x49: {  	_ =	shalt  }
0x4a: {  	_ =	shalt  }
0x4b: {  	_ =	shalt  }
0x4c: {  	_ =	shalt  }
0x4d: {  	_ =	shalt  }
0x4e: {  	_ =	shalt  }
0x4f: {  	_ =	shalt  }
0x50: {  	_ =	shalt  }
0x51: {  	_ =	shalt  }
0x52: {  	_ =	shalt  }
0x53: {  	_ =	shalt  }
0x54: {  	_ =	shalt  }
0x55: {  	_ =	shalt  }
0x56: {  	_ =	shalt  }
0x57: {  	_ =	shalt  }
0x58: {  	_ =	shalt  }
0x59: {  	_ =	shalt  }
0x5a: {  	_ =	shalt  }
0x5b: {  	_ =	shalt  }
0x5c: {  	_ =	shalt  }
0x5d: {  	_ =	shalt  }
0x5e: {  	_ =	shalt  }
0x5f: {  	_ =	shalt  }
0x60: {  	_ =	shalt  }
0x61: {  	_ =	shalt  }
0x62: {  	_ =	shalt  }
0x63: {  	_ =	shalt  }
0x64: {  	_ =	shalt  }
0x65: {  	_ =	shalt  }
0x66: {  	_ =	shalt  }
0x67: {  	_ =	shalt  }
0x68: {  	_ =	shalt  }
0x69: {  	_ =	shalt  }
0x6a: {  	_ =	shalt  }
0x6b: {  	_ =	shalt  }
0x6c: {  	_ =	shalt  }
0x6d: {  	_ =	shalt  }
0x6e: {  	_ =	shalt  }
0x6f: {  	_ =	shalt  }
0x70: {  	_ =	shalt  }
0x71: {  	_ =	shalt  }
0x72: {  	_ =	shalt  }
0x73: {  	_ =	shalt  }
0x74: {  	_ =	shalt  }
0x75: {  	_ =	shalt  }
0x76: {  	_ =	shalt  }
0x77: {  	_ =	shalt  }
0x78: {  	_ =	shalt  }
0x79: {  	_ =	shalt  }
0x7a: {  	_ =	shalt  }
0x7b: {  	_ =	shalt  }
0x7c: {  	_ =	shalt  }
0x7d: {  	_ =	shalt  }
0x7e: {  	_ =	shalt  }
0x7f: {  	_ =	shalt  }
0x80: {  	_ =	shalt  }
0x81: {  	_ =	shalt  }
0x82: {  	_ =	shalt  }
0x83: {  	_ =	shalt  }
0x84: {  	_ =	shalt  }
0x85: {  	_ =	shalt  }
0x86: {  	_ =	shalt  }
0x87: {  	_ =	shalt  }
.Lfunc_end0:
.L_simem_size_0:
called_computation_lowered:
.L_overlay_start_0:
0x88: {  	s2 =	sld [smem:$0x3FD9]  }
0x89: {  	s3 =	sld [smem:$0x3FFE];
	_ =	sdelay $0x1  }
0x8a: {  	s1 =	srdreg.scid  }
0x8b: {  	s0 =	sand.u32 $0x1, s1  }
0x8c: {  	s14 =	sshll.u32 s0, $0xA;
	s2 =	sadd.s32 s3, s2  }
0x8d: {  	s2 =	sadd.s32 s2, s14  }
0x8e: {  	[smem:$0x3FBB] =	sst s2  }
0x8f: {  	_ = 	snop  }
0x90: {  	s2 =	sld [smem:$0x3FD0];
	_ =	sdelay $0x2  }
0x91: {  	s15 =	simm.s32 $0xA;
	s4 =	simm.s32 $0x10  }
0x92: {  	[smem:s4], [sflag:s15] =	dma.local [hbm:s2], $0x1  }
0x93: {  	_ =	swait.eq [sflag:s15], $0x1  }
0x94: {  	[sflag:s15] =	ssyncset.done $0x0  }
0x95: {  	[sflag:s15] =	ssyncadd.s32 $0xFFFFFFFF  }
0x96: {  	s16 =	sld [smem:$0x10];
	(tm) =	ssettm $0x1  }
0x97: {  	s17 =	sld [smem:$0x3FFB];
	_ =	sdelay $0x3  }
0x98: {  	_ =	strace s17  }
0x99: {  	s3 =	sld [smem:$0x3FFC];
	_ =	sdelay $0x3  }
0x9a: {  	_ =	strace s3  }
0x9b: {  	s3 =	sld [smem:$0x3FFD];
	_ =	sdelay $0x3  }
0x9c: {  	_ =	strace s3  }
0x9d: {  	_ =	strace $0x8FFFFFFF  }
0x9e: {  	s18 =	sld [smem:$0x3FDB];
	_ =	sdelay $0x1  }
0x9f: {  	s19 =	simm.s32 $_scs_section_size  }
0xa0: {  	s5 =	simm.s32 $_size__tile_overlayer_lowered;
	s6 =	simm.s32 $_tile_overlayer_lowered  }
0xa1: {  	s22 =	simm.s32 $0x1BFF;
	s21 =	sshll.u32 s6, $0x1;
	s3 =	sadd.s32 s19, s18  }
0xa2: {  	s7 =	simm.s32 $0x0;
	s20 =	sshll.u32 s5, $0x1;
	s5 =	sadd.s32 s21, s3  }
0xa3: {  	[timem:s7], [sflag:s22] =	dma.local [hbm:s5], s20  }
0xa4: {  	_ =	swait.ge [sflag:s22], s20  }
0xa5: {  	s4 =	ssub.s32 $0x0, s20;
	[sflag:s22] =	ssyncset.done $0x0  }
0xa6: {  	[sflag:s22] =	ssyncadd.s32 s4;
	_ =	sdelay $0x1  }
0xa7: {  	s23 =	simm.s32 $0x1B8B  }
0xa8: {  	_ =	swait.ge [sflag:s23], $0x1  }
0xa9: {  	[sflag:s23] =	ssyncset.done $0x0  }
0xaa: {  	s25 =	simm.s32 $0x1B8E;
	s24 =	sld [smem:$0x3FFE];
	[sflag:s23] =	ssyncadd.s32 $0xFFFFFFFF  }
0xab: {  	s26 =	simm.s32 $execute0_lowered;
	[smem:$0x3FD2] =	sst s25  }
0xac: {  	s5 =	sshll.u32 s26, $0x1;
	_ =	strace $0x80000046;
	[dreg:$0x1] =	wrdreg $0xFFFFFFFF  }
0xad: {  	s28 =	simm.s32 $_size_execute0_lowered;
	s3 =	sadd.s32 s3, s5;
	[dreg:$0x0] =	wrdreg $0x0  }
0xae: {  	s5 =	sshll.u32 s28, $0x1;
	[dreg:$0x2] =	wrdreg s3  }
0xaf: {  	[dreg:$0x3] =	wrdreg s5  }
0xb0: {  	[dreg:$0x4] =	wrdreg $0xC0  }
0xb1: {  	_ =	task [dreg:s7], $0x5FFFF  }
0xb2: {  	[dreg:$0x1] =	wrdreg $0xFFFFFFFF  }
0xb3: {  	[dreg:$0x0] =	wrdreg $0x60  }
0xb4: {  	[dreg:$0x2] =	wrdreg s24  }
0xb5: {  	[dreg:$0x3] =	wrdreg s16  }
0xb6: {  	[dreg:$0x4] =	wrdreg $0xC3000  }
0xb7: {  	[dreg:$0x5] =	wrdreg $0x9  }
0xb8: {  	_ =	task.clear_ibuf [dreg:s7], $0x6FFFF;
	_ =	strace $0x90000046  }
0xb9: {  	s29 =	simm.s32 $0x9;
	_ =	strace $0x80000048  }
0xba: {  	_ =	swait.ge [sflag:s29], $0x1  }
0xbb: {  	[sflag:s29] =	ssyncadd.s32 $0xFFFFFFFF  }
0xbc: {  	_ =	strace $0x90000048  }
0xbd: {  	_ =	sfence  }
0xbe: {  	s30 =	sld [smem:$0x0];
	_ =	sdelay $0x2  }
0xbf: {  	s31 =	sshll.u32 s1, $0xD;
	s1 =	sshrl.u32 s1, $0x2  }
0xc0: {  	s3 =	sand.u32 $0x4000, s31;
	s1 =	sadd.s32 s1, s30  }
0xc1: {  	s0 =	sor.u32 s3, s0;
	s1 =	sshll.u32 s1, $0x11  }
0xc2: {  	s0 =	sor.u32 s1, s0  }
0xc3: {  	s0 =	sadd.s32 $0x8F2B, s0  }
0xc4: {  	[sflag:s0] =	ssyncadd.remote.s32 $0x1  }
0xc5: {  	_ =	sfence.sel $0xFFFF  }
0xc6: {  	[dreg:$0x0] =	wrdreg $0xFFFFFFFF;
	(pc) =	sbr.abs _section_cstart, $3  }
0xc7: {  	[dreg:$0x1] =	wrdreg $0xFFFFFFFF  }
0xc8: {  	_ =	task.clear_ibuf [dreg:s7], $0x2FFFF;
	_ =	strace $0x9FFFFFFF  }
0xc9: {  	(tm) =	ssettm $0x7FFFFFFF  }
tec
execute0_lowered:
.L_overlay_start_1:
0x0: {  	(tag) =	ssettag $0x1  }
0x1: {  	s0 =	rddreg [dreg:$0x0]  }
0x2: {  	s2 =	rddreg [dreg:$0x1];
	s1 =	srdreg.scid  }
0x3: {  	s12 =	stileid.u32;
	s3 =	rddreg [dreg:$0x2]  }
0x4: {  	s4 =	simm.s32 $0x0;
	s17 =	simm.s32 $0x7;
	s28 =	simm.s32 $0x8300  }
0x5: {  	s29 =	simm.s32 $0x5;
	s30 =	simm.s32 $0x180;
	s6 =	smul.u32 $0x13C00, s12  }
0x6: {  	s31 =	simm.s32 $0x6;
	s1 =	sand.u32 $0x1, s1;
	s8 =	smul.u32 $0x4F000, s12  }
0x7: {  	[smem:$0x7FF] =	sst s4;
	s5 =	sadd.s32 $0x5000, s0;
	s11 =	smul.u32 $0xA200, s12  }
0x8: {  	s9 =	sshll.u32 s12, $0x1;
	s20 =	sshll.u32 s12, $0x6;
	s7 =	smul.u32 $0x13C000, s1  }
0x9: {  	_ =	strace $0x80000047;
	s18 =	ssub.s32 $0x2, s1;
	s9 =	sor.u32 s1, s9  }
0xa: {  	s1 =	smul.u32 $0x5100, s1;
	s10 =	sshrl.u32 s18, $0x1;
	s8 =	sshrl.u32 s8, $0x2  }
0xb: {  	s9 =	smul.u32 $0x5100, s9;
	s7 =	sadd.s32 s6, s7;
	s10 =	ssub.s32 s18, s10  }
0xc: {  	s16 =	sadd.s32 s8, s3;
	s6 =	sshrl.u32 s6, $0x3;
	s8 =	sor.u32 $0x1C07, s20  }
0xd: {  	s1 =	sadd.s32 s1, s11;
	s18 =	simm.s32 $0x100;
	s20 =	simm.s32 $0x1  }
0xe: {  	s7 =	sshrl.u32 s7, $0x3;
	s19 =	sshrl.u32 s9, $0x3;
	s6 =	sadd.s32 s5, s6  }
0xf: {  	s23 =	sadd.s32 $0x500, s1;
	s24 =	sadd.s32 $0x400, s1;
	s12 =	smax.u32 s10, $0x1  }
0x10: {  	s15 =	sadd.s32 $0x300, s1;
	s16 =	sshrl.u32 s16, $0x3;
	s1 =	simm.s32 $0x280  }
0x11: {  	s0 =	sadd.s32 s7, s0;
	[dreg:$0x4] =	wrdreg s6;
	s7 =	sadd.s32 s2, s19  }
0x12: {  	s25 =	sshrl.u32 s23, $0x3;
	s26 =	sshrl.u32 s24, $0x3;
	s19 =	simm.s32 $0x200  }
0x13: {  	s23 =	simm.s32 $0x2;
	s24 =	simm.s32 $0x4300;
	s21 =	sadd.s32 $0x20, s7  }
0x14: {  	s22 =	sadd.s32 $0x40, s7;
	s0 =	sadd.s32 $0x2C800, s0;
	[dreg:$0x5] =	wrdreg s21  }
0x15: {  	s13 =	sadd.s32 s25, s2;
	s14 =	sadd.s32 s26, s2;
	[dreg:$0x6] =	wrdreg s22  }
0x16: {  	s25 =	simm.s32 $0x4;
	s26 =	simm.s32 $0x3;
	[dreg:$0x7] =	wrdreg s0  }
0x17: {  	s21 =	simm.s32 $0x80;
	s22 =	simm.s32 $0x300;
	s0 =	simm.s32 $0x0  }
.LBB2_1:
0x18: {  	s6 =	rddreg [dreg:$0x4]  }
0x19: {  	[spmem:s16], [sflag:s8] =	dma.local [hbm:s6], $0x2780  }
0x1a: {  	_ =	swait.ge [sflag:s17], $0x2780  }
0x1b: {  	[sflag:s17] =	ssyncset.done $0x0  }
0x1c: {  	[sflag:s17] =	ssyncadd.s32 $0xFFFFD880  }
0x1d: {  	[bflag:$0x0] =	sbarrier.arrive $0xFFFF  }
0x1e: {  	[tilespmem:s4], [sflag:$0x1] =	stream.linear.gather [hbm4b:s7+s4], $0x100, $0x38;
	[tilespmem:$0x1FF00] =	vst v63  }
0x1f: {  	s11 =	rddreg [dreg:$0x5]  }
0x20: {  	[tilespmem:s18], [sflag:$0x2] =	stream.linear.gather [hbm4b:s11+s4], $0x100, $0x38;
	[tilespmem:$0x1FF00] =	vst v63  }
0x21: {  	s9 =	rddreg [dreg:$0x6]  }
0x22: {  	[tilespmem:s19], [sflag:$0x3] =	stream.linear.gather [hbm4b:s9+s4], $0x100, $0x38;
	[tilespmem:$0x1FF00] =	vst v63  }
0x23: {  	_ =	swait.ge [sflag:s20], $0x100  }
0x24: {  	[sflag:s20] =	ssyncset.done $0x0  }
0x25: {  	[sflag:s20] =	ssyncadd.s32 $0xFFFFFF00  }
0x26: {  	[tilespmem:s22], [sflag:$0x4] =	stream.indirect.gather [hbm4b:s5+s21], $0x80, s4, s21, $0xb8;
	[tilespmem:$0x1FF00] =	vst v63  }
0x27: {  	_ =	swait.ge [sflag:s23], $0x100  }
0x28: {  	[sflag:s23] =	ssyncset.done $0x0  }
0x29: {  	[sflag:s23] =	ssyncadd.s32 $0xFFFFFF00  }
0x2a: {  	[tilespmem:s24], [sflag:$0x5] =	stream.indirect.gather [hbm4b:s5+s21], $0x80, s18, s21, $0xb8;
	[tilespmem:$0x1FF00] =	vst v63  }
0x2b: {  	_ =	swait.ge [sflag:s25], $0x4000  }
0x2c: {  	[sflag:s25] =	ssyncset.done $0x0  }
0x2d: {  	[sflag:s25] =	ssyncadd.s32 $0xFFFFC000  }
0x2e: {  	_ =	swait.ge [sflag:s26], $0x100  }
0x2f: {  	[sflag:s26] =	ssyncset.done $0x0  }
0x30: {  	[sflag:s26] =	ssyncadd.s32 $0xFFFFFF00  }
0x31: {  	[tilespmem:s28], [sflag:$0x6] =	stream.indirect.gather [hbm4b:s5+s21], $0x80, s19, s21, $0xb8;
	[tilespmem:$0x1FF00] =	vst v63  }
0x32: {  	_ = 	snop  }
0x33: {  	[spmem:s3] =	stream.indirect.scatter.add.f32 [tilespmem:s22], [sflag:$0x7], $0x80, s21, s21, $0xb8;
	[tilespmem:$0x1FF00] =	vst v63  }
0x34: {  	_ =	swait.ge [sflag:s17], $0x4000  }
0x35: {  	s10 =	sshrl.u32 s15, $0x3;
	[sflag:s17] =	ssyncset.done $0x0  }
0x36: {  	s6 =	sadd.s32 s2, s10;
	[sflag:s17] =	ssyncadd.s32 $0xFFFFC000  }
0x37: {  	[tilespmem:s4], [sflag:$0x1] =	stream.linear.gather [hbm4b:s6+s4], $0x100, $0x38;
	[tilespmem:$0x1FF00] =	vst v63  }
0x38: {  	_ =	swait.ge [sflag:s29], $0x4000  }
0x39: {  	[sflag:s29] =	ssyncset.done $0x0  }
0x3a: {  	[sflag:s29] =	ssyncadd.s32 $0xFFFFC000  }
0x3b: {  	_ =	swait.ge [sflag:s20], $0x100  }
0x3c: {  	[sflag:s20] =	ssyncset.done $0x0  }
0x3d: {  	[sflag:s20] =	ssyncadd.s32 $0xFFFFFF00  }
0x3e: {  	[tilespmem:s22], [sflag:$0x4] =	stream.indirect.gather [hbm4b:s5+s21], $0x80, s4, s21, $0xb8;
	[tilespmem:$0x1FF00] =	vst v63  }
0x3f: {  	_ = 	snop  }
0x40: {  	[spmem:s3] =	stream.indirect.scatter.add.f32 [tilespmem:s24], [sflag:$0x7], $0x80, s30, s21, $0xb8;
	[tilespmem:$0x1FF00] =	vst v63  }
0x41: {  	_ =	swait.ge [sflag:s17], $0x4000  }
0x42: {  	[sflag:s17] =	ssyncset.done $0x0  }
0x43: {  	s11 =	sadd.s32 $0x0, s14;
	[sflag:s17] =	ssyncadd.s32 $0xFFFFC000  }
0x44: {  	[tilespmem:s18], [sflag:$0x2] =	stream.linear.gather [hbm4b:s11+s4], $0x100, $0x38;
	[tilespmem:$0x1FF00] =	vst v63  }
0x45: {  	_ =	swait.ge [sflag:s31], $0x4000  }
0x46: {  	[sflag:s31] =	ssyncset.done $0x0  }
0x47: {  	[sflag:s31] =	ssyncadd.s32 $0xFFFFC000  }
0x48: {  	_ =	swait.ge [sflag:s23], $0x100  }
0x49: {  	[sflag:s23] =	ssyncset.done $0x0  }
0x4a: {  	[sflag:s23] =	ssyncadd.s32 $0xFFFFFF00  }
0x4b: {  	[tilespmem:s24], [sflag:$0x5] =	stream.indirect.gather [hbm4b:s5+s21], $0x80, s18, s21, $0xb8;
	[tilespmem:$0x1FF00] =	vst v63  }
0x4c: {  	_ = 	snop  }
0x4d: {  	[spmem:s3] =	stream.indirect.scatter.add.f32 [tilespmem:s28], [sflag:$0x7], $0x80, s1, s21, $0xb8;
	[tilespmem:$0x1FF00] =	vst v63  }
0x4e: {  	_ =	swait.ge [sflag:s17], $0x4000  }
0x4f: {  	s10 =	sadd.s32 $0x0, s13;
	[sflag:s17] =	ssyncset.done $0x0  }
0x50: {  	s9 =	sadd.s32 $0x300, s15;
	s6 =	simm.s32 $0x60;
	[sflag:s17] =	ssyncadd.s32 $0xFFFFC000  }
.LBB2_2:
0x51: {  	[tilespmem:s19], [sflag:$0x3] =	stream.linear.gather [hbm4b:s10+s4], $0x100, $0x38;
	[tilespmem:$0x1FF00] =	vst v63  }
0x52: {  	s10 =	smov.u32 s6  }
0x53: {  	p0 =	sne.s32 s6, $0x960;
	s6 =	sadd.s32 $0x60, s6;
	_ =	swait.ge [sflag:s25], $0x4000  }
0x54: {  	[sflag:s25] =	ssyncset.done $0x0  }
0x55: {  	[sflag:s25] =	ssyncadd.s32 $0xFFFFC000  }
0x56: {  	_ =	swait.ge [sflag:s26], $0x100  }
0x57: {  	[sflag:s26] =	ssyncset.done $0x0  }
0x58: {  	[sflag:s26] =	ssyncadd.s32 $0xFFFFFF00  }
0x59: {  	[tilespmem:s28], [sflag:$0x6] =	stream.indirect.gather [hbm4b:s5+s21], $0x80, s19, s21, $0xb8;
	[tilespmem:$0x1FF00] =	vst v63  }
0x5a: {  	_ = 	snop  }
0x5b: {  	[spmem:s3] =	stream.indirect.scatter.add.f32 [tilespmem:s22], [sflag:$0x7], $0x80, s21, s21, $0xb8;
	[tilespmem:$0x1FF00] =	vst v63  }
0x5c: {  	_ =	swait.ge [sflag:s17], $0x4000  }
0x5d: {  	s11 =	sshrl.u32 s9, $0x3;
	[sflag:s17] =	ssyncset.done $0x0  }
0x5e: {  	s11 =	sadd.s32 s2, s11;
	[sflag:s17] =	ssyncadd.s32 $0xFFFFC000  }
0x5f: {  	[tilespmem:s4], [sflag:$0x1] =	stream.linear.gather [hbm4b:s11+s4], $0x100, $0x38;
	[tilespmem:$0x1FF00] =	vst v63  }
0x60: {  	_ =	swait.ge [sflag:s29], $0x4000  }
0x61: {  	[sflag:s29] =	ssyncset.done $0x0  }
0x62: {  	[sflag:s29] =	ssyncadd.s32 $0xFFFFC000  }
0x63: {  	_ =	swait.ge [sflag:s20], $0x100  }
0x64: {  	[sflag:s20] =	ssyncset.done $0x0  }
0x65: {  	[sflag:s20] =	ssyncadd.s32 $0xFFFFFF00  }
0x66: {  	[tilespmem:s22], [sflag:$0x4] =	stream.indirect.gather [hbm4b:s5+s21], $0x80, s4, s21, $0xb8;
	[tilespmem:$0x1FF00] =	vst v63  }
0x67: {  	_ = 	snop  }
0x68: {  	[spmem:s3] =	stream.indirect.scatter.add.f32 [tilespmem:s24], [sflag:$0x7], $0x80, s30, s21, $0xb8;
	[tilespmem:$0x1FF00] =	vst v63  }
0x69: {  	_ =	swait.ge [sflag:s17], $0x4000  }
0x6a: {  	[sflag:s17] =	ssyncset.done $0x0  }
0x6b: {  	s11 =	sadd.s32 s10, s14;
	[sflag:s17] =	ssyncadd.s32 $0xFFFFC000  }
0x6c: {  	[tilespmem:s18], [sflag:$0x2] =	stream.linear.gather [hbm4b:s11+s4], $0x100, $0x38;
	[tilespmem:$0x1FF00] =	vst v63  }
0x6d: {  	_ =	swait.ge [sflag:s31], $0x4000  }
0x6e: {  	[sflag:s31] =	ssyncset.done $0x0  }
0x6f: {  	[sflag:s31] =	ssyncadd.s32 $0xFFFFC000  }
0x70: {  	_ =	swait.ge [sflag:s23], $0x100  }
0x71: {  	[sflag:s23] =	ssyncset.done $0x0  }
0x72: {  	[sflag:s23] =	ssyncadd.s32 $0xFFFFFF00  }
0x73: {  	[tilespmem:s24], [sflag:$0x5] =	stream.indirect.gather [hbm4b:s5+s21], $0x80, s18, s21, $0xb8;
	[tilespmem:$0x1FF00] =	vst v63  }
.Ltmp0:
0x74: {  	(pc) =	sbr.rel @p0 .LBB2_2-.Ltmp0, $4  }
0x75: {  	[spmem:s3] =	stream.indirect.scatter.add.f32 [tilespmem:s28], [sflag:$0x7], $0x80, s1, s21, $0xb8;
	[tilespmem:$0x1FF00] =	vst v63  }
0x76: {  	_ =	swait.ge [sflag:s17], $0x4000  }
0x77: {  	[sflag:s17] =	ssyncset.done $0x0  }
0x78: {  	s9 =	sadd.s32 $0x300, s9;
	s10 =	sadd.s32 s10, s13;
	[sflag:s17] =	ssyncadd.s32 $0xFFFFC000  }
0x79: {  	[tilespmem:s19], [sflag:$0x3] =	stream.linear.gather [hbm4b:s10+s4], $0x100, $0x38;
	[tilespmem:$0x1FF00] =	vst v63  }
0x7a: {  	_ =	swait.ge [sflag:s25], $0x4000  }
0x7b: {  	[sflag:s25] =	ssyncset.done $0x0  }
0x7c: {  	[sflag:s25] =	ssyncadd.s32 $0xFFFFC000  }
0x7d: {  	_ =	swait.ge [sflag:s26], $0x100  }
0x7e: {  	[sflag:s26] =	ssyncset.done $0x0  }
0x7f: {  	[sflag:s26] =	ssyncadd.s32 $0xFFFFFF00  }
0x80: {  	[tilespmem:s28], [sflag:$0x6] =	stream.indirect.gather [hbm4b:s5+s21], $0x80, s19, s21, $0xb8;
	[tilespmem:$0x1FF00] =	vst v63  }
0x81: {  	_ = 	snop  }
0x82: {  	[spmem:s3] =	stream.indirect.scatter.add.f32 [tilespmem:s22], [sflag:$0x7], $0x80, s21, s21, $0xb8;
	[tilespmem:$0x1FF00] =	vst v63  }
0x83: {  	_ =	swait.ge [sflag:s17], $0x4000  }
0x84: {  	[sflag:s17] =	ssyncset.done $0x0  }
0x85: {  	[sflag:s17] =	ssyncadd.s32 $0xFFFFC000  }
0x86: {  	_ =	swait.ge [sflag:s29], $0x4000  }
0x87: {  	[sflag:s29] =	ssyncset.done $0x0  }
0x88: {  	[sflag:s29] =	ssyncadd.s32 $0xFFFFC000  }
0x89: {  	[spmem:s3] =	stream.indirect.scatter.add.f32 [tilespmem:s24], [sflag:$0x7], $0x80, s30, s21, $0xb8;
	[tilespmem:$0x1FF00] =	vst v63  }
0x8a: {  	_ =	swait.ge [sflag:s17], $0x4000  }
0x8b: {  	[sflag:s17] =	ssyncset.done $0x0  }
0x8c: {  	[sflag:s17] =	ssyncadd.s32 $0xFFFFC000  }
0x8d: {  	_ =	swait.ge [sflag:s31], $0x4000  }
0x8e: {  	[sflag:s31] =	ssyncset.done $0x0  }
0x8f: {  	[sflag:s31] =	ssyncadd.s32 $0xFFFFC000  }
0x90: {  	[spmem:s3] =	stream.indirect.scatter.add.f32 [tilespmem:s28], [sflag:$0x7], $0x80, s1, s21, $0xb8;
	[tilespmem:$0x1FF00] =	vst v63  }
0x91: {  	_ =	swait.ge [sflag:s17], $0x4000  }
0x92: {  	[sflag:s17] =	ssyncset.done $0x0  }
0x93: {  	s0 =	sadd.s32 $0x1, s0;
	[sflag:s17] =	ssyncadd.s32 $0xFFFFC000  }
0x94: {  	p0 =	sne.s32 s0, s12;
	[bflag:$0x0] =	sbarrier.arrive $0xFFFF  }
.Ltmp1:
0x95: {  	s6 =	rddreg [dreg:$0x7];
	(pc) =	sbr.rel @p0 .LBB2_1-.Ltmp1, $4  }
0x96: {  	[hbm:s6], [sflag:s8] =	dma.local [spmem:s16], $0x2780  }
0x97: {  	_ =	swait.ge [sflag:s17], $0x2780  }
0x98: {  	[sflag:s17] =	ssyncset.done $0x0  }
0x99: {  	[sflag:s17] =	ssyncadd.s32 $0xFFFFD880  }
0x9a: {  	_ =	sfence.sel $0x180000  }
0x9b: {  	[bflag:$0x0] =	sbarrier.arrive $0xFFFF  }
0x9c: {  	_ =	strace $0x90000047  }
0x9d: {  	s0 =	stileid.u32;
	[bflag:$0x2] =	sbarrier.arrive $0xFFFF  }
0x9e: {  	p0 =	sne.s32 s0, $0x0;
	s0 =	rddreg [dreg:$0x3]  }
0x9f: {  	s0 =	sadd.s32 @!p0 $0x100000, s0  }
0xa0: {  	[sflag:s0] =	ssyncadd.tile.s32 @!p0 $0x1;
	_ =	shalt  }
.Lfunc_end2:
_tile_overlayer_lowered:
.L_overlay_start_2:
0xa1: {  	(tag) =	ssettag $0x2  }
0xa2: {  	s0 =	rddreg [dreg:$0x0];
	s2 =	stileid.u32  }
0xa3: {  	s1 =	rddreg [dreg:$0x1];
	p0 =	sne.s32 s2, $0x0  }
0xa4: {  	s3 =	rddreg [dreg:$0x2];
	[bflag:$0x3] =	sbarrier.arrive $0xFFFF;
	s2 =	simm.s32 @!p0 $0x1C07  }
0xa5: {  	[timem:s3], [sflag:s2] =	dma.local @!p0 [hbm:s0], s1  }
0xa6: {  	s0 =	simm.s32 @!p0 $0x7  }
0xa7: {  	_ =	swait.ge @!p0 [sflag:s0], s1  }
0xa8: {  	s1 =	ssub.s32 @!p0 $0x0, s1;
	[sflag:s0] =	ssyncset.done @!p0 $0x0  }
0xa9: {  	[sflag:s0] =	ssyncadd.s32 @!p0 s1  }
0xaa: {  	[bflag:$0x3] =	sbarrier.arrive $0xFFFF  }
0xab: {  	_ =	shalt  }

// kernel: kernel.14.cloned.1.call-start
scs
__scs_entry_jumppad:
0x0: {  	(pc) =	sbr.rel $0x88, $3  }
0x1: {  	(tag) =	ssettag $0x0;
	lr =	simm.s32 $0x1  }
0x2: {  	[smem:$0x3F94] =	sst lr;
	_ =	strace $0xD0000000  }
0x3: {  	_ = 	snop  }
0x4: {  	_ = 	snop  }
0x5: {  	_ = 	snop  }
0x6: {  	_ = 	snop  }
0x7: {  	_ = 	snop  }
__scs_overlays_trampoline_lowered:
0x8: {  	[smem:$0x3FA3] =	sst s0  }
0x9: {  	[smem:$0x3FA4] =	sst s1  }
0xa: {  	[smem:$0x3FA5] =	sst s2  }
0xb: {  	[smem:$0x3FA6] =	sst s3  }
0xc: {  	[smem:$0x3FA7] =	sst s4  }
0xd: {  	[smem:$0x3FA8] =	sst s5  }
0xe: {  	[smem:$0x3FA9] =	sst s6  }
0xf: {  	[smem:$0x3FAA] =	sst s7  }
0x10: {  	[smem:$0x3FAB] =	sst s8  }
0x11: {  	[smem:$0x3FAC] =	sst s9;
	s0 =	simm.s32 @!p0 $0x0  }
0x12: {  	s1 =	sld [smem:$0x3F92];
	s0 =	simm.s32 @p0 $0x1  }
0x13: {  	[smem:$0x3FAD] =	sst s0;
	s0 =	simm.s32 @!p1 $0x0  }
0x14: {  	s2 =	sld [smem:$0x3F91];
	s0 =	simm.s32 @p1 $0x1  }
0x15: {  	[smem:$0x3FAE] =	sst s0;
	s0 =	simm.s32 @!p2 $0x0  }
0x16: {  	s3 =	sld [smem:$0x3FDB];
	s0 =	simm.s32 @p2 $0x1  }
0x17: {  	s4 =	simm.s32 $0x1BF5;
	[smem:$0x3FB0] =	sst s0  }
0x18: {  	s0 =	sld [smem:$0x3F93];
	_ =	swait.ge [sflag:s4], $0x0  }
0x19: {  	s7 =	sld [smem:$0x3F94]  }
0x1a: {  	s8 =	sadd.s32 $0xFFFFE003, lr  }
0x1b: {  	s9 =	sadd.s32 $0xFFFFFEF7, lr;
	s5 =	simm.s32 $0xFFFFFFFF;
	p2 =	slt.u32 s8, $0xFFFFF086  }
0x1c: {  	p1 =	slt.u32 s9, $0xF7A;
	s5 =	simm.s32 @!p2 $0x0  }
0x1d: {  	s5 =	simm.s32 @p1 $0x1;
	p0 =	seq.s32 s7, s2  }
0x1e: {  	s7 =	smul.u32 @!p0 $0xF7A, s2;
	p2 =	seq.s32 @!p0 s5, $0x0  }
0x1f: {  	s9 =	smul.u32 $0xF7A, s1;
	s8 =	simm.s32 @!p0 $0x1BF5;
	p2 =	por !p2, p0  }
0x20: {  	[sflag:s8] =	ssyncset.s32 @!p0 $0xFFFFF086;
	s6 =	sadd.s32 @!p0 s3, s7;
	s7 =	simm.s32 @!p0 $0x108  }
0x21: {  	s3 =	sadd.s32 s3, s9;
	s6 =	sadd.s32 @!p0 $0x88, s6;
	s7 =	simm.s32 @p2 $0x1082  }
0x22: {  	[simem:s7], [sflag:s8] =	dma.local @!p0 [hbm:s6], $0xF7A  }
0x23: {  	s9 =	sor.u32 $0xD0000000, s2;
	s6 =	simm.s32 $0x108;
	_ =	swait.ge @!p0 [sflag:s8], $0x0  }
0x24: {  	s3 =	sadd.s32 $0x88, s3;
	s6 =	simm.s32 @!p1 $0x1082;
	[sflag:s4] =	ssyncset.s32 $0xFFFFF086  }
0x25: {  	[simem:s6], [sflag:s4] =	dma.local [hbm:s3], $0xF7A  }
0x26: {  	[smem:$0x3F94] =	sst s1;
	(tag) =	ssettag s2;
	_ =	strace s9  }
0x27: {  	s1 =	sld [smem:$0x3FA4]  }
0x28: {  	s2 =	sld [smem:$0x3FA5]  }
0x29: {  	s4 =	sld [smem:$0x3FA7]  }
0x2a: {  	p0 =	seq.s32 s5, $0x0;
	s5 =	sld [smem:$0x3FA8]  }
0x2b: {  	s6 =	sld [smem:$0x3FA9]  }
0x2c: {  	s7 =	sld [smem:$0x3FAA]  }
0x2d: {  	s3 =	simm.s32 $0x108;
	s8 =	sld [smem:$0x3FAB]  }
0x2e: {  	s3 =	simm.s32 @!p0 $0x1082;
	s9 =	sld [smem:$0x3FAC]  }
0x2f: {  	lr =	sadd.s32 s0, s3;
	s0 =	sld [smem:$0x3FA3]  }
0x30: {  	s3 =	sld [smem:$0x3FA6]  }
0x31: {  	[smem:$0x3FAF] =	sst s10  }
0x32: {  	s10 =	sld [smem:$0x3FAD];
	_ =	sdelay $0x3  }
0x33: {  	p0 =	seq.s32 s10, $0x1;
	s10 =	sld [smem:$0x3FAF];
	_ =	sdelay $0x3  }
0x34: {  	[smem:$0x3FAF] =	sst s10  }
0x35: {  	s10 =	sld [smem:$0x3FAE];
	_ =	sdelay $0x3  }
0x36: {  	p1 =	seq.s32 s10, $0x1;
	s10 =	sld [smem:$0x3FAF];
	_ =	sdelay $0x3  }
0x37: {  	[smem:$0x3FAF] =	sst s10  }
0x38: {  	s10 =	sld [smem:$0x3FB0]  }
0x39: {  	_ = 	snop;
	(pc) =	sbr.ind lr, $3  }
0x3a: {  	_ = 	snop  }
0x3b: {  	_ = 	snop  }
0x3c: {  	p2 =	seq.s32 s10, $0x1;
	s10 =	sld [smem:$0x3FAF]  }
0x3d: {  	_ =	shalt  }
0x3e: {  	_ =	shalt  }
0x3f: {  	_ =	shalt  }
0x40: {  	_ =	shalt  }
0x41: {  	_ =	shalt  }
0x42: {  	_ =	shalt  }
0x43: {  	_ =	shalt  }
0x44: {  	_ =	shalt  }
0x45: {  	_ =	shalt  }
0x46: {  	_ =	shalt  }
0x47: {  	_ =	shalt  }
0x48: {  	_ =	shalt  }
0x49: {  	_ =	shalt  }
0x4a: {  	_ =	shalt  }
0x4b: {  	_ =	shalt  }
0x4c: {  	_ =	shalt  }
0x4d: {  	_ =	shalt  }
0x4e: {  	_ =	shalt  }
0x4f: {  	_ =	shalt  }
0x50: {  	_ =	shalt  }
0x51: {  	_ =	shalt  }
0x52: {  	_ =	shalt  }
0x53: {  	_ =	shalt  }
0x54: {  	_ =	shalt  }
0x55: {  	_ =	shalt  }
0x56: {  	_ =	shalt  }
0x57: {  	_ =	shalt  }
0x58: {  	_ =	shalt  }
0x59: {  	_ =	shalt  }
0x5a: {  	_ =	shalt  }
0x5b: {  	_ =	shalt  }
0x5c: {  	_ =	shalt  }
0x5d: {  	_ =	shalt  }
0x5e: {  	_ =	shalt  }
0x5f: {  	_ =	shalt  }
0x60: {  	_ =	shalt  }
0x61: {  	_ =	shalt  }
0x62: {  	_ =	shalt  }
0x63: {  	_ =	shalt  }
0x64: {  	_ =	shalt  }
0x65: {  	_ =	shalt  }
0x66: {  	_ =	shalt  }
0x67: {  	_ =	shalt  }
0x68: {  	_ =	shalt  }
0x69: {  	_ =	shalt  }
0x6a: {  	_ =	shalt  }
0x6b: {  	_ =	shalt  }
0x6c: {  	_ =	shalt  }
0x6d: {  	_ =	shalt  }
0x6e: {  	_ =	shalt  }
0x6f: {  	_ =	shalt  }
0x70: {  	_ =	shalt  }
0x71: {  	_ =	shalt  }
0x72: {  	_ =	shalt  }
0x73: {  	_ =	shalt  }
0x74: {  	_ =	shalt  }
0x75: {  	_ =	shalt  }
0x76: {  	_ =	shalt  }
0x77: {  	_ =	shalt  }
0x78: {  	_ =	shalt  }
0x79: {  	_ =	shalt  }
0x7a: {  	_ =	shalt  }
0x7b: {  	_ =	shalt  }
0x7c: {  	_ =	shalt  }
0x7d: {  	_ =	shalt  }
0x7e: {  	_ =	shalt  }
0x7f: {  	_ =	shalt  }
0x80: {  	_ =	shalt  }
0x81: {  	_ =	shalt  }
0x82: {  	_ =	shalt  }
0x83: {  	_ =	shalt  }
0x84: {  	_ =	shalt  }
0x85: {  	_ =	shalt  }
0x86: {  	_ =	shalt  }
0x87: {  	_ =	shalt  }
.Lfunc_end0:
.L_simem_size_0:
called_computation.1_lowered:
.L_overlay_start_0:
0x88: {  	s2 =	sld [smem:$0x3FD9]  }
0x89: {  	s3 =	sld [smem:$0x3FFE];
	_ =	sdelay $0x1  }
0x8a: {  	s1 =	srdreg.scid  }
0x8b: {  	s0 =	sand.u32 $0x1, s1  }
0x8c: {  	s14 =	sshll.u32 s0, $0xA;
	s2 =	sadd.s32 s3, s2  }
0x8d: {  	s2 =	sadd.s32 s2, s14  }
0x8e: {  	[smem:$0x3FBB] =	sst s2  }
0x8f: {  	_ = 	snop  }
0x90: {  	s2 =	sld [smem:$0x3FD0];
	_ =	sdelay $0x2  }
0x91: {  	s15 =	simm.s32 $0xA;
	s4 =	simm.s32 $0x10  }
0x92: {  	[smem:s4], [sflag:s15] =	dma.local [hbm:s2], $0x1  }
0x93: {  	_ =	swait.eq [sflag:s15], $0x1  }
0x94: {  	[sflag:s15] =	ssyncset.done $0x0  }
0x95: {  	[sflag:s15] =	ssyncadd.s32 $0xFFFFFFFF  }
0x96: {  	s16 =	sld [smem:$0x10];
	(tm) =	ssettm $0x1  }
0x97: {  	s17 =	sld [smem:$0x3FFB];
	_ =	sdelay $0x3  }
0x98: {  	_ =	strace s17  }
0x99: {  	s3 =	sld [smem:$0x3FFC];
	_ =	sdelay $0x3  }
0x9a: {  	_ =	strace s3  }
0x9b: {  	s3 =	sld [smem:$0x3FFD];
	_ =	sdelay $0x3  }
0x9c: {  	_ =	strace s3  }
0x9d: {  	_ =	strace $0x8FFFFFFF  }
0x9e: {  	s18 =	sld [smem:$0x3FDB];
	_ =	sdelay $0x1  }
0x9f: {  	s19 =	simm.s32 $_scs_section_size  }
0xa0: {  	s5 =	simm.s32 $_size__tile_overlayer_lowered;
	s6 =	simm.s32 $_tile_overlayer_lowered  }
0xa1: {  	s22 =	simm.s32 $0x1BFF;
	s21 =	sshll.u32 s6, $0x1;
	s3 =	sadd.s32 s19, s18  }
0xa2: {  	s7 =	simm.s32 $0x0;
	s20 =	sshll.u32 s5, $0x1;
	s5 =	sadd.s32 s21, s3  }
0xa3: {  	[timem:s7], [sflag:s22] =	dma.local [hbm:s5], s20  }
0xa4: {  	_ =	swait.ge [sflag:s22], s20  }
0xa5: {  	s4 =	ssub.s32 $0x0, s20;
	[sflag:s22] =	ssyncset.done $0x0  }
0xa6: {  	[sflag:s22] =	ssyncadd.s32 s4;
	_ =	sdelay $0x1  }
0xa7: {  	s23 =	simm.s32 $0x1B8B  }
0xa8: {  	_ =	swait.ge [sflag:s23], $0x1  }
0xa9: {  	[sflag:s23] =	ssyncset.done $0x0  }
0xaa: {  	s25 =	simm.s32 $0x1B8E;
	s24 =	sld [smem:$0x3FFE];
	[sflag:s23] =	ssyncadd.s32 $0xFFFFFFFF  }
0xab: {  	s26 =	simm.s32 $execute0_lowered;
	[smem:$0x3FD2] =	sst s25  }
0xac: {  	s5 =	sshll.u32 s26, $0x1;
	_ =	strace $0x80000049;
	[dreg:$0x1] =	wrdreg $0xFFFFFFFF  }
0xad: {  	s28 =	simm.s32 $_size_execute0_lowered;
	s3 =	sadd.s32 s3, s5;
	[dreg:$0x0] =	wrdreg $0x0  }
0xae: {  	s5 =	sshll.u32 s28, $0x1;
	[dreg:$0x2] =	wrdreg s3  }
0xaf: {  	[dreg:$0x3] =	wrdreg s5  }
0xb0: {  	[dreg:$0x4] =	wrdreg $0xC0  }
0xb1: {  	_ =	task [dreg:s7], $0x5FFFF  }
0xb2: {  	[dreg:$0x1] =	wrdreg $0xFFFFFFFF  }
0xb3: {  	[dreg:$0x0] =	wrdreg $0x60  }
0xb4: {  	[dreg:$0x2] =	wrdreg s24  }
0xb5: {  	[dreg:$0x3] =	wrdreg s16  }
0xb6: {  	[dreg:$0x4] =	wrdreg $0xC3000  }
0xb7: {  	[dreg:$0x5] =	wrdreg $0x9  }
0xb8: {  	_ =	task.clear_ibuf [dreg:s7], $0x6FFFF;
	_ =	strace $0x90000049  }
0xb9: {  	s29 =	simm.s32 $0x9;
	_ =	strace $0x8000004B  }
0xba: {  	_ =	swait.ge [sflag:s29], $0x1  }
0xbb: {  	[sflag:s29] =	ssyncadd.s32 $0xFFFFFFFF  }
0xbc: {  	_ =	strace $0x9000004B  }
0xbd: {  	_ =	sfence  }
0xbe: {  	s30 =	sld [smem:$0x0];
	_ =	sdelay $0x2  }
0xbf: {  	s31 =	sshll.u32 s1, $0xD;
	s1 =	sshrl.u32 s1, $0x2  }
0xc0: {  	s3 =	sand.u32 $0x4000, s31;
	s1 =	sadd.s32 s1, s30  }
0xc1: {  	s0 =	sor.u32 s3, s0;
	s1 =	sshll.u32 s1, $0x11  }
0xc2: {  	s0 =	sor.u32 s1, s0  }
0xc3: {  	s0 =	sadd.s32 $0x8F2B, s0  }
0xc4: {  	[sflag:s0] =	ssyncadd.remote.s32 $0x1  }
0xc5: {  	_ =	sfence.sel $0xFFFF  }
0xc6: {  	[dreg:$0x0] =	wrdreg $0xFFFFFFFF;
	(pc) =	sbr.abs _section_cstart, $3  }
0xc7: {  	[dreg:$0x1] =	wrdreg $0xFFFFFFFF  }
0xc8: {  	_ =	task.clear_ibuf [dreg:s7], $0x2FFFF;
	_ =	strace $0x9FFFFFFF  }
0xc9: {  	(tm) =	ssettm $0x7FFFFFFF  }
tec
execute0_lowered:
.L_overlay_start_1:
0x0: {  	(tag) =	ssettag $0x1  }
0x1: {  	s0 =	rddreg [dreg:$0x0]  }
0x2: {  	s2 =	rddreg [dreg:$0x1];
	s1 =	srdreg.scid  }
0x3: {  	s12 =	stileid.u32;
	s3 =	rddreg [dreg:$0x2]  }
0x4: {  	s4 =	simm.s32 $0x0;
	s17 =	simm.s32 $0x7;
	s28 =	simm.s32 $0x8300  }
0x5: {  	s29 =	simm.s32 $0x5;
	s30 =	simm.s32 $0x180;
	s6 =	smul.u32 $0x13C00, s12  }
0x6: {  	s31 =	simm.s32 $0x6;
	s1 =	sand.u32 $0x1, s1;
	s8 =	smul.u32 $0x4F000, s12  }
0x7: {  	[smem:$0x7FF] =	sst s4;
	s5 =	sadd.s32 $0x5000, s0;
	s11 =	smul.u32 $0xA200, s12  }
0x8: {  	s9 =	sshll.u32 s12, $0x1;
	s20 =	sshll.u32 s12, $0x6;
	s7 =	smul.u32 $0x13C000, s1  }
0x9: {  	_ =	strace $0x8000004A;
	s18 =	ssub.s32 $0x2, s1;
	s9 =	sor.u32 s1, s9  }
0xa: {  	s1 =	smul.u32 $0x5100, s1;
	s10 =	sshrl.u32 s18, $0x1;
	s8 =	sshrl.u32 s8, $0x2  }
0xb: {  	s9 =	smul.u32 $0x5100, s9;
	s7 =	sadd.s32 s6, s7;
	s10 =	ssub.s32 s18, s10  }
0xc: {  	s16 =	sadd.s32 s8, s3;
	s6 =	sshrl.u32 s6, $0x3;
	s8 =	sor.u32 $0x1C07, s20  }
0xd: {  	s1 =	sadd.s32 s1, s11;
	s18 =	simm.s32 $0x100;
	s20 =	simm.s32 $0x1  }
0xe: {  	s7 =	sshrl.u32 s7, $0x3;
	s19 =	sshrl.u32 s9, $0x3;
	s6 =	sadd.s32 s5, s6  }
0xf: {  	s23 =	sadd.s32 $0x500, s1;
	s24 =	sadd.s32 $0x400, s1;
	s12 =	smax.u32 s10, $0x1  }
0x10: {  	s15 =	sadd.s32 $0x300, s1;
	s16 =	sshrl.u32 s16, $0x3;
	s1 =	simm.s32 $0x280  }
0x11: {  	s0 =	sadd.s32 s7, s0;
	[dreg:$0x4] =	wrdreg s6;
	s7 =	sadd.s32 s2, s19  }
0x12: {  	s25 =	sshrl.u32 s23, $0x3;
	s26 =	sshrl.u32 s24, $0x3;
	s19 =	simm.s32 $0x200  }
0x13: {  	s23 =	simm.s32 $0x2;
	s24 =	simm.s32 $0x4300;
	s21 =	sadd.s32 $0x20, s7  }
0x14: {  	s22 =	sadd.s32 $0x40, s7;
	s0 =	sadd.s32 $0x54000, s0;
	[dreg:$0x5] =	wrdreg s21  }
0x15: {  	s13 =	sadd.s32 s25, s2;
	s14 =	sadd.s32 s26, s2;
	[dreg:$0x6] =	wrdreg s22  }
0x16: {  	s25 =	simm.s32 $0x4;
	s26 =	simm.s32 $0x3;
	[dreg:$0x7] =	wrdreg s0  }
0x17: {  	s21 =	simm.s32 $0x80;
	s22 =	simm.s32 $0x300;
	s0 =	simm.s32 $0x0  }
.LBB2_1:
0x18: {  	s6 =	rddreg [dreg:$0x4]  }
0x19: {  	[spmem:s16], [sflag:s8] =	dma.local [hbm:s6], $0x2780  }
0x1a: {  	_ =	swait.ge [sflag:s17], $0x2780  }
0x1b: {  	[sflag:s17] =	ssyncset.done $0x0  }
0x1c: {  	[sflag:s17] =	ssyncadd.s32 $0xFFFFD880  }
0x1d: {  	[bflag:$0x0] =	sbarrier.arrive $0xFFFF  }
0x1e: {  	[tilespmem:s4], [sflag:$0x1] =	stream.linear.gather [hbm4b:s7+s4], $0x100, $0x38;
	[tilespmem:$0x1FF00] =	vst v63  }
0x1f: {  	s11 =	rddreg [dreg:$0x5]  }
0x20: {  	[tilespmem:s18], [sflag:$0x2] =	stream.linear.gather [hbm4b:s11+s4], $0x100, $0x38;
	[tilespmem:$0x1FF00] =	vst v63  }
0x21: {  	s9 =	rddreg [dreg:$0x6]  }
0x22: {  	[tilespmem:s19], [sflag:$0x3] =	stream.linear.gather [hbm4b:s9+s4], $0x100, $0x38;
	[tilespmem:$0x1FF00] =	vst v63  }
0x23: {  	_ =	swait.ge [sflag:s20], $0x100  }
0x24: {  	[sflag:s20] =	ssyncset.done $0x0  }
0x25: {  	[sflag:s20] =	ssyncadd.s32 $0xFFFFFF00  }
0x26: {  	[tilespmem:s22], [sflag:$0x4] =	stream.indirect.gather [hbm4b:s5+s21], $0x80, s4, s21, $0xb8;
	[tilespmem:$0x1FF00] =	vst v63  }
0x27: {  	_ =	swait.ge [sflag:s23], $0x100  }
0x28: {  	[sflag:s23] =	ssyncset.done $0x0  }
0x29: {  	[sflag:s23] =	ssyncadd.s32 $0xFFFFFF00  }
0x2a: {  	[tilespmem:s24], [sflag:$0x5] =	stream.indirect.gather [hbm4b:s5+s21], $0x80, s18, s21, $0xb8;
	[tilespmem:$0x1FF00] =	vst v63  }
0x2b: {  	_ =	swait.ge [sflag:s25], $0x4000  }
0x2c: {  	[sflag:s25] =	ssyncset.done $0x0  }
0x2d: {  	[sflag:s25] =	ssyncadd.s32 $0xFFFFC000  }
0x2e: {  	_ =	swait.ge [sflag:s26], $0x100  }
0x2f: {  	[sflag:s26] =	ssyncset.done $0x0  }
0x30: {  	[sflag:s26] =	ssyncadd.s32 $0xFFFFFF00  }
0x31: {  	[tilespmem:s28], [sflag:$0x6] =	stream.indirect.gather [hbm4b:s5+s21], $0x80, s19, s21, $0xb8;
	[tilespmem:$0x1FF00] =	vst v63  }
0x32: {  	_ = 	snop  }
0x33: {  	[spmem:s3] =	stream.indirect.scatter.add.f32 [tilespmem:s22], [sflag:$0x7], $0x80, s21, s21, $0xb8;
	[tilespmem:$0x1FF00] =	vst v63  }
0x34: {  	_ =	swait.ge [sflag:s17], $0x4000  }
0x35: {  	s10 =	sshrl.u32 s15, $0x3;
	[sflag:s17] =	ssyncset.done $0x0  }
0x36: {  	s6 =	sadd.s32 s2, s10;
	[sflag:s17] =	ssyncadd.s32 $0xFFFFC000  }
0x37: {  	[tilespmem:s4], [sflag:$0x1] =	stream.linear.gather [hbm4b:s6+s4], $0x100, $0x38;
	[tilespmem:$0x1FF00] =	vst v63  }
0x38: {  	_ =	swait.ge [sflag:s29], $0x4000  }
0x39: {  	[sflag:s29] =	ssyncset.done $0x0  }
0x3a: {  	[sflag:s29] =	ssyncadd.s32 $0xFFFFC000  }
0x3b: {  	_ =	swait.ge [sflag:s20], $0x100  }
0x3c: {  	[sflag:s20] =	ssyncset.done $0x0  }
0x3d: {  	[sflag:s20] =	ssyncadd.s32 $0xFFFFFF00  }
0x3e: {  	[tilespmem:s22], [sflag:$0x4] =	stream.indirect.gather [hbm4b:s5+s21], $0x80, s4, s21, $0xb8;
	[tilespmem:$0x1FF00] =	vst v63  }
0x3f: {  	_ = 	snop  }
0x40: {  	[spmem:s3] =	stream.indirect.scatter.add.f32 [tilespmem:s24], [sflag:$0x7], $0x80, s30, s21, $0xb8;
	[tilespmem:$0x1FF00] =	vst v63  }
0x41: {  	_ =	swait.ge [sflag:s17], $0x4000  }
0x42: {  	[sflag:s17] =	ssyncset.done $0x0  }
0x43: {  	s11 =	sadd.s32 $0x0, s14;
	[sflag:s17] =	ssyncadd.s32 $0xFFFFC000  }
0x44: {  	[tilespmem:s18], [sflag:$0x2] =	stream.linear.gather [hbm4b:s11+s4], $0x100, $0x38;
	[tilespmem:$0x1FF00] =	vst v63  }
0x45: {  	_ =	swait.ge [sflag:s31], $0x4000  }
0x46: {  	[sflag:s31] =	ssyncset.done $0x0  }
0x47: {  	[sflag:s31] =	ssyncadd.s32 $0xFFFFC000  }
0x48: {  	_ =	swait.ge [sflag:s23], $0x100  }
0x49: {  	[sflag:s23] =	ssyncset.done $0x0  }
0x4a: {  	[sflag:s23] =	ssyncadd.s32 $0xFFFFFF00  }
0x4b: {  	[tilespmem:s24], [sflag:$0x5] =	stream.indirect.gather [hbm4b:s5+s21], $0x80, s18, s21, $0xb8;
	[tilespmem:$0x1FF00] =	vst v63  }
0x4c: {  	_ = 	snop  }
0x4d: {  	[spmem:s3] =	stream.indirect.scatter.add.f32 [tilespmem:s28], [sflag:$0x7], $0x80, s1, s21, $0xb8;
	[tilespmem:$0x1FF00] =	vst v63  }
0x4e: {  	_ =	swait.ge [sflag:s17], $0x4000  }
0x4f: {  	s10 =	sadd.s32 $0x0, s13;
	[sflag:s17] =	ssyncset.done $0x0  }
0x50: {  	s9 =	sadd.s32 $0x300, s15;
	s6 =	simm.s32 $0x60;
	[sflag:s17] =	ssyncadd.s32 $0xFFFFC000  }
.LBB2_2:
0x51: {  	[tilespmem:s19], [sflag:$0x3] =	stream.linear.gather [hbm4b:s10+s4], $0x100, $0x38;
	[tilespmem:$0x1FF00] =	vst v63  }
0x52: {  	s10 =	smov.u32 s6  }
0x53: {  	p0 =	sne.s32 s6, $0x960;
	s6 =	sadd.s32 $0x60, s6;
	_ =	swait.ge [sflag:s25], $0x4000  }
0x54: {  	[sflag:s25] =	ssyncset.done $0x0  }
0x55: {  	[sflag:s25] =	ssyncadd.s32 $0xFFFFC000  }
0x56: {  	_ =	swait.ge [sflag:s26], $0x100  }
0x57: {  	[sflag:s26] =	ssyncset.done $0x0  }
0x58: {  	[sflag:s26] =	ssyncadd.s32 $0xFFFFFF00  }
0x59: {  	[tilespmem:s28], [sflag:$0x6] =	stream.indirect.gather [hbm4b:s5+s21], $0x80, s19, s21, $0xb8;
	[tilespmem:$0x1FF00] =	vst v63  }
0x5a: {  	_ = 	snop  }
0x5b: {  	[spmem:s3] =	stream.indirect.scatter.add.f32 [tilespmem:s22], [sflag:$0x7], $0x80, s21, s21, $0xb8;
	[tilespmem:$0x1FF00] =	vst v63  }
0x5c: {  	_ =	swait.ge [sflag:s17], $0x4000  }
0x5d: {  	s11 =	sshrl.u32 s9, $0x3;
	[sflag:s17] =	ssyncset.done $0x0  }
0x5e: {  	s11 =	sadd.s32 s2, s11;
	[sflag:s17] =	ssyncadd.s32 $0xFFFFC000  }
0x5f: {  	[tilespmem:s4], [sflag:$0x1] =	stream.linear.gather [hbm4b:s11+s4], $0x100, $0x38;
	[tilespmem:$0x1FF00] =	vst v63  }
0x60: {  	_ =	swait.ge [sflag:s29], $0x4000  }
0x61: {  	[sflag:s29] =	ssyncset.done $0x0  }
0x62: {  	[sflag:s29] =	ssyncadd.s32 $0xFFFFC000  }
0x63: {  	_ =	swait.ge [sflag:s20], $0x100  }
0x64: {  	[sflag:s20] =	ssyncset.done $0x0  }
0x65: {  	[sflag:s20] =	ssyncadd.s32 $0xFFFFFF00  }
0x66: {  	[tilespmem:s22], [sflag:$0x4] =	stream.indirect.gather [hbm4b:s5+s21], $0x80, s4, s21, $0xb8;
	[tilespmem:$0x1FF00] =	vst v63  }
0x67: {  	_ = 	snop  }
0x68: {  	[spmem:s3] =	stream.indirect.scatter.add.f32 [tilespmem:s24], [sflag:$0x7], $0x80, s30, s21, $0xb8;
	[tilespmem:$0x1FF00] =	vst v63  }
0x69: {  	_ =	swait.ge [sflag:s17], $0x4000  }
0x6a: {  	[sflag:s17] =	ssyncset.done $0x0  }
0x6b: {  	s11 =	sadd.s32 s10, s14;
	[sflag:s17] =	ssyncadd.s32 $0xFFFFC000  }
0x6c: {  	[tilespmem:s18], [sflag:$0x2] =	stream.linear.gather [hbm4b:s11+s4], $0x100, $0x38;
	[tilespmem:$0x1FF00] =	vst v63  }
0x6d: {  	_ =	swait.ge [sflag:s31], $0x4000  }
0x6e: {  	[sflag:s31] =	ssyncset.done $0x0  }
0x6f: {  	[sflag:s31] =	ssyncadd.s32 $0xFFFFC000  }
0x70: {  	_ =	swait.ge [sflag:s23], $0x100  }
0x71: {  	[sflag:s23] =	ssyncset.done $0x0  }
0x72: {  	[sflag:s23] =	ssyncadd.s32 $0xFFFFFF00  }
0x73: {  	[tilespmem:s24], [sflag:$0x5] =	stream.indirect.gather [hbm4b:s5+s21], $0x80, s18, s21, $0xb8;
	[tilespmem:$0x1FF00] =	vst v63  }
.Ltmp0:
0x74: {  	(pc) =	sbr.rel @p0 .LBB2_2-.Ltmp0, $4  }
0x75: {  	[spmem:s3] =	stream.indirect.scatter.add.f32 [tilespmem:s28], [sflag:$0x7], $0x80, s1, s21, $0xb8;
	[tilespmem:$0x1FF00] =	vst v63  }
0x76: {  	_ =	swait.ge [sflag:s17], $0x4000  }
0x77: {  	[sflag:s17] =	ssyncset.done $0x0  }
0x78: {  	s9 =	sadd.s32 $0x300, s9;
	s10 =	sadd.s32 s10, s13;
	[sflag:s17] =	ssyncadd.s32 $0xFFFFC000  }
0x79: {  	[tilespmem:s19], [sflag:$0x3] =	stream.linear.gather [hbm4b:s10+s4], $0x100, $0x38;
	[tilespmem:$0x1FF00] =	vst v63  }
0x7a: {  	_ =	swait.ge [sflag:s25], $0x4000  }
0x7b: {  	[sflag:s25] =	ssyncset.done $0x0  }
0x7c: {  	[sflag:s25] =	ssyncadd.s32 $0xFFFFC000  }
0x7d: {  	_ =	swait.ge [sflag:s26], $0x100  }
0x7e: {  	[sflag:s26] =	ssyncset.done $0x0  }
0x7f: {  	[sflag:s26] =	ssyncadd.s32 $0xFFFFFF00  }
0x80: {  	[tilespmem:s28], [sflag:$0x6] =	stream.indirect.gather [hbm4b:s5+s21], $0x80, s19, s21, $0xb8;
	[tilespmem:$0x1FF00] =	vst v63  }
0x81: {  	_ = 	snop  }
0x82: {  	[spmem:s3] =	stream.indirect.scatter.add.f32 [tilespmem:s22], [sflag:$0x7], $0x80, s21, s21, $0xb8;
	[tilespmem:$0x1FF00] =	vst v63  }
0x83: {  	_ =	swait.ge [sflag:s17], $0x4000  }
0x84: {  	[sflag:s17] =	ssyncset.done $0x0  }
0x85: {  	[sflag:s17] =	ssyncadd.s32 $0xFFFFC000  }
0x86: {  	_ =	swait.ge [sflag:s29], $0x4000  }
0x87: {  	[sflag:s29] =	ssyncset.done $0x0  }
0x88: {  	[sflag:s29] =	ssyncadd.s32 $0xFFFFC000  }
0x89: {  	[spmem:s3] =	stream.indirect.scatter.add.f32 [tilespmem:s24], [sflag:$0x7], $0x80, s30, s21, $0xb8;
	[tilespmem:$0x1FF00] =	vst v63  }
0x8a: {  	_ =	swait.ge [sflag:s17], $0x4000  }
0x8b: {  	[sflag:s17] =	ssyncset.done $0x0  }
0x8c: {  	[sflag:s17] =	ssyncadd.s32 $0xFFFFC000  }
0x8d: {  	_ =	swait.ge [sflag:s31], $0x4000  }
0x8e: {  	[sflag:s31] =	ssyncset.done $0x0  }
0x8f: {  	[sflag:s31] =	ssyncadd.s32 $0xFFFFC000  }
0x90: {  	[spmem:s3] =	stream.indirect.scatter.add.f32 [tilespmem:s28], [sflag:$0x7], $0x80, s1, s21, $0xb8;
	[tilespmem:$0x1FF00] =	vst v63  }
0x91: {  	_ =	swait.ge [sflag:s17], $0x4000  }
0x92: {  	[sflag:s17] =	ssyncset.done $0x0  }
0x93: {  	s0 =	sadd.s32 $0x1, s0;
	[sflag:s17] =	ssyncadd.s32 $0xFFFFC000  }
0x94: {  	p0 =	sne.s32 s0, s12;
	[bflag:$0x0] =	sbarrier.arrive $0xFFFF  }
.Ltmp1:
0x95: {  	s6 =	rddreg [dreg:$0x7];
	(pc) =	sbr.rel @p0 .LBB2_1-.Ltmp1, $4  }
0x96: {  	[hbm:s6], [sflag:s8] =	dma.local [spmem:s16], $0x2780  }
0x97: {  	_ =	swait.ge [sflag:s17], $0x2780  }
0x98: {  	[sflag:s17] =	ssyncset.done $0x0  }
0x99: {  	[sflag:s17] =	ssyncadd.s32 $0xFFFFD880  }
0x9a: {  	_ =	sfence.sel $0x180000  }
0x9b: {  	[bflag:$0x0] =	sbarrier.arrive $0xFFFF  }
0x9c: {  	_ =	strace $0x9000004A  }
0x9d: {  	s0 =	stileid.u32;
	[bflag:$0x2] =	sbarrier.arrive $0xFFFF  }
0x9e: {  	p0 =	sne.s32 s0, $0x0;
	s0 =	rddreg [dreg:$0x3]  }
0x9f: {  	s0 =	sadd.s32 @!p0 $0x100000, s0  }
0xa0: {  	[sflag:s0] =	ssyncadd.tile.s32 @!p0 $0x1;
	_ =	shalt  }
.Lfunc_end2:
_tile_overlayer_lowered:
.L_overlay_start_2:
0xa1: {  	(tag) =	ssettag $0x2  }
0xa2: {  	s0 =	rddreg [dreg:$0x0];
	s2 =	stileid.u32  }
0xa3: {  	s1 =	rddreg [dreg:$0x1];
	p0 =	sne.s32 s2, $0x0  }
0xa4: {  	s3 =	rddreg [dreg:$0x2];
	[bflag:$0x3] =	sbarrier.arrive $0xFFFF;
	s2 =	simm.s32 @!p0 $0x1C07  }
0xa5: {  	[timem:s3], [sflag:s2] =	dma.local @!p0 [hbm:s0], s1  }
0xa6: {  	s0 =	simm.s32 @!p0 $0x7  }
0xa7: {  	_ =	swait.ge @!p0 [sflag:s0], s1  }
0xa8: {  	s1 =	ssub.s32 @!p0 $0x0, s1;
	[sflag:s0] =	ssyncset.done @!p0 $0x0  }
0xa9: {  	[sflag:s0] =	ssyncadd.s32 @!p0 s1  }
0xaa: {  	[bflag:$0x3] =	sbarrier.arrive $0xFFFF  }
0xab: {  	_ =	shalt  }

// kernel: kernel.17.cloned.1.call-start
scs
__scs_entry_jumppad:
0x0: {  	(pc) =	sbr.rel $0x88, $3  }
0x1: {  	(tag) =	ssettag $0x0;
	lr =	simm.s32 $0x1  }
0x2: {  	[smem:$0x3F94] =	sst lr;
	_ =	strace $0xD0000000  }
0x3: {  	_ = 	snop  }
0x4: {  	_ = 	snop  }
0x5: {  	_ = 	snop  }
0x6: {  	_ = 	snop  }
0x7: {  	_ = 	snop  }
__scs_overlays_trampoline_lowered:
0x8: {  	[smem:$0x3FA3] =	sst s0  }
0x9: {  	[smem:$0x3FA4] =	sst s1  }
0xa: {  	[smem:$0x3FA5] =	sst s2  }
0xb: {  	[smem:$0x3FA6] =	sst s3  }
0xc: {  	[smem:$0x3FA7] =	sst s4  }
0xd: {  	[smem:$0x3FA8] =	sst s5  }
0xe: {  	[smem:$0x3FA9] =	sst s6  }
0xf: {  	[smem:$0x3FAA] =	sst s7  }
0x10: {  	[smem:$0x3FAB] =	sst s8  }
0x11: {  	[smem:$0x3FAC] =	sst s9;
	s0 =	simm.s32 @!p0 $0x0  }
0x12: {  	s1 =	sld [smem:$0x3F92];
	s0 =	simm.s32 @p0 $0x1  }
0x13: {  	[smem:$0x3FAD] =	sst s0;
	s0 =	simm.s32 @!p1 $0x0  }
0x14: {  	s2 =	sld [smem:$0x3F91];
	s0 =	simm.s32 @p1 $0x1  }
0x15: {  	[smem:$0x3FAE] =	sst s0;
	s0 =	simm.s32 @!p2 $0x0  }
0x16: {  	s3 =	sld [smem:$0x3FDB];
	s0 =	simm.s32 @p2 $0x1  }
0x17: {  	s4 =	simm.s32 $0x1BF5;
	[smem:$0x3FB0] =	sst s0  }
0x18: {  	s0 =	sld [smem:$0x3F93];
	_ =	swait.ge [sflag:s4], $0x0  }
0x19: {  	s7 =	sld [smem:$0x3F94]  }
0x1a: {  	s8 =	sadd.s32 $0xFFFFE003, lr  }
0x1b: {  	s9 =	sadd.s32 $0xFFFFFEF7, lr;
	s5 =	simm.s32 $0xFFFFFFFF;
	p2 =	slt.u32 s8, $0xFFFFF086  }
0x1c: {  	p1 =	slt.u32 s9, $0xF7A;
	s5 =	simm.s32 @!p2 $0x0  }
0x1d: {  	s5 =	simm.s32 @p1 $0x1;
	p0 =	seq.s32 s7, s2  }
0x1e: {  	s7 =	smul.u32 @!p0 $0xF7A, s2;
	p2 =	seq.s32 @!p0 s5, $0x0  }
0x1f: {  	s9 =	smul.u32 $0xF7A, s1;
	s8 =	simm.s32 @!p0 $0x1BF5;
	p2 =	por !p2, p0  }
0x20: {  	[sflag:s8] =	ssyncset.s32 @!p0 $0xFFFFF086;
	s6 =	sadd.s32 @!p0 s3, s7;
	s7 =	simm.s32 @!p0 $0x108  }
0x21: {  	s3 =	sadd.s32 s3, s9;
	s6 =	sadd.s32 @!p0 $0x88, s6;
	s7 =	simm.s32 @p2 $0x1082  }
0x22: {  	[simem:s7], [sflag:s8] =	dma.local @!p0 [hbm:s6], $0xF7A  }
0x23: {  	s9 =	sor.u32 $0xD0000000, s2;
	s6 =	simm.s32 $0x108;
	_ =	swait.ge @!p0 [sflag:s8], $0x0  }
0x24: {  	s3 =	sadd.s32 $0x88, s3;
	s6 =	simm.s32 @!p1 $0x1082;
	[sflag:s4] =	ssyncset.s32 $0xFFFFF086  }
0x25: {  	[simem:s6], [sflag:s4] =	dma.local [hbm:s3], $0xF7A  }
0x26: {  	[smem:$0x3F94] =	sst s1;
	(tag) =	ssettag s2;
	_ =	strace s9  }
0x27: {  	s1 =	sld [smem:$0x3FA4]  }
0x28: {  	s2 =	sld [smem:$0x3FA5]  }
0x29: {  	s4 =	sld [smem:$0x3FA7]  }
0x2a: {  	p0 =	seq.s32 s5, $0x0;
	s5 =	sld [smem:$0x3FA8]  }
0x2b: {  	s6 =	sld [smem:$0x3FA9]  }
0x2c: {  	s7 =	sld [smem:$0x3FAA]  }
0x2d: {  	s3 =	simm.s32 $0x108;
	s8 =	sld [smem:$0x3FAB]  }
0x2e: {  	s3 =	simm.s32 @!p0 $0x1082;
	s9 =	sld [smem:$0x3FAC]  }
0x2f: {  	lr =	sadd.s32 s0, s3;
	s0 =	sld [smem:$0x3FA3]  }
0x30: {  	s3 =	sld [smem:$0x3FA6]  }
0x31: {  	[smem:$0x3FAF] =	sst s10  }
0x32: {  	s10 =	sld [smem:$0x3FAD];
	_ =	sdelay $0x3  }
0x33: {  	p0 =	seq.s32 s10, $0x1;
	s10 =	sld [smem:$0x3FAF];
	_ =	sdelay $0x3  }
0x34: {  	[smem:$0x3FAF] =	sst s10  }
0x35: {  	s10 =	sld [smem:$0x3FAE];
	_ =	sdelay $0x3  }
0x36: {  	p1 =	seq.s32 s10, $0x1;
	s10 =	sld [smem:$0x3FAF];
	_ =	sdelay $0x3  }
0x37: {  	[smem:$0x3FAF] =	sst s10  }
0x38: {  	s10 =	sld [smem:$0x3FB0]  }
0x39: {  	_ = 	snop;
	(pc) =	sbr.ind lr, $3  }
0x3a: {  	_ = 	snop  }
0x3b: {  	_ = 	snop  }
0x3c: {  	p2 =	seq.s32 s10, $0x1;
	s10 =	sld [smem:$0x3FAF]  }
0x3d: {  	_ =	shalt  }
0x3e: {  	_ =	shalt  }
0x3f: {  	_ =	shalt  }
0x40: {  	_ =	shalt  }
0x41: {  	_ =	shalt  }
0x42: {  	_ =	shalt  }
0x43: {  	_ =	shalt  }
0x44: {  	_ =	shalt  }
0x45: {  	_ =	shalt  }
0x46: {  	_ =	shalt  }
0x47: {  	_ =	shalt  }
0x48: {  	_ =	shalt  }
0x49: {  	_ =	shalt  }
0x4a: {  	_ =	shalt  }
0x4b: {  	_ =	shalt  }
0x4c: {  	_ =	shalt  }
0x4d: {  	_ =	shalt  }
0x4e: {  	_ =	shalt  }
0x4f: {  	_ =	shalt  }
0x50: {  	_ =	shalt  }
0x51: {  	_ =	shalt  }
0x52: {  	_ =	shalt  }
0x53: {  	_ =	shalt  }
0x54: {  	_ =	shalt  }
0x55: {  	_ =	shalt  }
0x56: {  	_ =	shalt  }
0x57: {  	_ =	shalt  }
0x58: {  	_ =	shalt  }
0x59: {  	_ =	shalt  }
0x5a: {  	_ =	shalt  }
0x5b: {  	_ =	shalt  }
0x5c: {  	_ =	shalt  }
0x5d: {  	_ =	shalt  }
0x5e: {  	_ =	shalt  }
0x5f: {  	_ =	shalt  }
0x60: {  	_ =	shalt  }
0x61: {  	_ =	shalt  }
0x62: {  	_ =	shalt  }
0x63: {  	_ =	shalt  }
0x64: {  	_ =	shalt  }
0x65: {  	_ =	shalt  }
0x66: {  	_ =	shalt  }
0x67: {  	_ =	shalt  }
0x68: {  	_ =	shalt  }
0x69: {  	_ =	shalt  }
0x6a: {  	_ =	shalt  }
0x6b: {  	_ =	shalt  }
0x6c: {  	_ =	shalt  }
0x6d: {  	_ =	shalt  }
0x6e: {  	_ =	shalt  }
0x6f: {  	_ =	shalt  }
0x70: {  	_ =	shalt  }
0x71: {  	_ =	shalt  }
0x72: {  	_ =	shalt  }
0x73: {  	_ =	shalt  }
0x74: {  	_ =	shalt  }
0x75: {  	_ =	shalt  }
0x76: {  	_ =	shalt  }
0x77: {  	_ =	shalt  }
0x78: {  	_ =	shalt  }
0x79: {  	_ =	shalt  }
0x7a: {  	_ =	shalt  }
0x7b: {  	_ =	shalt  }
0x7c: {  	_ =	shalt  }
0x7d: {  	_ =	shalt  }
0x7e: {  	_ =	shalt  }
0x7f: {  	_ =	shalt  }
0x80: {  	_ =	shalt  }
0x81: {  	_ =	shalt  }
0x82: {  	_ =	shalt  }
0x83: {  	_ =	shalt  }
0x84: {  	_ =	shalt  }
0x85: {  	_ =	shalt  }
0x86: {  	_ =	shalt  }
0x87: {  	_ =	shalt  }
.Lfunc_end0:
.L_simem_size_0:
called_computation.2_lowered:
.L_overlay_start_0:
0x88: {  	s2 =	sld [smem:$0x3FD9]  }
0x89: {  	s3 =	sld [smem:$0x3FFE];
	_ =	sdelay $0x1  }
0x8a: {  	s1 =	srdreg.scid  }
0x8b: {  	s0 =	sand.u32 $0x1, s1  }
0x8c: {  	s14 =	sshll.u32 s0, $0xA;
	s2 =	sadd.s32 s3, s2  }
0x8d: {  	s2 =	sadd.s32 s2, s14  }
0x8e: {  	[smem:$0x3FBB] =	sst s2  }
0x8f: {  	_ = 	snop  }
0x90: {  	s2 =	sld [smem:$0x3FD0];
	_ =	sdelay $0x2  }
0x91: {  	s15 =	simm.s32 $0xA;
	s4 =	simm.s32 $0x10  }
0x92: {  	[smem:s4], [sflag:s15] =	dma.local [hbm:s2], $0x1  }
0x93: {  	_ =	swait.eq [sflag:s15], $0x1  }
0x94: {  	[sflag:s15] =	ssyncset.done $0x0  }
0x95: {  	[sflag:s15] =	ssyncadd.s32 $0xFFFFFFFF  }
0x96: {  	s16 =	sld [smem:$0x10];
	(tm) =	ssettm $0x1  }
0x97: {  	s17 =	sld [smem:$0x3FFB];
	_ =	sdelay $0x3  }
0x98: {  	_ =	strace s17  }
0x99: {  	s3 =	sld [smem:$0x3FFC];
	_ =	sdelay $0x3  }
0x9a: {  	_ =	strace s3  }
0x9b: {  	s3 =	sld [smem:$0x3FFD];
	_ =	sdelay $0x3  }
0x9c: {  	_ =	strace s3  }
0x9d: {  	_ =	strace $0x8FFFFFFF  }
0x9e: {  	s18 =	sld [smem:$0x3FDB];
	_ =	sdelay $0x1  }
0x9f: {  	s19 =	simm.s32 $_scs_section_size  }
0xa0: {  	s5 =	simm.s32 $_size__tile_overlayer_lowered;
	s6 =	simm.s32 $_tile_overlayer_lowered  }
0xa1: {  	s22 =	simm.s32 $0x1BFF;
	s21 =	sshll.u32 s6, $0x1;
	s3 =	sadd.s32 s19, s18  }
0xa2: {  	s7 =	simm.s32 $0x0;
	s20 =	sshll.u32 s5, $0x1;
	s5 =	sadd.s32 s21, s3  }
0xa3: {  	[timem:s7], [sflag:s22] =	dma.local [hbm:s5], s20  }
0xa4: {  	_ =	swait.ge [sflag:s22], s20  }
0xa5: {  	s4 =	ssub.s32 $0x0, s20;
	[sflag:s22] =	ssyncset.done $0x0  }
0xa6: {  	[sflag:s22] =	ssyncadd.s32 s4;
	_ =	sdelay $0x1  }
0xa7: {  	s23 =	simm.s32 $0x1B8B  }
0xa8: {  	_ =	swait.ge [sflag:s23], $0x1  }
0xa9: {  	[sflag:s23] =	ssyncset.done $0x0  }
0xaa: {  	s25 =	simm.s32 $0x1B8E;
	s24 =	sld [smem:$0x3FFE];
	[sflag:s23] =	ssyncadd.s32 $0xFFFFFFFF  }
0xab: {  	s26 =	simm.s32 $execute0_lowered;
	[smem:$0x3FD2] =	sst s25  }
0xac: {  	s5 =	sshll.u32 s26, $0x1;
	_ =	strace $0x8000004C;
	[dreg:$0x1] =	wrdreg $0xFFFFFFFF  }
0xad: {  	s28 =	simm.s32 $_size_execute0_lowered;
	s3 =	sadd.s32 s3, s5;
	[dreg:$0x0] =	wrdreg $0x0  }
0xae: {  	s5 =	sshll.u32 s28, $0x1;
	[dreg:$0x2] =	wrdreg s3  }
0xaf: {  	[dreg:$0x3] =	wrdreg s5  }
0xb0: {  	[dreg:$0x4] =	wrdreg $0xC0  }
0xb1: {  	_ =	task [dreg:s7], $0x5FFFF  }
0xb2: {  	[dreg:$0x1] =	wrdreg $0xFFFFFFFF  }
0xb3: {  	[dreg:$0x0] =	wrdreg $0x60  }
0xb4: {  	[dreg:$0x2] =	wrdreg s24  }
0xb5: {  	[dreg:$0x3] =	wrdreg s16  }
0xb6: {  	[dreg:$0x4] =	wrdreg $0xC3000  }
0xb7: {  	[dreg:$0x5] =	wrdreg $0x9  }
0xb8: {  	_ =	task.clear_ibuf [dreg:s7], $0x6FFFF;
	_ =	strace $0x9000004C  }
0xb9: {  	s29 =	simm.s32 $0x9;
	_ =	strace $0x8000004E  }
0xba: {  	_ =	swait.ge [sflag:s29], $0x1  }
0xbb: {  	[sflag:s29] =	ssyncadd.s32 $0xFFFFFFFF  }
0xbc: {  	_ =	strace $0x9000004E  }
0xbd: {  	_ =	sfence  }
0xbe: {  	s30 =	sld [smem:$0x0];
	_ =	sdelay $0x2  }
0xbf: {  	s31 =	sshll.u32 s1, $0xD;
	s1 =	sshrl.u32 s1, $0x2  }
0xc0: {  	s3 =	sand.u32 $0x4000, s31;
	s1 =	sadd.s32 s1, s30  }
0xc1: {  	s0 =	sor.u32 s3, s0;
	s1 =	sshll.u32 s1, $0x11  }
0xc2: {  	s0 =	sor.u32 s1, s0  }
0xc3: {  	s0 =	sadd.s32 $0x8F2B, s0  }
0xc4: {  	[sflag:s0] =	ssyncadd.remote.s32 $0x1  }
0xc5: {  	_ =	sfence.sel $0xFFFF  }
0xc6: {  	[dreg:$0x0] =	wrdreg $0xFFFFFFFF;
	(pc) =	sbr.abs _section_cstart, $3  }
0xc7: {  	[dreg:$0x1] =	wrdreg $0xFFFFFFFF  }
0xc8: {  	_ =	task.clear_ibuf [dreg:s7], $0x2FFFF;
	_ =	strace $0x9FFFFFFF  }
0xc9: {  	(tm) =	ssettm $0x7FFFFFFF  }
tec
execute0_lowered:
.L_overlay_start_1:
0x0: {  	(tag) =	ssettag $0x1  }
0x1: {  	s0 =	rddreg [dreg:$0x0]  }
0x2: {  	s2 =	rddreg [dreg:$0x1];
	s1 =	srdreg.scid  }
0x3: {  	s12 =	stileid.u32;
	s3 =	rddreg [dreg:$0x2]  }
0x4: {  	s4 =	simm.s32 $0x0;
	s17 =	simm.s32 $0x7;
	s28 =	simm.s32 $0x8300  }
0x5: {  	s29 =	simm.s32 $0x5;
	s30 =	simm.s32 $0x180;
	s6 =	smul.u32 $0x13C00, s12  }
0x6: {  	s31 =	simm.s32 $0x6;
	s1 =	sand.u32 $0x1, s1;
	s8 =	smul.u32 $0x4F000, s12  }
0x7: {  	[smem:$0x7FF] =	sst s4;
	s5 =	sadd.s32 $0x5000, s0;
	s11 =	smul.u32 $0xA200, s12  }
0x8: {  	s9 =	sshll.u32 s12, $0x1;
	s20 =	sshll.u32 s12, $0x6;
	s7 =	smul.u32 $0x13C000, s1  }
0x9: {  	_ =	strace $0x8000004D;
	s18 =	ssub.s32 $0x2, s1;
	s9 =	sor.u32 s1, s9  }
0xa: {  	s1 =	smul.u32 $0x5100, s1;
	s10 =	sshrl.u32 s18, $0x1;
	s8 =	sshrl.u32 s8, $0x2  }
0xb: {  	s9 =	smul.u32 $0x5100, s9;
	s7 =	sadd.s32 s6, s7;
	s10 =	ssub.s32 s18, s10  }
0xc: {  	s16 =	sadd.s32 s8, s3;
	s6 =	sshrl.u32 s6, $0x3;
	s8 =	sor.u32 $0x1C07, s20  }
0xd: {  	s1 =	sadd.s32 s1, s11;
	s18 =	simm.s32 $0x100;
	s20 =	simm.s32 $0x1  }
0xe: {  	s7 =	sshrl.u32 s7, $0x3;
	s19 =	sshrl.u32 s9, $0x3;
	s6 =	sadd.s32 s5, s6  }
0xf: {  	s23 =	sadd.s32 $0x500, s1;
	s24 =	sadd.s32 $0x400, s1;
	s12 =	smax.u32 s10, $0x1  }
0x10: {  	s15 =	sadd.s32 $0x300, s1;
	s16 =	sshrl.u32 s16, $0x3;
	s1 =	simm.s32 $0x280  }
0x11: {  	s0 =	sadd.s32 s7, s0;
	[dreg:$0x4] =	wrdreg s6;
	s7 =	sadd.s32 s2, s19  }
0x12: {  	s25 =	sshrl.u32 s23, $0x3;
	s26 =	sshrl.u32 s24, $0x3;
	s19 =	simm.s32 $0x200  }
0x13: {  	s23 =	simm.s32 $0x2;
	s24 =	simm.s32 $0x4300;
	s21 =	sadd.s32 $0x20, s7  }
0x14: {  	s22 =	sadd.s32 $0x40, s7;
	s0 =	sadd.s32 $0x54000, s0;
	[dreg:$0x5] =	wrdreg s21  }
0x15: {  	s13 =	sadd.s32 s25, s2;
	s14 =	sadd.s32 s26, s2;
	[dreg:$0x6] =	wrdreg s22  }
0x16: {  	s25 =	simm.s32 $0x4;
	s26 =	simm.s32 $0x3;
	[dreg:$0x7] =	wrdreg s0  }
0x17: {  	s21 =	simm.s32 $0x80;
	s22 =	simm.s32 $0x300;
	s0 =	simm.s32 $0x0  }
.LBB2_1:
0x18: {  	s6 =	rddreg [dreg:$0x4]  }
0x19: {  	[spmem:s16], [sflag:s8] =	dma.local [hbm:s6], $0x2780  }
0x1a: {  	_ =	swait.ge [sflag:s17], $0x2780  }
0x1b: {  	[sflag:s17] =	ssyncset.done $0x0  }
0x1c: {  	[sflag:s17] =	ssyncadd.s32 $0xFFFFD880  }
0x1d: {  	[bflag:$0x0] =	sbarrier.arrive $0xFFFF  }
0x1e: {  	[tilespmem:s4], [sflag:$0x1] =	stream.linear.gather [hbm4b:s7+s4], $0x100, $0x38;
	[tilespmem:$0x1FF00] =	vst v63  }
0x1f: {  	s11 =	rddreg [dreg:$0x5]  }
0x20: {  	[tilespmem:s18], [sflag:$0x2] =	stream.linear.gather [hbm4b:s11+s4], $0x100, $0x38;
	[tilespmem:$0x1FF00] =	vst v63  }
0x21: {  	s9 =	rddreg [dreg:$0x6]  }
0x22: {  	[tilespmem:s19], [sflag:$0x3] =	stream.linear.gather [hbm4b:s9+s4], $0x100, $0x38;
	[tilespmem:$0x1FF00] =	vst v63  }
0x23: {  	_ =	swait.ge [sflag:s20], $0x100  }
0x24: {  	[sflag:s20] =	ssyncset.done $0x0  }
0x25: {  	[sflag:s20] =	ssyncadd.s32 $0xFFFFFF00  }
0x26: {  	[tilespmem:s22], [sflag:$0x4] =	stream.indirect.gather [hbm4b:s5+s21], $0x80, s4, s21, $0xb8;
	[tilespmem:$0x1FF00] =	vst v63  }
0x27: {  	_ =	swait.ge [sflag:s23], $0x100  }
0x28: {  	[sflag:s23] =	ssyncset.done $0x0  }
0x29: {  	[sflag:s23] =	ssyncadd.s32 $0xFFFFFF00  }
0x2a: {  	[tilespmem:s24], [sflag:$0x5] =	stream.indirect.gather [hbm4b:s5+s21], $0x80, s18, s21, $0xb8;
	[tilespmem:$0x1FF00] =	vst v63  }
0x2b: {  	_ =	swait.ge [sflag:s25], $0x4000  }
0x2c: {  	[sflag:s25] =	ssyncset.done $0x0  }
0x2d: {  	[sflag:s25] =	ssyncadd.s32 $0xFFFFC000  }
0x2e: {  	_ =	swait.ge [sflag:s26], $0x100  }
0x2f: {  	[sflag:s26] =	ssyncset.done $0x0  }
0x30: {  	[sflag:s26] =	ssyncadd.s32 $0xFFFFFF00  }
0x31: {  	[tilespmem:s28], [sflag:$0x6] =	stream.indirect.gather [hbm4b:s5+s21], $0x80, s19, s21, $0xb8;
	[tilespmem:$0x1FF00] =	vst v63  }
0x32: {  	_ = 	snop  }
0x33: {  	[spmem:s3] =	stream.indirect.scatter.add.f32 [tilespmem:s22], [sflag:$0x7], $0x80, s21, s21, $0xb8;
	[tilespmem:$0x1FF00] =	vst v63  }
0x34: {  	_ =	swait.ge [sflag:s17], $0x4000  }
0x35: {  	s10 =	sshrl.u32 s15, $0x3;
	[sflag:s17] =	ssyncset.done $0x0  }
0x36: {  	s6 =	sadd.s32 s2, s10;
	[sflag:s17] =	ssyncadd.s32 $0xFFFFC000  }
0x37: {  	[tilespmem:s4], [sflag:$0x1] =	stream.linear.gather [hbm4b:s6+s4], $0x100, $0x38;
	[tilespmem:$0x1FF00] =	vst v63  }
0x38: {  	_ =	swait.ge [sflag:s29], $0x4000  }
0x39: {  	[sflag:s29] =	ssyncset.done $0x0  }
0x3a: {  	[sflag:s29] =	ssyncadd.s32 $0xFFFFC000  }
0x3b: {  	_ =	swait.ge [sflag:s20], $0x100  }
0x3c: {  	[sflag:s20] =	ssyncset.done $0x0  }
0x3d: {  	[sflag:s20] =	ssyncadd.s32 $0xFFFFFF00  }
0x3e: {  	[tilespmem:s22], [sflag:$0x4] =	stream.indirect.gather [hbm4b:s5+s21], $0x80, s4, s21, $0xb8;
	[tilespmem:$0x1FF00] =	vst v63  }
0x3f: {  	_ = 	snop  }
0x40: {  	[spmem:s3] =	stream.indirect.scatter.add.f32 [tilespmem:s24], [sflag:$0x7], $0x80, s30, s21, $0xb8;
	[tilespmem:$0x1FF00] =	vst v63  }
0x41: {  	_ =	swait.ge [sflag:s17], $0x4000  }
0x42: {  	[sflag:s17] =	ssyncset.done $0x0  }
0x43: {  	s11 =	sadd.s32 $0x0, s14;
	[sflag:s17] =	ssyncadd.s32 $0xFFFFC000  }
0x44: {  	[tilespmem:s18], [sflag:$0x2] =	stream.linear.gather [hbm4b:s11+s4], $0x100, $0x38;
	[tilespmem:$0x1FF00] =	vst v63  }
0x45: {  	_ =	swait.ge [sflag:s31], $0x4000  }
0x46: {  	[sflag:s31] =	ssyncset.done $0x0  }
0x47: {  	[sflag:s31] =	ssyncadd.s32 $0xFFFFC000  }
0x48: {  	_ =	swait.ge [sflag:s23], $0x100  }
0x49: {  	[sflag:s23] =	ssyncset.done $0x0  }
0x4a: {  	[sflag:s23] =	ssyncadd.s32 $0xFFFFFF00  }
0x4b: {  	[tilespmem:s24], [sflag:$0x5] =	stream.indirect.gather [hbm4b:s5+s21], $0x80, s18, s21, $0xb8;
	[tilespmem:$0x1FF00] =	vst v63  }
0x4c: {  	_ = 	snop  }
0x4d: {  	[spmem:s3] =	stream.indirect.scatter.add.f32 [tilespmem:s28], [sflag:$0x7], $0x80, s1, s21, $0xb8;
	[tilespmem:$0x1FF00] =	vst v63  }
0x4e: {  	_ =	swait.ge [sflag:s17], $0x4000  }
0x4f: {  	s10 =	sadd.s32 $0x0, s13;
	[sflag:s17] =	ssyncset.done $0x0  }
0x50: {  	s9 =	sadd.s32 $0x300, s15;
	s6 =	simm.s32 $0x60;
	[sflag:s17] =	ssyncadd.s32 $0xFFFFC000  }
.LBB2_2:
0x51: {  	[tilespmem:s19], [sflag:$0x3] =	stream.linear.gather [hbm4b:s10+s4], $0x100, $0x38;
	[tilespmem:$0x1FF00] =	vst v63  }
0x52: {  	s10 =	smov.u32 s6  }
0x53: {  	p0 =	sne.s32 s6, $0x960;
	s6 =	sadd.s32 $0x60, s6;
	_ =	swait.ge [sflag:s25], $0x4000  }
0x54: {  	[sflag:s25] =	ssyncset.done $0x0  }
0x55: {  	[sflag:s25] =	ssyncadd.s32 $0xFFFFC000  }
0x56: {  	_ =	swait.ge [sflag:s26], $0x100  }
0x57: {  	[sflag:s26] =	ssyncset.done $0x0  }
0x58: {  	[sflag:s26] =	ssyncadd.s32 $0xFFFFFF00  }
0x59: {  	[tilespmem:s28], [sflag:$0x6] =	stream.indirect.gather [hbm4b:s5+s21], $0x80, s19, s21, $0xb8;
	[tilespmem:$0x1FF00] =	vst v63  }
0x5a: {  	_ = 	snop  }
0x5b: {  	[spmem:s3] =	stream.indirect.scatter.add.f32 [tilespmem:s22], [sflag:$0x7], $0x80, s21, s21, $0xb8;
	[tilespmem:$0x1FF00] =	vst v63  }
0x5c: {  	_ =	swait.ge [sflag:s17], $0x4000  }
0x5d: {  	s11 =	sshrl.u32 s9, $0x3;
	[sflag:s17] =	ssyncset.done $0x0  }
0x5e: {  	s11 =	sadd.s32 s2, s11;
	[sflag:s17] =	ssyncadd.s32 $0xFFFFC000  }
0x5f: {  	[tilespmem:s4], [sflag:$0x1] =	stream.linear.gather [hbm4b:s11+s4], $0x100, $0x38;
	[tilespmem:$0x1FF00] =	vst v63  }
0x60: {  	_ =	swait.ge [sflag:s29], $0x4000  }
0x61: {  	[sflag:s29] =	ssyncset.done $0x0  }
0x62: {  	[sflag:s29] =	ssyncadd.s32 $0xFFFFC000  }
0x63: {  	_ =	swait.ge [sflag:s20], $0x100  }
0x64: {  	[sflag:s20] =	ssyncset.done $0x0  }
0x65: {  	[sflag:s20] =	ssyncadd.s32 $0xFFFFFF00  }
0x66: {  	[tilespmem:s22], [sflag:$0x4] =	stream.indirect.gather [hbm4b:s5+s21], $0x80, s4, s21, $0xb8;
	[tilespmem:$0x1FF00] =	vst v63  }
0x67: {  	_ = 	snop  }
0x68: {  	[spmem:s3] =	stream.indirect.scatter.add.f32 [tilespmem:s24], [sflag:$0x7], $0x80, s30, s21, $0xb8;
	[tilespmem:$0x1FF00] =	vst v63  }
0x69: {  	_ =	swait.ge [sflag:s17], $0x4000  }
0x6a: {  	[sflag:s17] =	ssyncset.done $0x0  }
0x6b: {  	s11 =	sadd.s32 s10, s14;
	[sflag:s17] =	ssyncadd.s32 $0xFFFFC000  }
0x6c: {  	[tilespmem:s18], [sflag:$0x2] =	stream.linear.gather [hbm4b:s11+s4], $0x100, $0x38;
	[tilespmem:$0x1FF00] =	vst v63  }
0x6d: {  	_ =	swait.ge [sflag:s31], $0x4000  }
0x6e: {  	[sflag:s31] =	ssyncset.done $0x0  }
0x6f: {  	[sflag:s31] =	ssyncadd.s32 $0xFFFFC000  }
0x70: {  	_ =	swait.ge [sflag:s23], $0x100  }
0x71: {  	[sflag:s23] =	ssyncset.done $0x0  }
0x72: {  	[sflag:s23] =	ssyncadd.s32 $0xFFFFFF00  }
0x73: {  	[tilespmem:s24], [sflag:$0x5] =	stream.indirect.gather [hbm4b:s5+s21], $0x80, s18, s21, $0xb8;
	[tilespmem:$0x1FF00] =	vst v63  }
.Ltmp0:
0x74: {  	(pc) =	sbr.rel @p0 .LBB2_2-.Ltmp0, $4  }
0x75: {  	[spmem:s3] =	stream.indirect.scatter.add.f32 [tilespmem:s28], [sflag:$0x7], $0x80, s1, s21, $0xb8;
	[tilespmem:$0x1FF00] =	vst v63  }
0x76: {  	_ =	swait.ge [sflag:s17], $0x4000  }
0x77: {  	[sflag:s17] =	ssyncset.done $0x0  }
0x78: {  	s9 =	sadd.s32 $0x300, s9;
	s10 =	sadd.s32 s10, s13;
	[sflag:s17] =	ssyncadd.s32 $0xFFFFC000  }
0x79: {  	[tilespmem:s19], [sflag:$0x3] =	stream.linear.gather [hbm4b:s10+s4], $0x100, $0x38;
	[tilespmem:$0x1FF00] =	vst v63  }
0x7a: {  	_ =	swait.ge [sflag:s25], $0x4000  }
0x7b: {  	[sflag:s25] =	ssyncset.done $0x0  }
0x7c: {  	[sflag:s25] =	ssyncadd.s32 $0xFFFFC000  }
0x7d: {  	_ =	swait.ge [sflag:s26], $0x100  }
0x7e: {  	[sflag:s26] =	ssyncset.done $0x0  }
0x7f: {  	[sflag:s26] =	ssyncadd.s32 $0xFFFFFF00  }
0x80: {  	[tilespmem:s28], [sflag:$0x6] =	stream.indirect.gather [hbm4b:s5+s21], $0x80, s19, s21, $0xb8;
	[tilespmem:$0x1FF00] =	vst v63  }
0x81: {  	_ = 	snop  }
0x82: {  	[spmem:s3] =	stream.indirect.scatter.add.f32 [tilespmem:s22], [sflag:$0x7], $0x80, s21, s21, $0xb8;
	[tilespmem:$0x1FF00] =	vst v63  }
0x83: {  	_ =	swait.ge [sflag:s17], $0x4000  }
0x84: {  	[sflag:s17] =	ssyncset.done $0x0  }
0x85: {  	[sflag:s17] =	ssyncadd.s32 $0xFFFFC000  }
0x86: {  	_ =	swait.ge [sflag:s29], $0x4000  }
0x87: {  	[sflag:s29] =	ssyncset.done $0x0  }
0x88: {  	[sflag:s29] =	ssyncadd.s32 $0xFFFFC000  }
0x89: {  	[spmem:s3] =	stream.indirect.scatter.add.f32 [tilespmem:s24], [sflag:$0x7], $0x80, s30, s21, $0xb8;
	[tilespmem:$0x1FF00] =	vst v63  }
0x8a: {  	_ =	swait.ge [sflag:s17], $0x4000  }
0x8b: {  	[sflag:s17] =	ssyncset.done $0x0  }
0x8c: {  	[sflag:s17] =	ssyncadd.s32 $0xFFFFC000  }
0x8d: {  	_ =	swait.ge [sflag:s31], $0x4000  }
0x8e: {  	[sflag:s31] =	ssyncset.done $0x0  }
0x8f: {  	[sflag:s31] =	ssyncadd.s32 $0xFFFFC000  }
0x90: {  	[spmem:s3] =	stream.indirect.scatter.add.f32 [tilespmem:s28], [sflag:$0x7], $0x80, s1, s21, $0xb8;
	[tilespmem:$0x1FF00] =	vst v63  }
0x91: {  	_ =	swait.ge [sflag:s17], $0x4000  }
0x92: {  	[sflag:s17] =	ssyncset.done $0x0  }
0x93: {  	s0 =	sadd.s32 $0x1, s0;
	[sflag:s17] =	ssyncadd.s32 $0xFFFFC000  }
0x94: {  	p0 =	sne.s32 s0, s12;
	[bflag:$0x0] =	sbarrier.arrive $0xFFFF  }
.Ltmp1:
0x95: {  	s6 =	rddreg [dreg:$0x7];
	(pc) =	sbr.rel @p0 .LBB2_1-.Ltmp1, $4  }
0x96: {  	[hbm:s6], [sflag:s8] =	dma.local [spmem:s16], $0x2780  }
0x97: {  	_ =	swait.ge [sflag:s17], $0x2780  }
0x98: {  	[sflag:s17] =	ssyncset.done $0x0  }
0x99: {  	[sflag:s17] =	ssyncadd.s32 $0xFFFFD880  }
0x9a: {  	_ =	sfence.sel $0x180000  }
0x9b: {  	[bflag:$0x0] =	sbarrier.arrive $0xFFFF  }
0x9c: {  	_ =	strace $0x9000004D  }
0x9d: {  	s0 =	stileid.u32;
	[bflag:$0x2] =	sbarrier.arrive $0xFFFF  }
0x9e: {  	p0 =	sne.s32 s0, $0x0;
	s0 =	rddreg [dreg:$0x3]  }
0x9f: {  	s0 =	sadd.s32 @!p0 $0x100000, s0  }
0xa0: {  	[sflag:s0] =	ssyncadd.tile.s32 @!p0 $0x1;
	_ =	shalt  }
.Lfunc_end2:
_tile_overlayer_lowered:
.L_overlay_start_2:
0xa1: {  	(tag) =	ssettag $0x2  }
0xa2: {  	s0 =	rddreg [dreg:$0x0];
	s2 =	stileid.u32  }
0xa3: {  	s1 =	rddreg [dreg:$0x1];
	p0 =	sne.s32 s2, $0x0  }
0xa4: {  	s3 =	rddreg [dreg:$0x2];
	[bflag:$0x3] =	sbarrier.arrive $0xFFFF;
	s2 =	simm.s32 @!p0 $0x1C07  }
0xa5: {  	[timem:s3], [sflag:s2] =	dma.local @!p0 [hbm:s0], s1  }
0xa6: {  	s0 =	simm.s32 @!p0 $0x7  }
0xa7: {  	_ =	swait.ge @!p0 [sflag:s0], s1  }
0xa8: {  	s1 =	ssub.s32 @!p0 $0x0, s1;
	[sflag:s0] =	ssyncset.done @!p0 $0x0  }
0xa9: {  	[sflag:s0] =	ssyncadd.s32 @!p0 s1  }
0xaa: {  	[bflag:$0x3] =	sbarrier.arrive $0xFFFF  }
0xab: {  	_ =	shalt  }

// kernel: kernel.20.cloned.1.call-start
scs
__scs_entry_jumppad:
0x0: {  	(pc) =	sbr.rel $0x88, $3  }
0x1: {  	(tag) =	ssettag $0x0;
	lr =	simm.s32 $0x1  }
0x2: {  	[smem:$0x3F94] =	sst lr;
	_ =	strace $0xD0000000  }
0x3: {  	_ = 	snop  }
0x4: {  	_ = 	snop  }
0x5: {  	_ = 	snop  }
0x6: {  	_ = 	snop  }
0x7: {  	_ = 	snop  }
__scs_overlays_trampoline_lowered:
0x8: {  	[smem:$0x3FA3] =	sst s0  }
0x9: {  	[smem:$0x3FA4] =	sst s1  }
0xa: {  	[smem:$0x3FA5] =	sst s2  }
0xb: {  	[smem:$0x3FA6] =	sst s3  }
0xc: {  	[smem:$0x3FA7] =	sst s4  }
0xd: {  	[smem:$0x3FA8] =	sst s5  }
0xe: {  	[smem:$0x3FA9] =	sst s6  }
0xf: {  	[smem:$0x3FAA] =	sst s7  }
0x10: {  	[smem:$0x3FAB] =	sst s8  }
0x11: {  	[smem:$0x3FAC] =	sst s9;
	s0 =	simm.s32 @!p0 $0x0  }
0x12: {  	s1 =	sld [smem:$0x3F92];
	s0 =	simm.s32 @p0 $0x1  }
0x13: {  	[smem:$0x3FAD] =	sst s0;
	s0 =	simm.s32 @!p1 $0x0  }
0x14: {  	s2 =	sld [smem:$0x3F91];
	s0 =	simm.s32 @p1 $0x1  }
0x15: {  	[smem:$0x3FAE] =	sst s0;
	s0 =	simm.s32 @!p2 $0x0  }
0x16: {  	s3 =	sld [smem:$0x3FDB];
	s0 =	simm.s32 @p2 $0x1  }
0x17: {  	s4 =	simm.s32 $0x1BF5;
	[smem:$0x3FB0] =	sst s0  }
0x18: {  	s0 =	sld [smem:$0x3F93];
	_ =	swait.ge [sflag:s4], $0x0  }
0x19: {  	s7 =	sld [smem:$0x3F94]  }
0x1a: {  	s8 =	sadd.s32 $0xFFFFE003, lr  }
0x1b: {  	s9 =	sadd.s32 $0xFFFFFEF7, lr;
	s5 =	simm.s32 $0xFFFFFFFF;
	p2 =	slt.u32 s8, $0xFFFFF086  }
0x1c: {  	p1 =	slt.u32 s9, $0xF7A;
	s5 =	simm.s32 @!p2 $0x0  }
0x1d: {  	s5 =	simm.s32 @p1 $0x1;
	p0 =	seq.s32 s7, s2  }
0x1e: {  	s7 =	smul.u32 @!p0 $0xF7A, s2;
	p2 =	seq.s32 @!p0 s5, $0x0  }
0x1f: {  	s9 =	smul.u32 $0xF7A, s1;
	s8 =	simm.s32 @!p0 $0x1BF5;
	p2 =	por !p2, p0  }
0x20: {  	[sflag:s8] =	ssyncset.s32 @!p0 $0xFFFFF086;
	s6 =	sadd.s32 @!p0 s3, s7;
	s7 =	simm.s32 @!p0 $0x108  }
0x21: {  	s3 =	sadd.s32 s3, s9;
	s6 =	sadd.s32 @!p0 $0x88, s6;
	s7 =	simm.s32 @p2 $0x1082  }
0x22: {  	[simem:s7], [sflag:s8] =	dma.local @!p0 [hbm:s6], $0xF7A  }
0x23: {  	s9 =	sor.u32 $0xD0000000, s2;
	s6 =	simm.s32 $0x108;
	_ =	swait.ge @!p0 [sflag:s8], $0x0  }
0x24: {  	s3 =	sadd.s32 $0x88, s3;
	s6 =	simm.s32 @!p1 $0x1082;
	[sflag:s4] =	ssyncset.s32 $0xFFFFF086  }
0x25: {  	[simem:s6], [sflag:s4] =	dma.local [hbm:s3], $0xF7A  }
0x26: {  	[smem:$0x3F94] =	sst s1;
	(tag) =	ssettag s2;
	_ =	strace s9  }
0x27: {  	s1 =	sld [smem:$0x3FA4]  }
0x28: {  	s2 =	sld [smem:$0x3FA5]  }
0x29: {  	s4 =	sld [smem:$0x3FA7]  }
0x2a: {  	p0 =	seq.s32 s5, $0x0;
	s5 =	sld [smem:$0x3FA8]  }
0x2b: {  	s6 =	sld [smem:$0x3FA9]  }
0x2c: {  	s7 =	sld [smem:$0x3FAA]  }
0x2d: {  	s3 =	simm.s32 $0x108;
	s8 =	sld [smem:$0x3FAB]  }
0x2e: {  	s3 =	simm.s32 @!p0 $0x1082;
	s9 =	sld [smem:$0x3FAC]  }
0x2f: {  	lr =	sadd.s32 s0, s3;
	s0 =	sld [smem:$0x3FA3]  }
0x30: {  	s3 =	sld [smem:$0x3FA6]  }
0x31: {  	[smem:$0x3FAF] =	sst s10  }
0x32: {  	s10 =	sld [smem:$0x3FAD];
	_ =	sdelay $0x3  }
0x33: {  	p0 =	seq.s32 s10, $0x1;
	s10 =	sld [smem:$0x3FAF];
	_ =	sdelay $0x3  }
0x34: {  	[smem:$0x3FAF] =	sst s10  }
0x35: {  	s10 =	sld [smem:$0x3FAE];
	_ =	sdelay $0x3  }
0x36: {  	p1 =	seq.s32 s10, $0x1;
	s10 =	sld [smem:$0x3FAF];
	_ =	sdelay $0x3  }
0x37: {  	[smem:$0x3FAF] =	sst s10  }
0x38: {  	s10 =	sld [smem:$0x3FB0]  }
0x39: {  	_ = 	snop;
	(pc) =	sbr.ind lr, $3  }
0x3a: {  	_ = 	snop  }
0x3b: {  	_ = 	snop  }
0x3c: {  	p2 =	seq.s32 s10, $0x1;
	s10 =	sld [smem:$0x3FAF]  }
0x3d: {  	_ =	shalt  }
0x3e: {  	_ =	shalt  }
0x3f: {  	_ =	shalt  }
0x40: {  	_ =	shalt  }
0x41: {  	_ =	shalt  }
0x42: {  	_ =	shalt  }
0x43: {  	_ =	shalt  }
0x44: {  	_ =	shalt  }
0x45: {  	_ =	shalt  }
0x46: {  	_ =	shalt  }
0x47: {  	_ =	shalt  }
0x48: {  	_ =	shalt  }
0x49: {  	_ =	shalt  }
0x4a: {  	_ =	shalt  }
0x4b: {  	_ =	shalt  }
0x4c: {  	_ =	shalt  }
0x4d: {  	_ =	shalt  }
0x4e: {  	_ =	shalt  }
0x4f: {  	_ =	shalt  }
0x50: {  	_ =	shalt  }
0x51: {  	_ =	shalt  }
0x52: {  	_ =	shalt  }
0x53: {  	_ =	shalt  }
0x54: {  	_ =	shalt  }
0x55: {  	_ =	shalt  }
0x56: {  	_ =	shalt  }
0x57: {  	_ =	shalt  }
0x58: {  	_ =	shalt  }
0x59: {  	_ =	shalt  }
0x5a: {  	_ =	shalt  }
0x5b: {  	_ =	shalt  }
0x5c: {  	_ =	shalt  }
0x5d: {  	_ =	shalt  }
0x5e: {  	_ =	shalt  }
0x5f: {  	_ =	shalt  }
0x60: {  	_ =	shalt  }
0x61: {  	_ =	shalt  }
0x62: {  	_ =	shalt  }
0x63: {  	_ =	shalt  }
0x64: {  	_ =	shalt  }
0x65: {  	_ =	shalt  }
0x66: {  	_ =	shalt  }
0x67: {  	_ =	shalt  }
0x68: {  	_ =	shalt  }
0x69: {  	_ =	shalt  }
0x6a: {  	_ =	shalt  }
0x6b: {  	_ =	shalt  }
0x6c: {  	_ =	shalt  }
0x6d: {  	_ =	shalt  }
0x6e: {  	_ =	shalt  }
0x6f: {  	_ =	shalt  }
0x70: {  	_ =	shalt  }
0x71: {  	_ =	shalt  }
0x72: {  	_ =	shalt  }
0x73: {  	_ =	shalt  }
0x74: {  	_ =	shalt  }
0x75: {  	_ =	shalt  }
0x76: {  	_ =	shalt  }
0x77: {  	_ =	shalt  }
0x78: {  	_ =	shalt  }
0x79: {  	_ =	shalt  }
0x7a: {  	_ =	shalt  }
0x7b: {  	_ =	shalt  }
0x7c: {  	_ =	shalt  }
0x7d: {  	_ =	shalt  }
0x7e: {  	_ =	shalt  }
0x7f: {  	_ =	shalt  }
0x80: {  	_ =	shalt  }
0x81: {  	_ =	shalt  }
0x82: {  	_ =	shalt  }
0x83: {  	_ =	shalt  }
0x84: {  	_ =	shalt  }
0x85: {  	_ =	shalt  }
0x86: {  	_ =	shalt  }
0x87: {  	_ =	shalt  }
.Lfunc_end0:
.L_simem_size_0:
called_computation.3_lowered:
.L_overlay_start_0:
0x88: {  	s2 =	sld [smem:$0x3FD9]  }
0x89: {  	s3 =	sld [smem:$0x3FFE];
	_ =	sdelay $0x1  }
0x8a: {  	s1 =	srdreg.scid  }
0x8b: {  	s0 =	sand.u32 $0x1, s1  }
0x8c: {  	s14 =	sshll.u32 s0, $0xA;
	s2 =	sadd.s32 s3, s2  }
0x8d: {  	s2 =	sadd.s32 s2, s14  }
0x8e: {  	[smem:$0x3FBB] =	sst s2  }
0x8f: {  	_ = 	snop  }
0x90: {  	s2 =	sld [smem:$0x3FD0];
	_ =	sdelay $0x2  }
0x91: {  	s15 =	simm.s32 $0xA;
	s4 =	simm.s32 $0x10  }
0x92: {  	[smem:s4], [sflag:s15] =	dma.local [hbm:s2], $0x1  }
0x93: {  	_ =	swait.eq [sflag:s15], $0x1  }
0x94: {  	[sflag:s15] =	ssyncset.done $0x0  }
0x95: {  	[sflag:s15] =	ssyncadd.s32 $0xFFFFFFFF  }
0x96: {  	s16 =	sld [smem:$0x10];
	(tm) =	ssettm $0x1  }
0x97: {  	s17 =	sld [smem:$0x3FFB];
	_ =	sdelay $0x3  }
0x98: {  	_ =	strace s17  }
0x99: {  	s3 =	sld [smem:$0x3FFC];
	_ =	sdelay $0x3  }
0x9a: {  	_ =	strace s3  }
0x9b: {  	s3 =	sld [smem:$0x3FFD];
	_ =	sdelay $0x3  }
0x9c: {  	_ =	strace s3  }
0x9d: {  	_ =	strace $0x8FFFFFFF  }
0x9e: {  	s18 =	sld [smem:$0x3FDB];
	_ =	sdelay $0x1  }
0x9f: {  	s19 =	simm.s32 $_scs_section_size  }
0xa0: {  	s5 =	simm.s32 $_size__tile_overlayer_lowered;
	s6 =	simm.s32 $_tile_overlayer_lowered  }
0xa1: {  	s22 =	simm.s32 $0x1BFF;
	s21 =	sshll.u32 s6, $0x1;
	s3 =	sadd.s32 s19, s18  }
0xa2: {  	s7 =	simm.s32 $0x0;
	s20 =	sshll.u32 s5, $0x1;
	s5 =	sadd.s32 s21, s3  }
0xa3: {  	[timem:s7], [sflag:s22] =	dma.local [hbm:s5], s20  }
0xa4: {  	_ =	swait.ge [sflag:s22], s20  }
0xa5: {  	s4 =	ssub.s32 $0x0, s20;
	[sflag:s22] =	ssyncset.done $0x0  }
0xa6: {  	[sflag:s22] =	ssyncadd.s32 s4;
	_ =	sdelay $0x1  }
0xa7: {  	s23 =	simm.s32 $0x1B8B  }
0xa8: {  	_ =	swait.ge [sflag:s23], $0x1  }
0xa9: {  	[sflag:s23] =	ssyncset.done $0x0  }
0xaa: {  	s25 =	simm.s32 $0x1B8E;
	s24 =	sld [smem:$0x3FFE];
	[sflag:s23] =	ssyncadd.s32 $0xFFFFFFFF  }
0xab: {  	s26 =	simm.s32 $execute0_lowered;
	[smem:$0x3FD2] =	sst s25  }
0xac: {  	s5 =	sshll.u32 s26, $0x1;
	_ =	strace $0x8000004F;
	[dreg:$0x1] =	wrdreg $0xFFFFFFFF  }
0xad: {  	s28 =	simm.s32 $_size_execute0_lowered;
	s3 =	sadd.s32 s3, s5;
	[dreg:$0x0] =	wrdreg $0x0  }
0xae: {  	s5 =	sshll.u32 s28, $0x1;
	[dreg:$0x2] =	wrdreg s3  }
0xaf: {  	[dreg:$0x3] =	wrdreg s5  }
0xb0: {  	[dreg:$0x4] =	wrdreg $0xC0  }
0xb1: {  	_ =	task [dreg:s7], $0x5FFFF  }
0xb2: {  	[dreg:$0x1] =	wrdreg $0xFFFFFFFF  }
0xb3: {  	[dreg:$0x0] =	wrdreg $0x60  }
0xb4: {  	[dreg:$0x2] =	wrdreg s24  }
0xb5: {  	[dreg:$0x3] =	wrdreg s16  }
0xb6: {  	[dreg:$0x4] =	wrdreg $0xC3000  }
0xb7: {  	[dreg:$0x5] =	wrdreg $0x9  }
0xb8: {  	_ =	task.clear_ibuf [dreg:s7], $0x6FFFF;
	_ =	strace $0x9000004F  }
0xb9: {  	s29 =	simm.s32 $0x9;
	_ =	strace $0x80000051  }
0xba: {  	_ =	swait.ge [sflag:s29], $0x1  }
0xbb: {  	[sflag:s29] =	ssyncadd.s32 $0xFFFFFFFF  }
0xbc: {  	_ =	strace $0x90000051  }
0xbd: {  	_ =	sfence  }
0xbe: {  	s30 =	sld [smem:$0x0];
	_ =	sdelay $0x2  }
0xbf: {  	s31 =	sshll.u32 s1, $0xD;
	s1 =	sshrl.u32 s1, $0x2  }
0xc0: {  	s3 =	sand.u32 $0x4000, s31;
	s1 =	sadd.s32 s1, s30  }
0xc1: {  	s0 =	sor.u32 s3, s0;
	s1 =	sshll.u32 s1, $0x11  }
0xc2: {  	s0 =	sor.u32 s1, s0  }
0xc3: {  	s0 =	sadd.s32 $0x8F2B, s0  }
0xc4: {  	[sflag:s0] =	ssyncadd.remote.s32 $0x1  }
0xc5: {  	_ =	sfence.sel $0xFFFF  }
0xc6: {  	[dreg:$0x0] =	wrdreg $0xFFFFFFFF;
	(pc) =	sbr.abs _section_cstart, $3  }
0xc7: {  	[dreg:$0x1] =	wrdreg $0xFFFFFFFF  }
0xc8: {  	_ =	task.clear_ibuf [dreg:s7], $0x2FFFF;
	_ =	strace $0x9FFFFFFF  }
0xc9: {  	(tm) =	ssettm $0x7FFFFFFF  }
tec
execute0_lowered:
.L_overlay_start_1:
0x0: {  	(tag) =	ssettag $0x1  }
0x1: {  	s0 =	rddreg [dreg:$0x0]  }
0x2: {  	s2 =	rddreg [dreg:$0x1];
	s1 =	srdreg.scid  }
0x3: {  	s12 =	stileid.u32;
	s3 =	rddreg [dreg:$0x2]  }
0x4: {  	s4 =	simm.s32 $0x0;
	s17 =	simm.s32 $0x7;
	s28 =	simm.s32 $0x8300  }
0x5: {  	s29 =	simm.s32 $0x5;
	s30 =	simm.s32 $0x180;
	s6 =	smul.u32 $0x13C00, s12  }
0x6: {  	s31 =	simm.s32 $0x6;
	s1 =	sand.u32 $0x1, s1;
	s8 =	smul.u32 $0x4F000, s12  }
0x7: {  	[smem:$0x7FF] =	sst s4;
	s5 =	sadd.s32 $0x5000, s0;
	s11 =	smul.u32 $0xA200, s12  }
0x8: {  	s9 =	sshll.u32 s12, $0x1;
	s20 =	sshll.u32 s12, $0x6;
	s7 =	smul.u32 $0x13C000, s1  }
0x9: {  	_ =	strace $0x80000050;
	s18 =	ssub.s32 $0x2, s1;
	s9 =	sor.u32 s1, s9  }
0xa: {  	s1 =	smul.u32 $0x5100, s1;
	s10 =	sshrl.u32 s18, $0x1;
	s8 =	sshrl.u32 s8, $0x2  }
0xb: {  	s9 =	smul.u32 $0x5100, s9;
	s7 =	sadd.s32 s6, s7;
	s10 =	ssub.s32 s18, s10  }
0xc: {  	s16 =	sadd.s32 s8, s3;
	s6 =	sshrl.u32 s6, $0x3;
	s8 =	sor.u32 $0x1C07, s20  }
0xd: {  	s1 =	sadd.s32 s1, s11;
	s18 =	simm.s32 $0x100;
	s20 =	simm.s32 $0x1  }
0xe: {  	s7 =	sshrl.u32 s7, $0x3;
	s19 =	sshrl.u32 s9, $0x3;
	s6 =	sadd.s32 s5, s6  }
0xf: {  	s23 =	sadd.s32 $0x500, s1;
	s24 =	sadd.s32 $0x400, s1;
	s12 =	smax.u32 s10, $0x1  }
0x10: {  	s15 =	sadd.s32 $0x300, s1;
	s16 =	sshrl.u32 s16, $0x3;
	s1 =	simm.s32 $0x280  }
0x11: {  	s0 =	sadd.s32 s7, s0;
	[dreg:$0x4] =	wrdreg s6;
	s7 =	sadd.s32 s2, s19  }
0x12: {  	s25 =	sshrl.u32 s23, $0x3;
	s26 =	sshrl.u32 s24, $0x3;
	s19 =	simm.s32 $0x200  }
0x13: {  	s23 =	simm.s32 $0x2;
	s24 =	simm.s32 $0x4300;
	s21 =	sadd.s32 $0x20, s7  }
0x14: {  	s22 =	sadd.s32 $0x40, s7;
	s0 =	sadd.s32 $0x54000, s0;
	[dreg:$0x5] =	wrdreg s21  }
0x15: {  	s13 =	sadd.s32 s25, s2;
	s14 =	sadd.s32 s26, s2;
	[dreg:$0x6] =	wrdreg s22  }
0x16: {  	s25 =	simm.s32 $0x4;
	s26 =	simm.s32 $0x3;
	[dreg:$0x7] =	wrdreg s0  }
0x17: {  	s21 =	simm.s32 $0x80;
	s22 =	simm.s32 $0x300;
	s0 =	simm.s32 $0x0  }
.LBB2_1:
0x18: {  	s6 =	rddreg [dreg:$0x4]  }
0x19: {  	[spmem:s16], [sflag:s8] =	dma.local [hbm:s6], $0x2780  }
0x1a: {  	_ =	swait.ge [sflag:s17], $0x2780  }
0x1b: {  	[sflag:s17] =	ssyncset.done $0x0  }
0x1c: {  	[sflag:s17] =	ssyncadd.s32 $0xFFFFD880  }
0x1d: {  	[bflag:$0x0] =	sbarrier.arrive $0xFFFF  }
0x1e: {  	[tilespmem:s4], [sflag:$0x1] =	stream.linear.gather [hbm4b:s7+s4], $0x100, $0x38;
	[tilespmem:$0x1FF00] =	vst v63  }
0x1f: {  	s11 =	rddreg [dreg:$0x5]  }
0x20: {  	[tilespmem:s18], [sflag:$0x2] =	stream.linear.gather [hbm4b:s11+s4], $0x100, $0x38;
	[tilespmem:$0x1FF00] =	vst v63  }
0x21: {  	s9 =	rddreg [dreg:$0x6]  }
0x22: {  	[tilespmem:s19], [sflag:$0x3] =	stream.linear.gather [hbm4b:s9+s4], $0x100, $0x38;
	[tilespmem:$0x1FF00] =	vst v63  }
0x23: {  	_ =	swait.ge [sflag:s20], $0x100  }
0x24: {  	[sflag:s20] =	ssyncset.done $0x0  }
0x25: {  	[sflag:s20] =	ssyncadd.s32 $0xFFFFFF00  }
0x26: {  	[tilespmem:s22], [sflag:$0x4] =	stream.indirect.gather [hbm4b:s5+s21], $0x80, s4, s21, $0xb8;
	[tilespmem:$0x1FF00] =	vst v63  }
0x27: {  	_ =	swait.ge [sflag:s23], $0x100  }
0x28: {  	[sflag:s23] =	ssyncset.done $0x0  }
0x29: {  	[sflag:s23] =	ssyncadd.s32 $0xFFFFFF00  }
0x2a: {  	[tilespmem:s24], [sflag:$0x5] =	stream.indirect.gather [hbm4b:s5+s21], $0x80, s18, s21, $0xb8;
	[tilespmem:$0x1FF00] =	vst v63  }
0x2b: {  	_ =	swait.ge [sflag:s25], $0x4000  }
0x2c: {  	[sflag:s25] =	ssyncset.done $0x0  }
0x2d: {  	[sflag:s25] =	ssyncadd.s32 $0xFFFFC000  }
0x2e: {  	_ =	swait.ge [sflag:s26], $0x100  }
0x2f: {  	[sflag:s26] =	ssyncset.done $0x0  }
0x30: {  	[sflag:s26] =	ssyncadd.s32 $0xFFFFFF00  }
0x31: {  	[tilespmem:s28], [sflag:$0x6] =	stream.indirect.gather [hbm4b:s5+s21], $0x80, s19, s21, $0xb8;
	[tilespmem:$0x1FF00] =	vst v63  }
0x32: {  	_ = 	snop  }
0x33: {  	[spmem:s3] =	stream.indirect.scatter.add.f32 [tilespmem:s22], [sflag:$0x7], $0x80, s21, s21, $0xb8;
	[tilespmem:$0x1FF00] =	vst v63  }
0x34: {  	_ =	swait.ge [sflag:s17], $0x4000  }
0x35: {  	s10 =	sshrl.u32 s15, $0x3;
	[sflag:s17] =	ssyncset.done $0x0  }
0x36: {  	s6 =	sadd.s32 s2, s10;
	[sflag:s17] =	ssyncadd.s32 $0xFFFFC000  }
0x37: {  	[tilespmem:s4], [sflag:$0x1] =	stream.linear.gather [hbm4b:s6+s4], $0x100, $0x38;
	[tilespmem:$0x1FF00] =	vst v63  }
0x38: {  	_ =	swait.ge [sflag:s29], $0x4000  }
0x39: {  	[sflag:s29] =	ssyncset.done $0x0  }
0x3a: {  	[sflag:s29] =	ssyncadd.s32 $0xFFFFC000  }
0x3b: {  	_ =	swait.ge [sflag:s20], $0x100  }
0x3c: {  	[sflag:s20] =	ssyncset.done $0x0  }
0x3d: {  	[sflag:s20] =	ssyncadd.s32 $0xFFFFFF00  }
0x3e: {  	[tilespmem:s22], [sflag:$0x4] =	stream.indirect.gather [hbm4b:s5+s21], $0x80, s4, s21, $0xb8;
	[tilespmem:$0x1FF00] =	vst v63  }
0x3f: {  	_ = 	snop  }
0x40: {  	[spmem:s3] =	stream.indirect.scatter.add.f32 [tilespmem:s24], [sflag:$0x7], $0x80, s30, s21, $0xb8;
	[tilespmem:$0x1FF00] =	vst v63  }
0x41: {  	_ =	swait.ge [sflag:s17], $0x4000  }
0x42: {  	[sflag:s17] =	ssyncset.done $0x0  }
0x43: {  	s11 =	sadd.s32 $0x0, s14;
	[sflag:s17] =	ssyncadd.s32 $0xFFFFC000  }
0x44: {  	[tilespmem:s18], [sflag:$0x2] =	stream.linear.gather [hbm4b:s11+s4], $0x100, $0x38;
	[tilespmem:$0x1FF00] =	vst v63  }
0x45: {  	_ =	swait.ge [sflag:s31], $0x4000  }
0x46: {  	[sflag:s31] =	ssyncset.done $0x0  }
0x47: {  	[sflag:s31] =	ssyncadd.s32 $0xFFFFC000  }
0x48: {  	_ =	swait.ge [sflag:s23], $0x100  }
0x49: {  	[sflag:s23] =	ssyncset.done $0x0  }
0x4a: {  	[sflag:s23] =	ssyncadd.s32 $0xFFFFFF00  }
0x4b: {  	[tilespmem:s24], [sflag:$0x5] =	stream.indirect.gather [hbm4b:s5+s21], $0x80, s18, s21, $0xb8;
	[tilespmem:$0x1FF00] =	vst v63  }
0x4c: {  	_ = 	snop  }
0x4d: {  	[spmem:s3] =	stream.indirect.scatter.add.f32 [tilespmem:s28], [sflag:$0x7], $0x80, s1, s21, $0xb8;
	[tilespmem:$0x1FF00] =	vst v63  }
0x4e: {  	_ =	swait.ge [sflag:s17], $0x4000  }
0x4f: {  	s10 =	sadd.s32 $0x0, s13;
	[sflag:s17] =	ssyncset.done $0x0  }
0x50: {  	s9 =	sadd.s32 $0x300, s15;
	s6 =	simm.s32 $0x60;
	[sflag:s17] =	ssyncadd.s32 $0xFFFFC000  }
.LBB2_2:
0x51: {  	[tilespmem:s19], [sflag:$0x3] =	stream.linear.gather [hbm4b:s10+s4], $0x100, $0x38;
	[tilespmem:$0x1FF00] =	vst v63  }
0x52: {  	s10 =	smov.u32 s6  }
0x53: {  	p0 =	sne.s32 s6, $0x960;
	s6 =	sadd.s32 $0x60, s6;
	_ =	swait.ge [sflag:s25], $0x4000  }
0x54: {  	[sflag:s25] =	ssyncset.done $0x0  }
0x55: {  	[sflag:s25] =	ssyncadd.s32 $0xFFFFC000  }
0x56: {  	_ =	swait.ge [sflag:s26], $0x100  }
0x57: {  	[sflag:s26] =	ssyncset.done $0x0  }
0x58: {  	[sflag:s26] =	ssyncadd.s32 $0xFFFFFF00  }
0x59: {  	[tilespmem:s28], [sflag:$0x6] =	stream.indirect.gather [hbm4b:s5+s21], $0x80, s19, s21, $0xb8;
	[tilespmem:$0x1FF00] =	vst v63  }
0x5a: {  	_ = 	snop  }
0x5b: {  	[spmem:s3] =	stream.indirect.scatter.add.f32 [tilespmem:s22], [sflag:$0x7], $0x80, s21, s21, $0xb8;
	[tilespmem:$0x1FF00] =	vst v63  }
0x5c: {  	_ =	swait.ge [sflag:s17], $0x4000  }
0x5d: {  	s11 =	sshrl.u32 s9, $0x3;
	[sflag:s17] =	ssyncset.done $0x0  }
0x5e: {  	s11 =	sadd.s32 s2, s11;
	[sflag:s17] =	ssyncadd.s32 $0xFFFFC000  }
0x5f: {  	[tilespmem:s4], [sflag:$0x1] =	stream.linear.gather [hbm4b:s11+s4], $0x100, $0x38;
	[tilespmem:$0x1FF00] =	vst v63  }
0x60: {  	_ =	swait.ge [sflag:s29], $0x4000  }
0x61: {  	[sflag:s29] =	ssyncset.done $0x0  }
0x62: {  	[sflag:s29] =	ssyncadd.s32 $0xFFFFC000  }
0x63: {  	_ =	swait.ge [sflag:s20], $0x100  }
0x64: {  	[sflag:s20] =	ssyncset.done $0x0  }
0x65: {  	[sflag:s20] =	ssyncadd.s32 $0xFFFFFF00  }
0x66: {  	[tilespmem:s22], [sflag:$0x4] =	stream.indirect.gather [hbm4b:s5+s21], $0x80, s4, s21, $0xb8;
	[tilespmem:$0x1FF00] =	vst v63  }
0x67: {  	_ = 	snop  }
0x68: {  	[spmem:s3] =	stream.indirect.scatter.add.f32 [tilespmem:s24], [sflag:$0x7], $0x80, s30, s21, $0xb8;
	[tilespmem:$0x1FF00] =	vst v63  }
0x69: {  	_ =	swait.ge [sflag:s17], $0x4000  }
0x6a: {  	[sflag:s17] =	ssyncset.done $0x0  }
0x6b: {  	s11 =	sadd.s32 s10, s14;
	[sflag:s17] =	ssyncadd.s32 $0xFFFFC000  }
0x6c: {  	[tilespmem:s18], [sflag:$0x2] =	stream.linear.gather [hbm4b:s11+s4], $0x100, $0x38;
	[tilespmem:$0x1FF00] =	vst v63  }
0x6d: {  	_ =	swait.ge [sflag:s31], $0x4000  }
0x6e: {  	[sflag:s31] =	ssyncset.done $0x0  }
0x6f: {  	[sflag:s31] =	ssyncadd.s32 $0xFFFFC000  }
0x70: {  	_ =	swait.ge [sflag:s23], $0x100  }
0x71: {  	[sflag:s23] =	ssyncset.done $0x0  }
0x72: {  	[sflag:s23] =	ssyncadd.s32 $0xFFFFFF00  }
0x73: {  	[tilespmem:s24], [sflag:$0x5] =	stream.indirect.gather [hbm4b:s5+s21], $0x80, s18, s21, $0xb8;
	[tilespmem:$0x1FF00] =	vst v63  }
.Ltmp0:
0x74: {  	(pc) =	sbr.rel @p0 .LBB2_2-.Ltmp0, $4  }
0x75: {  	[spmem:s3] =	stream.indirect.scatter.add.f32 [tilespmem:s28], [sflag:$0x7], $0x80, s1, s21, $0xb8;
	[tilespmem:$0x1FF00] =	vst v63  }
0x76: {  	_ =	swait.ge [sflag:s17], $0x4000  }
0x77: {  	[sflag:s17] =	ssyncset.done $0x0  }
0x78: {  	s9 =	sadd.s32 $0x300, s9;
	s10 =	sadd.s32 s10, s13;
	[sflag:s17] =	ssyncadd.s32 $0xFFFFC000  }
0x79: {  	[tilespmem:s19], [sflag:$0x3] =	stream.linear.gather [hbm4b:s10+s4], $0x100, $0x38;
	[tilespmem:$0x1FF00] =	vst v63  }
0x7a: {  	_ =	swait.ge [sflag:s25], $0x4000  }
0x7b: {  	[sflag:s25] =	ssyncset.done $0x0  }
0x7c: {  	[sflag:s25] =	ssyncadd.s32 $0xFFFFC000  }
0x7d: {  	_ =	swait.ge [sflag:s26], $0x100  }
0x7e: {  	[sflag:s26] =	ssyncset.done $0x0  }
0x7f: {  	[sflag:s26] =	ssyncadd.s32 $0xFFFFFF00  }
0x80: {  	[tilespmem:s28], [sflag:$0x6] =	stream.indirect.gather [hbm4b:s5+s21], $0x80, s19, s21, $0xb8;
	[tilespmem:$0x1FF00] =	vst v63  }
0x81: {  	_ = 	snop  }
0x82: {  	[spmem:s3] =	stream.indirect.scatter.add.f32 [tilespmem:s22], [sflag:$0x7], $0x80, s21, s21, $0xb8;
	[tilespmem:$0x1FF00] =	vst v63  }
0x83: {  	_ =	swait.ge [sflag:s17], $0x4000  }
0x84: {  	[sflag:s17] =	ssyncset.done $0x0  }
0x85: {  	[sflag:s17] =	ssyncadd.s32 $0xFFFFC000  }
0x86: {  	_ =	swait.ge [sflag:s29], $0x4000  }
0x87: {  	[sflag:s29] =	ssyncset.done $0x0  }
0x88: {  	[sflag:s29] =	ssyncadd.s32 $0xFFFFC000  }
0x89: {  	[spmem:s3] =	stream.indirect.scatter.add.f32 [tilespmem:s24], [sflag:$0x7], $0x80, s30, s21, $0xb8;
	[tilespmem:$0x1FF00] =	vst v63  }
0x8a: {  	_ =	swait.ge [sflag:s17], $0x4000  }
0x8b: {  	[sflag:s17] =	ssyncset.done $0x0  }
0x8c: {  	[sflag:s17] =	ssyncadd.s32 $0xFFFFC000  }
0x8d: {  	_ =	swait.ge [sflag:s31], $0x4000  }
0x8e: {  	[sflag:s31] =	ssyncset.done $0x0  }
0x8f: {  	[sflag:s31] =	ssyncadd.s32 $0xFFFFC000  }
0x90: {  	[spmem:s3] =	stream.indirect.scatter.add.f32 [tilespmem:s28], [sflag:$0x7], $0x80, s1, s21, $0xb8;
	[tilespmem:$0x1FF00] =	vst v63  }
0x91: {  	_ =	swait.ge [sflag:s17], $0x4000  }
0x92: {  	[sflag:s17] =	ssyncset.done $0x0  }
0x93: {  	s0 =	sadd.s32 $0x1, s0;
	[sflag:s17] =	ssyncadd.s32 $0xFFFFC000  }
0x94: {  	p0 =	sne.s32 s0, s12;
	[bflag:$0x0] =	sbarrier.arrive $0xFFFF  }
.Ltmp1:
0x95: {  	s6 =	rddreg [dreg:$0x7];
	(pc) =	sbr.rel @p0 .LBB2_1-.Ltmp1, $4  }
0x96: {  	[hbm:s6], [sflag:s8] =	dma.local [spmem:s16], $0x2780  }
0x97: {  	_ =	swait.ge [sflag:s17], $0x2780  }
0x98: {  	[sflag:s17] =	ssyncset.done $0x0  }
0x99: {  	[sflag:s17] =	ssyncadd.s32 $0xFFFFD880  }
0x9a: {  	_ =	sfence.sel $0x180000  }
0x9b: {  	[bflag:$0x0] =	sbarrier.arrive $0xFFFF  }
0x9c: {  	_ =	strace $0x90000050  }
0x9d: {  	s0 =	stileid.u32;
	[bflag:$0x2] =	sbarrier.arrive $0xFFFF  }
0x9e: {  	p0 =	sne.s32 s0, $0x0;
	s0 =	rddreg [dreg:$0x3]  }
0x9f: {  	s0 =	sadd.s32 @!p0 $0x100000, s0  }
0xa0: {  	[sflag:s0] =	ssyncadd.tile.s32 @!p0 $0x1;
	_ =	shalt  }
.Lfunc_end2:
_tile_overlayer_lowered:
.L_overlay_start_2:
0xa1: {  	(tag) =	ssettag $0x2  }
0xa2: {  	s0 =	rddreg [dreg:$0x0];
	s2 =	stileid.u32  }
0xa3: {  	s1 =	rddreg [dreg:$0x1];
	p0 =	sne.s32 s2, $0x0  }
0xa4: {  	s3 =	rddreg [dreg:$0x2];
	[bflag:$0x3] =	sbarrier.arrive $0xFFFF;
	s2 =	simm.s32 @!p0 $0x1C07  }
0xa5: {  	[timem:s3], [sflag:s2] =	dma.local @!p0 [hbm:s0], s1  }
0xa6: {  	s0 =	simm.s32 @!p0 $0x7  }
0xa7: {  	_ =	swait.ge @!p0 [sflag:s0], s1  }
0xa8: {  	s1 =	ssub.s32 @!p0 $0x0, s1;
	[sflag:s0] =	ssyncset.done @!p0 $0x0  }
0xa9: {  	[sflag:s0] =	ssyncadd.s32 @!p0 s1  }
0xaa: {  	[bflag:$0x3] =	sbarrier.arrive $0xFFFF  }
0xab: {  	_ =	shalt  }

</sc_bundles>
